<compile_context>
chip_gen: v7x
topology: tpu7x:2x2x1
jax: 0.10.2.dev20260603
libtpu: 0.0.44.dev20260713+nightly
codegen_flags: <defaults>
</compile_context>

<pallas_src>
import functools

import jax
import jax.numpy as jnp
from jax import lax
from jax.experimental import pallas as pl
from jax.experimental.pallas import tpu as pltpu
from jax.experimental.pallas import tpu_sc as plsc

N = 10000
E = 320000
D = 128
H = 256
G = 16

NC = 2
NS = 16
NW = NC * NS
CH = 128
NK = 80
NSG = 4
NCHUNKP = NW * NK
EPAD = NCHUNKP * CH
NP = 10240
RPS = NP // NS

@functools.lru_cache(maxsize=None)
def _build_segment_sum_sc():
    mesh = plsc.VectorSubcoreMesh(
        core_axis_name="c", subcore_axis_name="s",
        num_cores=NC, num_subcores=NS)

    @functools.partial(
        pl.kernel,
        out_type=jax.ShapeDtypeStruct((NC, NP, D), jnp.float32),
        mesh=mesh,
        scratch_types=[
            [pltpu.VMEM((2 * NSG, CH), jnp.int32) for _ in range(2)],
            [pltpu.VMEM((CH, D), jnp.float32) for _ in range(2)],
            pltpu.VMEM_SHARED((NP, D), jnp.float32),
            [pltpu.SemaphoreType.DMA for _ in range(2)],
            [pltpu.SemaphoreType.DMA for _ in range(2)],
        ],
    )
    def _segment_sum_sc(x_hbm, idx_hbm, zero_hbm, out_hbm,
                        idxb, rows, acc_sh, gs, isem):
        c = lax.axis_index("c")
        s = lax.axis_index("s")
        w = s * NC + c

        pltpu.sync_copy(zero_hbm.at[pl.ds(s * RPS, RPS)],
                        acc_sh.at[pl.ds(s * RPS, RPS)])
        plsc.subcore_barrier()

        gbase = w * (NK // NSG)

        def load_idx(sg_rel, ib):
            pltpu.async_copy(idx_hbm.at[gbase + sg_rel], idxb[ib], isem[ib])

        def wait_idx(ib):
            pltpu.make_async_copy(idx_hbm.at[gbase], idxb[ib],
                                  isem[ib]).wait()

        def gather(ib, r, b):
            pltpu.async_copy(x_hbm.at[idxb[ib].at[r]], rows[b], gs[b])

        def wait_gather(b):
            pltpu.make_async_copy(x_hbm.at[idxb[0].at[0]], rows[b],
                                  gs[b]).wait()

        def scatter(ib, r, b):
            pltpu.sync_copy(rows[b], acc_sh.at[idxb[ib].at[NSG + r]],
                            add=True)

        pltpu.sync_copy(idx_hbm.at[gbase], idxb[0])
        load_idx(1, 1)
        gather(0, 0, 0)
        gather(0, 1, 1)

        npair = NK // (2 * NSG)

        def jbody(j, carry):
            for q in range(8):
                b = q % 2
                ib = q // 4
                r = q % 4
                wait_gather(b)
                scatter(ib, r, b)
                if q == 2:
                    wait_idx(1)
                nq = q + 2
                if nq < 8:
                    gather(nq // 4, nq % 4, b)
                else:
                    @pl.when(j + 1 < npair)
                    def _():
                        if nq == 8:
                            wait_idx(0)
                        gather(0, nq - 8, b)
                if q == 3:

                    @pl.when(j + 1 < npair)
                    def _():
                        load_idx(2 * j + 2, 0)
                if q == 7:

                    @pl.when(j + 1 < npair)
                    def _():
                        load_idx(2 * j + 3, 1)
            return carry

        lax.fori_loop(0, npair, jbody, 0)

        plsc.subcore_barrier()
        pltpu.sync_copy(acc_sh.at[pl.ds(s * RPS, RPS)],
                        out_hbm.at[c, pl.ds(s * RPS, RPS)])

    return _segment_sum_sc


def _bn_cols(t, g, b):
    mu = jnp.mean(t, axis=0, keepdims=True)
    var = jnp.mean((t - mu) ** 2, axis=0, keepdims=True)
    return (t - mu) / jnp.sqrt(var + 1e-5) * g + b


def _gin_mid_body(eps_ref, x_ref, a0_ref, a1_ref, w1_ref, g1_ref, b1_ref,
                  w2_ref, g2_ref, b2_ref, mask_ref, out_ref):
    h = (1.0 + eps_ref[0, 0]) * x_ref[...] + a0_ref[:N] + a1_ref[:N]
    t = jnp.dot(h, w1_ref[...], preferred_element_type=jnp.float32)
    t = _bn_cols(t, g1_ref[...], b1_ref[...])
    s = jnp.maximum(t, 0.0)
    u = jnp.dot(s, w2_ref[...], preferred_element_type=jnp.float32)
    u = _bn_cols(u, g2_ref[...], b2_ref[...])
    out_ref[...] = jnp.maximum(u * mask_ref[...], 0.0)


def _gin_last_body(eps_ref, x_ref, a0_ref, a1_ref, w1_ref, g1_ref, b1_ref,
                   w2_ref, mask_ref, batch_ref, out_ref):
    h = (1.0 + eps_ref[0, 0]) * x_ref[...] + a0_ref[:N] + a1_ref[:N]
    t = jnp.dot(h, w1_ref[...], preferred_element_type=jnp.float32)
    t = _bn_cols(t, g1_ref[...], b1_ref[...])
    s = jnp.maximum(t, 0.0)
    u = jnp.dot(s, w2_ref[...], preferred_element_type=jnp.float32)
    xf = jnp.maximum(u * mask_ref[...], 0.0)
    oh = (lax.broadcasted_iota(jnp.int32, (G, N), 0)
          == batch_ref[...]).astype(jnp.float32)
    sums = jnp.dot(oh, xf, preferred_element_type=jnp.float32)
    cnt = jnp.sum(oh, axis=1, keepdims=True)
    out_ref[...] = sums / jnp.maximum(cnt, 1.0)


_tc_params = pltpu.CompilerParams(vmem_limit_bytes=100 * 1024 * 1024)

_mid_call = pl.pallas_call(
    _gin_mid_body,
    out_shape=jax.ShapeDtypeStruct((N, D), jnp.float32),
    in_specs=[pl.BlockSpec(memory_space=pltpu.SMEM)]
    + [pl.BlockSpec(memory_space=pltpu.VMEM)] * 10,
    out_specs=pl.BlockSpec(memory_space=pltpu.VMEM),
    compiler_params=_tc_params,
)

_last_call = pl.pallas_call(
    _gin_last_body,
    out_shape=jax.ShapeDtypeStruct((G, D), jnp.float32),
    in_specs=[pl.BlockSpec(memory_space=pltpu.SMEM)]
    + [pl.BlockSpec(memory_space=pltpu.VMEM)] * 9,
    out_specs=pl.BlockSpec(memory_space=pltpu.VMEM),
    compiler_params=_tc_params,
)


def _make_mask(i):
    od = D if i < 6 else 2
    dk = jax.random.key(42)
    keep = jax.random.bernoulli(jax.random.fold_in(dk, i), 0.8, (N, od))
    m = jnp.where(keep, jnp.float32(1.0) / jnp.float32(0.8), jnp.float32(0.0))
    if od != D:
        m = jnp.pad(m, ((0, 0), (0, D - od)))
    return m


def kernel(x, edge_index, batch, params):
    npad = EPAD - E
    pad_iota = jnp.arange(npad, dtype=jnp.int32)
    srcp = jnp.concatenate([edge_index[0], pad_iota % N])
    dstp = jnp.concatenate([edge_index[1], N + pad_iota % (NP - N)])
    idx = jnp.concatenate(
        [srcp.reshape(NCHUNKP // NSG, NSG, CH),
         dstp.reshape(NCHUNKP // NSG, NSG, CH)], axis=1)
    zeros = jnp.zeros((NP, D), jnp.float32)
    batch_row = batch.reshape(1, N)
    out = None
    seg_sum = _build_segment_sum_sc()
    for i, p in enumerate(params):
        parts = seg_sum(x, idx, zeros)
        eps2 = p['eps'].reshape(1, 1)
        if i < 6:
            x = _mid_call(eps2, x, parts[0], parts[1], p['W1'],
                          p['g1'].reshape(1, H), p['b1'].reshape(1, H),
                          p['W2'], p['g2'].reshape(1, D),
                          p['b2'].reshape(1, D), _make_mask(i))
        else:
            w2p = jnp.pad(p['W2'], ((0, 0), (0, D - 2)))
            out = _last_call(eps2, x, parts[0], parts[1], p['W1'],
                             p['g1'].reshape(1, H), p['b1'].reshape(1, H),
                             w2p, _make_mask(6), batch_row)
    return out[:, :2]

# --- scband reference (transcript-rebuilt; emitter-appended) ---
"""Pipeline reference for scband-classifier-80547816669785 (READ-ONLY COPY).

The authoritative reference and input builder live on the scoring server;
editing this copy changes nothing except your own understanding.
"""

import jax, jax.numpy as jnp
import numpy as np

N = 10000
E = 320000
D = 128
H = 256
G = 16


def _make_params():
    key = jax.random.key(1)
    params = []
    for i in range(7):
        in_d = 128
        out_d = 128 if i < 6 else 2
        bn2 = i < 6
        key, k1, k2 = jax.random.split(key, 3)
        p = {
            'eps': jnp.zeros((), dtype=jnp.float32),
            'W1': (jax.random.normal(k1, (in_d, H), dtype=jnp.float32) / np.sqrt(in_d)),
            'g1': jnp.ones((H,), dtype=jnp.float32),
            'b1': jnp.zeros((H,), dtype=jnp.float32),
            'W2': (jax.random.normal(k2, (H, out_d), dtype=jnp.float32) / np.sqrt(H)),
        }
        if bn2:
            p['g2'] = jnp.ones((out_d,), dtype=jnp.float32)
            p['b2'] = jnp.zeros((out_d,), dtype=jnp.float32)
        params.append(p)
    return params


def _bn(h, g, b):
    m = h.mean(axis=0)
    v = h.var(axis=0)
    return (h - m) / jnp.sqrt(v + 1e-5) * g + b


def _forward(x, params, edge_index, batch):
    src = edge_index[0]
    dst = edge_index[1]
    dk = jax.random.key(42)
    for i, p in enumerate(params):
        # GINConv: out = nn((1 + eps) * x + sum_{j in N(i)} x_j)
        agg = jax.ops.segment_sum(x[src], dst, num_segments=x.shape[0])
        h = (1.0 + p['eps']) * x + agg
        h = _bn(h @ p['W1'], p['g1'], p['b1'])
        h = jax.nn.relu(h)
        h = h @ p['W2']
        if 'g2' in p:
            h = _bn(h, p['g2'], p['b2'])
        # F.dropout(p=0.2, training=True) with a fixed key for determinism
        keep = jax.random.bernoulli(jax.random.fold_in(dk, i), 0.8, h.shape)
        h = jnp.where(keep, h / 0.8, 0.0)
        x = jax.nn.relu(h)
    # global_mean_pool
    sums = jax.ops.segment_sum(x, batch, num_segments=G)
    cnt = jax.ops.segment_sum(jnp.ones((x.shape[0],), dtype=x.dtype), batch, num_segments=G)
    return sums / jnp.clip(cnt, 1.0)[:, None]


def setup_inputs(seed: int = 0):
    key = jax.random.key(seed)
    k1, k2, k3 = jax.random.split(key, 3)
    x = jax.random.normal(k1, (N, D), dtype=jnp.float32)
    edge_index = jax.random.randint(k2, (2, E), 0, N, dtype=jnp.int32)
    batch = jnp.sort(jax.random.randint(k3, (N,), 0, G, dtype=jnp.int32))
    params = _make_params()
    return {'x': x, 'edge_index': edge_index, 'batch': batch, 'params': params}


def reference(x, edge_index, batch, params):
    return _forward(x, params, edge_index, batch)

if __name__ == "__main__":
    import jax
    _d = setup_inputs()
    print(jax.jit(kernel)(*tuple(_d.values())))

</pallas_src>

<mosaic_0001>
#map = affine_map<(d0, d1) -> (0, 0)>
#map1 = affine_map<(d0, d1) -> (0, 0, 0)>
module attributes {stable_mosaic.version = 14 : i64} {
  func.func @_segment_sum_sc(%arg0: i32, %arg1: i32, %arg2: memref<10000x128xf32, #tpu.memory_space<hbm>>, %arg3: memref<640x8x128xi32, #tpu.memory_space<hbm>>, %arg4: memref<10240x128xf32, #tpu.memory_space<hbm>>, %arg5: memref<2x10240x128xf32, #tpu.memory_space<hbm>>, %arg6: memref<8x128xi32, #tpu.memory_space<vmem>>, %arg7: memref<8x128xi32, #tpu.memory_space<vmem>>, %arg8: memref<128x128xf32, #tpu.memory_space<vmem>>, %arg9: memref<128x128xf32, #tpu.memory_space<vmem>>, %arg10: memref<10240x128xf32, #tpu.memory_space<vmem_shared>>, %arg11: memref<!tpu.dma_semaphore, #tpu.memory_space<semaphore_mem>>, %arg12: memref<!tpu.dma_semaphore, #tpu.memory_space<semaphore_mem>>, %arg13: memref<!tpu.dma_semaphore, #tpu.memory_space<semaphore_mem>>, %arg14: memref<!tpu.dma_semaphore, #tpu.memory_space<semaphore_mem>>) attributes {dimension_semantics = [#tpu.dimension_semantics<core_parallel>, #tpu.dimension_semantics<subcore_parallel>], iteration_bounds = array<i64: 2, 16>, scalar_prefetch = 0 : i64, scratch_operands = 9 : i64, tpu.core_type = #tpu.core_type<sc_vector_subcore>, window_params = [{transform_indices = #map}, {transform_indices = #map1}, {transform_indices = #map}, {transform_indices = #map1}]} {
    %mul3A = arith.constant 2 : i32
    %mul3A_0 = arith.muli %arg1, %mul3A : i32
    %add3A = arith.addi %mul3A_0, %arg0 : i32
    %mul3A_1 = arith.constant 640 : i32
    %mul3A_2 = arith.muli %arg1, %mul3A_1 : i32
    %mul3A_3 = arith.constant 640 : i32
    %mul3A_4 = arith.muli %arg1, %mul3A_3 : i32
    "tpu.region"() ({
      %run_scoped3A = tpu.sem_alloc : memref<!tpu.dma_semaphore, #tpu.memory_space<semaphore_mem>>
      %dma_start3A_40 = arith.constant 0 : i32
      %dma_start3A_41 = tpu.memref_slice %arg10[%mul3A_4, %dma_start3A_40] : memref<10240x128xf32, #tpu.memory_space<vmem_shared>> -> memref<640x128xf32, #tpu.memory_space<vmem_shared>>
      %dma_start3A_42 = arith.constant 0 : i32
      %dma_start3A_43 = tpu.memref_slice %arg4[%mul3A_2, %dma_start3A_42] : memref<10240x128xf32, #tpu.memory_space<hbm>> -> memref<640x128xf32, #tpu.memory_space<hbm>>
      tpu.enqueue_dma source(%dma_start3A_43 : memref<640x128xf32, #tpu.memory_space<hbm>>) target(%dma_start3A_41 : memref<640x128xf32, #tpu.memory_space<vmem_shared>>) target_semaphore(%run_scoped3A : memref<!tpu.dma_semaphore, #tpu.memory_space<semaphore_mem>>)
      %dma_wait3A = arith.constant 0 : i32
      %dma_wait3A_44 = tpu.memref_slice %arg10[%mul3A_4, %dma_wait3A] : memref<10240x128xf32, #tpu.memory_space<vmem_shared>> -> memref<640x128xf32, #tpu.memory_space<vmem_shared>>
      %dma_wait3A_45 = arith.constant 0 : i32
      %dma_wait3A_46 = tpu.memref_slice %arg4[%mul3A_2, %dma_wait3A_45] : memref<10240x128xf32, #tpu.memory_space<hbm>> -> memref<640x128xf32, #tpu.memory_space<hbm>>
      tpu.wait_dma2 semaphore(%run_scoped3A : memref<!tpu.dma_semaphore, #tpu.memory_space<semaphore_mem>>) src(%dma_wait3A_46 : memref<640x128xf32, #tpu.memory_space<hbm>>) dst(%dma_wait3A_44 : memref<640x128xf32, #tpu.memory_space<vmem_shared>>)
      tpu.yield
    }) : () -> ()
    %barrier3A = arith.constant 0 : index
    tpu.barrier barrier_id(%barrier3A)
    %mul3A_5 = arith.constant 20 : i32
    %mul3A_6 = arith.muli %add3A, %mul3A_5 : i32
    "tpu.region"() ({
      %run_scoped3A = tpu.sem_alloc : memref<!tpu.dma_semaphore, #tpu.memory_space<semaphore_mem>>
      %dma_start3A_40 = arith.constant 0 : i32
      %dma_start3A_41 = arith.constant 0 : i32
      %dma_start3A_42 = tpu.memref_slice %arg3[%mul3A_6, %dma_start3A_40, %dma_start3A_41] : memref<640x8x128xi32, #tpu.memory_space<hbm>> -> memref<1x8x128xi32, #tpu.memory_space<hbm>>
      %dma_start3A_43 = tpu.memref_squeeze %dma_start3A_42 : memref<1x8x128xi32, #tpu.memory_space<hbm>> -> memref<8x128xi32, #tpu.memory_space<hbm>>
      %dma_start3A_44 = arith.constant 0 : i32
      %dma_start3A_45 = arith.constant 0 : i32
      %dma_start3A_46 = tpu.memref_slice %arg3[%mul3A_6, %dma_start3A_44, %dma_start3A_45] : memref<640x8x128xi32, #tpu.memory_space<hbm>> -> memref<1x8x128xi32, #tpu.memory_space<hbm>>
      %dma_start3A_47 = tpu.memref_squeeze %dma_start3A_46 : memref<1x8x128xi32, #tpu.memory_space<hbm>> -> memref<8x128xi32, #tpu.memory_space<hbm>>
      tpu.enqueue_dma source(%dma_start3A_47 : memref<8x128xi32, #tpu.memory_space<hbm>>) target(%arg6 : memref<8x128xi32, #tpu.memory_space<vmem>>) target_semaphore(%run_scoped3A : memref<!tpu.dma_semaphore, #tpu.memory_space<semaphore_mem>>)
      %dma_wait3A = arith.constant 0 : i32
      %dma_wait3A_48 = arith.constant 0 : i32
      %dma_wait3A_49 = tpu.memref_slice %arg3[%mul3A_6, %dma_wait3A, %dma_wait3A_48] : memref<640x8x128xi32, #tpu.memory_space<hbm>> -> memref<1x8x128xi32, #tpu.memory_space<hbm>>
      %dma_wait3A_50 = tpu.memref_squeeze %dma_wait3A_49 : memref<1x8x128xi32, #tpu.memory_space<hbm>> -> memref<8x128xi32, #tpu.memory_space<hbm>>
      %dma_wait3A_51 = arith.constant 0 : i32
      %dma_wait3A_52 = arith.constant 0 : i32
      %dma_wait3A_53 = tpu.memref_slice %arg3[%mul3A_6, %dma_wait3A_51, %dma_wait3A_52] : memref<640x8x128xi32, #tpu.memory_space<hbm>> -> memref<1x8x128xi32, #tpu.memory_space<hbm>>
      %dma_wait3A_54 = tpu.memref_squeeze %dma_wait3A_53 : memref<1x8x128xi32, #tpu.memory_space<hbm>> -> memref<8x128xi32, #tpu.memory_space<hbm>>
      tpu.wait_dma2 semaphore(%run_scoped3A : memref<!tpu.dma_semaphore, #tpu.memory_space<semaphore_mem>>) src(%dma_wait3A_54 : memref<8x128xi32, #tpu.memory_space<hbm>>) dst(%arg6 : memref<8x128xi32, #tpu.memory_space<vmem>>)
      tpu.yield
    }) : () -> ()
    %add3A_7 = arith.constant 1 : i32
    %add3A_8 = arith.addi %mul3A_6, %add3A_7 : i32
    %dma_start3A = arith.constant 0 : i32
    %dma_start3A_9 = arith.constant 0 : i32
    %dma_start3A_10 = tpu.memref_slice %arg3[%add3A_8, %dma_start3A, %dma_start3A_9] : memref<640x8x128xi32, #tpu.memory_space<hbm>> -> memref<1x8x128xi32, #tpu.memory_space<hbm>>
    %dma_start3A_11 = tpu.memref_squeeze %dma_start3A_10 : memref<1x8x128xi32, #tpu.memory_space<hbm>> -> memref<8x128xi32, #tpu.memory_space<hbm>>
    %dma_start3A_12 = arith.constant 0 : i32
    %dma_start3A_13 = arith.constant 0 : i32
    %dma_start3A_14 = tpu.memref_slice %arg3[%add3A_8, %dma_start3A_12, %dma_start3A_13] : memref<640x8x128xi32, #tpu.memory_space<hbm>> -> memref<1x8x128xi32, #tpu.memory_space<hbm>>
    %dma_start3A_15 = tpu.memref_squeeze %dma_start3A_14 : memref<1x8x128xi32, #tpu.memory_space<hbm>> -> memref<8x128xi32, #tpu.memory_space<hbm>>
    tpu.enqueue_dma source(%dma_start3A_15 : memref<8x128xi32, #tpu.memory_space<hbm>>) target(%arg7 : memref<8x128xi32, #tpu.memory_space<vmem>>) target_semaphore(%arg14 : memref<!tpu.dma_semaphore, #tpu.memory_space<semaphore_mem>>)
    %dma_start3A_16 = arith.constant 0 : i32
    %dma_start3A_17 = arith.constant 0 : i32
    %dma_start3A_18 = tpu.memref_slice %arg6[%dma_start3A_16, %dma_start3A_17] : memref<8x128xi32, #tpu.memory_space<vmem>> -> memref<1x128xi32, #tpu.memory_space<vmem>>
    %dma_start3A_19 = tpu.memref_squeeze %dma_start3A_18 : memref<1x128xi32, #tpu.memory_space<vmem>> -> memref<128xi32, #tpu.memory_space<vmem>>
    %dma_start3A_20 = arith.constant 0 : i32
    %dma_start3A_21 = arith.constant 0 : i32
    %dma_start3A_22 = tpu.memref_slice %arg2[%dma_start3A_20, %dma_start3A_21] : memref<10000x128xf32, #tpu.memory_space<hbm>> -> memref<10000x128xf32, #tpu.memory_space<hbm>>
    tpu.enqueue_indirect_dma source(%dma_start3A_22 : memref<10000x128xf32, #tpu.memory_space<hbm>>) target(%arg8 : memref<128x128xf32, #tpu.memory_space<vmem>>) offsets(%dma_start3A_19 : memref<128xi32, #tpu.memory_space<vmem>>) semaphore(%arg11 : memref<!tpu.dma_semaphore, #tpu.memory_space<semaphore_mem>>)
    %dma_start3A_23 = arith.constant 1 : i32
    %dma_start3A_24 = arith.constant 0 : i32
    %dma_start3A_25 = tpu.memref_slice %arg6[%dma_start3A_23, %dma_start3A_24] : memref<8x128xi32, #tpu.memory_space<vmem>> -> memref<1x128xi32, #tpu.memory_space<vmem>>
    %dma_start3A_26 = tpu.memref_squeeze %dma_start3A_25 : memref<1x128xi32, #tpu.memory_space<vmem>> -> memref<128xi32, #tpu.memory_space<vmem>>
    %dma_start3A_27 = arith.constant 0 : i32
    %dma_start3A_28 = arith.constant 0 : i32
    %dma_start3A_29 = tpu.memref_slice %arg2[%dma_start3A_27, %dma_start3A_28] : memref<10000x128xf32, #tpu.memory_space<hbm>> -> memref<10000x128xf32, #tpu.memory_space<hbm>>
    tpu.enqueue_indirect_dma source(%dma_start3A_29 : memref<10000x128xf32, #tpu.memory_space<hbm>>) target(%arg9 : memref<128x128xf32, #tpu.memory_space<vmem>>) offsets(%dma_start3A_26 : memref<128xi32, #tpu.memory_space<vmem>>) semaphore(%arg12 : memref<!tpu.dma_semaphore, #tpu.memory_space<semaphore_mem>>)
    %scan3A = arith.constant 0 : i32
    %scan3A_30 = arith.constant 0 : i32
    %scan3A_31 = arith.constant 10 : i32
    %scan3A_32 = arith.addi %scan3A_30, %scan3A_31 : i32
    %scan3A_33 = arith.constant 1 : i32
    scf.for %scan3A_40 = %scan3A_30 to %scan3A_32 step %scan3A_33  : i32 {
      %dma_wait3A = arith.constant 0 : i32
      %dma_wait3A_41 = arith.constant 0 : i32
      %dma_wait3A_42 = tpu.memref_slice %arg6[%dma_wait3A, %dma_wait3A_41] : memref<8x128xi32, #tpu.memory_space<vmem>> -> memref<1x128xi32, #tpu.memory_space<vmem>>
      %dma_wait3A_43 = tpu.memref_squeeze %dma_wait3A_42 : memref<1x128xi32, #tpu.memory_space<vmem>> -> memref<128xi32, #tpu.memory_space<vmem>>
      %dma_wait3A_44 = arith.constant 0 : i32
      %dma_wait3A_45 = arith.constant 0 : i32
      %dma_wait3A_46 = tpu.memref_slice %arg2[%dma_wait3A_44, %dma_wait3A_45] : memref<10000x128xf32, #tpu.memory_space<hbm>> -> memref<10000x128xf32, #tpu.memory_space<hbm>>
      tpu.wait_indirect_dma semaphore(%arg11 : memref<!tpu.dma_semaphore, #tpu.memory_space<semaphore_mem>>) src(%dma_wait3A_46 : memref<10000x128xf32, #tpu.memory_space<hbm>>) dst(%arg8 : memref<128x128xf32, #tpu.memory_space<vmem>>)
      %run_scoped3A = arith.constant 4 : i32
      "tpu.region"() ({
        %run_scoped3A_178 = tpu.sem_alloc : memref<!tpu.dma_semaphore, #tpu.memory_space<semaphore_mem>>
        %dma_start3A_179 = arith.constant 0 : i32
        %dma_start3A_180 = tpu.memref_slice %arg6[%run_scoped3A, %dma_start3A_179] : memref<8x128xi32, #tpu.memory_space<vmem>> -> memref<1x128xi32, #tpu.memory_space<vmem>>
        %dma_start3A_181 = tpu.memref_squeeze %dma_start3A_180 : memref<1x128xi32, #tpu.memory_space<vmem>> -> memref<128xi32, #tpu.memory_space<vmem>>
        %dma_start3A_182 = arith.constant 0 : i32
        %dma_start3A_183 = arith.constant 0 : i32
        %dma_start3A_184 = tpu.memref_slice %arg10[%dma_start3A_182, %dma_start3A_183] : memref<10240x128xf32, #tpu.memory_space<vmem_shared>> -> memref<10240x128xf32, #tpu.memory_space<vmem_shared>>
        tpu.enqueue_indirect_dma source(%arg8 : memref<128x128xf32, #tpu.memory_space<vmem>>) target(%dma_start3A_184 : memref<10240x128xf32, #tpu.memory_space<vmem_shared>>) offsets(%dma_start3A_181 : memref<128xi32, #tpu.memory_space<vmem>>) semaphore(%run_scoped3A_178 : memref<!tpu.dma_semaphore, #tpu.memory_space<semaphore_mem>>) {add = true}
        %dma_wait3A_185 = arith.constant 0 : i32
        %dma_wait3A_186 = tpu.memref_slice %arg6[%run_scoped3A, %dma_wait3A_185] : memref<8x128xi32, #tpu.memory_space<vmem>> -> memref<1x128xi32, #tpu.memory_space<vmem>>
        %dma_wait3A_187 = tpu.memref_squeeze %dma_wait3A_186 : memref<1x128xi32, #tpu.memory_space<vmem>> -> memref<128xi32, #tpu.memory_space<vmem>>
        %dma_wait3A_188 = arith.constant 0 : i32
        %dma_wait3A_189 = arith.constant 0 : i32
        %dma_wait3A_190 = tpu.memref_slice %arg10[%dma_wait3A_188, %dma_wait3A_189] : memref<10240x128xf32, #tpu.memory_space<vmem_shared>> -> memref<10240x128xf32, #tpu.memory_space<vmem_shared>>
        tpu.wait_indirect_dma semaphore(%run_scoped3A_178 : memref<!tpu.dma_semaphore, #tpu.memory_space<semaphore_mem>>) src(%arg8 : memref<128x128xf32, #tpu.memory_space<vmem>>) dst(%dma_wait3A_190 : memref<10240x128xf32, #tpu.memory_space<vmem_shared>>)
        tpu.yield
      }) : () -> ()
      %dma_start3A_47 = arith.constant 2 : i32
      %dma_start3A_48 = arith.constant 0 : i32
      %dma_start3A_49 = tpu.memref_slice %arg6[%dma_start3A_47, %dma_start3A_48] : memref<8x128xi32, #tpu.memory_space<vmem>> -> memref<1x128xi32, #tpu.memory_space<vmem>>
      %dma_start3A_50 = tpu.memref_squeeze %dma_start3A_49 : memref<1x128xi32, #tpu.memory_space<vmem>> -> memref<128xi32, #tpu.memory_space<vmem>>
      %dma_start3A_51 = arith.constant 0 : i32
      %dma_start3A_52 = arith.constant 0 : i32
      %dma_start3A_53 = tpu.memref_slice %arg2[%dma_start3A_51, %dma_start3A_52] : memref<10000x128xf32, #tpu.memory_space<hbm>> -> memref<10000x128xf32, #tpu.memory_space<hbm>>
      tpu.enqueue_indirect_dma source(%dma_start3A_53 : memref<10000x128xf32, #tpu.memory_space<hbm>>) target(%arg8 : memref<128x128xf32, #tpu.memory_space<vmem>>) offsets(%dma_start3A_50 : memref<128xi32, #tpu.memory_space<vmem>>) semaphore(%arg11 : memref<!tpu.dma_semaphore, #tpu.memory_space<semaphore_mem>>)
      %dma_wait3A_54 = arith.constant 0 : i32
      %dma_wait3A_55 = arith.constant 0 : i32
      %dma_wait3A_56 = tpu.memref_slice %arg6[%dma_wait3A_54, %dma_wait3A_55] : memref<8x128xi32, #tpu.memory_space<vmem>> -> memref<1x128xi32, #tpu.memory_space<vmem>>
      %dma_wait3A_57 = tpu.memref_squeeze %dma_wait3A_56 : memref<1x128xi32, #tpu.memory_space<vmem>> -> memref<128xi32, #tpu.memory_space<vmem>>
      %dma_wait3A_58 = arith.constant 0 : i32
      %dma_wait3A_59 = arith.constant 0 : i32
      %dma_wait3A_60 = tpu.memref_slice %arg2[%dma_wait3A_58, %dma_wait3A_59] : memref<10000x128xf32, #tpu.memory_space<hbm>> -> memref<10000x128xf32, #tpu.memory_space<hbm>>
      tpu.wait_indirect_dma semaphore(%arg12 : memref<!tpu.dma_semaphore, #tpu.memory_space<semaphore_mem>>) src(%dma_wait3A_60 : memref<10000x128xf32, #tpu.memory_space<hbm>>) dst(%arg9 : memref<128x128xf32, #tpu.memory_space<vmem>>)
      %run_scoped3A_61 = arith.constant 5 : i32
      "tpu.region"() ({
        %run_scoped3A_178 = tpu.sem_alloc : memref<!tpu.dma_semaphore, #tpu.memory_space<semaphore_mem>>
        %dma_start3A_179 = arith.constant 0 : i32
        %dma_start3A_180 = tpu.memref_slice %arg6[%run_scoped3A_61, %dma_start3A_179] : memref<8x128xi32, #tpu.memory_space<vmem>> -> memref<1x128xi32, #tpu.memory_space<vmem>>
        %dma_start3A_181 = tpu.memref_squeeze %dma_start3A_180 : memref<1x128xi32, #tpu.memory_space<vmem>> -> memref<128xi32, #tpu.memory_space<vmem>>
        %dma_start3A_182 = arith.constant 0 : i32
        %dma_start3A_183 = arith.constant 0 : i32
        %dma_start3A_184 = tpu.memref_slice %arg10[%dma_start3A_182, %dma_start3A_183] : memref<10240x128xf32, #tpu.memory_space<vmem_shared>> -> memref<10240x128xf32, #tpu.memory_space<vmem_shared>>
        tpu.enqueue_indirect_dma source(%arg9 : memref<128x128xf32, #tpu.memory_space<vmem>>) target(%dma_start3A_184 : memref<10240x128xf32, #tpu.memory_space<vmem_shared>>) offsets(%dma_start3A_181 : memref<128xi32, #tpu.memory_space<vmem>>) semaphore(%run_scoped3A_178 : memref<!tpu.dma_semaphore, #tpu.memory_space<semaphore_mem>>) {add = true}
        %dma_wait3A_185 = arith.constant 0 : i32
        %dma_wait3A_186 = tpu.memref_slice %arg6[%run_scoped3A_61, %dma_wait3A_185] : memref<8x128xi32, #tpu.memory_space<vmem>> -> memref<1x128xi32, #tpu.memory_space<vmem>>
        %dma_wait3A_187 = tpu.memref_squeeze %dma_wait3A_186 : memref<1x128xi32, #tpu.memory_space<vmem>> -> memref<128xi32, #tpu.memory_space<vmem>>
        %dma_wait3A_188 = arith.constant 0 : i32
        %dma_wait3A_189 = arith.constant 0 : i32
        %dma_wait3A_190 = tpu.memref_slice %arg10[%dma_wait3A_188, %dma_wait3A_189] : memref<10240x128xf32, #tpu.memory_space<vmem_shared>> -> memref<10240x128xf32, #tpu.memory_space<vmem_shared>>
        tpu.wait_indirect_dma semaphore(%run_scoped3A_178 : memref<!tpu.dma_semaphore, #tpu.memory_space<semaphore_mem>>) src(%arg9 : memref<128x128xf32, #tpu.memory_space<vmem>>) dst(%dma_wait3A_190 : memref<10240x128xf32, #tpu.memory_space<vmem_shared>>)
        tpu.yield
      }) : () -> ()
      %dma_start3A_62 = arith.constant 3 : i32
      %dma_start3A_63 = arith.constant 0 : i32
      %dma_start3A_64 = tpu.memref_slice %arg6[%dma_start3A_62, %dma_start3A_63] : memref<8x128xi32, #tpu.memory_space<vmem>> -> memref<1x128xi32, #tpu.memory_space<vmem>>
      %dma_start3A_65 = tpu.memref_squeeze %dma_start3A_64 : memref<1x128xi32, #tpu.memory_space<vmem>> -> memref<128xi32, #tpu.memory_space<vmem>>
      %dma_start3A_66 = arith.constant 0 : i32
      %dma_start3A_67 = arith.constant 0 : i32
      %dma_start3A_68 = tpu.memref_slice %arg2[%dma_start3A_66, %dma_start3A_67] : memref<10000x128xf32, #tpu.memory_space<hbm>> -> memref<10000x128xf32, #tpu.memory_space<hbm>>
      tpu.enqueue_indirect_dma source(%dma_start3A_68 : memref<10000x128xf32, #tpu.memory_space<hbm>>) target(%arg9 : memref<128x128xf32, #tpu.memory_space<vmem>>) offsets(%dma_start3A_65 : memref<128xi32, #tpu.memory_space<vmem>>) semaphore(%arg12 : memref<!tpu.dma_semaphore, #tpu.memory_space<semaphore_mem>>)
      %dma_wait3A_69 = arith.constant 0 : i32
      %dma_wait3A_70 = arith.constant 0 : i32
      %dma_wait3A_71 = tpu.memref_slice %arg6[%dma_wait3A_69, %dma_wait3A_70] : memref<8x128xi32, #tpu.memory_space<vmem>> -> memref<1x128xi32, #tpu.memory_space<vmem>>
      %dma_wait3A_72 = tpu.memref_squeeze %dma_wait3A_71 : memref<1x128xi32, #tpu.memory_space<vmem>> -> memref<128xi32, #tpu.memory_space<vmem>>
      %dma_wait3A_73 = arith.constant 0 : i32
      %dma_wait3A_74 = arith.constant 0 : i32
      %dma_wait3A_75 = tpu.memref_slice %arg2[%dma_wait3A_73, %dma_wait3A_74] : memref<10000x128xf32, #tpu.memory_space<hbm>> -> memref<10000x128xf32, #tpu.memory_space<hbm>>
      tpu.wait_indirect_dma semaphore(%arg11 : memref<!tpu.dma_semaphore, #tpu.memory_space<semaphore_mem>>) src(%dma_wait3A_75 : memref<10000x128xf32, #tpu.memory_space<hbm>>) dst(%arg8 : memref<128x128xf32, #tpu.memory_space<vmem>>)
      %run_scoped3A_76 = arith.constant 6 : i32
      "tpu.region"() ({
        %run_scoped3A_178 = tpu.sem_alloc : memref<!tpu.dma_semaphore, #tpu.memory_space<semaphore_mem>>
        %dma_start3A_179 = arith.constant 0 : i32
        %dma_start3A_180 = tpu.memref_slice %arg6[%run_scoped3A_76, %dma_start3A_179] : memref<8x128xi32, #tpu.memory_space<vmem>> -> memref<1x128xi32, #tpu.memory_space<vmem>>
        %dma_start3A_181 = tpu.memref_squeeze %dma_start3A_180 : memref<1x128xi32, #tpu.memory_space<vmem>> -> memref<128xi32, #tpu.memory_space<vmem>>
        %dma_start3A_182 = arith.constant 0 : i32
        %dma_start3A_183 = arith.constant 0 : i32
        %dma_start3A_184 = tpu.memref_slice %arg10[%dma_start3A_182, %dma_start3A_183] : memref<10240x128xf32, #tpu.memory_space<vmem_shared>> -> memref<10240x128xf32, #tpu.memory_space<vmem_shared>>
        tpu.enqueue_indirect_dma source(%arg8 : memref<128x128xf32, #tpu.memory_space<vmem>>) target(%dma_start3A_184 : memref<10240x128xf32, #tpu.memory_space<vmem_shared>>) offsets(%dma_start3A_181 : memref<128xi32, #tpu.memory_space<vmem>>) semaphore(%run_scoped3A_178 : memref<!tpu.dma_semaphore, #tpu.memory_space<semaphore_mem>>) {add = true}
        %dma_wait3A_185 = arith.constant 0 : i32
        %dma_wait3A_186 = tpu.memref_slice %arg6[%run_scoped3A_76, %dma_wait3A_185] : memref<8x128xi32, #tpu.memory_space<vmem>> -> memref<1x128xi32, #tpu.memory_space<vmem>>
        %dma_wait3A_187 = tpu.memref_squeeze %dma_wait3A_186 : memref<1x128xi32, #tpu.memory_space<vmem>> -> memref<128xi32, #tpu.memory_space<vmem>>
        %dma_wait3A_188 = arith.constant 0 : i32
        %dma_wait3A_189 = arith.constant 0 : i32
        %dma_wait3A_190 = tpu.memref_slice %arg10[%dma_wait3A_188, %dma_wait3A_189] : memref<10240x128xf32, #tpu.memory_space<vmem_shared>> -> memref<10240x128xf32, #tpu.memory_space<vmem_shared>>
        tpu.wait_indirect_dma semaphore(%run_scoped3A_178 : memref<!tpu.dma_semaphore, #tpu.memory_space<semaphore_mem>>) src(%arg8 : memref<128x128xf32, #tpu.memory_space<vmem>>) dst(%dma_wait3A_190 : memref<10240x128xf32, #tpu.memory_space<vmem_shared>>)
        tpu.yield
      }) : () -> ()
      %dma_wait3A_77 = arith.constant 0 : i32
      %dma_wait3A_78 = arith.constant 0 : i32
      %dma_wait3A_79 = tpu.memref_slice %arg3[%mul3A_6, %dma_wait3A_77, %dma_wait3A_78] : memref<640x8x128xi32, #tpu.memory_space<hbm>> -> memref<1x8x128xi32, #tpu.memory_space<hbm>>
      %dma_wait3A_80 = tpu.memref_squeeze %dma_wait3A_79 : memref<1x8x128xi32, #tpu.memory_space<hbm>> -> memref<8x128xi32, #tpu.memory_space<hbm>>
      %dma_wait3A_81 = arith.constant 0 : i32
      %dma_wait3A_82 = arith.constant 0 : i32
      %dma_wait3A_83 = tpu.memref_slice %arg3[%mul3A_6, %dma_wait3A_81, %dma_wait3A_82] : memref<640x8x128xi32, #tpu.memory_space<hbm>> -> memref<1x8x128xi32, #tpu.memory_space<hbm>>
      %dma_wait3A_84 = tpu.memref_squeeze %dma_wait3A_83 : memref<1x8x128xi32, #tpu.memory_space<hbm>> -> memref<8x128xi32, #tpu.memory_space<hbm>>
      tpu.wait_dma2 semaphore(%arg14 : memref<!tpu.dma_semaphore, #tpu.memory_space<semaphore_mem>>) src(%dma_wait3A_84 : memref<8x128xi32, #tpu.memory_space<hbm>>) dst(%arg7 : memref<8x128xi32, #tpu.memory_space<vmem>>)
      %dma_start3A_85 = arith.constant 0 : i32
      %dma_start3A_86 = arith.constant 0 : i32
      %dma_start3A_87 = tpu.memref_slice %arg7[%dma_start3A_85, %dma_start3A_86] : memref<8x128xi32, #tpu.memory_space<vmem>> -> memref<1x128xi32, #tpu.memory_space<vmem>>
      %dma_start3A_88 = tpu.memref_squeeze %dma_start3A_87 : memref<1x128xi32, #tpu.memory_space<vmem>> -> memref<128xi32, #tpu.memory_space<vmem>>
      %dma_start3A_89 = arith.constant 0 : i32
      %dma_start3A_90 = arith.constant 0 : i32
      %dma_start3A_91 = tpu.memref_slice %arg2[%dma_start3A_89, %dma_start3A_90] : memref<10000x128xf32, #tpu.memory_space<hbm>> -> memref<10000x128xf32, #tpu.memory_space<hbm>>
      tpu.enqueue_indirect_dma source(%dma_start3A_91 : memref<10000x128xf32, #tpu.memory_space<hbm>>) target(%arg8 : memref<128x128xf32, #tpu.memory_space<vmem>>) offsets(%dma_start3A_88 : memref<128xi32, #tpu.memory_space<vmem>>) semaphore(%arg11 : memref<!tpu.dma_semaphore, #tpu.memory_space<semaphore_mem>>)
      %dma_wait3A_92 = arith.constant 0 : i32
      %dma_wait3A_93 = arith.constant 0 : i32
      %dma_wait3A_94 = tpu.memref_slice %arg6[%dma_wait3A_92, %dma_wait3A_93] : memref<8x128xi32, #tpu.memory_space<vmem>> -> memref<1x128xi32, #tpu.memory_space<vmem>>
      %dma_wait3A_95 = tpu.memref_squeeze %dma_wait3A_94 : memref<1x128xi32, #tpu.memory_space<vmem>> -> memref<128xi32, #tpu.memory_space<vmem>>
      %dma_wait3A_96 = arith.constant 0 : i32
      %dma_wait3A_97 = arith.constant 0 : i32
      %dma_wait3A_98 = tpu.memref_slice %arg2[%dma_wait3A_96, %dma_wait3A_97] : memref<10000x128xf32, #tpu.memory_space<hbm>> -> memref<10000x128xf32, #tpu.memory_space<hbm>>
      tpu.wait_indirect_dma semaphore(%arg12 : memref<!tpu.dma_semaphore, #tpu.memory_space<semaphore_mem>>) src(%dma_wait3A_98 : memref<10000x128xf32, #tpu.memory_space<hbm>>) dst(%arg9 : memref<128x128xf32, #tpu.memory_space<vmem>>)
      %run_scoped3A_99 = arith.constant 7 : i32
      "tpu.region"() ({
        %run_scoped3A_178 = tpu.sem_alloc : memref<!tpu.dma_semaphore, #tpu.memory_space<semaphore_mem>>
        %dma_start3A_179 = arith.constant 0 : i32
        %dma_start3A_180 = tpu.memref_slice %arg6[%run_scoped3A_99, %dma_start3A_179] : memref<8x128xi32, #tpu.memory_space<vmem>> -> memref<1x128xi32, #tpu.memory_space<vmem>>
        %dma_start3A_181 = tpu.memref_squeeze %dma_start3A_180 : memref<1x128xi32, #tpu.memory_space<vmem>> -> memref<128xi32, #tpu.memory_space<vmem>>
        %dma_start3A_182 = arith.constant 0 : i32
        %dma_start3A_183 = arith.constant 0 : i32
        %dma_start3A_184 = tpu.memref_slice %arg10[%dma_start3A_182, %dma_start3A_183] : memref<10240x128xf32, #tpu.memory_space<vmem_shared>> -> memref<10240x128xf32, #tpu.memory_space<vmem_shared>>
        tpu.enqueue_indirect_dma source(%arg9 : memref<128x128xf32, #tpu.memory_space<vmem>>) target(%dma_start3A_184 : memref<10240x128xf32, #tpu.memory_space<vmem_shared>>) offsets(%dma_start3A_181 : memref<128xi32, #tpu.memory_space<vmem>>) semaphore(%run_scoped3A_178 : memref<!tpu.dma_semaphore, #tpu.memory_space<semaphore_mem>>) {add = true}
        %dma_wait3A_185 = arith.constant 0 : i32
        %dma_wait3A_186 = tpu.memref_slice %arg6[%run_scoped3A_99, %dma_wait3A_185] : memref<8x128xi32, #tpu.memory_space<vmem>> -> memref<1x128xi32, #tpu.memory_space<vmem>>
        %dma_wait3A_187 = tpu.memref_squeeze %dma_wait3A_186 : memref<1x128xi32, #tpu.memory_space<vmem>> -> memref<128xi32, #tpu.memory_space<vmem>>
        %dma_wait3A_188 = arith.constant 0 : i32
        %dma_wait3A_189 = arith.constant 0 : i32
        %dma_wait3A_190 = tpu.memref_slice %arg10[%dma_wait3A_188, %dma_wait3A_189] : memref<10240x128xf32, #tpu.memory_space<vmem_shared>> -> memref<10240x128xf32, #tpu.memory_space<vmem_shared>>
        tpu.wait_indirect_dma semaphore(%run_scoped3A_178 : memref<!tpu.dma_semaphore, #tpu.memory_space<semaphore_mem>>) src(%arg9 : memref<128x128xf32, #tpu.memory_space<vmem>>) dst(%dma_wait3A_190 : memref<10240x128xf32, #tpu.memory_space<vmem_shared>>)
        tpu.yield
      }) : () -> ()
      %dma_start3A_100 = arith.constant 1 : i32
      %dma_start3A_101 = arith.constant 0 : i32
      %dma_start3A_102 = tpu.memref_slice %arg7[%dma_start3A_100, %dma_start3A_101] : memref<8x128xi32, #tpu.memory_space<vmem>> -> memref<1x128xi32, #tpu.memory_space<vmem>>
      %dma_start3A_103 = tpu.memref_squeeze %dma_start3A_102 : memref<1x128xi32, #tpu.memory_space<vmem>> -> memref<128xi32, #tpu.memory_space<vmem>>
      %dma_start3A_104 = arith.constant 0 : i32
      %dma_start3A_105 = arith.constant 0 : i32
      %dma_start3A_106 = tpu.memref_slice %arg2[%dma_start3A_104, %dma_start3A_105] : memref<10000x128xf32, #tpu.memory_space<hbm>> -> memref<10000x128xf32, #tpu.memory_space<hbm>>
      tpu.enqueue_indirect_dma source(%dma_start3A_106 : memref<10000x128xf32, #tpu.memory_space<hbm>>) target(%arg9 : memref<128x128xf32, #tpu.memory_space<vmem>>) offsets(%dma_start3A_103 : memref<128xi32, #tpu.memory_space<vmem>>) semaphore(%arg12 : memref<!tpu.dma_semaphore, #tpu.memory_space<semaphore_mem>>)
      %add3A_107 = arith.constant 1 : i32
      %add3A_108 = arith.addi %scan3A_40, %add3A_107 : i32
      %lt3A = arith.constant 10 : i32
      %lt3A_109 = arith.cmpi slt, %add3A_108, %lt3A : i32
      %convert_element_type3A = arith.extui %lt3A_109 : i1 to i32
      %cond3A = arith.constant 0 : i32
      %cond3A_110 = arith.cmpi ne, %convert_element_type3A, %cond3A : i32
      scf.if %cond3A_110 {
        %mul3A_178 = arith.constant 2 : i32
        %mul3A_179 = arith.muli %mul3A_178, %scan3A_40 : i32
        %add3A_180 = arith.constant 2 : i32
        %add3A_181 = arith.addi %mul3A_179, %add3A_180 : i32
        %add3A_182 = arith.addi %mul3A_6, %add3A_181 : i32
        %dma_start3A_183 = arith.constant 0 : i32
        %dma_start3A_184 = arith.constant 0 : i32
        %dma_start3A_185 = tpu.memref_slice %arg3[%add3A_182, %dma_start3A_183, %dma_start3A_184] : memref<640x8x128xi32, #tpu.memory_space<hbm>> -> memref<1x8x128xi32, #tpu.memory_space<hbm>>
        %dma_start3A_186 = tpu.memref_squeeze %dma_start3A_185 : memref<1x8x128xi32, #tpu.memory_space<hbm>> -> memref<8x128xi32, #tpu.memory_space<hbm>>
        %dma_start3A_187 = arith.constant 0 : i32
        %dma_start3A_188 = arith.constant 0 : i32
        %dma_start3A_189 = tpu.memref_slice %arg3[%add3A_182, %dma_start3A_187, %dma_start3A_188] : memref<640x8x128xi32, #tpu.memory_space<hbm>> -> memref<1x8x128xi32, #tpu.memory_space<hbm>>
        %dma_start3A_190 = tpu.memref_squeeze %dma_start3A_189 : memref<1x8x128xi32, #tpu.memory_space<hbm>> -> memref<8x128xi32, #tpu.memory_space<hbm>>
        tpu.enqueue_dma source(%dma_start3A_190 : memref<8x128xi32, #tpu.memory_space<hbm>>) target(%arg6 : memref<8x128xi32, #tpu.memory_space<vmem>>) target_semaphore(%arg13 : memref<!tpu.dma_semaphore, #tpu.memory_space<semaphore_mem>>)
      } else {
      }
      %dma_wait3A_111 = arith.constant 0 : i32
      %dma_wait3A_112 = arith.constant 0 : i32
      %dma_wait3A_113 = tpu.memref_slice %arg6[%dma_wait3A_111, %dma_wait3A_112] : memref<8x128xi32, #tpu.memory_space<vmem>> -> memref<1x128xi32, #tpu.memory_space<vmem>>
      %dma_wait3A_114 = tpu.memref_squeeze %dma_wait3A_113 : memref<1x128xi32, #tpu.memory_space<vmem>> -> memref<128xi32, #tpu.memory_space<vmem>>
      %dma_wait3A_115 = arith.constant 0 : i32
      %dma_wait3A_116 = arith.constant 0 : i32
      %dma_wait3A_117 = tpu.memref_slice %arg2[%dma_wait3A_115, %dma_wait3A_116] : memref<10000x128xf32, #tpu.memory_space<hbm>> -> memref<10000x128xf32, #tpu.memory_space<hbm>>
      tpu.wait_indirect_dma semaphore(%arg11 : memref<!tpu.dma_semaphore, #tpu.memory_space<semaphore_mem>>) src(%dma_wait3A_117 : memref<10000x128xf32, #tpu.memory_space<hbm>>) dst(%arg8 : memref<128x128xf32, #tpu.memory_space<vmem>>)
      %run_scoped3A_118 = arith.constant 4 : i32
      "tpu.region"() ({
        %run_scoped3A_178 = tpu.sem_alloc : memref<!tpu.dma_semaphore, #tpu.memory_space<semaphore_mem>>
        %dma_start3A_179 = arith.constant 0 : i32
        %dma_start3A_180 = tpu.memref_slice %arg7[%run_scoped3A_118, %dma_start3A_179] : memref<8x128xi32, #tpu.memory_space<vmem>> -> memref<1x128xi32, #tpu.memory_space<vmem>>
        %dma_start3A_181 = tpu.memref_squeeze %dma_start3A_180 : memref<1x128xi32, #tpu.memory_space<vmem>> -> memref<128xi32, #tpu.memory_space<vmem>>
        %dma_start3A_182 = arith.constant 0 : i32
        %dma_start3A_183 = arith.constant 0 : i32
        %dma_start3A_184 = tpu.memref_slice %arg10[%dma_start3A_182, %dma_start3A_183] : memref<10240x128xf32, #tpu.memory_space<vmem_shared>> -> memref<10240x128xf32, #tpu.memory_space<vmem_shared>>
        tpu.enqueue_indirect_dma source(%arg8 : memref<128x128xf32, #tpu.memory_space<vmem>>) target(%dma_start3A_184 : memref<10240x128xf32, #tpu.memory_space<vmem_shared>>) offsets(%dma_start3A_181 : memref<128xi32, #tpu.memory_space<vmem>>) semaphore(%run_scoped3A_178 : memref<!tpu.dma_semaphore, #tpu.memory_space<semaphore_mem>>) {add = true}
        %dma_wait3A_185 = arith.constant 0 : i32
        %dma_wait3A_186 = tpu.memref_slice %arg7[%run_scoped3A_118, %dma_wait3A_185] : memref<8x128xi32, #tpu.memory_space<vmem>> -> memref<1x128xi32, #tpu.memory_space<vmem>>
        %dma_wait3A_187 = tpu.memref_squeeze %dma_wait3A_186 : memref<1x128xi32, #tpu.memory_space<vmem>> -> memref<128xi32, #tpu.memory_space<vmem>>
        %dma_wait3A_188 = arith.constant 0 : i32
        %dma_wait3A_189 = arith.constant 0 : i32
        %dma_wait3A_190 = tpu.memref_slice %arg10[%dma_wait3A_188, %dma_wait3A_189] : memref<10240x128xf32, #tpu.memory_space<vmem_shared>> -> memref<10240x128xf32, #tpu.memory_space<vmem_shared>>
        tpu.wait_indirect_dma semaphore(%run_scoped3A_178 : memref<!tpu.dma_semaphore, #tpu.memory_space<semaphore_mem>>) src(%arg8 : memref<128x128xf32, #tpu.memory_space<vmem>>) dst(%dma_wait3A_190 : memref<10240x128xf32, #tpu.memory_space<vmem_shared>>)
        tpu.yield
      }) : () -> ()
      %dma_start3A_119 = arith.constant 2 : i32
      %dma_start3A_120 = arith.constant 0 : i32
      %dma_start3A_121 = tpu.memref_slice %arg7[%dma_start3A_119, %dma_start3A_120] : memref<8x128xi32, #tpu.memory_space<vmem>> -> memref<1x128xi32, #tpu.memory_space<vmem>>
      %dma_start3A_122 = tpu.memref_squeeze %dma_start3A_121 : memref<1x128xi32, #tpu.memory_space<vmem>> -> memref<128xi32, #tpu.memory_space<vmem>>
      %dma_start3A_123 = arith.constant 0 : i32
      %dma_start3A_124 = arith.constant 0 : i32
      %dma_start3A_125 = tpu.memref_slice %arg2[%dma_start3A_123, %dma_start3A_124] : memref<10000x128xf32, #tpu.memory_space<hbm>> -> memref<10000x128xf32, #tpu.memory_space<hbm>>
      tpu.enqueue_indirect_dma source(%dma_start3A_125 : memref<10000x128xf32, #tpu.memory_space<hbm>>) target(%arg8 : memref<128x128xf32, #tpu.memory_space<vmem>>) offsets(%dma_start3A_122 : memref<128xi32, #tpu.memory_space<vmem>>) semaphore(%arg11 : memref<!tpu.dma_semaphore, #tpu.memory_space<semaphore_mem>>)
      %dma_wait3A_126 = arith.constant 0 : i32
      %dma_wait3A_127 = arith.constant 0 : i32
      %dma_wait3A_128 = tpu.memref_slice %arg6[%dma_wait3A_126, %dma_wait3A_127] : memref<8x128xi32, #tpu.memory_space<vmem>> -> memref<1x128xi32, #tpu.memory_space<vmem>>
      %dma_wait3A_129 = tpu.memref_squeeze %dma_wait3A_128 : memref<1x128xi32, #tpu.memory_space<vmem>> -> memref<128xi32, #tpu.memory_space<vmem>>
      %dma_wait3A_130 = arith.constant 0 : i32
      %dma_wait3A_131 = arith.constant 0 : i32
      %dma_wait3A_132 = tpu.memref_slice %arg2[%dma_wait3A_130, %dma_wait3A_131] : memref<10000x128xf32, #tpu.memory_space<hbm>> -> memref<10000x128xf32, #tpu.memory_space<hbm>>
      tpu.wait_indirect_dma semaphore(%arg12 : memref<!tpu.dma_semaphore, #tpu.memory_space<semaphore_mem>>) src(%dma_wait3A_132 : memref<10000x128xf32, #tpu.memory_space<hbm>>) dst(%arg9 : memref<128x128xf32, #tpu.memory_space<vmem>>)
      %run_scoped3A_133 = arith.constant 5 : i32
      "tpu.region"() ({
        %run_scoped3A_178 = tpu.sem_alloc : memref<!tpu.dma_semaphore, #tpu.memory_space<semaphore_mem>>
        %dma_start3A_179 = arith.constant 0 : i32
        %dma_start3A_180 = tpu.memref_slice %arg7[%run_scoped3A_133, %dma_start3A_179] : memref<8x128xi32, #tpu.memory_space<vmem>> -> memref<1x128xi32, #tpu.memory_space<vmem>>
        %dma_start3A_181 = tpu.memref_squeeze %dma_start3A_180 : memref<1x128xi32, #tpu.memory_space<vmem>> -> memref<128xi32, #tpu.memory_space<vmem>>
        %dma_start3A_182 = arith.constant 0 : i32
        %dma_start3A_183 = arith.constant 0 : i32
        %dma_start3A_184 = tpu.memref_slice %arg10[%dma_start3A_182, %dma_start3A_183] : memref<10240x128xf32, #tpu.memory_space<vmem_shared>> -> memref<10240x128xf32, #tpu.memory_space<vmem_shared>>
        tpu.enqueue_indirect_dma source(%arg9 : memref<128x128xf32, #tpu.memory_space<vmem>>) target(%dma_start3A_184 : memref<10240x128xf32, #tpu.memory_space<vmem_shared>>) offsets(%dma_start3A_181 : memref<128xi32, #tpu.memory_space<vmem>>) semaphore(%run_scoped3A_178 : memref<!tpu.dma_semaphore, #tpu.memory_space<semaphore_mem>>) {add = true}
        %dma_wait3A_185 = arith.constant 0 : i32
        %dma_wait3A_186 = tpu.memref_slice %arg7[%run_scoped3A_133, %dma_wait3A_185] : memref<8x128xi32, #tpu.memory_space<vmem>> -> memref<1x128xi32, #tpu.memory_space<vmem>>
        %dma_wait3A_187 = tpu.memref_squeeze %dma_wait3A_186 : memref<1x128xi32, #tpu.memory_space<vmem>> -> memref<128xi32, #tpu.memory_space<vmem>>
        %dma_wait3A_188 = arith.constant 0 : i32
        %dma_wait3A_189 = arith.constant 0 : i32
        %dma_wait3A_190 = tpu.memref_slice %arg10[%dma_wait3A_188, %dma_wait3A_189] : memref<10240x128xf32, #tpu.memory_space<vmem_shared>> -> memref<10240x128xf32, #tpu.memory_space<vmem_shared>>
        tpu.wait_indirect_dma semaphore(%run_scoped3A_178 : memref<!tpu.dma_semaphore, #tpu.memory_space<semaphore_mem>>) src(%arg9 : memref<128x128xf32, #tpu.memory_space<vmem>>) dst(%dma_wait3A_190 : memref<10240x128xf32, #tpu.memory_space<vmem_shared>>)
        tpu.yield
      }) : () -> ()
      %dma_start3A_134 = arith.constant 3 : i32
      %dma_start3A_135 = arith.constant 0 : i32
      %dma_start3A_136 = tpu.memref_slice %arg7[%dma_start3A_134, %dma_start3A_135] : memref<8x128xi32, #tpu.memory_space<vmem>> -> memref<1x128xi32, #tpu.memory_space<vmem>>
      %dma_start3A_137 = tpu.memref_squeeze %dma_start3A_136 : memref<1x128xi32, #tpu.memory_space<vmem>> -> memref<128xi32, #tpu.memory_space<vmem>>
      %dma_start3A_138 = arith.constant 0 : i32
      %dma_start3A_139 = arith.constant 0 : i32
      %dma_start3A_140 = tpu.memref_slice %arg2[%dma_start3A_138, %dma_start3A_139] : memref<10000x128xf32, #tpu.memory_space<hbm>> -> memref<10000x128xf32, #tpu.memory_space<hbm>>
      tpu.enqueue_indirect_dma source(%dma_start3A_140 : memref<10000x128xf32, #tpu.memory_space<hbm>>) target(%arg9 : memref<128x128xf32, #tpu.memory_space<vmem>>) offsets(%dma_start3A_137 : memref<128xi32, #tpu.memory_space<vmem>>) semaphore(%arg12 : memref<!tpu.dma_semaphore, #tpu.memory_space<semaphore_mem>>)
      %dma_wait3A_141 = arith.constant 0 : i32
      %dma_wait3A_142 = arith.constant 0 : i32
      %dma_wait3A_143 = tpu.memref_slice %arg6[%dma_wait3A_141, %dma_wait3A_142] : memref<8x128xi32, #tpu.memory_space<vmem>> -> memref<1x128xi32, #tpu.memory_space<vmem>>
      %dma_wait3A_144 = tpu.memref_squeeze %dma_wait3A_143 : memref<1x128xi32, #tpu.memory_space<vmem>> -> memref<128xi32, #tpu.memory_space<vmem>>
      %dma_wait3A_145 = arith.constant 0 : i32
      %dma_wait3A_146 = arith.constant 0 : i32
      %dma_wait3A_147 = tpu.memref_slice %arg2[%dma_wait3A_145, %dma_wait3A_146] : memref<10000x128xf32, #tpu.memory_space<hbm>> -> memref<10000x128xf32, #tpu.memory_space<hbm>>
      tpu.wait_indirect_dma semaphore(%arg11 : memref<!tpu.dma_semaphore, #tpu.memory_space<semaphore_mem>>) src(%dma_wait3A_147 : memref<10000x128xf32, #tpu.memory_space<hbm>>) dst(%arg8 : memref<128x128xf32, #tpu.memory_space<vmem>>)
      %run_scoped3A_148 = arith.constant 6 : i32
      "tpu.region"() ({
        %run_scoped3A_178 = tpu.sem_alloc : memref<!tpu.dma_semaphore, #tpu.memory_space<semaphore_mem>>
        %dma_start3A_179 = arith.constant 0 : i32
        %dma_start3A_180 = tpu.memref_slice %arg7[%run_scoped3A_148, %dma_start3A_179] : memref<8x128xi32, #tpu.memory_space<vmem>> -> memref<1x128xi32, #tpu.memory_space<vmem>>
        %dma_start3A_181 = tpu.memref_squeeze %dma_start3A_180 : memref<1x128xi32, #tpu.memory_space<vmem>> -> memref<128xi32, #tpu.memory_space<vmem>>
        %dma_start3A_182 = arith.constant 0 : i32
        %dma_start3A_183 = arith.constant 0 : i32
        %dma_start3A_184 = tpu.memref_slice %arg10[%dma_start3A_182, %dma_start3A_183] : memref<10240x128xf32, #tpu.memory_space<vmem_shared>> -> memref<10240x128xf32, #tpu.memory_space<vmem_shared>>
        tpu.enqueue_indirect_dma source(%arg8 : memref<128x128xf32, #tpu.memory_space<vmem>>) target(%dma_start3A_184 : memref<10240x128xf32, #tpu.memory_space<vmem_shared>>) offsets(%dma_start3A_181 : memref<128xi32, #tpu.memory_space<vmem>>) semaphore(%run_scoped3A_178 : memref<!tpu.dma_semaphore, #tpu.memory_space<semaphore_mem>>) {add = true}
        %dma_wait3A_185 = arith.constant 0 : i32
        %dma_wait3A_186 = tpu.memref_slice %arg7[%run_scoped3A_148, %dma_wait3A_185] : memref<8x128xi32, #tpu.memory_space<vmem>> -> memref<1x128xi32, #tpu.memory_space<vmem>>
        %dma_wait3A_187 = tpu.memref_squeeze %dma_wait3A_186 : memref<1x128xi32, #tpu.memory_space<vmem>> -> memref<128xi32, #tpu.memory_space<vmem>>
        %dma_wait3A_188 = arith.constant 0 : i32
        %dma_wait3A_189 = arith.constant 0 : i32
        %dma_wait3A_190 = tpu.memref_slice %arg10[%dma_wait3A_188, %dma_wait3A_189] : memref<10240x128xf32, #tpu.memory_space<vmem_shared>> -> memref<10240x128xf32, #tpu.memory_space<vmem_shared>>
        tpu.wait_indirect_dma semaphore(%run_scoped3A_178 : memref<!tpu.dma_semaphore, #tpu.memory_space<semaphore_mem>>) src(%arg8 : memref<128x128xf32, #tpu.memory_space<vmem>>) dst(%dma_wait3A_190 : memref<10240x128xf32, #tpu.memory_space<vmem_shared>>)
        tpu.yield
      }) : () -> ()
      %add3A_149 = arith.constant 1 : i32
      %add3A_150 = arith.addi %scan3A_40, %add3A_149 : i32
      %lt3A_151 = arith.constant 10 : i32
      %lt3A_152 = arith.cmpi slt, %add3A_150, %lt3A_151 : i32
      %convert_element_type3A_153 = arith.extui %lt3A_152 : i1 to i32
      %cond3A_154 = arith.constant 0 : i32
      %cond3A_155 = arith.cmpi ne, %convert_element_type3A_153, %cond3A_154 : i32
      scf.if %cond3A_155 {
        %dma_wait3A_178 = arith.constant 0 : i32
        %dma_wait3A_179 = arith.constant 0 : i32
        %dma_wait3A_180 = tpu.memref_slice %arg3[%mul3A_6, %dma_wait3A_178, %dma_wait3A_179] : memref<640x8x128xi32, #tpu.memory_space<hbm>> -> memref<1x8x128xi32, #tpu.memory_space<hbm>>
        %dma_wait3A_181 = tpu.memref_squeeze %dma_wait3A_180 : memref<1x8x128xi32, #tpu.memory_space<hbm>> -> memref<8x128xi32, #tpu.memory_space<hbm>>
        %dma_wait3A_182 = arith.constant 0 : i32
        %dma_wait3A_183 = arith.constant 0 : i32
        %dma_wait3A_184 = tpu.memref_slice %arg3[%mul3A_6, %dma_wait3A_182, %dma_wait3A_183] : memref<640x8x128xi32, #tpu.memory_space<hbm>> -> memref<1x8x128xi32, #tpu.memory_space<hbm>>
        %dma_wait3A_185 = tpu.memref_squeeze %dma_wait3A_184 : memref<1x8x128xi32, #tpu.memory_space<hbm>> -> memref<8x128xi32, #tpu.memory_space<hbm>>
        tpu.wait_dma2 semaphore(%arg13 : memref<!tpu.dma_semaphore, #tpu.memory_space<semaphore_mem>>) src(%dma_wait3A_185 : memref<8x128xi32, #tpu.memory_space<hbm>>) dst(%arg6 : memref<8x128xi32, #tpu.memory_space<vmem>>)
        %dma_start3A_186 = arith.constant 0 : i32
        %dma_start3A_187 = arith.constant 0 : i32
        %dma_start3A_188 = tpu.memref_slice %arg6[%dma_start3A_186, %dma_start3A_187] : memref<8x128xi32, #tpu.memory_space<vmem>> -> memref<1x128xi32, #tpu.memory_space<vmem>>
        %dma_start3A_189 = tpu.memref_squeeze %dma_start3A_188 : memref<1x128xi32, #tpu.memory_space<vmem>> -> memref<128xi32, #tpu.memory_space<vmem>>
        %dma_start3A_190 = arith.constant 0 : i32
        %dma_start3A_191 = arith.constant 0 : i32
        %dma_start3A_192 = tpu.memref_slice %arg2[%dma_start3A_190, %dma_start3A_191] : memref<10000x128xf32, #tpu.memory_space<hbm>> -> memref<10000x128xf32, #tpu.memory_space<hbm>>
        tpu.enqueue_indirect_dma source(%dma_start3A_192 : memref<10000x128xf32, #tpu.memory_space<hbm>>) target(%arg8 : memref<128x128xf32, #tpu.memory_space<vmem>>) offsets(%dma_start3A_189 : memref<128xi32, #tpu.memory_space<vmem>>) semaphore(%arg11 : memref<!tpu.dma_semaphore, #tpu.memory_space<semaphore_mem>>)
      } else {
      }
      %dma_wait3A_156 = arith.constant 0 : i32
      %dma_wait3A_157 = arith.constant 0 : i32
      %dma_wait3A_158 = tpu.memref_slice %arg6[%dma_wait3A_156, %dma_wait3A_157] : memref<8x128xi32, #tpu.memory_space<vmem>> -> memref<1x128xi32, #tpu.memory_space<vmem>>
      %dma_wait3A_159 = tpu.memref_squeeze %dma_wait3A_158 : memref<1x128xi32, #tpu.memory_space<vmem>> -> memref<128xi32, #tpu.memory_space<vmem>>
      %dma_wait3A_160 = arith.constant 0 : i32
      %dma_wait3A_161 = arith.constant 0 : i32
      %dma_wait3A_162 = tpu.memref_slice %arg2[%dma_wait3A_160, %dma_wait3A_161] : memref<10000x128xf32, #tpu.memory_space<hbm>> -> memref<10000x128xf32, #tpu.memory_space<hbm>>
      tpu.wait_indirect_dma semaphore(%arg12 : memref<!tpu.dma_semaphore, #tpu.memory_space<semaphore_mem>>) src(%dma_wait3A_162 : memref<10000x128xf32, #tpu.memory_space<hbm>>) dst(%arg9 : memref<128x128xf32, #tpu.memory_space<vmem>>)
      %run_scoped3A_163 = arith.constant 7 : i32
      "tpu.region"() ({
        %run_scoped3A_178 = tpu.sem_alloc : memref<!tpu.dma_semaphore, #tpu.memory_space<semaphore_mem>>
        %dma_start3A_179 = arith.constant 0 : i32
        %dma_start3A_180 = tpu.memref_slice %arg7[%run_scoped3A_163, %dma_start3A_179] : memref<8x128xi32, #tpu.memory_space<vmem>> -> memref<1x128xi32, #tpu.memory_space<vmem>>
        %dma_start3A_181 = tpu.memref_squeeze %dma_start3A_180 : memref<1x128xi32, #tpu.memory_space<vmem>> -> memref<128xi32, #tpu.memory_space<vmem>>
        %dma_start3A_182 = arith.constant 0 : i32
        %dma_start3A_183 = arith.constant 0 : i32
        %dma_start3A_184 = tpu.memref_slice %arg10[%dma_start3A_182, %dma_start3A_183] : memref<10240x128xf32, #tpu.memory_space<vmem_shared>> -> memref<10240x128xf32, #tpu.memory_space<vmem_shared>>
        tpu.enqueue_indirect_dma source(%arg9 : memref<128x128xf32, #tpu.memory_space<vmem>>) target(%dma_start3A_184 : memref<10240x128xf32, #tpu.memory_space<vmem_shared>>) offsets(%dma_start3A_181 : memref<128xi32, #tpu.memory_space<vmem>>) semaphore(%run_scoped3A_178 : memref<!tpu.dma_semaphore, #tpu.memory_space<semaphore_mem>>) {add = true}
        %dma_wait3A_185 = arith.constant 0 : i32
        %dma_wait3A_186 = tpu.memref_slice %arg7[%run_scoped3A_163, %dma_wait3A_185] : memref<8x128xi32, #tpu.memory_space<vmem>> -> memref<1x128xi32, #tpu.memory_space<vmem>>
        %dma_wait3A_187 = tpu.memref_squeeze %dma_wait3A_186 : memref<1x128xi32, #tpu.memory_space<vmem>> -> memref<128xi32, #tpu.memory_space<vmem>>
        %dma_wait3A_188 = arith.constant 0 : i32
        %dma_wait3A_189 = arith.constant 0 : i32
        %dma_wait3A_190 = tpu.memref_slice %arg10[%dma_wait3A_188, %dma_wait3A_189] : memref<10240x128xf32, #tpu.memory_space<vmem_shared>> -> memref<10240x128xf32, #tpu.memory_space<vmem_shared>>
        tpu.wait_indirect_dma semaphore(%run_scoped3A_178 : memref<!tpu.dma_semaphore, #tpu.memory_space<semaphore_mem>>) src(%arg9 : memref<128x128xf32, #tpu.memory_space<vmem>>) dst(%dma_wait3A_190 : memref<10240x128xf32, #tpu.memory_space<vmem_shared>>)
        tpu.yield
      }) : () -> ()
      %add3A_164 = arith.constant 1 : i32
      %add3A_165 = arith.addi %scan3A_40, %add3A_164 : i32
      %lt3A_166 = arith.constant 10 : i32
      %lt3A_167 = arith.cmpi slt, %add3A_165, %lt3A_166 : i32
      %convert_element_type3A_168 = arith.extui %lt3A_167 : i1 to i32
      %cond3A_169 = arith.constant 0 : i32
      %cond3A_170 = arith.cmpi ne, %convert_element_type3A_168, %cond3A_169 : i32
      scf.if %cond3A_170 {
        %dma_start3A_178 = arith.constant 1 : i32
        %dma_start3A_179 = arith.constant 0 : i32
        %dma_start3A_180 = tpu.memref_slice %arg6[%dma_start3A_178, %dma_start3A_179] : memref<8x128xi32, #tpu.memory_space<vmem>> -> memref<1x128xi32, #tpu.memory_space<vmem>>
        %dma_start3A_181 = tpu.memref_squeeze %dma_start3A_180 : memref<1x128xi32, #tpu.memory_space<vmem>> -> memref<128xi32, #tpu.memory_space<vmem>>
        %dma_start3A_182 = arith.constant 0 : i32
        %dma_start3A_183 = arith.constant 0 : i32
        %dma_start3A_184 = tpu.memref_slice %arg2[%dma_start3A_182, %dma_start3A_183] : memref<10000x128xf32, #tpu.memory_space<hbm>> -> memref<10000x128xf32, #tpu.memory_space<hbm>>
        tpu.enqueue_indirect_dma source(%dma_start3A_184 : memref<10000x128xf32, #tpu.memory_space<hbm>>) target(%arg9 : memref<128x128xf32, #tpu.memory_space<vmem>>) offsets(%dma_start3A_181 : memref<128xi32, #tpu.memory_space<vmem>>) semaphore(%arg12 : memref<!tpu.dma_semaphore, #tpu.memory_space<semaphore_mem>>)
      } else {
      }
      %add3A_171 = arith.constant 1 : i32
      %add3A_172 = arith.addi %scan3A_40, %add3A_171 : i32
      %lt3A_173 = arith.constant 10 : i32
      %lt3A_174 = arith.cmpi slt, %add3A_172, %lt3A_173 : i32
      %convert_element_type3A_175 = arith.extui %lt3A_174 : i1 to i32
      %cond3A_176 = arith.constant 0 : i32
      %cond3A_177 = arith.cmpi ne, %convert_element_type3A_175, %cond3A_176 : i32
      scf.if %cond3A_177 {
        %mul3A_178 = arith.constant 2 : i32
        %mul3A_179 = arith.muli %mul3A_178, %scan3A_40 : i32
        %add3A_180 = arith.constant 3 : i32
        %add3A_181 = arith.addi %mul3A_179, %add3A_180 : i32
        %add3A_182 = arith.addi %mul3A_6, %add3A_181 : i32
        %dma_start3A_183 = arith.constant 0 : i32
        %dma_start3A_184 = arith.constant 0 : i32
        %dma_start3A_185 = tpu.memref_slice %arg3[%add3A_182, %dma_start3A_183, %dma_start3A_184] : memref<640x8x128xi32, #tpu.memory_space<hbm>> -> memref<1x8x128xi32, #tpu.memory_space<hbm>>
        %dma_start3A_186 = tpu.memref_squeeze %dma_start3A_185 : memref<1x8x128xi32, #tpu.memory_space<hbm>> -> memref<8x128xi32, #tpu.memory_space<hbm>>
        %dma_start3A_187 = arith.constant 0 : i32
        %dma_start3A_188 = arith.constant 0 : i32
        %dma_start3A_189 = tpu.memref_slice %arg3[%add3A_182, %dma_start3A_187, %dma_start3A_188] : memref<640x8x128xi32, #tpu.memory_space<hbm>> -> memref<1x8x128xi32, #tpu.memory_space<hbm>>
        %dma_start3A_190 = tpu.memref_squeeze %dma_start3A_189 : memref<1x8x128xi32, #tpu.memory_space<hbm>> -> memref<8x128xi32, #tpu.memory_space<hbm>>
        tpu.enqueue_dma source(%dma_start3A_190 : memref<8x128xi32, #tpu.memory_space<hbm>>) target(%arg7 : memref<8x128xi32, #tpu.memory_space<vmem>>) target_semaphore(%arg14 : memref<!tpu.dma_semaphore, #tpu.memory_space<semaphore_mem>>)
      } else {
      }
    }
    %scan3A_34 = arith.constant 10 : i32
    %barrier3A_35 = arith.constant 0 : index
    tpu.barrier barrier_id(%barrier3A_35)
    %mul3A_36 = arith.constant 640 : i32
    %mul3A_37 = arith.muli %arg1, %mul3A_36 : i32
    %mul3A_38 = arith.constant 640 : i32
    %mul3A_39 = arith.muli %arg1, %mul3A_38 : i32
    "tpu.region"() ({
      %run_scoped3A = tpu.sem_alloc : memref<!tpu.dma_semaphore, #tpu.memory_space<semaphore_mem>>
      %dma_start3A_40 = arith.constant 0 : i32
      %dma_start3A_41 = tpu.memref_slice %arg5[%arg0, %mul3A_39, %dma_start3A_40] : memref<2x10240x128xf32, #tpu.memory_space<hbm>> -> memref<1x640x128xf32, #tpu.memory_space<hbm>>
      %dma_start3A_42 = tpu.memref_squeeze %dma_start3A_41 : memref<1x640x128xf32, #tpu.memory_space<hbm>> -> memref<640x128xf32, #tpu.memory_space<hbm>>
      %dma_start3A_43 = arith.constant 0 : i32
      %dma_start3A_44 = tpu.memref_slice %arg10[%mul3A_37, %dma_start3A_43] : memref<10240x128xf32, #tpu.memory_space<vmem_shared>> -> memref<640x128xf32, #tpu.memory_space<vmem_shared>>
      tpu.enqueue_dma source(%dma_start3A_44 : memref<640x128xf32, #tpu.memory_space<vmem_shared>>) target(%dma_start3A_42 : memref<640x128xf32, #tpu.memory_space<hbm>>) target_semaphore(%run_scoped3A : memref<!tpu.dma_semaphore, #tpu.memory_space<semaphore_mem>>)
      %dma_wait3A = arith.constant 0 : i32
      %dma_wait3A_45 = tpu.memref_slice %arg5[%arg0, %mul3A_39, %dma_wait3A] : memref<2x10240x128xf32, #tpu.memory_space<hbm>> -> memref<1x640x128xf32, #tpu.memory_space<hbm>>
      %dma_wait3A_46 = tpu.memref_squeeze %dma_wait3A_45 : memref<1x640x128xf32, #tpu.memory_space<hbm>> -> memref<640x128xf32, #tpu.memory_space<hbm>>
      %dma_wait3A_47 = arith.constant 0 : i32
      %dma_wait3A_48 = tpu.memref_slice %arg10[%mul3A_37, %dma_wait3A_47] : memref<10240x128xf32, #tpu.memory_space<vmem_shared>> -> memref<640x128xf32, #tpu.memory_space<vmem_shared>>
      tpu.wait_dma2 semaphore(%run_scoped3A : memref<!tpu.dma_semaphore, #tpu.memory_space<semaphore_mem>>) src(%dma_wait3A_48 : memref<640x128xf32, #tpu.memory_space<vmem_shared>>) dst(%dma_wait3A_46 : memref<640x128xf32, #tpu.memory_space<hbm>>)
      tpu.yield
    }) : () -> ()
    return
  }
}

#map = affine_map<(d0, d1) -> (0, 0)>
#map1 = affine_map<(d0, d1) -> (0, 0, 0)>
module attributes {stable_mosaic.version = 14 : i64} {
  func.func @_segment_sum_sc(%arg0: i32, %arg1: i32, %arg2: memref<10000x128xf32, #tpu.memory_space<hbm>>, %arg3: memref<640x8x128xi32, #tpu.memory_space<hbm>>, %arg4: memref<10240x128xf32, #tpu.memory_space<hbm>>, %arg5: memref<2x10240x128xf32, #tpu.memory_space<hbm>>, %arg6: memref<8x128xi32, #tpu.memory_space<vmem>>, %arg7: memref<8x128xi32, #tpu.memory_space<vmem>>, %arg8: memref<128x128xf32, #tpu.memory_space<vmem>>, %arg9: memref<128x128xf32, #tpu.memory_space<vmem>>, %arg10: memref<10240x128xf32, #tpu.memory_space<vmem_shared>>, %arg11: memref<!tpu.dma_semaphore, #tpu.memory_space<semaphore_mem>>, %arg12: memref<!tpu.dma_semaphore, #tpu.memory_space<semaphore_mem>>, %arg13: memref<!tpu.dma_semaphore, #tpu.memory_space<semaphore_mem>>, %arg14: memref<!tpu.dma_semaphore, #tpu.memory_space<semaphore_mem>>) attributes {dimension_semantics = [#tpu.dimension_semantics<core_parallel>, #tpu.dimension_semantics<subcore_parallel>], iteration_bounds = array<i64: 2, 16>, scalar_prefetch = 0 : i64, scratch_operands = 9 : i64, tpu.core_type = #tpu.core_type<sc_vector_subcore>, window_params = [{transform_indices = #map}, {transform_indices = #map1}, {transform_indices = #map}, {transform_indices = #map1}]} {
    %mul3A = arith.constant 2 : i32
    %mul3A_0 = arith.muli %arg1, %mul3A : i32
    %add3A = arith.addi %mul3A_0, %arg0 : i32
    %mul3A_1 = arith.constant 640 : i32
    %mul3A_2 = arith.muli %arg1, %mul3A_1 : i32
    %mul3A_3 = arith.constant 640 : i32
    %mul3A_4 = arith.muli %arg1, %mul3A_3 : i32
    "tpu.region"() ({
      %run_scoped3A = tpu.sem_alloc : memref<!tpu.dma_semaphore, #tpu.memory_space<semaphore_mem>>
      %dma_start3A_40 = arith.constant 0 : i32
      %dma_start3A_41 = tpu.memref_slice %arg10[%mul3A_4, %dma_start3A_40] : memref<10240x128xf32, #tpu.memory_space<vmem_shared>> -> memref<640x128xf32, #tpu.memory_space<vmem_shared>>
      %dma_start3A_42 = arith.constant 0 : i32
      %dma_start3A_43 = tpu.memref_slice %arg4[%mul3A_2, %dma_start3A_42] : memref<10240x128xf32, #tpu.memory_space<hbm>> -> memref<640x128xf32, #tpu.memory_space<hbm>>
      tpu.enqueue_dma source(%dma_start3A_43 : memref<640x128xf32, #tpu.memory_space<hbm>>) target(%dma_start3A_41 : memref<640x128xf32, #tpu.memory_space<vmem_shared>>) target_semaphore(%run_scoped3A : memref<!tpu.dma_semaphore, #tpu.memory_space<semaphore_mem>>)
      %dma_wait3A = arith.constant 0 : i32
      %dma_wait3A_44 = tpu.memref_slice %arg10[%mul3A_4, %dma_wait3A] : memref<10240x128xf32, #tpu.memory_space<vmem_shared>> -> memref<640x128xf32, #tpu.memory_space<vmem_shared>>
      %dma_wait3A_45 = arith.constant 0 : i32
      %dma_wait3A_46 = tpu.memref_slice %arg4[%mul3A_2, %dma_wait3A_45] : memref<10240x128xf32, #tpu.memory_space<hbm>> -> memref<640x128xf32, #tpu.memory_space<hbm>>
      tpu.wait_dma2 semaphore(%run_scoped3A : memref<!tpu.dma_semaphore, #tpu.memory_space<semaphore_mem>>) src(%dma_wait3A_46 : memref<640x128xf32, #tpu.memory_space<hbm>>) dst(%dma_wait3A_44 : memref<640x128xf32, #tpu.memory_space<vmem_shared>>)
      tpu.yield
    }) : () -> ()
    %barrier3A = arith.constant 0 : index
    tpu.barrier barrier_id(%barrier3A)
    %mul3A_5 = arith.constant 20 : i32
    %mul3A_6 = arith.muli %add3A, %mul3A_5 : i32
    "tpu.region"() ({
      %run_scoped3A = tpu.sem_alloc : memref<!tpu.dma_semaphore, #tpu.memory_space<semaphore_mem>>
      %dma_start3A_40 = arith.constant 0 : i32
      %dma_start3A_41 = arith.constant 0 : i32
      %dma_start3A_42 = tpu.memref_slice %arg3[%mul3A_6, %dma_start3A_40, %dma_start3A_41] : memref<640x8x128xi32, #tpu.memory_space<hbm>> -> memref<1x8x128xi32, #tpu.memory_space<hbm>>
      %dma_start3A_43 = tpu.memref_squeeze %dma_start3A_42 : memref<1x8x128xi32, #tpu.memory_space<hbm>> -> memref<8x128xi32, #tpu.memory_space<hbm>>
      %dma_start3A_44 = arith.constant 0 : i32
      %dma_start3A_45 = arith.constant 0 : i32
      %dma_start3A_46 = tpu.memref_slice %arg3[%mul3A_6, %dma_start3A_44, %dma_start3A_45] : memref<640x8x128xi32, #tpu.memory_space<hbm>> -> memref<1x8x128xi32, #tpu.memory_space<hbm>>
      %dma_start3A_47 = tpu.memref_squeeze %dma_start3A_46 : memref<1x8x128xi32, #tpu.memory_space<hbm>> -> memref<8x128xi32, #tpu.memory_space<hbm>>
      tpu.enqueue_dma source(%dma_start3A_47 : memref<8x128xi32, #tpu.memory_space<hbm>>) target(%arg6 : memref<8x128xi32, #tpu.memory_space<vmem>>) target_semaphore(%run_scoped3A : memref<!tpu.dma_semaphore, #tpu.memory_space<semaphore_mem>>)
      %dma_wait3A = arith.constant 0 : i32
      %dma_wait3A_48 = arith.constant 0 : i32
      %dma_wait3A_49 = tpu.memref_slice %arg3[%mul3A_6, %dma_wait3A, %dma_wait3A_48] : memref<640x8x128xi32, #tpu.memory_space<hbm>> -> memref<1x8x128xi32, #tpu.memory_space<hbm>>
      %dma_wait3A_50 = tpu.memref_squeeze %dma_wait3A_49 : memref<1x8x128xi32, #tpu.memory_space<hbm>> -> memref<8x128xi32, #tpu.memory_space<hbm>>
      %dma_wait3A_51 = arith.constant 0 : i32
      %dma_wait3A_52 = arith.constant 0 : i32
      %dma_wait3A_53 = tpu.memref_slice %arg3[%mul3A_6, %dma_wait3A_51, %dma_wait3A_52] : memref<640x8x128xi32, #tpu.memory_space<hbm>> -> memref<1x8x128xi32, #tpu.memory_space<hbm>>
      %dma_wait3A_54 = tpu.memref_squeeze %dma_wait3A_53 : memref<1x8x128xi32, #tpu.memory_space<hbm>> -> memref<8x128xi32, #tpu.memory_space<hbm>>
      tpu.wait_dma2 semaphore(%run_scoped3A : memref<!tpu.dma_semaphore, #tpu.memory_space<semaphore_mem>>) src(%dma_wait3A_54 : memref<8x128xi32, #tpu.memory_space<hbm>>) dst(%arg6 : memref<8x128xi32, #tpu.memory_space<vmem>>)
      tpu.yield
    }) : () -> ()
    %add3A_7 = arith.constant 1 : i32
    %add3A_8 = arith.addi %mul3A_6, %add3A_7 : i32
    %dma_start3A = arith.constant 0 : i32
    %dma_start3A_9 = arith.constant 0 : i32
    %dma_start3A_10 = tpu.memref_slice %arg3[%add3A_8, %dma_start3A, %dma_start3A_9] : memref<640x8x128xi32, #tpu.memory_space<hbm>> -> memref<1x8x128xi32, #tpu.memory_space<hbm>>
    %dma_start3A_11 = tpu.memref_squeeze %dma_start3A_10 : memref<1x8x128xi32, #tpu.memory_space<hbm>> -> memref<8x128xi32, #tpu.memory_space<hbm>>
    %dma_start3A_12 = arith.constant 0 : i32
    %dma_start3A_13 = arith.constant 0 : i32
    %dma_start3A_14 = tpu.memref_slice %arg3[%add3A_8, %dma_start3A_12, %dma_start3A_13] : memref<640x8x128xi32, #tpu.memory_space<hbm>> -> memref<1x8x128xi32, #tpu.memory_space<hbm>>
    %dma_start3A_15 = tpu.memref_squeeze %dma_start3A_14 : memref<1x8x128xi32, #tpu.memory_space<hbm>> -> memref<8x128xi32, #tpu.memory_space<hbm>>
    tpu.enqueue_dma source(%dma_start3A_15 : memref<8x128xi32, #tpu.memory_space<hbm>>) target(%arg7 : memref<8x128xi32, #tpu.memory_space<vmem>>) target_semaphore(%arg14 : memref<!tpu.dma_semaphore, #tpu.memory_space<semaphore_mem>>)
    %dma_start3A_16 = arith.constant 0 : i32
    %dma_start3A_17 = arith.constant 0 : i32
    %dma_start3A_18 = tpu.memref_slice %arg6[%dma_start3A_16, %dma_start3A_17] : memref<8x128xi32, #tpu.memory_space<vmem>> -> memref<1x128xi32, #tpu.memory_space<vmem>>
    %dma_start3A_19 = tpu.memref_squeeze %dma_start3A_18 : memref<1x128xi32, #tpu.memory_space<vmem>> -> memref<128xi32, #tpu.memory_space<vmem>>
    %dma_start3A_20 = arith.constant 0 : i32
    %dma_start3A_21 = arith.constant 0 : i32
    %dma_start3A_22 = tpu.memref_slice %arg2[%dma_start3A_20, %dma_start3A_21] : memref<10000x128xf32, #tpu.memory_space<hbm>> -> memref<10000x128xf32, #tpu.memory_space<hbm>>
    tpu.enqueue_indirect_dma source(%dma_start3A_22 : memref<10000x128xf32, #tpu.memory_space<hbm>>) target(%arg8 : memref<128x128xf32, #tpu.memory_space<vmem>>) offsets(%dma_start3A_19 : memref<128xi32, #tpu.memory_space<vmem>>) semaphore(%arg11 : memref<!tpu.dma_semaphore, #tpu.memory_space<semaphore_mem>>)
    %dma_start3A_23 = arith.constant 1 : i32
    %dma_start3A_24 = arith.constant 0 : i32
    %dma_start3A_25 = tpu.memref_slice %arg6[%dma_start3A_23, %dma_start3A_24] : memref<8x128xi32, #tpu.memory_space<vmem>> -> memref<1x128xi32, #tpu.memory_space<vmem>>
    %dma_start3A_26 = tpu.memref_squeeze %dma_start3A_25 : memref<1x128xi32, #tpu.memory_space<vmem>> -> memref<128xi32, #tpu.memory_space<vmem>>
    %dma_start3A_27 = arith.constant 0 : i32
    %dma_start3A_28 = arith.constant 0 : i32
    %dma_start3A_29 = tpu.memref_slice %arg2[%dma_start3A_27, %dma_start3A_28] : memref<10000x128xf32, #tpu.memory_space<hbm>> -> memref<10000x128xf32, #tpu.memory_space<hbm>>
    tpu.enqueue_indirect_dma source(%dma_start3A_29 : memref<10000x128xf32, #tpu.memory_space<hbm>>) target(%arg9 : memref<128x128xf32, #tpu.memory_space<vmem>>) offsets(%dma_start3A_26 : memref<128xi32, #tpu.memory_space<vmem>>) semaphore(%arg12 : memref<!tpu.dma_semaphore, #tpu.memory_space<semaphore_mem>>)
    %scan3A = arith.constant 0 : i32
    %scan3A_30 = arith.constant 0 : i32
    %scan3A_31 = arith.constant 10 : i32
    %scan3A_32 = arith.addi %scan3A_30, %scan3A_31 : i32
    %scan3A_33 = arith.constant 1 : i32
    scf.for %scan3A_40 = %scan3A_30 to %scan3A_32 step %scan3A_33  : i32 {
      %dma_wait3A = arith.constant 0 : i32
      %dma_wait3A_41 = arith.constant 0 : i32
      %dma_wait3A_42 = tpu.memref_slice %arg6[%dma_wait3A, %dma_wait3A_41] : memref<8x128xi32, #tpu.memory_space<vmem>> -> memref<1x128xi32, #tpu.memory_space<vmem>>
      %dma_wait3A_43 = tpu.memref_squeeze %dma_wait3A_42 : memref<1x128xi32, #tpu.memory_space<vmem>> -> memref<128xi32, #tpu.memory_space<vmem>>
      %dma_wait3A_44 = arith.constant 0 : i32
      %dma_wait3A_45 = arith.constant 0 : i32
      %dma_wait3A_46 = tpu.memref_slice %arg2[%dma_wait3A_44, %dma_wait3A_45] : memref<10000x128xf32, #tpu.memory_space<hbm>> -> memref<10000x128xf32, #tpu.memory_space<hbm>>
      tpu.wait_indirect_dma semaphore(%arg11 : memref<!tpu.dma_semaphore, #tpu.memory_space<semaphore_mem>>) src(%dma_wait3A_46 : memref<10000x128xf32, #tpu.memory_space<hbm>>) dst(%arg8 : memref<128x128xf32, #tpu.memory_space<vmem>>)
      %run_scoped3A = arith.constant 4 : i32
      "tpu.region"() ({
        %run_scoped3A_178 = tpu.sem_alloc : memref<!tpu.dma_semaphore, #tpu.memory_space<semaphore_mem>>
        %dma_start3A_179 = arith.constant 0 : i32
        %dma_start3A_180 = tpu.memref_slice %arg6[%run_scoped3A, %dma_start3A_179] : memref<8x128xi32, #tpu.memory_space<vmem>> -> memref<1x128xi32, #tpu.memory_space<vmem>>
        %dma_start3A_181 = tpu.memref_squeeze %dma_start3A_180 : memref<1x128xi32, #tpu.memory_space<vmem>> -> memref<128xi32, #tpu.memory_space<vmem>>
        %dma_start3A_182 = arith.constant 0 : i32
        %dma_start3A_183 = arith.constant 0 : i32
        %dma_start3A_184 = tpu.memref_slice %arg10[%dma_start3A_182, %dma_start3A_183] : memref<10240x128xf32, #tpu.memory_space<vmem_shared>> -> memref<10240x128xf32, #tpu.memory_space<vmem_shared>>
        tpu.enqueue_indirect_dma source(%arg8 : memref<128x128xf32, #tpu.memory_space<vmem>>) target(%dma_start3A_184 : memref<10240x128xf32, #tpu.memory_space<vmem_shared>>) offsets(%dma_start3A_181 : memref<128xi32, #tpu.memory_space<vmem>>) semaphore(%run_scoped3A_178 : memref<!tpu.dma_semaphore, #tpu.memory_space<semaphore_mem>>) {add = true}
        %dma_wait3A_185 = arith.constant 0 : i32
        %dma_wait3A_186 = tpu.memref_slice %arg6[%run_scoped3A, %dma_wait3A_185] : memref<8x128xi32, #tpu.memory_space<vmem>> -> memref<1x128xi32, #tpu.memory_space<vmem>>
        %dma_wait3A_187 = tpu.memref_squeeze %dma_wait3A_186 : memref<1x128xi32, #tpu.memory_space<vmem>> -> memref<128xi32, #tpu.memory_space<vmem>>
        %dma_wait3A_188 = arith.constant 0 : i32
        %dma_wait3A_189 = arith.constant 0 : i32
        %dma_wait3A_190 = tpu.memref_slice %arg10[%dma_wait3A_188, %dma_wait3A_189] : memref<10240x128xf32, #tpu.memory_space<vmem_shared>> -> memref<10240x128xf32, #tpu.memory_space<vmem_shared>>
        tpu.wait_indirect_dma semaphore(%run_scoped3A_178 : memref<!tpu.dma_semaphore, #tpu.memory_space<semaphore_mem>>) src(%arg8 : memref<128x128xf32, #tpu.memory_space<vmem>>) dst(%dma_wait3A_190 : memref<10240x128xf32, #tpu.memory_space<vmem_shared>>)
        tpu.yield
      }) : () -> ()
      %dma_start3A_47 = arith.constant 2 : i32
      %dma_start3A_48 = arith.constant 0 : i32
      %dma_start3A_49 = tpu.memref_slice %arg6[%dma_start3A_47, %dma_start3A_48] : memref<8x128xi32, #tpu.memory_space<vmem>> -> memref<1x128xi32, #tpu.memory_space<vmem>>
      %dma_start3A_50 = tpu.memref_squeeze %dma_start3A_49 : memref<1x128xi32, #tpu.memory_space<vmem>> -> memref<128xi32, #tpu.memory_space<vmem>>
      %dma_start3A_51 = arith.constant 0 : i32
      %dma_start3A_52 = arith.constant 0 : i32
      %dma_start3A_53 = tpu.memref_slice %arg2[%dma_start3A_51, %dma_start3A_52] : memref<10000x128xf32, #tpu.memory_space<hbm>> -> memref<10000x128xf32, #tpu.memory_space<hbm>>
      tpu.enqueue_indirect_dma source(%dma_start3A_53 : memref<10000x128xf32, #tpu.memory_space<hbm>>) target(%arg8 : memref<128x128xf32, #tpu.memory_space<vmem>>) offsets(%dma_start3A_50 : memref<128xi32, #tpu.memory_space<vmem>>) semaphore(%arg11 : memref<!tpu.dma_semaphore, #tpu.memory_space<semaphore_mem>>)
      %dma_wait3A_54 = arith.constant 0 : i32
      %dma_wait3A_55 = arith.constant 0 : i32
      %dma_wait3A_56 = tpu.memref_slice %arg6[%dma_wait3A_54, %dma_wait3A_55] : memref<8x128xi32, #tpu.memory_space<vmem>> -> memref<1x128xi32, #tpu.memory_space<vmem>>
      %dma_wait3A_57 = tpu.memref_squeeze %dma_wait3A_56 : memref<1x128xi32, #tpu.memory_space<vmem>> -> memref<128xi32, #tpu.memory_space<vmem>>
      %dma_wait3A_58 = arith.constant 0 : i32
      %dma_wait3A_59 = arith.constant 0 : i32
      %dma_wait3A_60 = tpu.memref_slice %arg2[%dma_wait3A_58, %dma_wait3A_59] : memref<10000x128xf32, #tpu.memory_space<hbm>> -> memref<10000x128xf32, #tpu.memory_space<hbm>>
      tpu.wait_indirect_dma semaphore(%arg12 : memref<!tpu.dma_semaphore, #tpu.memory_space<semaphore_mem>>) src(%dma_wait3A_60 : memref<10000x128xf32, #tpu.memory_space<hbm>>) dst(%arg9 : memref<128x128xf32, #tpu.memory_space<vmem>>)
      %run_scoped3A_61 = arith.constant 5 : i32
      "tpu.region"() ({
        %run_scoped3A_178 = tpu.sem_alloc : memref<!tpu.dma_semaphore, #tpu.memory_space<semaphore_mem>>
        %dma_start3A_179 = arith.constant 0 : i32
        %dma_start3A_180 = tpu.memref_slice %arg6[%run_scoped3A_61, %dma_start3A_179] : memref<8x128xi32, #tpu.memory_space<vmem>> -> memref<1x128xi32, #tpu.memory_space<vmem>>
        %dma_start3A_181 = tpu.memref_squeeze %dma_start3A_180 : memref<1x128xi32, #tpu.memory_space<vmem>> -> memref<128xi32, #tpu.memory_space<vmem>>
        %dma_start3A_182 = arith.constant 0 : i32
        %dma_start3A_183 = arith.constant 0 : i32
        %dma_start3A_184 = tpu.memref_slice %arg10[%dma_start3A_182, %dma_start3A_183] : memref<10240x128xf32, #tpu.memory_space<vmem_shared>> -> memref<10240x128xf32, #tpu.memory_space<vmem_shared>>
        tpu.enqueue_indirect_dma source(%arg9 : memref<128x128xf32, #tpu.memory_space<vmem>>) target(%dma_start3A_184 : memref<10240x128xf32, #tpu.memory_space<vmem_shared>>) offsets(%dma_start3A_181 : memref<128xi32, #tpu.memory_space<vmem>>) semaphore(%run_scoped3A_178 : memref<!tpu.dma_semaphore, #tpu.memory_space<semaphore_mem>>) {add = true}
        %dma_wait3A_185 = arith.constant 0 : i32
        %dma_wait3A_186 = tpu.memref_slice %arg6[%run_scoped3A_61, %dma_wait3A_185] : memref<8x128xi32, #tpu.memory_space<vmem>> -> memref<1x128xi32, #tpu.memory_space<vmem>>
        %dma_wait3A_187 = tpu.memref_squeeze %dma_wait3A_186 : memref<1x128xi32, #tpu.memory_space<vmem>> -> memref<128xi32, #tpu.memory_space<vmem>>
        %dma_wait3A_188 = arith.constant 0 : i32
        %dma_wait3A_189 = arith.constant 0 : i32
        %dma_wait3A_190 = tpu.memref_slice %arg10[%dma_wait3A_188, %dma_wait3A_189] : memref<10240x128xf32, #tpu.memory_space<vmem_shared>> -> memref<10240x128xf32, #tpu.memory_space<vmem_shared>>
        tpu.wait_indirect_dma semaphore(%run_scoped3A_178 : memref<!tpu.dma_semaphore, #tpu.memory_space<semaphore_mem>>) src(%arg9 : memref<128x128xf32, #tpu.memory_space<vmem>>) dst(%dma_wait3A_190 : memref<10240x128xf32, #tpu.memory_space<vmem_shared>>)
        tpu.yield
      }) : () -> ()
      %dma_start3A_62 = arith.constant 3 : i32
      %dma_start3A_63 = arith.constant 0 : i32
      %dma_start3A_64 = tpu.memref_slice %arg6[%dma_start3A_62, %dma_start3A_63] : memref<8x128xi32, #tpu.memory_space<vmem>> -> memref<1x128xi32, #tpu.memory_space<vmem>>
      %dma_start3A_65 = tpu.memref_squeeze %dma_start3A_64 : memref<1x128xi32, #tpu.memory_space<vmem>> -> memref<128xi32, #tpu.memory_space<vmem>>
      %dma_start3A_66 = arith.constant 0 : i32
      %dma_start3A_67 = arith.constant 0 : i32
      %dma_start3A_68 = tpu.memref_slice %arg2[%dma_start3A_66, %dma_start3A_67] : memref<10000x128xf32, #tpu.memory_space<hbm>> -> memref<10000x128xf32, #tpu.memory_space<hbm>>
      tpu.enqueue_indirect_dma source(%dma_start3A_68 : memref<10000x128xf32, #tpu.memory_space<hbm>>) target(%arg9 : memref<128x128xf32, #tpu.memory_space<vmem>>) offsets(%dma_start3A_65 : memref<128xi32, #tpu.memory_space<vmem>>) semaphore(%arg12 : memref<!tpu.dma_semaphore, #tpu.memory_space<semaphore_mem>>)
      %dma_wait3A_69 = arith.constant 0 : i32
      %dma_wait3A_70 = arith.constant 0 : i32
      %dma_wait3A_71 = tpu.memref_slice %arg6[%dma_wait3A_69, %dma_wait3A_70] : memref<8x128xi32, #tpu.memory_space<vmem>> -> memref<1x128xi32, #tpu.memory_space<vmem>>
      %dma_wait3A_72 = tpu.memref_squeeze %dma_wait3A_71 : memref<1x128xi32, #tpu.memory_space<vmem>> -> memref<128xi32, #tpu.memory_space<vmem>>
      %dma_wait3A_73 = arith.constant 0 : i32
      %dma_wait3A_74 = arith.constant 0 : i32
      %dma_wait3A_75 = tpu.memref_slice %arg2[%dma_wait3A_73, %dma_wait3A_74] : memref<10000x128xf32, #tpu.memory_space<hbm>> -> memref<10000x128xf32, #tpu.memory_space<hbm>>
      tpu.wait_indirect_dma semaphore(%arg11 : memref<!tpu.dma_semaphore, #tpu.memory_space<semaphore_mem>>) src(%dma_wait3A_75 : memref<10000x128xf32, #tpu.memory_space<hbm>>) dst(%arg8 : memref<128x128xf32, #tpu.memory_space<vmem>>)
      %run_scoped3A_76 = arith.constant 6 : i32
      "tpu.region"() ({
        %run_scoped3A_178 = tpu.sem_alloc : memref<!tpu.dma_semaphore, #tpu.memory_space<semaphore_mem>>
        %dma_start3A_179 = arith.constant 0 : i32
        %dma_start3A_180 = tpu.memref_slice %arg6[%run_scoped3A_76, %dma_start3A_179] : memref<8x128xi32, #tpu.memory_space<vmem>> -> memref<1x128xi32, #tpu.memory_space<vmem>>
        %dma_start3A_181 = tpu.memref_squeeze %dma_start3A_180 : memref<1x128xi32, #tpu.memory_space<vmem>> -> memref<128xi32, #tpu.memory_space<vmem>>
        %dma_start3A_182 = arith.constant 0 : i32
        %dma_start3A_183 = arith.constant 0 : i32
        %dma_start3A_184 = tpu.memref_slice %arg10[%dma_start3A_182, %dma_start3A_183] : memref<10240x128xf32, #tpu.memory_space<vmem_shared>> -> memref<10240x128xf32, #tpu.memory_space<vmem_shared>>
        tpu.enqueue_indirect_dma source(%arg8 : memref<128x128xf32, #tpu.memory_space<vmem>>) target(%dma_start3A_184 : memref<10240x128xf32, #tpu.memory_space<vmem_shared>>) offsets(%dma_start3A_181 : memref<128xi32, #tpu.memory_space<vmem>>) semaphore(%run_scoped3A_178 : memref<!tpu.dma_semaphore, #tpu.memory_space<semaphore_mem>>) {add = true}
        %dma_wait3A_185 = arith.constant 0 : i32
        %dma_wait3A_186 = tpu.memref_slice %arg6[%run_scoped3A_76, %dma_wait3A_185] : memref<8x128xi32, #tpu.memory_space<vmem>> -> memref<1x128xi32, #tpu.memory_space<vmem>>
        %dma_wait3A_187 = tpu.memref_squeeze %dma_wait3A_186 : memref<1x128xi32, #tpu.memory_space<vmem>> -> memref<128xi32, #tpu.memory_space<vmem>>
        %dma_wait3A_188 = arith.constant 0 : i32
        %dma_wait3A_189 = arith.constant 0 : i32
        %dma_wait3A_190 = tpu.memref_slice %arg10[%dma_wait3A_188, %dma_wait3A_189] : memref<10240x128xf32, #tpu.memory_space<vmem_shared>> -> memref<10240x128xf32, #tpu.memory_space<vmem_shared>>
        tpu.wait_indirect_dma semaphore(%run_scoped3A_178 : memref<!tpu.dma_semaphore, #tpu.memory_space<semaphore_mem>>) src(%arg8 : memref<128x128xf32, #tpu.memory_space<vmem>>) dst(%dma_wait3A_190 : memref<10240x128xf32, #tpu.memory_space<vmem_shared>>)
        tpu.yield
      }) : () -> ()
      %dma_wait3A_77 = arith.constant 0 : i32
      %dma_wait3A_78 = arith.constant 0 : i32
      %dma_wait3A_79 = tpu.memref_slice %arg3[%mul3A_6, %dma_wait3A_77, %dma_wait3A_78] : memref<640x8x128xi32, #tpu.memory_space<hbm>> -> memref<1x8x128xi32, #tpu.memory_space<hbm>>
      %dma_wait3A_80 = tpu.memref_squeeze %dma_wait3A_79 : memref<1x8x128xi32, #tpu.memory_space<hbm>> -> memref<8x128xi32, #tpu.memory_space<hbm>>
      %dma_wait3A_81 = arith.constant 0 : i32
      %dma_wait3A_82 = arith.constant 0 : i32
      %dma_wait3A_83 = tpu.memref_slice %arg3[%mul3A_6, %dma_wait3A_81, %dma_wait3A_82] : memref<640x8x128xi32, #tpu.memory_space<hbm>> -> memref<1x8x128xi32, #tpu.memory_space<hbm>>
      %dma_wait3A_84 = tpu.memref_squeeze %dma_wait3A_83 : memref<1x8x128xi32, #tpu.memory_space<hbm>> -> memref<8x128xi32, #tpu.memory_space<hbm>>
      tpu.wait_dma2 semaphore(%arg14 : memref<!tpu.dma_semaphore, #tpu.memory_space<semaphore_mem>>) src(%dma_wait3A_84 : memref<8x128xi32, #tpu.memory_space<hbm>>) dst(%arg7 : memref<8x128xi32, #tpu.memory_space<vmem>>)
      %dma_start3A_85 = arith.constant 0 : i32
      %dma_start3A_86 = arith.constant 0 : i32
      %dma_start3A_87 = tpu.memref_slice %arg7[%dma_start3A_85, %dma_start3A_86] : memref<8x128xi32, #tpu.memory_space<vmem>> -> memref<1x128xi32, #tpu.memory_space<vmem>>
      %dma_start3A_88 = tpu.memref_squeeze %dma_start3A_87 : memref<1x128xi32, #tpu.memory_space<vmem>> -> memref<128xi32, #tpu.memory_space<vmem>>
      %dma_start3A_89 = arith.constant 0 : i32
      %dma_start3A_90 = arith.constant 0 : i32
      %dma_start3A_91 = tpu.memref_slice %arg2[%dma_start3A_89, %dma_start3A_90] : memref<10000x128xf32, #tpu.memory_space<hbm>> -> memref<10000x128xf32, #tpu.memory_space<hbm>>
      tpu.enqueue_indirect_dma source(%dma_start3A_91 : memref<10000x128xf32, #tpu.memory_space<hbm>>) target(%arg8 : memref<128x128xf32, #tpu.memory_space<vmem>>) offsets(%dma_start3A_88 : memref<128xi32, #tpu.memory_space<vmem>>) semaphore(%arg11 : memref<!tpu.dma_semaphore, #tpu.memory_space<semaphore_mem>>)
      %dma_wait3A_92 = arith.constant 0 : i32
      %dma_wait3A_93 = arith.constant 0 : i32
      %dma_wait3A_94 = tpu.memref_slice %arg6[%dma_wait3A_92, %dma_wait3A_93] : memref<8x128xi32, #tpu.memory_space<vmem>> -> memref<1x128xi32, #tpu.memory_space<vmem>>
      %dma_wait3A_95 = tpu.memref_squeeze %dma_wait3A_94 : memref<1x128xi32, #tpu.memory_space<vmem>> -> memref<128xi32, #tpu.memory_space<vmem>>
      %dma_wait3A_96 = arith.constant 0 : i32
      %dma_wait3A_97 = arith.constant 0 : i32
      %dma_wait3A_98 = tpu.memref_slice %arg2[%dma_wait3A_96, %dma_wait3A_97] : memref<10000x128xf32, #tpu.memory_space<hbm>> -> memref<10000x128xf32, #tpu.memory_space<hbm>>
      tpu.wait_indirect_dma semaphore(%arg12 : memref<!tpu.dma_semaphore, #tpu.memory_space<semaphore_mem>>) src(%dma_wait3A_98 : memref<10000x128xf32, #tpu.memory_space<hbm>>) dst(%arg9 : memref<128x128xf32, #tpu.memory_space<vmem>>)
      %run_scoped3A_99 = arith.constant 7 : i32
      "tpu.region"() ({
        %run_scoped3A_178 = tpu.sem_alloc : memref<!tpu.dma_semaphore, #tpu.memory_space<semaphore_mem>>
        %dma_start3A_179 = arith.constant 0 : i32
        %dma_start3A_180 = tpu.memref_slice %arg6[%run_scoped3A_99, %dma_start3A_179] : memref<8x128xi32, #tpu.memory_space<vmem>> -> memref<1x128xi32, #tpu.memory_space<vmem>>
        %dma_start3A_181 = tpu.memref_squeeze %dma_start3A_180 : memref<1x128xi32, #tpu.memory_space<vmem>> -> memref<128xi32, #tpu.memory_space<vmem>>
        %dma_start3A_182 = arith.constant 0 : i32
        %dma_start3A_183 = arith.constant 0 : i32
        %dma_start3A_184 = tpu.memref_slice %arg10[%dma_start3A_182, %dma_start3A_183] : memref<10240x128xf32, #tpu.memory_space<vmem_shared>> -> memref<10240x128xf32, #tpu.memory_space<vmem_shared>>
        tpu.enqueue_indirect_dma source(%arg9 : memref<128x128xf32, #tpu.memory_space<vmem>>) target(%dma_start3A_184 : memref<10240x128xf32, #tpu.memory_space<vmem_shared>>) offsets(%dma_start3A_181 : memref<128xi32, #tpu.memory_space<vmem>>) semaphore(%run_scoped3A_178 : memref<!tpu.dma_semaphore, #tpu.memory_space<semaphore_mem>>) {add = true}
        %dma_wait3A_185 = arith.constant 0 : i32
        %dma_wait3A_186 = tpu.memref_slice %arg6[%run_scoped3A_99, %dma_wait3A_185] : memref<8x128xi32, #tpu.memory_space<vmem>> -> memref<1x128xi32, #tpu.memory_space<vmem>>
        %dma_wait3A_187 = tpu.memref_squeeze %dma_wait3A_186 : memref<1x128xi32, #tpu.memory_space<vmem>> -> memref<128xi32, #tpu.memory_space<vmem>>
        %dma_wait3A_188 = arith.constant 0 : i32
        %dma_wait3A_189 = arith.constant 0 : i32
        %dma_wait3A_190 = tpu.memref_slice %arg10[%dma_wait3A_188, %dma_wait3A_189] : memref<10240x128xf32, #tpu.memory_space<vmem_shared>> -> memref<10240x128xf32, #tpu.memory_space<vmem_shared>>
        tpu.wait_indirect_dma semaphore(%run_scoped3A_178 : memref<!tpu.dma_semaphore, #tpu.memory_space<semaphore_mem>>) src(%arg9 : memref<128x128xf32, #tpu.memory_space<vmem>>) dst(%dma_wait3A_190 : memref<10240x128xf32, #tpu.memory_space<vmem_shared>>)
        tpu.yield
      }) : () -> ()
      %dma_start3A_100 = arith.constant 1 : i32
      %dma_start3A_101 = arith.constant 0 : i32
      %dma_start3A_102 = tpu.memref_slice %arg7[%dma_start3A_100, %dma_start3A_101] : memref<8x128xi32, #tpu.memory_space<vmem>> -> memref<1x128xi32, #tpu.memory_space<vmem>>
      %dma_start3A_103 = tpu.memref_squeeze %dma_start3A_102 : memref<1x128xi32, #tpu.memory_space<vmem>> -> memref<128xi32, #tpu.memory_space<vmem>>
      %dma_start3A_104 = arith.constant 0 : i32
      %dma_start3A_105 = arith.constant 0 : i32
      %dma_start3A_106 = tpu.memref_slice %arg2[%dma_start3A_104, %dma_start3A_105] : memref<10000x128xf32, #tpu.memory_space<hbm>> -> memref<10000x128xf32, #tpu.memory_space<hbm>>
      tpu.enqueue_indirect_dma source(%dma_start3A_106 : memref<10000x128xf32, #tpu.memory_space<hbm>>) target(%arg9 : memref<128x128xf32, #tpu.memory_space<vmem>>) offsets(%dma_start3A_103 : memref<128xi32, #tpu.memory_space<vmem>>) semaphore(%arg12 : memref<!tpu.dma_semaphore, #tpu.memory_space<semaphore_mem>>)
      %add3A_107 = arith.constant 1 : i32
      %add3A_108 = arith.addi %scan3A_40, %add3A_107 : i32
      %lt3A = arith.constant 10 : i32
      %lt3A_109 = arith.cmpi slt, %add3A_108, %lt3A : i32
      %convert_element_type3A = arith.extui %lt3A_109 : i1 to i32
      %cond3A = arith.constant 0 : i32
      %cond3A_110 = arith.cmpi ne, %convert_element_type3A, %cond3A : i32
      scf.if %cond3A_110 {
        %mul3A_178 = arith.constant 2 : i32
        %mul3A_179 = arith.muli %mul3A_178, %scan3A_40 : i32
        %add3A_180 = arith.constant 2 : i32
        %add3A_181 = arith.addi %mul3A_179, %add3A_180 : i32
        %add3A_182 = arith.addi %mul3A_6, %add3A_181 : i32
        %dma_start3A_183 = arith.constant 0 : i32
        %dma_start3A_184 = arith.constant 0 : i32
        %dma_start3A_185 = tpu.memref_slice %arg3[%add3A_182, %dma_start3A_183, %dma_start3A_184] : memref<640x8x128xi32, #tpu.memory_space<hbm>> -> memref<1x8x128xi32, #tpu.memory_space<hbm>>
        %dma_start3A_186 = tpu.memref_squeeze %dma_start3A_185 : memref<1x8x128xi32, #tpu.memory_space<hbm>> -> memref<8x128xi32, #tpu.memory_space<hbm>>
        %dma_start3A_187 = arith.constant 0 : i32
        %dma_start3A_188 = arith.constant 0 : i32
        %dma_start3A_189 = tpu.memref_slice %arg3[%add3A_182, %dma_start3A_187, %dma_start3A_188] : memref<640x8x128xi32, #tpu.memory_space<hbm>> -> memref<1x8x128xi32, #tpu.memory_space<hbm>>
        %dma_start3A_190 = tpu.memref_squeeze %dma_start3A_189 : memref<1x8x128xi32, #tpu.memory_space<hbm>> -> memref<8x128xi32, #tpu.memory_space<hbm>>
        tpu.enqueue_dma source(%dma_start3A_190 : memref<8x128xi32, #tpu.memory_space<hbm>>) target(%arg6 : memref<8x128xi32, #tpu.memory_space<vmem>>) target_semaphore(%arg13 : memref<!tpu.dma_semaphore, #tpu.memory_space<semaphore_mem>>)
      } else {
      }
      %dma_wait3A_111 = arith.constant 0 : i32
      %dma_wait3A_112 = arith.constant 0 : i32
      %dma_wait3A_113 = tpu.memref_slice %arg6[%dma_wait3A_111, %dma_wait3A_112] : memref<8x128xi32, #tpu.memory_space<vmem>> -> memref<1x128xi32, #tpu.memory_space<vmem>>
      %dma_wait3A_114 = tpu.memref_squeeze %dma_wait3A_113 : memref<1x128xi32, #tpu.memory_space<vmem>> -> memref<128xi32, #tpu.memory_space<vmem>>
      %dma_wait3A_115 = arith.constant 0 : i32
      %dma_wait3A_116 = arith.constant 0 : i32
      %dma_wait3A_117 = tpu.memref_slice %arg2[%dma_wait3A_115, %dma_wait3A_116] : memref<10000x128xf32, #tpu.memory_space<hbm>> -> memref<10000x128xf32, #tpu.memory_space<hbm>>
      tpu.wait_indirect_dma semaphore(%arg11 : memref<!tpu.dma_semaphore, #tpu.memory_space<semaphore_mem>>) src(%dma_wait3A_117 : memref<10000x128xf32, #tpu.memory_space<hbm>>) dst(%arg8 : memref<128x128xf32, #tpu.memory_space<vmem>>)
      %run_scoped3A_118 = arith.constant 4 : i32
      "tpu.region"() ({
        %run_scoped3A_178 = tpu.sem_alloc : memref<!tpu.dma_semaphore, #tpu.memory_space<semaphore_mem>>
        %dma_start3A_179 = arith.constant 0 : i32
        %dma_start3A_180 = tpu.memref_slice %arg7[%run_scoped3A_118, %dma_start3A_179] : memref<8x128xi32, #tpu.memory_space<vmem>> -> memref<1x128xi32, #tpu.memory_space<vmem>>
        %dma_start3A_181 = tpu.memref_squeeze %dma_start3A_180 : memref<1x128xi32, #tpu.memory_space<vmem>> -> memref<128xi32, #tpu.memory_space<vmem>>
        %dma_start3A_182 = arith.constant 0 : i32
        %dma_start3A_183 = arith.constant 0 : i32
        %dma_start3A_184 = tpu.memref_slice %arg10[%dma_start3A_182, %dma_start3A_183] : memref<10240x128xf32, #tpu.memory_space<vmem_shared>> -> memref<10240x128xf32, #tpu.memory_space<vmem_shared>>
        tpu.enqueue_indirect_dma source(%arg8 : memref<128x128xf32, #tpu.memory_space<vmem>>) target(%dma_start3A_184 : memref<10240x128xf32, #tpu.memory_space<vmem_shared>>) offsets(%dma_start3A_181 : memref<128xi32, #tpu.memory_space<vmem>>) semaphore(%run_scoped3A_178 : memref<!tpu.dma_semaphore, #tpu.memory_space<semaphore_mem>>) {add = true}
        %dma_wait3A_185 = arith.constant 0 : i32
        %dma_wait3A_186 = tpu.memref_slice %arg7[%run_scoped3A_118, %dma_wait3A_185] : memref<8x128xi32, #tpu.memory_space<vmem>> -> memref<1x128xi32, #tpu.memory_space<vmem>>
        %dma_wait3A_187 = tpu.memref_squeeze %dma_wait3A_186 : memref<1x128xi32, #tpu.memory_space<vmem>> -> memref<128xi32, #tpu.memory_space<vmem>>
        %dma_wait3A_188 = arith.constant 0 : i32
        %dma_wait3A_189 = arith.constant 0 : i32
        %dma_wait3A_190 = tpu.memref_slice %arg10[%dma_wait3A_188, %dma_wait3A_189] : memref<10240x128xf32, #tpu.memory_space<vmem_shared>> -> memref<10240x128xf32, #tpu.memory_space<vmem_shared>>
        tpu.wait_indirect_dma semaphore(%run_scoped3A_178 : memref<!tpu.dma_semaphore, #tpu.memory_space<semaphore_mem>>) src(%arg8 : memref<128x128xf32, #tpu.memory_space<vmem>>) dst(%dma_wait3A_190 : memref<10240x128xf32, #tpu.memory_space<vmem_shared>>)
        tpu.yield
      }) : () -> ()
      %dma_start3A_119 = arith.constant 2 : i32
      %dma_start3A_120 = arith.constant 0 : i32
      %dma_start3A_121 = tpu.memref_slice %arg7[%dma_start3A_119, %dma_start3A_120] : memref<8x128xi32, #tpu.memory_space<vmem>> -> memref<1x128xi32, #tpu.memory_space<vmem>>
      %dma_start3A_122 = tpu.memref_squeeze %dma_start3A_121 : memref<1x128xi32, #tpu.memory_space<vmem>> -> memref<128xi32, #tpu.memory_space<vmem>>
      %dma_start3A_123 = arith.constant 0 : i32
      %dma_start3A_124 = arith.constant 0 : i32
      %dma_start3A_125 = tpu.memref_slice %arg2[%dma_start3A_123, %dma_start3A_124] : memref<10000x128xf32, #tpu.memory_space<hbm>> -> memref<10000x128xf32, #tpu.memory_space<hbm>>
      tpu.enqueue_indirect_dma source(%dma_start3A_125 : memref<10000x128xf32, #tpu.memory_space<hbm>>) target(%arg8 : memref<128x128xf32, #tpu.memory_space<vmem>>) offsets(%dma_start3A_122 : memref<128xi32, #tpu.memory_space<vmem>>) semaphore(%arg11 : memref<!tpu.dma_semaphore, #tpu.memory_space<semaphore_mem>>)
      %dma_wait3A_126 = arith.constant 0 : i32
      %dma_wait3A_127 = arith.constant 0 : i32
      %dma_wait3A_128 = tpu.memref_slice %arg6[%dma_wait3A_126, %dma_wait3A_127] : memref<8x128xi32, #tpu.memory_space<vmem>> -> memref<1x128xi32, #tpu.memory_space<vmem>>
      %dma_wait3A_129 = tpu.memref_squeeze %dma_wait3A_128 : memref<1x128xi32, #tpu.memory_space<vmem>> -> memref<128xi32, #tpu.memory_space<vmem>>
      %dma_wait3A_130 = arith.constant 0 : i32
      %dma_wait3A_131 = arith.constant 0 : i32
      %dma_wait3A_132 = tpu.memref_slice %arg2[%dma_wait3A_130, %dma_wait3A_131] : memref<10000x128xf32, #tpu.memory_space<hbm>> -> memref<10000x128xf32, #tpu.memory_space<hbm>>
      tpu.wait_indirect_dma semaphore(%arg12 : memref<!tpu.dma_semaphore, #tpu.memory_space<semaphore_mem>>) src(%dma_wait3A_132 : memref<10000x128xf32, #tpu.memory_space<hbm>>) dst(%arg9 : memref<128x128xf32, #tpu.memory_space<vmem>>)
      %run_scoped3A_133 = arith.constant 5 : i32
      "tpu.region"() ({
        %run_scoped3A_178 = tpu.sem_alloc : memref<!tpu.dma_semaphore, #tpu.memory_space<semaphore_mem>>
        %dma_start3A_179 = arith.constant 0 : i32
        %dma_start3A_180 = tpu.memref_slice %arg7[%run_scoped3A_133, %dma_start3A_179] : memref<8x128xi32, #tpu.memory_space<vmem>> -> memref<1x128xi32, #tpu.memory_space<vmem>>
        %dma_start3A_181 = tpu.memref_squeeze %dma_start3A_180 : memref<1x128xi32, #tpu.memory_space<vmem>> -> memref<128xi32, #tpu.memory_space<vmem>>
        %dma_start3A_182 = arith.constant 0 : i32
        %dma_start3A_183 = arith.constant 0 : i32
        %dma_start3A_184 = tpu.memref_slice %arg10[%dma_start3A_182, %dma_start3A_183] : memref<10240x128xf32, #tpu.memory_space<vmem_shared>> -> memref<10240x128xf32, #tpu.memory_space<vmem_shared>>
        tpu.enqueue_indirect_dma source(%arg9 : memref<128x128xf32, #tpu.memory_space<vmem>>) target(%dma_start3A_184 : memref<10240x128xf32, #tpu.memory_space<vmem_shared>>) offsets(%dma_start3A_181 : memref<128xi32, #tpu.memory_space<vmem>>) semaphore(%run_scoped3A_178 : memref<!tpu.dma_semaphore, #tpu.memory_space<semaphore_mem>>) {add = true}
        %dma_wait3A_185 = arith.constant 0 : i32
        %dma_wait3A_186 = tpu.memref_slice %arg7[%run_scoped3A_133, %dma_wait3A_185] : memref<8x128xi32, #tpu.memory_space<vmem>> -> memref<1x128xi32, #tpu.memory_space<vmem>>
        %dma_wait3A_187 = tpu.memref_squeeze %dma_wait3A_186 : memref<1x128xi32, #tpu.memory_space<vmem>> -> memref<128xi32, #tpu.memory_space<vmem>>
        %dma_wait3A_188 = arith.constant 0 : i32
        %dma_wait3A_189 = arith.constant 0 : i32
        %dma_wait3A_190 = tpu.memref_slice %arg10[%dma_wait3A_188, %dma_wait3A_189] : memref<10240x128xf32, #tpu.memory_space<vmem_shared>> -> memref<10240x128xf32, #tpu.memory_space<vmem_shared>>
        tpu.wait_indirect_dma semaphore(%run_scoped3A_178 : memref<!tpu.dma_semaphore, #tpu.memory_space<semaphore_mem>>) src(%arg9 : memref<128x128xf32, #tpu.memory_space<vmem>>) dst(%dma_wait3A_190 : memref<10240x128xf32, #tpu.memory_space<vmem_shared>>)
        tpu.yield
      }) : () -> ()
      %dma_start3A_134 = arith.constant 3 : i32
      %dma_start3A_135 = arith.constant 0 : i32
      %dma_start3A_136 = tpu.memref_slice %arg7[%dma_start3A_134, %dma_start3A_135] : memref<8x128xi32, #tpu.memory_space<vmem>> -> memref<1x128xi32, #tpu.memory_space<vmem>>
      %dma_start3A_137 = tpu.memref_squeeze %dma_start3A_136 : memref<1x128xi32, #tpu.memory_space<vmem>> -> memref<128xi32, #tpu.memory_space<vmem>>
      %dma_start3A_138 = arith.constant 0 : i32
      %dma_start3A_139 = arith.constant 0 : i32
      %dma_start3A_140 = tpu.memref_slice %arg2[%dma_start3A_138, %dma_start3A_139] : memref<10000x128xf32, #tpu.memory_space<hbm>> -> memref<10000x128xf32, #tpu.memory_space<hbm>>
      tpu.enqueue_indirect_dma source(%dma_start3A_140 : memref<10000x128xf32, #tpu.memory_space<hbm>>) target(%arg9 : memref<128x128xf32, #tpu.memory_space<vmem>>) offsets(%dma_start3A_137 : memref<128xi32, #tpu.memory_space<vmem>>) semaphore(%arg12 : memref<!tpu.dma_semaphore, #tpu.memory_space<semaphore_mem>>)
      %dma_wait3A_141 = arith.constant 0 : i32
      %dma_wait3A_142 = arith.constant 0 : i32
      %dma_wait3A_143 = tpu.memref_slice %arg6[%dma_wait3A_141, %dma_wait3A_142] : memref<8x128xi32, #tpu.memory_space<vmem>> -> memref<1x128xi32, #tpu.memory_space<vmem>>
      %dma_wait3A_144 = tpu.memref_squeeze %dma_wait3A_143 : memref<1x128xi32, #tpu.memory_space<vmem>> -> memref<128xi32, #tpu.memory_space<vmem>>
      %dma_wait3A_145 = arith.constant 0 : i32
      %dma_wait3A_146 = arith.constant 0 : i32
      %dma_wait3A_147 = tpu.memref_slice %arg2[%dma_wait3A_145, %dma_wait3A_146] : memref<10000x128xf32, #tpu.memory_space<hbm>> -> memref<10000x128xf32, #tpu.memory_space<hbm>>
      tpu.wait_indirect_dma semaphore(%arg11 : memref<!tpu.dma_semaphore, #tpu.memory_space<semaphore_mem>>) src(%dma_wait3A_147 : memref<10000x128xf32, #tpu.memory_space<hbm>>) dst(%arg8 : memref<128x128xf32, #tpu.memory_space<vmem>>)
      %run_scoped3A_148 = arith.constant 6 : i32
      "tpu.region"() ({
        %run_scoped3A_178 = tpu.sem_alloc : memref<!tpu.dma_semaphore, #tpu.memory_space<semaphore_mem>>
        %dma_start3A_179 = arith.constant 0 : i32
        %dma_start3A_180 = tpu.memref_slice %arg7[%run_scoped3A_148, %dma_start3A_179] : memref<8x128xi32, #tpu.memory_space<vmem>> -> memref<1x128xi32, #tpu.memory_space<vmem>>
        %dma_start3A_181 = tpu.memref_squeeze %dma_start3A_180 : memref<1x128xi32, #tpu.memory_space<vmem>> -> memref<128xi32, #tpu.memory_space<vmem>>
        %dma_start3A_182 = arith.constant 0 : i32
        %dma_start3A_183 = arith.constant 0 : i32
        %dma_start3A_184 = tpu.memref_slice %arg10[%dma_start3A_182, %dma_start3A_183] : memref<10240x128xf32, #tpu.memory_space<vmem_shared>> -> memref<10240x128xf32, #tpu.memory_space<vmem_shared>>
        tpu.enqueue_indirect_dma source(%arg8 : memref<128x128xf32, #tpu.memory_space<vmem>>) target(%dma_start3A_184 : memref<10240x128xf32, #tpu.memory_space<vmem_shared>>) offsets(%dma_start3A_181 : memref<128xi32, #tpu.memory_space<vmem>>) semaphore(%run_scoped3A_178 : memref<!tpu.dma_semaphore, #tpu.memory_space<semaphore_mem>>) {add = true}
        %dma_wait3A_185 = arith.constant 0 : i32
        %dma_wait3A_186 = tpu.memref_slice %arg7[%run_scoped3A_148, %dma_wait3A_185] : memref<8x128xi32, #tpu.memory_space<vmem>> -> memref<1x128xi32, #tpu.memory_space<vmem>>
        %dma_wait3A_187 = tpu.memref_squeeze %dma_wait3A_186 : memref<1x128xi32, #tpu.memory_space<vmem>> -> memref<128xi32, #tpu.memory_space<vmem>>
        %dma_wait3A_188 = arith.constant 0 : i32
        %dma_wait3A_189 = arith.constant 0 : i32
        %dma_wait3A_190 = tpu.memref_slice %arg10[%dma_wait3A_188, %dma_wait3A_189] : memref<10240x128xf32, #tpu.memory_space<vmem_shared>> -> memref<10240x128xf32, #tpu.memory_space<vmem_shared>>
        tpu.wait_indirect_dma semaphore(%run_scoped3A_178 : memref<!tpu.dma_semaphore, #tpu.memory_space<semaphore_mem>>) src(%arg8 : memref<128x128xf32, #tpu.memory_space<vmem>>) dst(%dma_wait3A_190 : memref<10240x128xf32, #tpu.memory_space<vmem_shared>>)
        tpu.yield
      }) : () -> ()
      %add3A_149 = arith.constant 1 : i32
      %add3A_150 = arith.addi %scan3A_40, %add3A_149 : i32
      %lt3A_151 = arith.constant 10 : i32
      %lt3A_152 = arith.cmpi slt, %add3A_150, %lt3A_151 : i32
      %convert_element_type3A_153 = arith.extui %lt3A_152 : i1 to i32
      %cond3A_154 = arith.constant 0 : i32
      %cond3A_155 = arith.cmpi ne, %convert_element_type3A_153, %cond3A_154 : i32
      scf.if %cond3A_155 {
        %dma_wait3A_178 = arith.constant 0 : i32
        %dma_wait3A_179 = arith.constant 0 : i32
        %dma_wait3A_180 = tpu.memref_slice %arg3[%mul3A_6, %dma_wait3A_178, %dma_wait3A_179] : memref<640x8x128xi32, #tpu.memory_space<hbm>> -> memref<1x8x128xi32, #tpu.memory_space<hbm>>
        %dma_wait3A_181 = tpu.memref_squeeze %dma_wait3A_180 : memref<1x8x128xi32, #tpu.memory_space<hbm>> -> memref<8x128xi32, #tpu.memory_space<hbm>>
        %dma_wait3A_182 = arith.constant 0 : i32
        %dma_wait3A_183 = arith.constant 0 : i32
        %dma_wait3A_184 = tpu.memref_slice %arg3[%mul3A_6, %dma_wait3A_182, %dma_wait3A_183] : memref<640x8x128xi32, #tpu.memory_space<hbm>> -> memref<1x8x128xi32, #tpu.memory_space<hbm>>
        %dma_wait3A_185 = tpu.memref_squeeze %dma_wait3A_184 : memref<1x8x128xi32, #tpu.memory_space<hbm>> -> memref<8x128xi32, #tpu.memory_space<hbm>>
        tpu.wait_dma2 semaphore(%arg13 : memref<!tpu.dma_semaphore, #tpu.memory_space<semaphore_mem>>) src(%dma_wait3A_185 : memref<8x128xi32, #tpu.memory_space<hbm>>) dst(%arg6 : memref<8x128xi32, #tpu.memory_space<vmem>>)
        %dma_start3A_186 = arith.constant 0 : i32
        %dma_start3A_187 = arith.constant 0 : i32
        %dma_start3A_188 = tpu.memref_slice %arg6[%dma_start3A_186, %dma_start3A_187] : memref<8x128xi32, #tpu.memory_space<vmem>> -> memref<1x128xi32, #tpu.memory_space<vmem>>
        %dma_start3A_189 = tpu.memref_squeeze %dma_start3A_188 : memref<1x128xi32, #tpu.memory_space<vmem>> -> memref<128xi32, #tpu.memory_space<vmem>>
        %dma_start3A_190 = arith.constant 0 : i32
        %dma_start3A_191 = arith.constant 0 : i32
        %dma_start3A_192 = tpu.memref_slice %arg2[%dma_start3A_190, %dma_start3A_191] : memref<10000x128xf32, #tpu.memory_space<hbm>> -> memref<10000x128xf32, #tpu.memory_space<hbm>>
        tpu.enqueue_indirect_dma source(%dma_start3A_192 : memref<10000x128xf32, #tpu.memory_space<hbm>>) target(%arg8 : memref<128x128xf32, #tpu.memory_space<vmem>>) offsets(%dma_start3A_189 : memref<128xi32, #tpu.memory_space<vmem>>) semaphore(%arg11 : memref<!tpu.dma_semaphore, #tpu.memory_space<semaphore_mem>>)
      } else {
      }
      %dma_wait3A_156 = arith.constant 0 : i32
      %dma_wait3A_157 = arith.constant 0 : i32
      %dma_wait3A_158 = tpu.memref_slice %arg6[%dma_wait3A_156, %dma_wait3A_157] : memref<8x128xi32, #tpu.memory_space<vmem>> -> memref<1x128xi32, #tpu.memory_space<vmem>>
      %dma_wait3A_159 = tpu.memref_squeeze %dma_wait3A_158 : memref<1x128xi32, #tpu.memory_space<vmem>> -> memref<128xi32, #tpu.memory_space<vmem>>
      %dma_wait3A_160 = arith.constant 0 : i32
      %dma_wait3A_161 = arith.constant 0 : i32
      %dma_wait3A_162 = tpu.memref_slice %arg2[%dma_wait3A_160, %dma_wait3A_161] : memref<10000x128xf32, #tpu.memory_space<hbm>> -> memref<10000x128xf32, #tpu.memory_space<hbm>>
      tpu.wait_indirect_dma semaphore(%arg12 : memref<!tpu.dma_semaphore, #tpu.memory_space<semaphore_mem>>) src(%dma_wait3A_162 : memref<10000x128xf32, #tpu.memory_space<hbm>>) dst(%arg9 : memref<128x128xf32, #tpu.memory_space<vmem>>)
      %run_scoped3A_163 = arith.constant 7 : i32
      "tpu.region"() ({
        %run_scoped3A_178 = tpu.sem_alloc : memref<!tpu.dma_semaphore, #tpu.memory_space<semaphore_mem>>
        %dma_start3A_179 = arith.constant 0 : i32
        %dma_start3A_180 = tpu.memref_slice %arg7[%run_scoped3A_163, %dma_start3A_179] : memref<8x128xi32, #tpu.memory_space<vmem>> -> memref<1x128xi32, #tpu.memory_space<vmem>>
        %dma_start3A_181 = tpu.memref_squeeze %dma_start3A_180 : memref<1x128xi32, #tpu.memory_space<vmem>> -> memref<128xi32, #tpu.memory_space<vmem>>
        %dma_start3A_182 = arith.constant 0 : i32
        %dma_start3A_183 = arith.constant 0 : i32
        %dma_start3A_184 = tpu.memref_slice %arg10[%dma_start3A_182, %dma_start3A_183] : memref<10240x128xf32, #tpu.memory_space<vmem_shared>> -> memref<10240x128xf32, #tpu.memory_space<vmem_shared>>
        tpu.enqueue_indirect_dma source(%arg9 : memref<128x128xf32, #tpu.memory_space<vmem>>) target(%dma_start3A_184 : memref<10240x128xf32, #tpu.memory_space<vmem_shared>>) offsets(%dma_start3A_181 : memref<128xi32, #tpu.memory_space<vmem>>) semaphore(%run_scoped3A_178 : memref<!tpu.dma_semaphore, #tpu.memory_space<semaphore_mem>>) {add = true}
        %dma_wait3A_185 = arith.constant 0 : i32
        %dma_wait3A_186 = tpu.memref_slice %arg7[%run_scoped3A_163, %dma_wait3A_185] : memref<8x128xi32, #tpu.memory_space<vmem>> -> memref<1x128xi32, #tpu.memory_space<vmem>>
        %dma_wait3A_187 = tpu.memref_squeeze %dma_wait3A_186 : memref<1x128xi32, #tpu.memory_space<vmem>> -> memref<128xi32, #tpu.memory_space<vmem>>
        %dma_wait3A_188 = arith.constant 0 : i32
        %dma_wait3A_189 = arith.constant 0 : i32
        %dma_wait3A_190 = tpu.memref_slice %arg10[%dma_wait3A_188, %dma_wait3A_189] : memref<10240x128xf32, #tpu.memory_space<vmem_shared>> -> memref<10240x128xf32, #tpu.memory_space<vmem_shared>>
        tpu.wait_indirect_dma semaphore(%run_scoped3A_178 : memref<!tpu.dma_semaphore, #tpu.memory_space<semaphore_mem>>) src(%arg9 : memref<128x128xf32, #tpu.memory_space<vmem>>) dst(%dma_wait3A_190 : memref<10240x128xf32, #tpu.memory_space<vmem_shared>>)
        tpu.yield
      }) : () -> ()
      %add3A_164 = arith.constant 1 : i32
      %add3A_165 = arith.addi %scan3A_40, %add3A_164 : i32
      %lt3A_166 = arith.constant 10 : i32
      %lt3A_167 = arith.cmpi slt, %add3A_165, %lt3A_166 : i32
      %convert_element_type3A_168 = arith.extui %lt3A_167 : i1 to i32
      %cond3A_169 = arith.constant 0 : i32
      %cond3A_170 = arith.cmpi ne, %convert_element_type3A_168, %cond3A_169 : i32
      scf.if %cond3A_170 {
        %dma_start3A_178 = arith.constant 1 : i32
        %dma_start3A_179 = arith.constant 0 : i32
        %dma_start3A_180 = tpu.memref_slice %arg6[%dma_start3A_178, %dma_start3A_179] : memref<8x128xi32, #tpu.memory_space<vmem>> -> memref<1x128xi32, #tpu.memory_space<vmem>>
        %dma_start3A_181 = tpu.memref_squeeze %dma_start3A_180 : memref<1x128xi32, #tpu.memory_space<vmem>> -> memref<128xi32, #tpu.memory_space<vmem>>
        %dma_start3A_182 = arith.constant 0 : i32
        %dma_start3A_183 = arith.constant 0 : i32
        %dma_start3A_184 = tpu.memref_slice %arg2[%dma_start3A_182, %dma_start3A_183] : memref<10000x128xf32, #tpu.memory_space<hbm>> -> memref<10000x128xf32, #tpu.memory_space<hbm>>
        tpu.enqueue_indirect_dma source(%dma_start3A_184 : memref<10000x128xf32, #tpu.memory_space<hbm>>) target(%arg9 : memref<128x128xf32, #tpu.memory_space<vmem>>) offsets(%dma_start3A_181 : memref<128xi32, #tpu.memory_space<vmem>>) semaphore(%arg12 : memref<!tpu.dma_semaphore, #tpu.memory_space<semaphore_mem>>)
      } else {
      }
      %add3A_171 = arith.constant 1 : i32
      %add3A_172 = arith.addi %scan3A_40, %add3A_171 : i32
      %lt3A_173 = arith.constant 10 : i32
      %lt3A_174 = arith.cmpi slt, %add3A_172, %lt3A_173 : i32
      %convert_element_type3A_175 = arith.extui %lt3A_174 : i1 to i32
      %cond3A_176 = arith.constant 0 : i32
      %cond3A_177 = arith.cmpi ne, %convert_element_type3A_175, %cond3A_176 : i32
      scf.if %cond3A_177 {
        %mul3A_178 = arith.constant 2 : i32
        %mul3A_179 = arith.muli %mul3A_178, %scan3A_40 : i32
        %add3A_180 = arith.constant 3 : i32
        %add3A_181 = arith.addi %mul3A_179, %add3A_180 : i32
        %add3A_182 = arith.addi %mul3A_6, %add3A_181 : i32
        %dma_start3A_183 = arith.constant 0 : i32
        %dma_start3A_184 = arith.constant 0 : i32
        %dma_start3A_185 = tpu.memref_slice %arg3[%add3A_182, %dma_start3A_183, %dma_start3A_184] : memref<640x8x128xi32, #tpu.memory_space<hbm>> -> memref<1x8x128xi32, #tpu.memory_space<hbm>>
        %dma_start3A_186 = tpu.memref_squeeze %dma_start3A_185 : memref<1x8x128xi32, #tpu.memory_space<hbm>> -> memref<8x128xi32, #tpu.memory_space<hbm>>
        %dma_start3A_187 = arith.constant 0 : i32
        %dma_start3A_188 = arith.constant 0 : i32
        %dma_start3A_189 = tpu.memref_slice %arg3[%add3A_182, %dma_start3A_187, %dma_start3A_188] : memref<640x8x128xi32, #tpu.memory_space<hbm>> -> memref<1x8x128xi32, #tpu.memory_space<hbm>>
        %dma_start3A_190 = tpu.memref_squeeze %dma_start3A_189 : memref<1x8x128xi32, #tpu.memory_space<hbm>> -> memref<8x128xi32, #tpu.memory_space<hbm>>
        tpu.enqueue_dma source(%dma_start3A_190 : memref<8x128xi32, #tpu.memory_space<hbm>>) target(%arg7 : memref<8x128xi32, #tpu.memory_space<vmem>>) target_semaphore(%arg14 : memref<!tpu.dma_semaphore, #tpu.memory_space<semaphore_mem>>)
      } else {
      }
    }
    %scan3A_34 = arith.constant 10 : i32
    %barrier3A_35 = arith.constant 0 : index
    tpu.barrier barrier_id(%barrier3A_35)
    %mul3A_36 = arith.constant 640 : i32
    %mul3A_37 = arith.muli %arg1, %mul3A_36 : i32
    %mul3A_38 = arith.constant 640 : i32
    %mul3A_39 = arith.muli %arg1, %mul3A_38 : i32
    "tpu.region"() ({
      %run_scoped3A = tpu.sem_alloc : memref<!tpu.dma_semaphore, #tpu.memory_space<semaphore_mem>>
      %dma_start3A_40 = arith.constant 0 : i32
      %dma_start3A_41 = tpu.memref_slice %arg5[%arg0, %mul3A_39, %dma_start3A_40] : memref<2x10240x128xf32, #tpu.memory_space<hbm>> -> memref<1x640x128xf32, #tpu.memory_space<hbm>>
      %dma_start3A_42 = tpu.memref_squeeze %dma_start3A_41 : memref<1x640x128xf32, #tpu.memory_space<hbm>> -> memref<640x128xf32, #tpu.memory_space<hbm>>
      %dma_start3A_43 = arith.constant 0 : i32
      %dma_start3A_44 = tpu.memref_slice %arg10[%mul3A_37, %dma_start3A_43] : memref<10240x128xf32, #tpu.memory_space<vmem_shared>> -> memref<640x128xf32, #tpu.memory_space<vmem_shared>>
      tpu.enqueue_dma source(%dma_start3A_44 : memref<640x128xf32, #tpu.memory_space<vmem_shared>>) target(%dma_start3A_42 : memref<640x128xf32, #tpu.memory_space<hbm>>) target_semaphore(%run_scoped3A : memref<!tpu.dma_semaphore, #tpu.memory_space<semaphore_mem>>)
      %dma_wait3A = arith.constant 0 : i32
      %dma_wait3A_45 = tpu.memref_slice %arg5[%arg0, %mul3A_39, %dma_wait3A] : memref<2x10240x128xf32, #tpu.memory_space<hbm>> -> memref<1x640x128xf32, #tpu.memory_space<hbm>>
      %dma_wait3A_46 = tpu.memref_squeeze %dma_wait3A_45 : memref<1x640x128xf32, #tpu.memory_space<hbm>> -> memref<640x128xf32, #tpu.memory_space<hbm>>
      %dma_wait3A_47 = arith.constant 0 : i32
      %dma_wait3A_48 = tpu.memref_slice %arg10[%mul3A_37, %dma_wait3A_47] : memref<10240x128xf32, #tpu.memory_space<vmem_shared>> -> memref<640x128xf32, #tpu.memory_space<vmem_shared>>
      tpu.wait_dma2 semaphore(%run_scoped3A : memref<!tpu.dma_semaphore, #tpu.memory_space<semaphore_mem>>) src(%dma_wait3A_48 : memref<640x128xf32, #tpu.memory_space<vmem_shared>>) dst(%dma_wait3A_46 : memref<640x128xf32, #tpu.memory_space<hbm>>)
      tpu.yield
    }) : () -> ()
    return
  }
}

#map = affine_map<(d0, d1) -> (0, 0)>
#map1 = affine_map<(d0, d1) -> (0, 0, 0)>
module attributes {stable_mosaic.version = 14 : i64} {
  func.func @_segment_sum_sc(%arg0: i32, %arg1: i32, %arg2: memref<10000x128xf32, #tpu.memory_space<hbm>>, %arg3: memref<640x8x128xi32, #tpu.memory_space<hbm>>, %arg4: memref<10240x128xf32, #tpu.memory_space<hbm>>, %arg5: memref<2x10240x128xf32, #tpu.memory_space<hbm>>, %arg6: memref<8x128xi32, #tpu.memory_space<vmem>>, %arg7: memref<8x128xi32, #tpu.memory_space<vmem>>, %arg8: memref<128x128xf32, #tpu.memory_space<vmem>>, %arg9: memref<128x128xf32, #tpu.memory_space<vmem>>, %arg10: memref<10240x128xf32, #tpu.memory_space<vmem_shared>>, %arg11: memref<!tpu.dma_semaphore, #tpu.memory_space<semaphore_mem>>, %arg12: memref<!tpu.dma_semaphore, #tpu.memory_space<semaphore_mem>>, %arg13: memref<!tpu.dma_semaphore, #tpu.memory_space<semaphore_mem>>, %arg14: memref<!tpu.dma_semaphore, #tpu.memory_space<semaphore_mem>>) attributes {dimension_semantics = [#tpu.dimension_semantics<core_parallel>, #tpu.dimension_semantics<subcore_parallel>], iteration_bounds = array<i64: 2, 16>, scalar_prefetch = 0 : i64, scratch_operands = 9 : i64, tpu.core_type = #tpu.core_type<sc_vector_subcore>, window_params = [{transform_indices = #map}, {transform_indices = #map1}, {transform_indices = #map}, {transform_indices = #map1}]} {
    %mul3A = arith.constant 2 : i32
    %mul3A_0 = arith.muli %arg1, %mul3A : i32
    %add3A = arith.addi %mul3A_0, %arg0 : i32
    %mul3A_1 = arith.constant 640 : i32
    %mul3A_2 = arith.muli %arg1, %mul3A_1 : i32
    %mul3A_3 = arith.constant 640 : i32
    %mul3A_4 = arith.muli %arg1, %mul3A_3 : i32
    "tpu.region"() ({
      %run_scoped3A = tpu.sem_alloc : memref<!tpu.dma_semaphore, #tpu.memory_space<semaphore_mem>>
      %dma_start3A_40 = arith.constant 0 : i32
      %dma_start3A_41 = tpu.memref_slice %arg10[%mul3A_4, %dma_start3A_40] : memref<10240x128xf32, #tpu.memory_space<vmem_shared>> -> memref<640x128xf32, #tpu.memory_space<vmem_shared>>
      %dma_start3A_42 = arith.constant 0 : i32
      %dma_start3A_43 = tpu.memref_slice %arg4[%mul3A_2, %dma_start3A_42] : memref<10240x128xf32, #tpu.memory_space<hbm>> -> memref<640x128xf32, #tpu.memory_space<hbm>>
      tpu.enqueue_dma source(%dma_start3A_43 : memref<640x128xf32, #tpu.memory_space<hbm>>) target(%dma_start3A_41 : memref<640x128xf32, #tpu.memory_space<vmem_shared>>) target_semaphore(%run_scoped3A : memref<!tpu.dma_semaphore, #tpu.memory_space<semaphore_mem>>)
      %dma_wait3A = arith.constant 0 : i32
      %dma_wait3A_44 = tpu.memref_slice %arg10[%mul3A_4, %dma_wait3A] : memref<10240x128xf32, #tpu.memory_space<vmem_shared>> -> memref<640x128xf32, #tpu.memory_space<vmem_shared>>
      %dma_wait3A_45 = arith.constant 0 : i32
      %dma_wait3A_46 = tpu.memref_slice %arg4[%mul3A_2, %dma_wait3A_45] : memref<10240x128xf32, #tpu.memory_space<hbm>> -> memref<640x128xf32, #tpu.memory_space<hbm>>
      tpu.wait_dma2 semaphore(%run_scoped3A : memref<!tpu.dma_semaphore, #tpu.memory_space<semaphore_mem>>) src(%dma_wait3A_46 : memref<640x128xf32, #tpu.memory_space<hbm>>) dst(%dma_wait3A_44 : memref<640x128xf32, #tpu.memory_space<vmem_shared>>)
      tpu.yield
    }) : () -> ()
    %barrier3A = arith.constant 0 : index
    tpu.barrier barrier_id(%barrier3A)
    %mul3A_5 = arith.constant 20 : i32
    %mul3A_6 = arith.muli %add3A, %mul3A_5 : i32
    "tpu.region"() ({
      %run_scoped3A = tpu.sem_alloc : memref<!tpu.dma_semaphore, #tpu.memory_space<semaphore_mem>>
      %dma_start3A_40 = arith.constant 0 : i32
      %dma_start3A_41 = arith.constant 0 : i32
      %dma_start3A_42 = tpu.memref_slice %arg3[%mul3A_6, %dma_start3A_40, %dma_start3A_41] : memref<640x8x128xi32, #tpu.memory_space<hbm>> -> memref<1x8x128xi32, #tpu.memory_space<hbm>>
      %dma_start3A_43 = tpu.memref_squeeze %dma_start3A_42 : memref<1x8x128xi32, #tpu.memory_space<hbm>> -> memref<8x128xi32, #tpu.memory_space<hbm>>
      %dma_start3A_44 = arith.constant 0 : i32
      %dma_start3A_45 = arith.constant 0 : i32
      %dma_start3A_46 = tpu.memref_slice %arg3[%mul3A_6, %dma_start3A_44, %dma_start3A_45] : memref<640x8x128xi32, #tpu.memory_space<hbm>> -> memref<1x8x128xi32, #tpu.memory_space<hbm>>
      %dma_start3A_47 = tpu.memref_squeeze %dma_start3A_46 : memref<1x8x128xi32, #tpu.memory_space<hbm>> -> memref<8x128xi32, #tpu.memory_space<hbm>>
      tpu.enqueue_dma source(%dma_start3A_47 : memref<8x128xi32, #tpu.memory_space<hbm>>) target(%arg6 : memref<8x128xi32, #tpu.memory_space<vmem>>) target_semaphore(%run_scoped3A : memref<!tpu.dma_semaphore, #tpu.memory_space<semaphore_mem>>)
      %dma_wait3A = arith.constant 0 : i32
      %dma_wait3A_48 = arith.constant 0 : i32
      %dma_wait3A_49 = tpu.memref_slice %arg3[%mul3A_6, %dma_wait3A, %dma_wait3A_48] : memref<640x8x128xi32, #tpu.memory_space<hbm>> -> memref<1x8x128xi32, #tpu.memory_space<hbm>>
      %dma_wait3A_50 = tpu.memref_squeeze %dma_wait3A_49 : memref<1x8x128xi32, #tpu.memory_space<hbm>> -> memref<8x128xi32, #tpu.memory_space<hbm>>
      %dma_wait3A_51 = arith.constant 0 : i32
      %dma_wait3A_52 = arith.constant 0 : i32
      %dma_wait3A_53 = tpu.memref_slice %arg3[%mul3A_6, %dma_wait3A_51, %dma_wait3A_52] : memref<640x8x128xi32, #tpu.memory_space<hbm>> -> memref<1x8x128xi32, #tpu.memory_space<hbm>>
      %dma_wait3A_54 = tpu.memref_squeeze %dma_wait3A_53 : memref<1x8x128xi32, #tpu.memory_space<hbm>> -> memref<8x128xi32, #tpu.memory_space<hbm>>
      tpu.wait_dma2 semaphore(%run_scoped3A : memref<!tpu.dma_semaphore, #tpu.memory_space<semaphore_mem>>) src(%dma_wait3A_54 : memref<8x128xi32, #tpu.memory_space<hbm>>) dst(%arg6 : memref<8x128xi32, #tpu.memory_space<vmem>>)
      tpu.yield
    }) : () -> ()
    %add3A_7 = arith.constant 1 : i32
    %add3A_8 = arith.addi %mul3A_6, %add3A_7 : i32
    %dma_start3A = arith.constant 0 : i32
    %dma_start3A_9 = arith.constant 0 : i32
    %dma_start3A_10 = tpu.memref_slice %arg3[%add3A_8, %dma_start3A, %dma_start3A_9] : memref<640x8x128xi32, #tpu.memory_space<hbm>> -> memref<1x8x128xi32, #tpu.memory_space<hbm>>
    %dma_start3A_11 = tpu.memref_squeeze %dma_start3A_10 : memref<1x8x128xi32, #tpu.memory_space<hbm>> -> memref<8x128xi32, #tpu.memory_space<hbm>>
    %dma_start3A_12 = arith.constant 0 : i32
    %dma_start3A_13 = arith.constant 0 : i32
    %dma_start3A_14 = tpu.memref_slice %arg3[%add3A_8, %dma_start3A_12, %dma_start3A_13] : memref<640x8x128xi32, #tpu.memory_space<hbm>> -> memref<1x8x128xi32, #tpu.memory_space<hbm>>
    %dma_start3A_15 = tpu.memref_squeeze %dma_start3A_14 : memref<1x8x128xi32, #tpu.memory_space<hbm>> -> memref<8x128xi32, #tpu.memory_space<hbm>>
    tpu.enqueue_dma source(%dma_start3A_15 : memref<8x128xi32, #tpu.memory_space<hbm>>) target(%arg7 : memref<8x128xi32, #tpu.memory_space<vmem>>) target_semaphore(%arg14 : memref<!tpu.dma_semaphore, #tpu.memory_space<semaphore_mem>>)
    %dma_start3A_16 = arith.constant 0 : i32
    %dma_start3A_17 = arith.constant 0 : i32
    %dma_start3A_18 = tpu.memref_slice %arg6[%dma_start3A_16, %dma_start3A_17] : memref<8x128xi32, #tpu.memory_space<vmem>> -> memref<1x128xi32, #tpu.memory_space<vmem>>
    %dma_start3A_19 = tpu.memref_squeeze %dma_start3A_18 : memref<1x128xi32, #tpu.memory_space<vmem>> -> memref<128xi32, #tpu.memory_space<vmem>>
    %dma_start3A_20 = arith.constant 0 : i32
    %dma_start3A_21 = arith.constant 0 : i32
    %dma_start3A_22 = tpu.memref_slice %arg2[%dma_start3A_20, %dma_start3A_21] : memref<10000x128xf32, #tpu.memory_space<hbm>> -> memref<10000x128xf32, #tpu.memory_space<hbm>>
    tpu.enqueue_indirect_dma source(%dma_start3A_22 : memref<10000x128xf32, #tpu.memory_space<hbm>>) target(%arg8 : memref<128x128xf32, #tpu.memory_space<vmem>>) offsets(%dma_start3A_19 : memref<128xi32, #tpu.memory_space<vmem>>) semaphore(%arg11 : memref<!tpu.dma_semaphore, #tpu.memory_space<semaphore_mem>>)
    %dma_start3A_23 = arith.constant 1 : i32
    %dma_start3A_24 = arith.constant 0 : i32
    %dma_start3A_25 = tpu.memref_slice %arg6[%dma_start3A_23, %dma_start3A_24] : memref<8x128xi32, #tpu.memory_space<vmem>> -> memref<1x128xi32, #tpu.memory_space<vmem>>
    %dma_start3A_26 = tpu.memref_squeeze %dma_start3A_25 : memref<1x128xi32, #tpu.memory_space<vmem>> -> memref<128xi32, #tpu.memory_space<vmem>>
    %dma_start3A_27 = arith.constant 0 : i32
    %dma_start3A_28 = arith.constant 0 : i32
    %dma_start3A_29 = tpu.memref_slice %arg2[%dma_start3A_27, %dma_start3A_28] : memref<10000x128xf32, #tpu.memory_space<hbm>> -> memref<10000x128xf32, #tpu.memory_space<hbm>>
    tpu.enqueue_indirect_dma source(%dma_start3A_29 : memref<10000x128xf32, #tpu.memory_space<hbm>>) target(%arg9 : memref<128x128xf32, #tpu.memory_space<vmem>>) offsets(%dma_start3A_26 : memref<128xi32, #tpu.memory_space<vmem>>) semaphore(%arg12 : memref<!tpu.dma_semaphore, #tpu.memory_space<semaphore_mem>>)
    %scan3A = arith.constant 0 : i32
    %scan3A_30 = arith.constant 0 : i32
    %scan3A_31 = arith.constant 10 : i32
    %scan3A_32 = arith.addi %scan3A_30, %scan3A_31 : i32
    %scan3A_33 = arith.constant 1 : i32
    scf.for %scan3A_40 = %scan3A_30 to %scan3A_32 step %scan3A_33  : i32 {
      %dma_wait3A = arith.constant 0 : i32
      %dma_wait3A_41 = arith.constant 0 : i32
      %dma_wait3A_42 = tpu.memref_slice %arg6[%dma_wait3A, %dma_wait3A_41] : memref<8x128xi32, #tpu.memory_space<vmem>> -> memref<1x128xi32, #tpu.memory_space<vmem>>
      %dma_wait3A_43 = tpu.memref_squeeze %dma_wait3A_42 : memref<1x128xi32, #tpu.memory_space<vmem>> -> memref<128xi32, #tpu.memory_space<vmem>>
      %dma_wait3A_44 = arith.constant 0 : i32
      %dma_wait3A_45 = arith.constant 0 : i32
      %dma_wait3A_46 = tpu.memref_slice %arg2[%dma_wait3A_44, %dma_wait3A_45] : memref<10000x128xf32, #tpu.memory_space<hbm>> -> memref<10000x128xf32, #tpu.memory_space<hbm>>
      tpu.wait_indirect_dma semaphore(%arg11 : memref<!tpu.dma_semaphore, #tpu.memory_space<semaphore_mem>>) src(%dma_wait3A_46 : memref<10000x128xf32, #tpu.memory_space<hbm>>) dst(%arg8 : memref<128x128xf32, #tpu.memory_space<vmem>>)
      %run_scoped3A = arith.constant 4 : i32
      "tpu.region"() ({
        %run_scoped3A_178 = tpu.sem_alloc : memref<!tpu.dma_semaphore, #tpu.memory_space<semaphore_mem>>
        %dma_start3A_179 = arith.constant 0 : i32
        %dma_start3A_180 = tpu.memref_slice %arg6[%run_scoped3A, %dma_start3A_179] : memref<8x128xi32, #tpu.memory_space<vmem>> -> memref<1x128xi32, #tpu.memory_space<vmem>>
        %dma_start3A_181 = tpu.memref_squeeze %dma_start3A_180 : memref<1x128xi32, #tpu.memory_space<vmem>> -> memref<128xi32, #tpu.memory_space<vmem>>
        %dma_start3A_182 = arith.constant 0 : i32
        %dma_start3A_183 = arith.constant 0 : i32
        %dma_start3A_184 = tpu.memref_slice %arg10[%dma_start3A_182, %dma_start3A_183] : memref<10240x128xf32, #tpu.memory_space<vmem_shared>> -> memref<10240x128xf32, #tpu.memory_space<vmem_shared>>
        tpu.enqueue_indirect_dma source(%arg8 : memref<128x128xf32, #tpu.memory_space<vmem>>) target(%dma_start3A_184 : memref<10240x128xf32, #tpu.memory_space<vmem_shared>>) offsets(%dma_start3A_181 : memref<128xi32, #tpu.memory_space<vmem>>) semaphore(%run_scoped3A_178 : memref<!tpu.dma_semaphore, #tpu.memory_space<semaphore_mem>>) {add = true}
        %dma_wait3A_185 = arith.constant 0 : i32
        %dma_wait3A_186 = tpu.memref_slice %arg6[%run_scoped3A, %dma_wait3A_185] : memref<8x128xi32, #tpu.memory_space<vmem>> -> memref<1x128xi32, #tpu.memory_space<vmem>>
        %dma_wait3A_187 = tpu.memref_squeeze %dma_wait3A_186 : memref<1x128xi32, #tpu.memory_space<vmem>> -> memref<128xi32, #tpu.memory_space<vmem>>
        %dma_wait3A_188 = arith.constant 0 : i32
        %dma_wait3A_189 = arith.constant 0 : i32
        %dma_wait3A_190 = tpu.memref_slice %arg10[%dma_wait3A_188, %dma_wait3A_189] : memref<10240x128xf32, #tpu.memory_space<vmem_shared>> -> memref<10240x128xf32, #tpu.memory_space<vmem_shared>>
        tpu.wait_indirect_dma semaphore(%run_scoped3A_178 : memref<!tpu.dma_semaphore, #tpu.memory_space<semaphore_mem>>) src(%arg8 : memref<128x128xf32, #tpu.memory_space<vmem>>) dst(%dma_wait3A_190 : memref<10240x128xf32, #tpu.memory_space<vmem_shared>>)
        tpu.yield
      }) : () -> ()
      %dma_start3A_47 = arith.constant 2 : i32
      %dma_start3A_48 = arith.constant 0 : i32
      %dma_start3A_49 = tpu.memref_slice %arg6[%dma_start3A_47, %dma_start3A_48] : memref<8x128xi32, #tpu.memory_space<vmem>> -> memref<1x128xi32, #tpu.memory_space<vmem>>
      %dma_start3A_50 = tpu.memref_squeeze %dma_start3A_49 : memref<1x128xi32, #tpu.memory_space<vmem>> -> memref<128xi32, #tpu.memory_space<vmem>>
      %dma_start3A_51 = arith.constant 0 : i32
      %dma_start3A_52 = arith.constant 0 : i32
      %dma_start3A_53 = tpu.memref_slice %arg2[%dma_start3A_51, %dma_start3A_52] : memref<10000x128xf32, #tpu.memory_space<hbm>> -> memref<10000x128xf32, #tpu.memory_space<hbm>>
      tpu.enqueue_indirect_dma source(%dma_start3A_53 : memref<10000x128xf32, #tpu.memory_space<hbm>>) target(%arg8 : memref<128x128xf32, #tpu.memory_space<vmem>>) offsets(%dma_start3A_50 : memref<128xi32, #tpu.memory_space<vmem>>) semaphore(%arg11 : memref<!tpu.dma_semaphore, #tpu.memory_space<semaphore_mem>>)
      %dma_wait3A_54 = arith.constant 0 : i32
      %dma_wait3A_55 = arith.constant 0 : i32
      %dma_wait3A_56 = tpu.memref_slice %arg6[%dma_wait3A_54, %dma_wait3A_55] : memref<8x128xi32, #tpu.memory_space<vmem>> -> memref<1x128xi32, #tpu.memory_space<vmem>>
      %dma_wait3A_57 = tpu.memref_squeeze %dma_wait3A_56 : memref<1x128xi32, #tpu.memory_space<vmem>> -> memref<128xi32, #tpu.memory_space<vmem>>
      %dma_wait3A_58 = arith.constant 0 : i32
      %dma_wait3A_59 = arith.constant 0 : i32
      %dma_wait3A_60 = tpu.memref_slice %arg2[%dma_wait3A_58, %dma_wait3A_59] : memref<10000x128xf32, #tpu.memory_space<hbm>> -> memref<10000x128xf32, #tpu.memory_space<hbm>>
      tpu.wait_indirect_dma semaphore(%arg12 : memref<!tpu.dma_semaphore, #tpu.memory_space<semaphore_mem>>) src(%dma_wait3A_60 : memref<10000x128xf32, #tpu.memory_space<hbm>>) dst(%arg9 : memref<128x128xf32, #tpu.memory_space<vmem>>)
      %run_scoped3A_61 = arith.constant 5 : i32
      "tpu.region"() ({
        %run_scoped3A_178 = tpu.sem_alloc : memref<!tpu.dma_semaphore, #tpu.memory_space<semaphore_mem>>
        %dma_start3A_179 = arith.constant 0 : i32
        %dma_start3A_180 = tpu.memref_slice %arg6[%run_scoped3A_61, %dma_start3A_179] : memref<8x128xi32, #tpu.memory_space<vmem>> -> memref<1x128xi32, #tpu.memory_space<vmem>>
        %dma_start3A_181 = tpu.memref_squeeze %dma_start3A_180 : memref<1x128xi32, #tpu.memory_space<vmem>> -> memref<128xi32, #tpu.memory_space<vmem>>
        %dma_start3A_182 = arith.constant 0 : i32
        %dma_start3A_183 = arith.constant 0 : i32
        %dma_start3A_184 = tpu.memref_slice %arg10[%dma_start3A_182, %dma_start3A_183] : memref<10240x128xf32, #tpu.memory_space<vmem_shared>> -> memref<10240x128xf32, #tpu.memory_space<vmem_shared>>
        tpu.enqueue_indirect_dma source(%arg9 : memref<128x128xf32, #tpu.memory_space<vmem>>) target(%dma_start3A_184 : memref<10240x128xf32, #tpu.memory_space<vmem_shared>>) offsets(%dma_start3A_181 : memref<128xi32, #tpu.memory_space<vmem>>) semaphore(%run_scoped3A_178 : memref<!tpu.dma_semaphore, #tpu.memory_space<semaphore_mem>>) {add = true}
        %dma_wait3A_185 = arith.constant 0 : i32
        %dma_wait3A_186 = tpu.memref_slice %arg6[%run_scoped3A_61, %dma_wait3A_185] : memref<8x128xi32, #tpu.memory_space<vmem>> -> memref<1x128xi32, #tpu.memory_space<vmem>>
        %dma_wait3A_187 = tpu.memref_squeeze %dma_wait3A_186 : memref<1x128xi32, #tpu.memory_space<vmem>> -> memref<128xi32, #tpu.memory_space<vmem>>
        %dma_wait3A_188 = arith.constant 0 : i32
        %dma_wait3A_189 = arith.constant 0 : i32
        %dma_wait3A_190 = tpu.memref_slice %arg10[%dma_wait3A_188, %dma_wait3A_189] : memref<10240x128xf32, #tpu.memory_space<vmem_shared>> -> memref<10240x128xf32, #tpu.memory_space<vmem_shared>>
        tpu.wait_indirect_dma semaphore(%run_scoped3A_178 : memref<!tpu.dma_semaphore, #tpu.memory_space<semaphore_mem>>) src(%arg9 : memref<128x128xf32, #tpu.memory_space<vmem>>) dst(%dma_wait3A_190 : memref<10240x128xf32, #tpu.memory_space<vmem_shared>>)
        tpu.yield
      }) : () -> ()
      %dma_start3A_62 = arith.constant 3 : i32
      %dma_start3A_63 = arith.constant 0 : i32
      %dma_start3A_64 = tpu.memref_slice %arg6[%dma_start3A_62, %dma_start3A_63] : memref<8x128xi32, #tpu.memory_space<vmem>> -> memref<1x128xi32, #tpu.memory_space<vmem>>
      %dma_start3A_65 = tpu.memref_squeeze %dma_start3A_64 : memref<1x128xi32, #tpu.memory_space<vmem>> -> memref<128xi32, #tpu.memory_space<vmem>>
      %dma_start3A_66 = arith.constant 0 : i32
      %dma_start3A_67 = arith.constant 0 : i32
      %dma_start3A_68 = tpu.memref_slice %arg2[%dma_start3A_66, %dma_start3A_67] : memref<10000x128xf32, #tpu.memory_space<hbm>> -> memref<10000x128xf32, #tpu.memory_space<hbm>>
      tpu.enqueue_indirect_dma source(%dma_start3A_68 : memref<10000x128xf32, #tpu.memory_space<hbm>>) target(%arg9 : memref<128x128xf32, #tpu.memory_space<vmem>>) offsets(%dma_start3A_65 : memref<128xi32, #tpu.memory_space<vmem>>) semaphore(%arg12 : memref<!tpu.dma_semaphore, #tpu.memory_space<semaphore_mem>>)
      %dma_wait3A_69 = arith.constant 0 : i32
      %dma_wait3A_70 = arith.constant 0 : i32
      %dma_wait3A_71 = tpu.memref_slice %arg6[%dma_wait3A_69, %dma_wait3A_70] : memref<8x128xi32, #tpu.memory_space<vmem>> -> memref<1x128xi32, #tpu.memory_space<vmem>>
      %dma_wait3A_72 = tpu.memref_squeeze %dma_wait3A_71 : memref<1x128xi32, #tpu.memory_space<vmem>> -> memref<128xi32, #tpu.memory_space<vmem>>
      %dma_wait3A_73 = arith.constant 0 : i32
      %dma_wait3A_74 = arith.constant 0 : i32
      %dma_wait3A_75 = tpu.memref_slice %arg2[%dma_wait3A_73, %dma_wait3A_74] : memref<10000x128xf32, #tpu.memory_space<hbm>> -> memref<10000x128xf32, #tpu.memory_space<hbm>>
      tpu.wait_indirect_dma semaphore(%arg11 : memref<!tpu.dma_semaphore, #tpu.memory_space<semaphore_mem>>) src(%dma_wait3A_75 : memref<10000x128xf32, #tpu.memory_space<hbm>>) dst(%arg8 : memref<128x128xf32, #tpu.memory_space<vmem>>)
      %run_scoped3A_76 = arith.constant 6 : i32
      "tpu.region"() ({
        %run_scoped3A_178 = tpu.sem_alloc : memref<!tpu.dma_semaphore, #tpu.memory_space<semaphore_mem>>
        %dma_start3A_179 = arith.constant 0 : i32
        %dma_start3A_180 = tpu.memref_slice %arg6[%run_scoped3A_76, %dma_start3A_179] : memref<8x128xi32, #tpu.memory_space<vmem>> -> memref<1x128xi32, #tpu.memory_space<vmem>>
        %dma_start3A_181 = tpu.memref_squeeze %dma_start3A_180 : memref<1x128xi32, #tpu.memory_space<vmem>> -> memref<128xi32, #tpu.memory_space<vmem>>
        %dma_start3A_182 = arith.constant 0 : i32
        %dma_start3A_183 = arith.constant 0 : i32
        %dma_start3A_184 = tpu.memref_slice %arg10[%dma_start3A_182, %dma_start3A_183] : memref<10240x128xf32, #tpu.memory_space<vmem_shared>> -> memref<10240x128xf32, #tpu.memory_space<vmem_shared>>
        tpu.enqueue_indirect_dma source(%arg8 : memref<128x128xf32, #tpu.memory_space<vmem>>) target(%dma_start3A_184 : memref<10240x128xf32, #tpu.memory_space<vmem_shared>>) offsets(%dma_start3A_181 : memref<128xi32, #tpu.memory_space<vmem>>) semaphore(%run_scoped3A_178 : memref<!tpu.dma_semaphore, #tpu.memory_space<semaphore_mem>>) {add = true}
        %dma_wait3A_185 = arith.constant 0 : i32
        %dma_wait3A_186 = tpu.memref_slice %arg6[%run_scoped3A_76, %dma_wait3A_185] : memref<8x128xi32, #tpu.memory_space<vmem>> -> memref<1x128xi32, #tpu.memory_space<vmem>>
        %dma_wait3A_187 = tpu.memref_squeeze %dma_wait3A_186 : memref<1x128xi32, #tpu.memory_space<vmem>> -> memref<128xi32, #tpu.memory_space<vmem>>
        %dma_wait3A_188 = arith.constant 0 : i32
        %dma_wait3A_189 = arith.constant 0 : i32
        %dma_wait3A_190 = tpu.memref_slice %arg10[%dma_wait3A_188, %dma_wait3A_189] : memref<10240x128xf32, #tpu.memory_space<vmem_shared>> -> memref<10240x128xf32, #tpu.memory_space<vmem_shared>>
        tpu.wait_indirect_dma semaphore(%run_scoped3A_178 : memref<!tpu.dma_semaphore, #tpu.memory_space<semaphore_mem>>) src(%arg8 : memref<128x128xf32, #tpu.memory_space<vmem>>) dst(%dma_wait3A_190 : memref<10240x128xf32, #tpu.memory_space<vmem_shared>>)
        tpu.yield
      }) : () -> ()
      %dma_wait3A_77 = arith.constant 0 : i32
      %dma_wait3A_78 = arith.constant 0 : i32
      %dma_wait3A_79 = tpu.memref_slice %arg3[%mul3A_6, %dma_wait3A_77, %dma_wait3A_78] : memref<640x8x128xi32, #tpu.memory_space<hbm>> -> memref<1x8x128xi32, #tpu.memory_space<hbm>>
      %dma_wait3A_80 = tpu.memref_squeeze %dma_wait3A_79 : memref<1x8x128xi32, #tpu.memory_space<hbm>> -> memref<8x128xi32, #tpu.memory_space<hbm>>
      %dma_wait3A_81 = arith.constant 0 : i32
      %dma_wait3A_82 = arith.constant 0 : i32
      %dma_wait3A_83 = tpu.memref_slice %arg3[%mul3A_6, %dma_wait3A_81, %dma_wait3A_82] : memref<640x8x128xi32, #tpu.memory_space<hbm>> -> memref<1x8x128xi32, #tpu.memory_space<hbm>>
      %dma_wait3A_84 = tpu.memref_squeeze %dma_wait3A_83 : memref<1x8x128xi32, #tpu.memory_space<hbm>> -> memref<8x128xi32, #tpu.memory_space<hbm>>
      tpu.wait_dma2 semaphore(%arg14 : memref<!tpu.dma_semaphore, #tpu.memory_space<semaphore_mem>>) src(%dma_wait3A_84 : memref<8x128xi32, #tpu.memory_space<hbm>>) dst(%arg7 : memref<8x128xi32, #tpu.memory_space<vmem>>)
      %dma_start3A_85 = arith.constant 0 : i32
      %dma_start3A_86 = arith.constant 0 : i32
      %dma_start3A_87 = tpu.memref_slice %arg7[%dma_start3A_85, %dma_start3A_86] : memref<8x128xi32, #tpu.memory_space<vmem>> -> memref<1x128xi32, #tpu.memory_space<vmem>>
      %dma_start3A_88 = tpu.memref_squeeze %dma_start3A_87 : memref<1x128xi32, #tpu.memory_space<vmem>> -> memref<128xi32, #tpu.memory_space<vmem>>
      %dma_start3A_89 = arith.constant 0 : i32
      %dma_start3A_90 = arith.constant 0 : i32
      %dma_start3A_91 = tpu.memref_slice %arg2[%dma_start3A_89, %dma_start3A_90] : memref<10000x128xf32, #tpu.memory_space<hbm>> -> memref<10000x128xf32, #tpu.memory_space<hbm>>
      tpu.enqueue_indirect_dma source(%dma_start3A_91 : memref<10000x128xf32, #tpu.memory_space<hbm>>) target(%arg8 : memref<128x128xf32, #tpu.memory_space<vmem>>) offsets(%dma_start3A_88 : memref<128xi32, #tpu.memory_space<vmem>>) semaphore(%arg11 : memref<!tpu.dma_semaphore, #tpu.memory_space<semaphore_mem>>)
      %dma_wait3A_92 = arith.constant 0 : i32
      %dma_wait3A_93 = arith.constant 0 : i32
      %dma_wait3A_94 = tpu.memref_slice %arg6[%dma_wait3A_92, %dma_wait3A_93] : memref<8x128xi32, #tpu.memory_space<vmem>> -> memref<1x128xi32, #tpu.memory_space<vmem>>
      %dma_wait3A_95 = tpu.memref_squeeze %dma_wait3A_94 : memref<1x128xi32, #tpu.memory_space<vmem>> -> memref<128xi32, #tpu.memory_space<vmem>>
      %dma_wait3A_96 = arith.constant 0 : i32
      %dma_wait3A_97 = arith.constant 0 : i32
      %dma_wait3A_98 = tpu.memref_slice %arg2[%dma_wait3A_96, %dma_wait3A_97] : memref<10000x128xf32, #tpu.memory_space<hbm>> -> memref<10000x128xf32, #tpu.memory_space<hbm>>
      tpu.wait_indirect_dma semaphore(%arg12 : memref<!tpu.dma_semaphore, #tpu.memory_space<semaphore_mem>>) src(%dma_wait3A_98 : memref<10000x128xf32, #tpu.memory_space<hbm>>) dst(%arg9 : memref<128x128xf32, #tpu.memory_space<vmem>>)
      %run_scoped3A_99 = arith.constant 7 : i32
      "tpu.region"() ({
        %run_scoped3A_178 = tpu.sem_alloc : memref<!tpu.dma_semaphore, #tpu.memory_space<semaphore_mem>>
        %dma_start3A_179 = arith.constant 0 : i32
        %dma_start3A_180 = tpu.memref_slice %arg6[%run_scoped3A_99, %dma_start3A_179] : memref<8x128xi32, #tpu.memory_space<vmem>> -> memref<1x128xi32, #tpu.memory_space<vmem>>
        %dma_start3A_181 = tpu.memref_squeeze %dma_start3A_180 : memref<1x128xi32, #tpu.memory_space<vmem>> -> memref<128xi32, #tpu.memory_space<vmem>>
        %dma_start3A_182 = arith.constant 0 : i32
        %dma_start3A_183 = arith.constant 0 : i32
        %dma_start3A_184 = tpu.memref_slice %arg10[%dma_start3A_182, %dma_start3A_183] : memref<10240x128xf32, #tpu.memory_space<vmem_shared>> -> memref<10240x128xf32, #tpu.memory_space<vmem_shared>>
        tpu.enqueue_indirect_dma source(%arg9 : memref<128x128xf32, #tpu.memory_space<vmem>>) target(%dma_start3A_184 : memref<10240x128xf32, #tpu.memory_space<vmem_shared>>) offsets(%dma_start3A_181 : memref<128xi32, #tpu.memory_space<vmem>>) semaphore(%run_scoped3A_178 : memref<!tpu.dma_semaphore, #tpu.memory_space<semaphore_mem>>) {add = true}
        %dma_wait3A_185 = arith.constant 0 : i32
        %dma_wait3A_186 = tpu.memref_slice %arg6[%run_scoped3A_99, %dma_wait3A_185] : memref<8x128xi32, #tpu.memory_space<vmem>> -> memref<1x128xi32, #tpu.memory_space<vmem>>
        %dma_wait3A_187 = tpu.memref_squeeze %dma_wait3A_186 : memref<1x128xi32, #tpu.memory_space<vmem>> -> memref<128xi32, #tpu.memory_space<vmem>>
        %dma_wait3A_188 = arith.constant 0 : i32
        %dma_wait3A_189 = arith.constant 0 : i32
        %dma_wait3A_190 = tpu.memref_slice %arg10[%dma_wait3A_188, %dma_wait3A_189] : memref<10240x128xf32, #tpu.memory_space<vmem_shared>> -> memref<10240x128xf32, #tpu.memory_space<vmem_shared>>
        tpu.wait_indirect_dma semaphore(%run_scoped3A_178 : memref<!tpu.dma_semaphore, #tpu.memory_space<semaphore_mem>>) src(%arg9 : memref<128x128xf32, #tpu.memory_space<vmem>>) dst(%dma_wait3A_190 : memref<10240x128xf32, #tpu.memory_space<vmem_shared>>)
        tpu.yield
      }) : () -> ()
      %dma_start3A_100 = arith.constant 1 : i32
      %dma_start3A_101 = arith.constant 0 : i32
      %dma_start3A_102 = tpu.memref_slice %arg7[%dma_start3A_100, %dma_start3A_101] : memref<8x128xi32, #tpu.memory_space<vmem>> -> memref<1x128xi32, #tpu.memory_space<vmem>>
      %dma_start3A_103 = tpu.memref_squeeze %dma_start3A_102 : memref<1x128xi32, #tpu.memory_space<vmem>> -> memref<128xi32, #tpu.memory_space<vmem>>
      %dma_start3A_104 = arith.constant 0 : i32
      %dma_start3A_105 = arith.constant 0 : i32
      %dma_start3A_106 = tpu.memref_slice %arg2[%dma_start3A_104, %dma_start3A_105] : memref<10000x128xf32, #tpu.memory_space<hbm>> -> memref<10000x128xf32, #tpu.memory_space<hbm>>
      tpu.enqueue_indirect_dma source(%dma_start3A_106 : memref<10000x128xf32, #tpu.memory_space<hbm>>) target(%arg9 : memref<128x128xf32, #tpu.memory_space<vmem>>) offsets(%dma_start3A_103 : memref<128xi32, #tpu.memory_space<vmem>>) semaphore(%arg12 : memref<!tpu.dma_semaphore, #tpu.memory_space<semaphore_mem>>)
      %add3A_107 = arith.constant 1 : i32
      %add3A_108 = arith.addi %scan3A_40, %add3A_107 : i32
      %lt3A = arith.constant 10 : i32
      %lt3A_109 = arith.cmpi slt, %add3A_108, %lt3A : i32
      %convert_element_type3A = arith.extui %lt3A_109 : i1 to i32
      %cond3A = arith.constant 0 : i32
      %cond3A_110 = arith.cmpi ne, %convert_element_type3A, %cond3A : i32
      scf.if %cond3A_110 {
        %mul3A_178 = arith.constant 2 : i32
        %mul3A_179 = arith.muli %mul3A_178, %scan3A_40 : i32
        %add3A_180 = arith.constant 2 : i32
        %add3A_181 = arith.addi %mul3A_179, %add3A_180 : i32
        %add3A_182 = arith.addi %mul3A_6, %add3A_181 : i32
        %dma_start3A_183 = arith.constant 0 : i32
        %dma_start3A_184 = arith.constant 0 : i32
        %dma_start3A_185 = tpu.memref_slice %arg3[%add3A_182, %dma_start3A_183, %dma_start3A_184] : memref<640x8x128xi32, #tpu.memory_space<hbm>> -> memref<1x8x128xi32, #tpu.memory_space<hbm>>
        %dma_start3A_186 = tpu.memref_squeeze %dma_start3A_185 : memref<1x8x128xi32, #tpu.memory_space<hbm>> -> memref<8x128xi32, #tpu.memory_space<hbm>>
        %dma_start3A_187 = arith.constant 0 : i32
        %dma_start3A_188 = arith.constant 0 : i32
        %dma_start3A_189 = tpu.memref_slice %arg3[%add3A_182, %dma_start3A_187, %dma_start3A_188] : memref<640x8x128xi32, #tpu.memory_space<hbm>> -> memref<1x8x128xi32, #tpu.memory_space<hbm>>
        %dma_start3A_190 = tpu.memref_squeeze %dma_start3A_189 : memref<1x8x128xi32, #tpu.memory_space<hbm>> -> memref<8x128xi32, #tpu.memory_space<hbm>>
        tpu.enqueue_dma source(%dma_start3A_190 : memref<8x128xi32, #tpu.memory_space<hbm>>) target(%arg6 : memref<8x128xi32, #tpu.memory_space<vmem>>) target_semaphore(%arg13 : memref<!tpu.dma_semaphore, #tpu.memory_space<semaphore_mem>>)
      } else {
      }
      %dma_wait3A_111 = arith.constant 0 : i32
      %dma_wait3A_112 = arith.constant 0 : i32
      %dma_wait3A_113 = tpu.memref_slice %arg6[%dma_wait3A_111, %dma_wait3A_112] : memref<8x128xi32, #tpu.memory_space<vmem>> -> memref<1x128xi32, #tpu.memory_space<vmem>>
      %dma_wait3A_114 = tpu.memref_squeeze %dma_wait3A_113 : memref<1x128xi32, #tpu.memory_space<vmem>> -> memref<128xi32, #tpu.memory_space<vmem>>
      %dma_wait3A_115 = arith.constant 0 : i32
      %dma_wait3A_116 = arith.constant 0 : i32
      %dma_wait3A_117 = tpu.memref_slice %arg2[%dma_wait3A_115, %dma_wait3A_116] : memref<10000x128xf32, #tpu.memory_space<hbm>> -> memref<10000x128xf32, #tpu.memory_space<hbm>>
      tpu.wait_indirect_dma semaphore(%arg11 : memref<!tpu.dma_semaphore, #tpu.memory_space<semaphore_mem>>) src(%dma_wait3A_117 : memref<10000x128xf32, #tpu.memory_space<hbm>>) dst(%arg8 : memref<128x128xf32, #tpu.memory_space<vmem>>)
      %run_scoped3A_118 = arith.constant 4 : i32
      "tpu.region"() ({
        %run_scoped3A_178 = tpu.sem_alloc : memref<!tpu.dma_semaphore, #tpu.memory_space<semaphore_mem>>
        %dma_start3A_179 = arith.constant 0 : i32
        %dma_start3A_180 = tpu.memref_slice %arg7[%run_scoped3A_118, %dma_start3A_179] : memref<8x128xi32, #tpu.memory_space<vmem>> -> memref<1x128xi32, #tpu.memory_space<vmem>>
        %dma_start3A_181 = tpu.memref_squeeze %dma_start3A_180 : memref<1x128xi32, #tpu.memory_space<vmem>> -> memref<128xi32, #tpu.memory_space<vmem>>
        %dma_start3A_182 = arith.constant 0 : i32
        %dma_start3A_183 = arith.constant 0 : i32
        %dma_start3A_184 = tpu.memref_slice %arg10[%dma_start3A_182, %dma_start3A_183] : memref<10240x128xf32, #tpu.memory_space<vmem_shared>> -> memref<10240x128xf32, #tpu.memory_space<vmem_shared>>
        tpu.enqueue_indirect_dma source(%arg8 : memref<128x128xf32, #tpu.memory_space<vmem>>) target(%dma_start3A_184 : memref<10240x128xf32, #tpu.memory_space<vmem_shared>>) offsets(%dma_start3A_181 : memref<128xi32, #tpu.memory_space<vmem>>) semaphore(%run_scoped3A_178 : memref<!tpu.dma_semaphore, #tpu.memory_space<semaphore_mem>>) {add = true}
        %dma_wait3A_185 = arith.constant 0 : i32
        %dma_wait3A_186 = tpu.memref_slice %arg7[%run_scoped3A_118, %dma_wait3A_185] : memref<8x128xi32, #tpu.memory_space<vmem>> -> memref<1x128xi32, #tpu.memory_space<vmem>>
        %dma_wait3A_187 = tpu.memref_squeeze %dma_wait3A_186 : memref<1x128xi32, #tpu.memory_space<vmem>> -> memref<128xi32, #tpu.memory_space<vmem>>
        %dma_wait3A_188 = arith.constant 0 : i32
        %dma_wait3A_189 = arith.constant 0 : i32
        %dma_wait3A_190 = tpu.memref_slice %arg10[%dma_wait3A_188, %dma_wait3A_189] : memref<10240x128xf32, #tpu.memory_space<vmem_shared>> -> memref<10240x128xf32, #tpu.memory_space<vmem_shared>>
        tpu.wait_indirect_dma semaphore(%run_scoped3A_178 : memref<!tpu.dma_semaphore, #tpu.memory_space<semaphore_mem>>) src(%arg8 : memref<128x128xf32, #tpu.memory_space<vmem>>) dst(%dma_wait3A_190 : memref<10240x128xf32, #tpu.memory_space<vmem_shared>>)
        tpu.yield
      }) : () -> ()
      %dma_start3A_119 = arith.constant 2 : i32
      %dma_start3A_120 = arith.constant 0 : i32
      %dma_start3A_121 = tpu.memref_slice %arg7[%dma_start3A_119, %dma_start3A_120] : memref<8x128xi32, #tpu.memory_space<vmem>> -> memref<1x128xi32, #tpu.memory_space<vmem>>
      %dma_start3A_122 = tpu.memref_squeeze %dma_start3A_121 : memref<1x128xi32, #tpu.memory_space<vmem>> -> memref<128xi32, #tpu.memory_space<vmem>>
      %dma_start3A_123 = arith.constant 0 : i32
      %dma_start3A_124 = arith.constant 0 : i32
      %dma_start3A_125 = tpu.memref_slice %arg2[%dma_start3A_123, %dma_start3A_124] : memref<10000x128xf32, #tpu.memory_space<hbm>> -> memref<10000x128xf32, #tpu.memory_space<hbm>>
      tpu.enqueue_indirect_dma source(%dma_start3A_125 : memref<10000x128xf32, #tpu.memory_space<hbm>>) target(%arg8 : memref<128x128xf32, #tpu.memory_space<vmem>>) offsets(%dma_start3A_122 : memref<128xi32, #tpu.memory_space<vmem>>) semaphore(%arg11 : memref<!tpu.dma_semaphore, #tpu.memory_space<semaphore_mem>>)
      %dma_wait3A_126 = arith.constant 0 : i32
      %dma_wait3A_127 = arith.constant 0 : i32
      %dma_wait3A_128 = tpu.memref_slice %arg6[%dma_wait3A_126, %dma_wait3A_127] : memref<8x128xi32, #tpu.memory_space<vmem>> -> memref<1x128xi32, #tpu.memory_space<vmem>>
      %dma_wait3A_129 = tpu.memref_squeeze %dma_wait3A_128 : memref<1x128xi32, #tpu.memory_space<vmem>> -> memref<128xi32, #tpu.memory_space<vmem>>
      %dma_wait3A_130 = arith.constant 0 : i32
      %dma_wait3A_131 = arith.constant 0 : i32
      %dma_wait3A_132 = tpu.memref_slice %arg2[%dma_wait3A_130, %dma_wait3A_131] : memref<10000x128xf32, #tpu.memory_space<hbm>> -> memref<10000x128xf32, #tpu.memory_space<hbm>>
      tpu.wait_indirect_dma semaphore(%arg12 : memref<!tpu.dma_semaphore, #tpu.memory_space<semaphore_mem>>) src(%dma_wait3A_132 : memref<10000x128xf32, #tpu.memory_space<hbm>>) dst(%arg9 : memref<128x128xf32, #tpu.memory_space<vmem>>)
      %run_scoped3A_133 = arith.constant 5 : i32
      "tpu.region"() ({
        %run_scoped3A_178 = tpu.sem_alloc : memref<!tpu.dma_semaphore, #tpu.memory_space<semaphore_mem>>
        %dma_start3A_179 = arith.constant 0 : i32
        %dma_start3A_180 = tpu.memref_slice %arg7[%run_scoped3A_133, %dma_start3A_179] : memref<8x128xi32, #tpu.memory_space<vmem>> -> memref<1x128xi32, #tpu.memory_space<vmem>>
        %dma_start3A_181 = tpu.memref_squeeze %dma_start3A_180 : memref<1x128xi32, #tpu.memory_space<vmem>> -> memref<128xi32, #tpu.memory_space<vmem>>
        %dma_start3A_182 = arith.constant 0 : i32
        %dma_start3A_183 = arith.constant 0 : i32
        %dma_start3A_184 = tpu.memref_slice %arg10[%dma_start3A_182, %dma_start3A_183] : memref<10240x128xf32, #tpu.memory_space<vmem_shared>> -> memref<10240x128xf32, #tpu.memory_space<vmem_shared>>
        tpu.enqueue_indirect_dma source(%arg9 : memref<128x128xf32, #tpu.memory_space<vmem>>) target(%dma_start3A_184 : memref<10240x128xf32, #tpu.memory_space<vmem_shared>>) offsets(%dma_start3A_181 : memref<128xi32, #tpu.memory_space<vmem>>) semaphore(%run_scoped3A_178 : memref<!tpu.dma_semaphore, #tpu.memory_space<semaphore_mem>>) {add = true}
        %dma_wait3A_185 = arith.constant 0 : i32
        %dma_wait3A_186 = tpu.memref_slice %arg7[%run_scoped3A_133, %dma_wait3A_185] : memref<8x128xi32, #tpu.memory_space<vmem>> -> memref<1x128xi32, #tpu.memory_space<vmem>>
        %dma_wait3A_187 = tpu.memref_squeeze %dma_wait3A_186 : memref<1x128xi32, #tpu.memory_space<vmem>> -> memref<128xi32, #tpu.memory_space<vmem>>
        %dma_wait3A_188 = arith.constant 0 : i32
        %dma_wait3A_189 = arith.constant 0 : i32
        %dma_wait3A_190 = tpu.memref_slice %arg10[%dma_wait3A_188, %dma_wait3A_189] : memref<10240x128xf32, #tpu.memory_space<vmem_shared>> -> memref<10240x128xf32, #tpu.memory_space<vmem_shared>>
        tpu.wait_indirect_dma semaphore(%run_scoped3A_178 : memref<!tpu.dma_semaphore, #tpu.memory_space<semaphore_mem>>) src(%arg9 : memref<128x128xf32, #tpu.memory_space<vmem>>) dst(%dma_wait3A_190 : memref<10240x128xf32, #tpu.memory_space<vmem_shared>>)
        tpu.yield
      }) : () -> ()
      %dma_start3A_134 = arith.constant 3 : i32
      %dma_start3A_135 = arith.constant 0 : i32
      %dma_start3A_136 = tpu.memref_slice %arg7[%dma_start3A_134, %dma_start3A_135] : memref<8x128xi32, #tpu.memory_space<vmem>> -> memref<1x128xi32, #tpu.memory_space<vmem>>
      %dma_start3A_137 = tpu.memref_squeeze %dma_start3A_136 : memref<1x128xi32, #tpu.memory_space<vmem>> -> memref<128xi32, #tpu.memory_space<vmem>>
      %dma_start3A_138 = arith.constant 0 : i32
      %dma_start3A_139 = arith.constant 0 : i32
      %dma_start3A_140 = tpu.memref_slice %arg2[%dma_start3A_138, %dma_start3A_139] : memref<10000x128xf32, #tpu.memory_space<hbm>> -> memref<10000x128xf32, #tpu.memory_space<hbm>>
      tpu.enqueue_indirect_dma source(%dma_start3A_140 : memref<10000x128xf32, #tpu.memory_space<hbm>>) target(%arg9 : memref<128x128xf32, #tpu.memory_space<vmem>>) offsets(%dma_start3A_137 : memref<128xi32, #tpu.memory_space<vmem>>) semaphore(%arg12 : memref<!tpu.dma_semaphore, #tpu.memory_space<semaphore_mem>>)
      %dma_wait3A_141 = arith.constant 0 : i32
      %dma_wait3A_142 = arith.constant 0 : i32
      %dma_wait3A_143 = tpu.memref_slice %arg6[%dma_wait3A_141, %dma_wait3A_142] : memref<8x128xi32, #tpu.memory_space<vmem>> -> memref<1x128xi32, #tpu.memory_space<vmem>>
      %dma_wait3A_144 = tpu.memref_squeeze %dma_wait3A_143 : memref<1x128xi32, #tpu.memory_space<vmem>> -> memref<128xi32, #tpu.memory_space<vmem>>
      %dma_wait3A_145 = arith.constant 0 : i32
      %dma_wait3A_146 = arith.constant 0 : i32
      %dma_wait3A_147 = tpu.memref_slice %arg2[%dma_wait3A_145, %dma_wait3A_146] : memref<10000x128xf32, #tpu.memory_space<hbm>> -> memref<10000x128xf32, #tpu.memory_space<hbm>>
      tpu.wait_indirect_dma semaphore(%arg11 : memref<!tpu.dma_semaphore, #tpu.memory_space<semaphore_mem>>) src(%dma_wait3A_147 : memref<10000x128xf32, #tpu.memory_space<hbm>>) dst(%arg8 : memref<128x128xf32, #tpu.memory_space<vmem>>)
      %run_scoped3A_148 = arith.constant 6 : i32
      "tpu.region"() ({
        %run_scoped3A_178 = tpu.sem_alloc : memref<!tpu.dma_semaphore, #tpu.memory_space<semaphore_mem>>
        %dma_start3A_179 = arith.constant 0 : i32
        %dma_start3A_180 = tpu.memref_slice %arg7[%run_scoped3A_148, %dma_start3A_179] : memref<8x128xi32, #tpu.memory_space<vmem>> -> memref<1x128xi32, #tpu.memory_space<vmem>>
        %dma_start3A_181 = tpu.memref_squeeze %dma_start3A_180 : memref<1x128xi32, #tpu.memory_space<vmem>> -> memref<128xi32, #tpu.memory_space<vmem>>
        %dma_start3A_182 = arith.constant 0 : i32
        %dma_start3A_183 = arith.constant 0 : i32
        %dma_start3A_184 = tpu.memref_slice %arg10[%dma_start3A_182, %dma_start3A_183] : memref<10240x128xf32, #tpu.memory_space<vmem_shared>> -> memref<10240x128xf32, #tpu.memory_space<vmem_shared>>
        tpu.enqueue_indirect_dma source(%arg8 : memref<128x128xf32, #tpu.memory_space<vmem>>) target(%dma_start3A_184 : memref<10240x128xf32, #tpu.memory_space<vmem_shared>>) offsets(%dma_start3A_181 : memref<128xi32, #tpu.memory_space<vmem>>) semaphore(%run_scoped3A_178 : memref<!tpu.dma_semaphore, #tpu.memory_space<semaphore_mem>>) {add = true}
        %dma_wait3A_185 = arith.constant 0 : i32
        %dma_wait3A_186 = tpu.memref_slice %arg7[%run_scoped3A_148, %dma_wait3A_185] : memref<8x128xi32, #tpu.memory_space<vmem>> -> memref<1x128xi32, #tpu.memory_space<vmem>>
        %dma_wait3A_187 = tpu.memref_squeeze %dma_wait3A_186 : memref<1x128xi32, #tpu.memory_space<vmem>> -> memref<128xi32, #tpu.memory_space<vmem>>
        %dma_wait3A_188 = arith.constant 0 : i32
        %dma_wait3A_189 = arith.constant 0 : i32
        %dma_wait3A_190 = tpu.memref_slice %arg10[%dma_wait3A_188, %dma_wait3A_189] : memref<10240x128xf32, #tpu.memory_space<vmem_shared>> -> memref<10240x128xf32, #tpu.memory_space<vmem_shared>>
        tpu.wait_indirect_dma semaphore(%run_scoped3A_178 : memref<!tpu.dma_semaphore, #tpu.memory_space<semaphore_mem>>) src(%arg8 : memref<128x128xf32, #tpu.memory_space<vmem>>) dst(%dma_wait3A_190 : memref<10240x128xf32, #tpu.memory_space<vmem_shared>>)
        tpu.yield
      }) : () -> ()
      %add3A_149 = arith.constant 1 : i32
      %add3A_150 = arith.addi %scan3A_40, %add3A_149 : i32
      %lt3A_151 = arith.constant 10 : i32
      %lt3A_152 = arith.cmpi slt, %add3A_150, %lt3A_151 : i32
      %convert_element_type3A_153 = arith.extui %lt3A_152 : i1 to i32
      %cond3A_154 = arith.constant 0 : i32
      %cond3A_155 = arith.cmpi ne, %convert_element_type3A_153, %cond3A_154 : i32
      scf.if %cond3A_155 {
        %dma_wait3A_178 = arith.constant 0 : i32
        %dma_wait3A_179 = arith.constant 0 : i32
        %dma_wait3A_180 = tpu.memref_slice %arg3[%mul3A_6, %dma_wait3A_178, %dma_wait3A_179] : memref<640x8x128xi32, #tpu.memory_space<hbm>> -> memref<1x8x128xi32, #tpu.memory_space<hbm>>
        %dma_wait3A_181 = tpu.memref_squeeze %dma_wait3A_180 : memref<1x8x128xi32, #tpu.memory_space<hbm>> -> memref<8x128xi32, #tpu.memory_space<hbm>>
        %dma_wait3A_182 = arith.constant 0 : i32
        %dma_wait3A_183 = arith.constant 0 : i32
        %dma_wait3A_184 = tpu.memref_slice %arg3[%mul3A_6, %dma_wait3A_182, %dma_wait3A_183] : memref<640x8x128xi32, #tpu.memory_space<hbm>> -> memref<1x8x128xi32, #tpu.memory_space<hbm>>
        %dma_wait3A_185 = tpu.memref_squeeze %dma_wait3A_184 : memref<1x8x128xi32, #tpu.memory_space<hbm>> -> memref<8x128xi32, #tpu.memory_space<hbm>>
        tpu.wait_dma2 semaphore(%arg13 : memref<!tpu.dma_semaphore, #tpu.memory_space<semaphore_mem>>) src(%dma_wait3A_185 : memref<8x128xi32, #tpu.memory_space<hbm>>) dst(%arg6 : memref<8x128xi32, #tpu.memory_space<vmem>>)
        %dma_start3A_186 = arith.constant 0 : i32
        %dma_start3A_187 = arith.constant 0 : i32
        %dma_start3A_188 = tpu.memref_slice %arg6[%dma_start3A_186, %dma_start3A_187] : memref<8x128xi32, #tpu.memory_space<vmem>> -> memref<1x128xi32, #tpu.memory_space<vmem>>
        %dma_start3A_189 = tpu.memref_squeeze %dma_start3A_188 : memref<1x128xi32, #tpu.memory_space<vmem>> -> memref<128xi32, #tpu.memory_space<vmem>>
        %dma_start3A_190 = arith.constant 0 : i32
        %dma_start3A_191 = arith.constant 0 : i32
        %dma_start3A_192 = tpu.memref_slice %arg2[%dma_start3A_190, %dma_start3A_191] : memref<10000x128xf32, #tpu.memory_space<hbm>> -> memref<10000x128xf32, #tpu.memory_space<hbm>>
        tpu.enqueue_indirect_dma source(%dma_start3A_192 : memref<10000x128xf32, #tpu.memory_space<hbm>>) target(%arg8 : memref<128x128xf32, #tpu.memory_space<vmem>>) offsets(%dma_start3A_189 : memref<128xi32, #tpu.memory_space<vmem>>) semaphore(%arg11 : memref<!tpu.dma_semaphore, #tpu.memory_space<semaphore_mem>>)
      } else {
      }
      %dma_wait3A_156 = arith.constant 0 : i32
      %dma_wait3A_157 = arith.constant 0 : i32
      %dma_wait3A_158 = tpu.memref_slice %arg6[%dma_wait3A_156, %dma_wait3A_157] : memref<8x128xi32, #tpu.memory_space<vmem>> -> memref<1x128xi32, #tpu.memory_space<vmem>>
      %dma_wait3A_159 = tpu.memref_squeeze %dma_wait3A_158 : memref<1x128xi32, #tpu.memory_space<vmem>> -> memref<128xi32, #tpu.memory_space<vmem>>
      %dma_wait3A_160 = arith.constant 0 : i32
      %dma_wait3A_161 = arith.constant 0 : i32
      %dma_wait3A_162 = tpu.memref_slice %arg2[%dma_wait3A_160, %dma_wait3A_161] : memref<10000x128xf32, #tpu.memory_space<hbm>> -> memref<10000x128xf32, #tpu.memory_space<hbm>>
      tpu.wait_indirect_dma semaphore(%arg12 : memref<!tpu.dma_semaphore, #tpu.memory_space<semaphore_mem>>) src(%dma_wait3A_162 : memref<10000x128xf32, #tpu.memory_space<hbm>>) dst(%arg9 : memref<128x128xf32, #tpu.memory_space<vmem>>)
      %run_scoped3A_163 = arith.constant 7 : i32
      "tpu.region"() ({
        %run_scoped3A_178 = tpu.sem_alloc : memref<!tpu.dma_semaphore, #tpu.memory_space<semaphore_mem>>
        %dma_start3A_179 = arith.constant 0 : i32
        %dma_start3A_180 = tpu.memref_slice %arg7[%run_scoped3A_163, %dma_start3A_179] : memref<8x128xi32, #tpu.memory_space<vmem>> -> memref<1x128xi32, #tpu.memory_space<vmem>>
        %dma_start3A_181 = tpu.memref_squeeze %dma_start3A_180 : memref<1x128xi32, #tpu.memory_space<vmem>> -> memref<128xi32, #tpu.memory_space<vmem>>
        %dma_start3A_182 = arith.constant 0 : i32
        %dma_start3A_183 = arith.constant 0 : i32
        %dma_start3A_184 = tpu.memref_slice %arg10[%dma_start3A_182, %dma_start3A_183] : memref<10240x128xf32, #tpu.memory_space<vmem_shared>> -> memref<10240x128xf32, #tpu.memory_space<vmem_shared>>
        tpu.enqueue_indirect_dma source(%arg9 : memref<128x128xf32, #tpu.memory_space<vmem>>) target(%dma_start3A_184 : memref<10240x128xf32, #tpu.memory_space<vmem_shared>>) offsets(%dma_start3A_181 : memref<128xi32, #tpu.memory_space<vmem>>) semaphore(%run_scoped3A_178 : memref<!tpu.dma_semaphore, #tpu.memory_space<semaphore_mem>>) {add = true}
        %dma_wait3A_185 = arith.constant 0 : i32
        %dma_wait3A_186 = tpu.memref_slice %arg7[%run_scoped3A_163, %dma_wait3A_185] : memref<8x128xi32, #tpu.memory_space<vmem>> -> memref<1x128xi32, #tpu.memory_space<vmem>>
        %dma_wait3A_187 = tpu.memref_squeeze %dma_wait3A_186 : memref<1x128xi32, #tpu.memory_space<vmem>> -> memref<128xi32, #tpu.memory_space<vmem>>
        %dma_wait3A_188 = arith.constant 0 : i32
        %dma_wait3A_189 = arith.constant 0 : i32
        %dma_wait3A_190 = tpu.memref_slice %arg10[%dma_wait3A_188, %dma_wait3A_189] : memref<10240x128xf32, #tpu.memory_space<vmem_shared>> -> memref<10240x128xf32, #tpu.memory_space<vmem_shared>>
        tpu.wait_indirect_dma semaphore(%run_scoped3A_178 : memref<!tpu.dma_semaphore, #tpu.memory_space<semaphore_mem>>) src(%arg9 : memref<128x128xf32, #tpu.memory_space<vmem>>) dst(%dma_wait3A_190 : memref<10240x128xf32, #tpu.memory_space<vmem_shared>>)
        tpu.yield
      }) : () -> ()
      %add3A_164 = arith.constant 1 : i32
      %add3A_165 = arith.addi %scan3A_40, %add3A_164 : i32
      %lt3A_166 = arith.constant 10 : i32
      %lt3A_167 = arith.cmpi slt, %add3A_165, %lt3A_166 : i32
      %convert_element_type3A_168 = arith.extui %lt3A_167 : i1 to i32
      %cond3A_169 = arith.constant 0 : i32
      %cond3A_170 = arith.cmpi ne, %convert_element_type3A_168, %cond3A_169 : i32
      scf.if %cond3A_170 {
        %dma_start3A_178 = arith.constant 1 : i32
        %dma_start3A_179 = arith.constant 0 : i32
        %dma_start3A_180 = tpu.memref_slice %arg6[%dma_start3A_178, %dma_start3A_179] : memref<8x128xi32, #tpu.memory_space<vmem>> -> memref<1x128xi32, #tpu.memory_space<vmem>>
        %dma_start3A_181 = tpu.memref_squeeze %dma_start3A_180 : memref<1x128xi32, #tpu.memory_space<vmem>> -> memref<128xi32, #tpu.memory_space<vmem>>
        %dma_start3A_182 = arith.constant 0 : i32
        %dma_start3A_183 = arith.constant 0 : i32
        %dma_start3A_184 = tpu.memref_slice %arg2[%dma_start3A_182, %dma_start3A_183] : memref<10000x128xf32, #tpu.memory_space<hbm>> -> memref<10000x128xf32, #tpu.memory_space<hbm>>
        tpu.enqueue_indirect_dma source(%dma_start3A_184 : memref<10000x128xf32, #tpu.memory_space<hbm>>) target(%arg9 : memref<128x128xf32, #tpu.memory_space<vmem>>) offsets(%dma_start3A_181 : memref<128xi32, #tpu.memory_space<vmem>>) semaphore(%arg12 : memref<!tpu.dma_semaphore, #tpu.memory_space<semaphore_mem>>)
      } else {
      }
      %add3A_171 = arith.constant 1 : i32
      %add3A_172 = arith.addi %scan3A_40, %add3A_171 : i32
      %lt3A_173 = arith.constant 10 : i32
      %lt3A_174 = arith.cmpi slt, %add3A_172, %lt3A_173 : i32
      %convert_element_type3A_175 = arith.extui %lt3A_174 : i1 to i32
      %cond3A_176 = arith.constant 0 : i32
      %cond3A_177 = arith.cmpi ne, %convert_element_type3A_175, %cond3A_176 : i32
      scf.if %cond3A_177 {
        %mul3A_178 = arith.constant 2 : i32
        %mul3A_179 = arith.muli %mul3A_178, %scan3A_40 : i32
        %add3A_180 = arith.constant 3 : i32
        %add3A_181 = arith.addi %mul3A_179, %add3A_180 : i32
        %add3A_182 = arith.addi %mul3A_6, %add3A_181 : i32
        %dma_start3A_183 = arith.constant 0 : i32
        %dma_start3A_184 = arith.constant 0 : i32
        %dma_start3A_185 = tpu.memref_slice %arg3[%add3A_182, %dma_start3A_183, %dma_start3A_184] : memref<640x8x128xi32, #tpu.memory_space<hbm>> -> memref<1x8x128xi32, #tpu.memory_space<hbm>>
        %dma_start3A_186 = tpu.memref_squeeze %dma_start3A_185 : memref<1x8x128xi32, #tpu.memory_space<hbm>> -> memref<8x128xi32, #tpu.memory_space<hbm>>
        %dma_start3A_187 = arith.constant 0 : i32
        %dma_start3A_188 = arith.constant 0 : i32
        %dma_start3A_189 = tpu.memref_slice %arg3[%add3A_182, %dma_start3A_187, %dma_start3A_188] : memref<640x8x128xi32, #tpu.memory_space<hbm>> -> memref<1x8x128xi32, #tpu.memory_space<hbm>>
        %dma_start3A_190 = tpu.memref_squeeze %dma_start3A_189 : memref<1x8x128xi32, #tpu.memory_space<hbm>> -> memref<8x128xi32, #tpu.memory_space<hbm>>
        tpu.enqueue_dma source(%dma_start3A_190 : memref<8x128xi32, #tpu.memory_space<hbm>>) target(%arg7 : memref<8x128xi32, #tpu.memory_space<vmem>>) target_semaphore(%arg14 : memref<!tpu.dma_semaphore, #tpu.memory_space<semaphore_mem>>)
      } else {
      }
    }
    %scan3A_34 = arith.constant 10 : i32
    %barrier3A_35 = arith.constant 0 : index
    tpu.barrier barrier_id(%barrier3A_35)
    %mul3A_36 = arith.constant 640 : i32
    %mul3A_37 = arith.muli %arg1, %mul3A_36 : i32
    %mul3A_38 = arith.constant 640 : i32
    %mul3A_39 = arith.muli %arg1, %mul3A_38 : i32
    "tpu.region"() ({
      %run_scoped3A = tpu.sem_alloc : memref<!tpu.dma_semaphore, #tpu.memory_space<semaphore_mem>>
      %dma_start3A_40 = arith.constant 0 : i32
      %dma_start3A_41 = tpu.memref_slice %arg5[%arg0, %mul3A_39, %dma_start3A_40] : memref<2x10240x128xf32, #tpu.memory_space<hbm>> -> memref<1x640x128xf32, #tpu.memory_space<hbm>>
      %dma_start3A_42 = tpu.memref_squeeze %dma_start3A_41 : memref<1x640x128xf32, #tpu.memory_space<hbm>> -> memref<640x128xf32, #tpu.memory_space<hbm>>
      %dma_start3A_43 = arith.constant 0 : i32
      %dma_start3A_44 = tpu.memref_slice %arg10[%mul3A_37, %dma_start3A_43] : memref<10240x128xf32, #tpu.memory_space<vmem_shared>> -> memref<640x128xf32, #tpu.memory_space<vmem_shared>>
      tpu.enqueue_dma source(%dma_start3A_44 : memref<640x128xf32, #tpu.memory_space<vmem_shared>>) target(%dma_start3A_42 : memref<640x128xf32, #tpu.memory_space<hbm>>) target_semaphore(%run_scoped3A : memref<!tpu.dma_semaphore, #tpu.memory_space<semaphore_mem>>)
      %dma_wait3A = arith.constant 0 : i32
      %dma_wait3A_45 = tpu.memref_slice %arg5[%arg0, %mul3A_39, %dma_wait3A] : memref<2x10240x128xf32, #tpu.memory_space<hbm>> -> memref<1x640x128xf32, #tpu.memory_space<hbm>>
      %dma_wait3A_46 = tpu.memref_squeeze %dma_wait3A_45 : memref<1x640x128xf32, #tpu.memory_space<hbm>> -> memref<640x128xf32, #tpu.memory_space<hbm>>
      %dma_wait3A_47 = arith.constant 0 : i32
      %dma_wait3A_48 = tpu.memref_slice %arg10[%mul3A_37, %dma_wait3A_47] : memref<10240x128xf32, #tpu.memory_space<vmem_shared>> -> memref<640x128xf32, #tpu.memory_space<vmem_shared>>
      tpu.wait_dma2 semaphore(%run_scoped3A : memref<!tpu.dma_semaphore, #tpu.memory_space<semaphore_mem>>) src(%dma_wait3A_48 : memref<640x128xf32, #tpu.memory_space<vmem_shared>>) dst(%dma_wait3A_46 : memref<640x128xf32, #tpu.memory_space<hbm>>)
      tpu.yield
    }) : () -> ()
    return
  }
}

#map = affine_map<(d0, d1) -> (0, 0)>
#map1 = affine_map<(d0, d1) -> (0, 0, 0)>
module attributes {stable_mosaic.version = 14 : i64} {
  func.func @_segment_sum_sc(%arg0: i32, %arg1: i32, %arg2: memref<10000x128xf32, #tpu.memory_space<hbm>>, %arg3: memref<640x8x128xi32, #tpu.memory_space<hbm>>, %arg4: memref<10240x128xf32, #tpu.memory_space<hbm>>, %arg5: memref<2x10240x128xf32, #tpu.memory_space<hbm>>, %arg6: memref<8x128xi32, #tpu.memory_space<vmem>>, %arg7: memref<8x128xi32, #tpu.memory_space<vmem>>, %arg8: memref<128x128xf32, #tpu.memory_space<vmem>>, %arg9: memref<128x128xf32, #tpu.memory_space<vmem>>, %arg10: memref<10240x128xf32, #tpu.memory_space<vmem_shared>>, %arg11: memref<!tpu.dma_semaphore, #tpu.memory_space<semaphore_mem>>, %arg12: memref<!tpu.dma_semaphore, #tpu.memory_space<semaphore_mem>>, %arg13: memref<!tpu.dma_semaphore, #tpu.memory_space<semaphore_mem>>, %arg14: memref<!tpu.dma_semaphore, #tpu.memory_space<semaphore_mem>>) attributes {dimension_semantics = [#tpu.dimension_semantics<core_parallel>, #tpu.dimension_semantics<subcore_parallel>], iteration_bounds = array<i64: 2, 16>, scalar_prefetch = 0 : i64, scratch_operands = 9 : i64, tpu.core_type = #tpu.core_type<sc_vector_subcore>, window_params = [{transform_indices = #map}, {transform_indices = #map1}, {transform_indices = #map}, {transform_indices = #map1}]} {
    %mul3A = arith.constant 2 : i32
    %mul3A_0 = arith.muli %arg1, %mul3A : i32
    %add3A = arith.addi %mul3A_0, %arg0 : i32
    %mul3A_1 = arith.constant 640 : i32
    %mul3A_2 = arith.muli %arg1, %mul3A_1 : i32
    %mul3A_3 = arith.constant 640 : i32
    %mul3A_4 = arith.muli %arg1, %mul3A_3 : i32
    "tpu.region"() ({
      %run_scoped3A = tpu.sem_alloc : memref<!tpu.dma_semaphore, #tpu.memory_space<semaphore_mem>>
      %dma_start3A_40 = arith.constant 0 : i32
      %dma_start3A_41 = tpu.memref_slice %arg10[%mul3A_4, %dma_start3A_40] : memref<10240x128xf32, #tpu.memory_space<vmem_shared>> -> memref<640x128xf32, #tpu.memory_space<vmem_shared>>
      %dma_start3A_42 = arith.constant 0 : i32
      %dma_start3A_43 = tpu.memref_slice %arg4[%mul3A_2, %dma_start3A_42] : memref<10240x128xf32, #tpu.memory_space<hbm>> -> memref<640x128xf32, #tpu.memory_space<hbm>>
      tpu.enqueue_dma source(%dma_start3A_43 : memref<640x128xf32, #tpu.memory_space<hbm>>) target(%dma_start3A_41 : memref<640x128xf32, #tpu.memory_space<vmem_shared>>) target_semaphore(%run_scoped3A : memref<!tpu.dma_semaphore, #tpu.memory_space<semaphore_mem>>)
      %dma_wait3A = arith.constant 0 : i32
      %dma_wait3A_44 = tpu.memref_slice %arg10[%mul3A_4, %dma_wait3A] : memref<10240x128xf32, #tpu.memory_space<vmem_shared>> -> memref<640x128xf32, #tpu.memory_space<vmem_shared>>
      %dma_wait3A_45 = arith.constant 0 : i32
      %dma_wait3A_46 = tpu.memref_slice %arg4[%mul3A_2, %dma_wait3A_45] : memref<10240x128xf32, #tpu.memory_space<hbm>> -> memref<640x128xf32, #tpu.memory_space<hbm>>
      tpu.wait_dma2 semaphore(%run_scoped3A : memref<!tpu.dma_semaphore, #tpu.memory_space<semaphore_mem>>) src(%dma_wait3A_46 : memref<640x128xf32, #tpu.memory_space<hbm>>) dst(%dma_wait3A_44 : memref<640x128xf32, #tpu.memory_space<vmem_shared>>)
      tpu.yield
    }) : () -> ()
    %barrier3A = arith.constant 0 : index
    tpu.barrier barrier_id(%barrier3A)
    %mul3A_5 = arith.constant 20 : i32
    %mul3A_6 = arith.muli %add3A, %mul3A_5 : i32
    "tpu.region"() ({
      %run_scoped3A = tpu.sem_alloc : memref<!tpu.dma_semaphore, #tpu.memory_space<semaphore_mem>>
      %dma_start3A_40 = arith.constant 0 : i32
      %dma_start3A_41 = arith.constant 0 : i32
      %dma_start3A_42 = tpu.memref_slice %arg3[%mul3A_6, %dma_start3A_40, %dma_start3A_41] : memref<640x8x128xi32, #tpu.memory_space<hbm>> -> memref<1x8x128xi32, #tpu.memory_space<hbm>>
      %dma_start3A_43 = tpu.memref_squeeze %dma_start3A_42 : memref<1x8x128xi32, #tpu.memory_space<hbm>> -> memref<8x128xi32, #tpu.memory_space<hbm>>
      %dma_start3A_44 = arith.constant 0 : i32
      %dma_start3A_45 = arith.constant 0 : i32
      %dma_start3A_46 = tpu.memref_slice %arg3[%mul3A_6, %dma_start3A_44, %dma_start3A_45] : memref<640x8x128xi32, #tpu.memory_space<hbm>> -> memref<1x8x128xi32, #tpu.memory_space<hbm>>
      %dma_start3A_47 = tpu.memref_squeeze %dma_start3A_46 : memref<1x8x128xi32, #tpu.memory_space<hbm>> -> memref<8x128xi32, #tpu.memory_space<hbm>>
      tpu.enqueue_dma source(%dma_start3A_47 : memref<8x128xi32, #tpu.memory_space<hbm>>) target(%arg6 : memref<8x128xi32, #tpu.memory_space<vmem>>) target_semaphore(%run_scoped3A : memref<!tpu.dma_semaphore, #tpu.memory_space<semaphore_mem>>)
      %dma_wait3A = arith.constant 0 : i32
      %dma_wait3A_48 = arith.constant 0 : i32
      %dma_wait3A_49 = tpu.memref_slice %arg3[%mul3A_6, %dma_wait3A, %dma_wait3A_48] : memref<640x8x128xi32, #tpu.memory_space<hbm>> -> memref<1x8x128xi32, #tpu.memory_space<hbm>>
      %dma_wait3A_50 = tpu.memref_squeeze %dma_wait3A_49 : memref<1x8x128xi32, #tpu.memory_space<hbm>> -> memref<8x128xi32, #tpu.memory_space<hbm>>
      %dma_wait3A_51 = arith.constant 0 : i32
      %dma_wait3A_52 = arith.constant 0 : i32
      %dma_wait3A_53 = tpu.memref_slice %arg3[%mul3A_6, %dma_wait3A_51, %dma_wait3A_52] : memref<640x8x128xi32, #tpu.memory_space<hbm>> -> memref<1x8x128xi32, #tpu.memory_space<hbm>>
      %dma_wait3A_54 = tpu.memref_squeeze %dma_wait3A_53 : memref<1x8x128xi32, #tpu.memory_space<hbm>> -> memref<8x128xi32, #tpu.memory_space<hbm>>
      tpu.wait_dma2 semaphore(%run_scoped3A : memref<!tpu.dma_semaphore, #tpu.memory_space<semaphore_mem>>) src(%dma_wait3A_54 : memref<8x128xi32, #tpu.memory_space<hbm>>) dst(%arg6 : memref<8x128xi32, #tpu.memory_space<vmem>>)
      tpu.yield
    }) : () -> ()
    %add3A_7 = arith.constant 1 : i32
    %add3A_8 = arith.addi %mul3A_6, %add3A_7 : i32
    %dma_start3A = arith.constant 0 : i32
    %dma_start3A_9 = arith.constant 0 : i32
    %dma_start3A_10 = tpu.memref_slice %arg3[%add3A_8, %dma_start3A, %dma_start3A_9] : memref<640x8x128xi32, #tpu.memory_space<hbm>> -> memref<1x8x128xi32, #tpu.memory_space<hbm>>
    %dma_start3A_11 = tpu.memref_squeeze %dma_start3A_10 : memref<1x8x128xi32, #tpu.memory_space<hbm>> -> memref<8x128xi32, #tpu.memory_space<hbm>>
    %dma_start3A_12 = arith.constant 0 : i32
    %dma_start3A_13 = arith.constant 0 : i32
    %dma_start3A_14 = tpu.memref_slice %arg3[%add3A_8, %dma_start3A_12, %dma_start3A_13] : memref<640x8x128xi32, #tpu.memory_space<hbm>> -> memref<1x8x128xi32, #tpu.memory_space<hbm>>
    %dma_start3A_15 = tpu.memref_squeeze %dma_start3A_14 : memref<1x8x128xi32, #tpu.memory_space<hbm>> -> memref<8x128xi32, #tpu.memory_space<hbm>>
    tpu.enqueue_dma source(%dma_start3A_15 : memref<8x128xi32, #tpu.memory_space<hbm>>) target(%arg7 : memref<8x128xi32, #tpu.memory_space<vmem>>) target_semaphore(%arg14 : memref<!tpu.dma_semaphore, #tpu.memory_space<semaphore_mem>>)
    %dma_start3A_16 = arith.constant 0 : i32
    %dma_start3A_17 = arith.constant 0 : i32
    %dma_start3A_18 = tpu.memref_slice %arg6[%dma_start3A_16, %dma_start3A_17] : memref<8x128xi32, #tpu.memory_space<vmem>> -> memref<1x128xi32, #tpu.memory_space<vmem>>
    %dma_start3A_19 = tpu.memref_squeeze %dma_start3A_18 : memref<1x128xi32, #tpu.memory_space<vmem>> -> memref<128xi32, #tpu.memory_space<vmem>>
    %dma_start3A_20 = arith.constant 0 : i32
    %dma_start3A_21 = arith.constant 0 : i32
    %dma_start3A_22 = tpu.memref_slice %arg2[%dma_start3A_20, %dma_start3A_21] : memref<10000x128xf32, #tpu.memory_space<hbm>> -> memref<10000x128xf32, #tpu.memory_space<hbm>>
    tpu.enqueue_indirect_dma source(%dma_start3A_22 : memref<10000x128xf32, #tpu.memory_space<hbm>>) target(%arg8 : memref<128x128xf32, #tpu.memory_space<vmem>>) offsets(%dma_start3A_19 : memref<128xi32, #tpu.memory_space<vmem>>) semaphore(%arg11 : memref<!tpu.dma_semaphore, #tpu.memory_space<semaphore_mem>>)
    %dma_start3A_23 = arith.constant 1 : i32
    %dma_start3A_24 = arith.constant 0 : i32
    %dma_start3A_25 = tpu.memref_slice %arg6[%dma_start3A_23, %dma_start3A_24] : memref<8x128xi32, #tpu.memory_space<vmem>> -> memref<1x128xi32, #tpu.memory_space<vmem>>
    %dma_start3A_26 = tpu.memref_squeeze %dma_start3A_25 : memref<1x128xi32, #tpu.memory_space<vmem>> -> memref<128xi32, #tpu.memory_space<vmem>>
    %dma_start3A_27 = arith.constant 0 : i32
    %dma_start3A_28 = arith.constant 0 : i32
    %dma_start3A_29 = tpu.memref_slice %arg2[%dma_start3A_27, %dma_start3A_28] : memref<10000x128xf32, #tpu.memory_space<hbm>> -> memref<10000x128xf32, #tpu.memory_space<hbm>>
    tpu.enqueue_indirect_dma source(%dma_start3A_29 : memref<10000x128xf32, #tpu.memory_space<hbm>>) target(%arg9 : memref<128x128xf32, #tpu.memory_space<vmem>>) offsets(%dma_start3A_26 : memref<128xi32, #tpu.memory_space<vmem>>) semaphore(%arg12 : memref<!tpu.dma_semaphore, #tpu.memory_space<semaphore_mem>>)
    %scan3A = arith.constant 0 : i32
    %scan3A_30 = arith.constant 0 : i32
    %scan3A_31 = arith.constant 10 : i32
    %scan3A_32 = arith.addi %scan3A_30, %scan3A_31 : i32
    %scan3A_33 = arith.constant 1 : i32
    scf.for %scan3A_40 = %scan3A_30 to %scan3A_32 step %scan3A_33  : i32 {
      %dma_wait3A = arith.constant 0 : i32
      %dma_wait3A_41 = arith.constant 0 : i32
      %dma_wait3A_42 = tpu.memref_slice %arg6[%dma_wait3A, %dma_wait3A_41] : memref<8x128xi32, #tpu.memory_space<vmem>> -> memref<1x128xi32, #tpu.memory_space<vmem>>
      %dma_wait3A_43 = tpu.memref_squeeze %dma_wait3A_42 : memref<1x128xi32, #tpu.memory_space<vmem>> -> memref<128xi32, #tpu.memory_space<vmem>>
      %dma_wait3A_44 = arith.constant 0 : i32
      %dma_wait3A_45 = arith.constant 0 : i32
      %dma_wait3A_46 = tpu.memref_slice %arg2[%dma_wait3A_44, %dma_wait3A_45] : memref<10000x128xf32, #tpu.memory_space<hbm>> -> memref<10000x128xf32, #tpu.memory_space<hbm>>
      tpu.wait_indirect_dma semaphore(%arg11 : memref<!tpu.dma_semaphore, #tpu.memory_space<semaphore_mem>>) src(%dma_wait3A_46 : memref<10000x128xf32, #tpu.memory_space<hbm>>) dst(%arg8 : memref<128x128xf32, #tpu.memory_space<vmem>>)
      %run_scoped3A = arith.constant 4 : i32
      "tpu.region"() ({
        %run_scoped3A_178 = tpu.sem_alloc : memref<!tpu.dma_semaphore, #tpu.memory_space<semaphore_mem>>
        %dma_start3A_179 = arith.constant 0 : i32
        %dma_start3A_180 = tpu.memref_slice %arg6[%run_scoped3A, %dma_start3A_179] : memref<8x128xi32, #tpu.memory_space<vmem>> -> memref<1x128xi32, #tpu.memory_space<vmem>>
        %dma_start3A_181 = tpu.memref_squeeze %dma_start3A_180 : memref<1x128xi32, #tpu.memory_space<vmem>> -> memref<128xi32, #tpu.memory_space<vmem>>
        %dma_start3A_182 = arith.constant 0 : i32
        %dma_start3A_183 = arith.constant 0 : i32
        %dma_start3A_184 = tpu.memref_slice %arg10[%dma_start3A_182, %dma_start3A_183] : memref<10240x128xf32, #tpu.memory_space<vmem_shared>> -> memref<10240x128xf32, #tpu.memory_space<vmem_shared>>
        tpu.enqueue_indirect_dma source(%arg8 : memref<128x128xf32, #tpu.memory_space<vmem>>) target(%dma_start3A_184 : memref<10240x128xf32, #tpu.memory_space<vmem_shared>>) offsets(%dma_start3A_181 : memref<128xi32, #tpu.memory_space<vmem>>) semaphore(%run_scoped3A_178 : memref<!tpu.dma_semaphore, #tpu.memory_space<semaphore_mem>>) {add = true}
        %dma_wait3A_185 = arith.constant 0 : i32
        %dma_wait3A_186 = tpu.memref_slice %arg6[%run_scoped3A, %dma_wait3A_185] : memref<8x128xi32, #tpu.memory_space<vmem>> -> memref<1x128xi32, #tpu.memory_space<vmem>>
        %dma_wait3A_187 = tpu.memref_squeeze %dma_wait3A_186 : memref<1x128xi32, #tpu.memory_space<vmem>> -> memref<128xi32, #tpu.memory_space<vmem>>
        %dma_wait3A_188 = arith.constant 0 : i32
        %dma_wait3A_189 = arith.constant 0 : i32
        %dma_wait3A_190 = tpu.memref_slice %arg10[%dma_wait3A_188, %dma_wait3A_189] : memref<10240x128xf32, #tpu.memory_space<vmem_shared>> -> memref<10240x128xf32, #tpu.memory_space<vmem_shared>>
        tpu.wait_indirect_dma semaphore(%run_scoped3A_178 : memref<!tpu.dma_semaphore, #tpu.memory_space<semaphore_mem>>) src(%arg8 : memref<128x128xf32, #tpu.memory_space<vmem>>) dst(%dma_wait3A_190 : memref<10240x128xf32, #tpu.memory_space<vmem_shared>>)
        tpu.yield
      }) : () -> ()
      %dma_start3A_47 = arith.constant 2 : i32
      %dma_start3A_48 = arith.constant 0 : i32
      %dma_start3A_49 = tpu.memref_slice %arg6[%dma_start3A_47, %dma_start3A_48] : memref<8x128xi32, #tpu.memory_space<vmem>> -> memref<1x128xi32, #tpu.memory_space<vmem>>
      %dma_start3A_50 = tpu.memref_squeeze %dma_start3A_49 : memref<1x128xi32, #tpu.memory_space<vmem>> -> memref<128xi32, #tpu.memory_space<vmem>>
      %dma_start3A_51 = arith.constant 0 : i32
      %dma_start3A_52 = arith.constant 0 : i32
      %dma_start3A_53 = tpu.memref_slice %arg2[%dma_start3A_51, %dma_start3A_52] : memref<10000x128xf32, #tpu.memory_space<hbm>> -> memref<10000x128xf32, #tpu.memory_space<hbm>>
      tpu.enqueue_indirect_dma source(%dma_start3A_53 : memref<10000x128xf32, #tpu.memory_space<hbm>>) target(%arg8 : memref<128x128xf32, #tpu.memory_space<vmem>>) offsets(%dma_start3A_50 : memref<128xi32, #tpu.memory_space<vmem>>) semaphore(%arg11 : memref<!tpu.dma_semaphore, #tpu.memory_space<semaphore_mem>>)
      %dma_wait3A_54 = arith.constant 0 : i32
      %dma_wait3A_55 = arith.constant 0 : i32
      %dma_wait3A_56 = tpu.memref_slice %arg6[%dma_wait3A_54, %dma_wait3A_55] : memref<8x128xi32, #tpu.memory_space<vmem>> -> memref<1x128xi32, #tpu.memory_space<vmem>>
      %dma_wait3A_57 = tpu.memref_squeeze %dma_wait3A_56 : memref<1x128xi32, #tpu.memory_space<vmem>> -> memref<128xi32, #tpu.memory_space<vmem>>
      %dma_wait3A_58 = arith.constant 0 : i32
      %dma_wait3A_59 = arith.constant 0 : i32
      %dma_wait3A_60 = tpu.memref_slice %arg2[%dma_wait3A_58, %dma_wait3A_59] : memref<10000x128xf32, #tpu.memory_space<hbm>> -> memref<10000x128xf32, #tpu.memory_space<hbm>>
      tpu.wait_indirect_dma semaphore(%arg12 : memref<!tpu.dma_semaphore, #tpu.memory_space<semaphore_mem>>) src(%dma_wait3A_60 : memref<10000x128xf32, #tpu.memory_space<hbm>>) dst(%arg9 : memref<128x128xf32, #tpu.memory_space<vmem>>)
      %run_scoped3A_61 = arith.constant 5 : i32
      "tpu.region"() ({
        %run_scoped3A_178 = tpu.sem_alloc : memref<!tpu.dma_semaphore, #tpu.memory_space<semaphore_mem>>
        %dma_start3A_179 = arith.constant 0 : i32
        %dma_start3A_180 = tpu.memref_slice %arg6[%run_scoped3A_61, %dma_start3A_179] : memref<8x128xi32, #tpu.memory_space<vmem>> -> memref<1x128xi32, #tpu.memory_space<vmem>>
        %dma_start3A_181 = tpu.memref_squeeze %dma_start3A_180 : memref<1x128xi32, #tpu.memory_space<vmem>> -> memref<128xi32, #tpu.memory_space<vmem>>
        %dma_start3A_182 = arith.constant 0 : i32
        %dma_start3A_183 = arith.constant 0 : i32
        %dma_start3A_184 = tpu.memref_slice %arg10[%dma_start3A_182, %dma_start3A_183] : memref<10240x128xf32, #tpu.memory_space<vmem_shared>> -> memref<10240x128xf32, #tpu.memory_space<vmem_shared>>
        tpu.enqueue_indirect_dma source(%arg9 : memref<128x128xf32, #tpu.memory_space<vmem>>) target(%dma_start3A_184 : memref<10240x128xf32, #tpu.memory_space<vmem_shared>>) offsets(%dma_start3A_181 : memref<128xi32, #tpu.memory_space<vmem>>) semaphore(%run_scoped3A_178 : memref<!tpu.dma_semaphore, #tpu.memory_space<semaphore_mem>>) {add = true}
        %dma_wait3A_185 = arith.constant 0 : i32
        %dma_wait3A_186 = tpu.memref_slice %arg6[%run_scoped3A_61, %dma_wait3A_185] : memref<8x128xi32, #tpu.memory_space<vmem>> -> memref<1x128xi32, #tpu.memory_space<vmem>>
        %dma_wait3A_187 = tpu.memref_squeeze %dma_wait3A_186 : memref<1x128xi32, #tpu.memory_space<vmem>> -> memref<128xi32, #tpu.memory_space<vmem>>
        %dma_wait3A_188 = arith.constant 0 : i32
        %dma_wait3A_189 = arith.constant 0 : i32
        %dma_wait3A_190 = tpu.memref_slice %arg10[%dma_wait3A_188, %dma_wait3A_189] : memref<10240x128xf32, #tpu.memory_space<vmem_shared>> -> memref<10240x128xf32, #tpu.memory_space<vmem_shared>>
        tpu.wait_indirect_dma semaphore(%run_scoped3A_178 : memref<!tpu.dma_semaphore, #tpu.memory_space<semaphore_mem>>) src(%arg9 : memref<128x128xf32, #tpu.memory_space<vmem>>) dst(%dma_wait3A_190 : memref<10240x128xf32, #tpu.memory_space<vmem_shared>>)
        tpu.yield
      }) : () -> ()
      %dma_start3A_62 = arith.constant 3 : i32
      %dma_start3A_63 = arith.constant 0 : i32
      %dma_start3A_64 = tpu.memref_slice %arg6[%dma_start3A_62, %dma_start3A_63] : memref<8x128xi32, #tpu.memory_space<vmem>> -> memref<1x128xi32, #tpu.memory_space<vmem>>
      %dma_start3A_65 = tpu.memref_squeeze %dma_start3A_64 : memref<1x128xi32, #tpu.memory_space<vmem>> -> memref<128xi32, #tpu.memory_space<vmem>>
      %dma_start3A_66 = arith.constant 0 : i32
      %dma_start3A_67 = arith.constant 0 : i32
      %dma_start3A_68 = tpu.memref_slice %arg2[%dma_start3A_66, %dma_start3A_67] : memref<10000x128xf32, #tpu.memory_space<hbm>> -> memref<10000x128xf32, #tpu.memory_space<hbm>>
      tpu.enqueue_indirect_dma source(%dma_start3A_68 : memref<10000x128xf32, #tpu.memory_space<hbm>>) target(%arg9 : memref<128x128xf32, #tpu.memory_space<vmem>>) offsets(%dma_start3A_65 : memref<128xi32, #tpu.memory_space<vmem>>) semaphore(%arg12 : memref<!tpu.dma_semaphore, #tpu.memory_space<semaphore_mem>>)
      %dma_wait3A_69 = arith.constant 0 : i32
      %dma_wait3A_70 = arith.constant 0 : i32
      %dma_wait3A_71 = tpu.memref_slice %arg6[%dma_wait3A_69, %dma_wait3A_70] : memref<8x128xi32, #tpu.memory_space<vmem>> -> memref<1x128xi32, #tpu.memory_space<vmem>>
      %dma_wait3A_72 = tpu.memref_squeeze %dma_wait3A_71 : memref<1x128xi32, #tpu.memory_space<vmem>> -> memref<128xi32, #tpu.memory_space<vmem>>
      %dma_wait3A_73 = arith.constant 0 : i32
      %dma_wait3A_74 = arith.constant 0 : i32
      %dma_wait3A_75 = tpu.memref_slice %arg2[%dma_wait3A_73, %dma_wait3A_74] : memref<10000x128xf32, #tpu.memory_space<hbm>> -> memref<10000x128xf32, #tpu.memory_space<hbm>>
      tpu.wait_indirect_dma semaphore(%arg11 : memref<!tpu.dma_semaphore, #tpu.memory_space<semaphore_mem>>) src(%dma_wait3A_75 : memref<10000x128xf32, #tpu.memory_space<hbm>>) dst(%arg8 : memref<128x128xf32, #tpu.memory_space<vmem>>)
      %run_scoped3A_76 = arith.constant 6 : i32
      "tpu.region"() ({
        %run_scoped3A_178 = tpu.sem_alloc : memref<!tpu.dma_semaphore, #tpu.memory_space<semaphore_mem>>
        %dma_start3A_179 = arith.constant 0 : i32
        %dma_start3A_180 = tpu.memref_slice %arg6[%run_scoped3A_76, %dma_start3A_179] : memref<8x128xi32, #tpu.memory_space<vmem>> -> memref<1x128xi32, #tpu.memory_space<vmem>>
        %dma_start3A_181 = tpu.memref_squeeze %dma_start3A_180 : memref<1x128xi32, #tpu.memory_space<vmem>> -> memref<128xi32, #tpu.memory_space<vmem>>
        %dma_start3A_182 = arith.constant 0 : i32
        %dma_start3A_183 = arith.constant 0 : i32
        %dma_start3A_184 = tpu.memref_slice %arg10[%dma_start3A_182, %dma_start3A_183] : memref<10240x128xf32, #tpu.memory_space<vmem_shared>> -> memref<10240x128xf32, #tpu.memory_space<vmem_shared>>
        tpu.enqueue_indirect_dma source(%arg8 : memref<128x128xf32, #tpu.memory_space<vmem>>) target(%dma_start3A_184 : memref<10240x128xf32, #tpu.memory_space<vmem_shared>>) offsets(%dma_start3A_181 : memref<128xi32, #tpu.memory_space<vmem>>) semaphore(%run_scoped3A_178 : memref<!tpu.dma_semaphore, #tpu.memory_space<semaphore_mem>>) {add = true}
        %dma_wait3A_185 = arith.constant 0 : i32
        %dma_wait3A_186 = tpu.memref_slice %arg6[%run_scoped3A_76, %dma_wait3A_185] : memref<8x128xi32, #tpu.memory_space<vmem>> -> memref<1x128xi32, #tpu.memory_space<vmem>>
        %dma_wait3A_187 = tpu.memref_squeeze %dma_wait3A_186 : memref<1x128xi32, #tpu.memory_space<vmem>> -> memref<128xi32, #tpu.memory_space<vmem>>
        %dma_wait3A_188 = arith.constant 0 : i32
        %dma_wait3A_189 = arith.constant 0 : i32
        %dma_wait3A_190 = tpu.memref_slice %arg10[%dma_wait3A_188, %dma_wait3A_189] : memref<10240x128xf32, #tpu.memory_space<vmem_shared>> -> memref<10240x128xf32, #tpu.memory_space<vmem_shared>>
        tpu.wait_indirect_dma semaphore(%run_scoped3A_178 : memref<!tpu.dma_semaphore, #tpu.memory_space<semaphore_mem>>) src(%arg8 : memref<128x128xf32, #tpu.memory_space<vmem>>) dst(%dma_wait3A_190 : memref<10240x128xf32, #tpu.memory_space<vmem_shared>>)
        tpu.yield
      }) : () -> ()
      %dma_wait3A_77 = arith.constant 0 : i32
      %dma_wait3A_78 = arith.constant 0 : i32
      %dma_wait3A_79 = tpu.memref_slice %arg3[%mul3A_6, %dma_wait3A_77, %dma_wait3A_78] : memref<640x8x128xi32, #tpu.memory_space<hbm>> -> memref<1x8x128xi32, #tpu.memory_space<hbm>>
      %dma_wait3A_80 = tpu.memref_squeeze %dma_wait3A_79 : memref<1x8x128xi32, #tpu.memory_space<hbm>> -> memref<8x128xi32, #tpu.memory_space<hbm>>
      %dma_wait3A_81 = arith.constant 0 : i32
      %dma_wait3A_82 = arith.constant 0 : i32
      %dma_wait3A_83 = tpu.memref_slice %arg3[%mul3A_6, %dma_wait3A_81, %dma_wait3A_82] : memref<640x8x128xi32, #tpu.memory_space<hbm>> -> memref<1x8x128xi32, #tpu.memory_space<hbm>>
      %dma_wait3A_84 = tpu.memref_squeeze %dma_wait3A_83 : memref<1x8x128xi32, #tpu.memory_space<hbm>> -> memref<8x128xi32, #tpu.memory_space<hbm>>
      tpu.wait_dma2 semaphore(%arg14 : memref<!tpu.dma_semaphore, #tpu.memory_space<semaphore_mem>>) src(%dma_wait3A_84 : memref<8x128xi32, #tpu.memory_space<hbm>>) dst(%arg7 : memref<8x128xi32, #tpu.memory_space<vmem>>)
      %dma_start3A_85 = arith.constant 0 : i32
      %dma_start3A_86 = arith.constant 0 : i32
      %dma_start3A_87 = tpu.memref_slice %arg7[%dma_start3A_85, %dma_start3A_86] : memref<8x128xi32, #tpu.memory_space<vmem>> -> memref<1x128xi32, #tpu.memory_space<vmem>>
      %dma_start3A_88 = tpu.memref_squeeze %dma_start3A_87 : memref<1x128xi32, #tpu.memory_space<vmem>> -> memref<128xi32, #tpu.memory_space<vmem>>
      %dma_start3A_89 = arith.constant 0 : i32
      %dma_start3A_90 = arith.constant 0 : i32
      %dma_start3A_91 = tpu.memref_slice %arg2[%dma_start3A_89, %dma_start3A_90] : memref<10000x128xf32, #tpu.memory_space<hbm>> -> memref<10000x128xf32, #tpu.memory_space<hbm>>
      tpu.enqueue_indirect_dma source(%dma_start3A_91 : memref<10000x128xf32, #tpu.memory_space<hbm>>) target(%arg8 : memref<128x128xf32, #tpu.memory_space<vmem>>) offsets(%dma_start3A_88 : memref<128xi32, #tpu.memory_space<vmem>>) semaphore(%arg11 : memref<!tpu.dma_semaphore, #tpu.memory_space<semaphore_mem>>)
      %dma_wait3A_92 = arith.constant 0 : i32
      %dma_wait3A_93 = arith.constant 0 : i32
      %dma_wait3A_94 = tpu.memref_slice %arg6[%dma_wait3A_92, %dma_wait3A_93] : memref<8x128xi32, #tpu.memory_space<vmem>> -> memref<1x128xi32, #tpu.memory_space<vmem>>
      %dma_wait3A_95 = tpu.memref_squeeze %dma_wait3A_94 : memref<1x128xi32, #tpu.memory_space<vmem>> -> memref<128xi32, #tpu.memory_space<vmem>>
      %dma_wait3A_96 = arith.constant 0 : i32
      %dma_wait3A_97 = arith.constant 0 : i32
      %dma_wait3A_98 = tpu.memref_slice %arg2[%dma_wait3A_96, %dma_wait3A_97] : memref<10000x128xf32, #tpu.memory_space<hbm>> -> memref<10000x128xf32, #tpu.memory_space<hbm>>
      tpu.wait_indirect_dma semaphore(%arg12 : memref<!tpu.dma_semaphore, #tpu.memory_space<semaphore_mem>>) src(%dma_wait3A_98 : memref<10000x128xf32, #tpu.memory_space<hbm>>) dst(%arg9 : memref<128x128xf32, #tpu.memory_space<vmem>>)
      %run_scoped3A_99 = arith.constant 7 : i32
      "tpu.region"() ({
        %run_scoped3A_178 = tpu.sem_alloc : memref<!tpu.dma_semaphore, #tpu.memory_space<semaphore_mem>>
        %dma_start3A_179 = arith.constant 0 : i32
        %dma_start3A_180 = tpu.memref_slice %arg6[%run_scoped3A_99, %dma_start3A_179] : memref<8x128xi32, #tpu.memory_space<vmem>> -> memref<1x128xi32, #tpu.memory_space<vmem>>
        %dma_start3A_181 = tpu.memref_squeeze %dma_start3A_180 : memref<1x128xi32, #tpu.memory_space<vmem>> -> memref<128xi32, #tpu.memory_space<vmem>>
        %dma_start3A_182 = arith.constant 0 : i32
        %dma_start3A_183 = arith.constant 0 : i32
        %dma_start3A_184 = tpu.memref_slice %arg10[%dma_start3A_182, %dma_start3A_183] : memref<10240x128xf32, #tpu.memory_space<vmem_shared>> -> memref<10240x128xf32, #tpu.memory_space<vmem_shared>>
        tpu.enqueue_indirect_dma source(%arg9 : memref<128x128xf32, #tpu.memory_space<vmem>>) target(%dma_start3A_184 : memref<10240x128xf32, #tpu.memory_space<vmem_shared>>) offsets(%dma_start3A_181 : memref<128xi32, #tpu.memory_space<vmem>>) semaphore(%run_scoped3A_178 : memref<!tpu.dma_semaphore, #tpu.memory_space<semaphore_mem>>) {add = true}
        %dma_wait3A_185 = arith.constant 0 : i32
        %dma_wait3A_186 = tpu.memref_slice %arg6[%run_scoped3A_99, %dma_wait3A_185] : memref<8x128xi32, #tpu.memory_space<vmem>> -> memref<1x128xi32, #tpu.memory_space<vmem>>
        %dma_wait3A_187 = tpu.memref_squeeze %dma_wait3A_186 : memref<1x128xi32, #tpu.memory_space<vmem>> -> memref<128xi32, #tpu.memory_space<vmem>>
        %dma_wait3A_188 = arith.constant 0 : i32
        %dma_wait3A_189 = arith.constant 0 : i32
        %dma_wait3A_190 = tpu.memref_slice %arg10[%dma_wait3A_188, %dma_wait3A_189] : memref<10240x128xf32, #tpu.memory_space<vmem_shared>> -> memref<10240x128xf32, #tpu.memory_space<vmem_shared>>
        tpu.wait_indirect_dma semaphore(%run_scoped3A_178 : memref<!tpu.dma_semaphore, #tpu.memory_space<semaphore_mem>>) src(%arg9 : memref<128x128xf32, #tpu.memory_space<vmem>>) dst(%dma_wait3A_190 : memref<10240x128xf32, #tpu.memory_space<vmem_shared>>)
        tpu.yield
      }) : () -> ()
      %dma_start3A_100 = arith.constant 1 : i32
      %dma_start3A_101 = arith.constant 0 : i32
      %dma_start3A_102 = tpu.memref_slice %arg7[%dma_start3A_100, %dma_start3A_101] : memref<8x128xi32, #tpu.memory_space<vmem>> -> memref<1x128xi32, #tpu.memory_space<vmem>>
      %dma_start3A_103 = tpu.memref_squeeze %dma_start3A_102 : memref<1x128xi32, #tpu.memory_space<vmem>> -> memref<128xi32, #tpu.memory_space<vmem>>
      %dma_start3A_104 = arith.constant 0 : i32
      %dma_start3A_105 = arith.constant 0 : i32
      %dma_start3A_106 = tpu.memref_slice %arg2[%dma_start3A_104, %dma_start3A_105] : memref<10000x128xf32, #tpu.memory_space<hbm>> -> memref<10000x128xf32, #tpu.memory_space<hbm>>
      tpu.enqueue_indirect_dma source(%dma_start3A_106 : memref<10000x128xf32, #tpu.memory_space<hbm>>) target(%arg9 : memref<128x128xf32, #tpu.memory_space<vmem>>) offsets(%dma_start3A_103 : memref<128xi32, #tpu.memory_space<vmem>>) semaphore(%arg12 : memref<!tpu.dma_semaphore, #tpu.memory_space<semaphore_mem>>)
      %add3A_107 = arith.constant 1 : i32
      %add3A_108 = arith.addi %scan3A_40, %add3A_107 : i32
      %lt3A = arith.constant 10 : i32
      %lt3A_109 = arith.cmpi slt, %add3A_108, %lt3A : i32
      %convert_element_type3A = arith.extui %lt3A_109 : i1 to i32
      %cond3A = arith.constant 0 : i32
      %cond3A_110 = arith.cmpi ne, %convert_element_type3A, %cond3A : i32
      scf.if %cond3A_110 {
        %mul3A_178 = arith.constant 2 : i32
        %mul3A_179 = arith.muli %mul3A_178, %scan3A_40 : i32
        %add3A_180 = arith.constant 2 : i32
        %add3A_181 = arith.addi %mul3A_179, %add3A_180 : i32
        %add3A_182 = arith.addi %mul3A_6, %add3A_181 : i32
        %dma_start3A_183 = arith.constant 0 : i32
        %dma_start3A_184 = arith.constant 0 : i32
        %dma_start3A_185 = tpu.memref_slice %arg3[%add3A_182, %dma_start3A_183, %dma_start3A_184] : memref<640x8x128xi32, #tpu.memory_space<hbm>> -> memref<1x8x128xi32, #tpu.memory_space<hbm>>
        %dma_start3A_186 = tpu.memref_squeeze %dma_start3A_185 : memref<1x8x128xi32, #tpu.memory_space<hbm>> -> memref<8x128xi32, #tpu.memory_space<hbm>>
        %dma_start3A_187 = arith.constant 0 : i32
        %dma_start3A_188 = arith.constant 0 : i32
        %dma_start3A_189 = tpu.memref_slice %arg3[%add3A_182, %dma_start3A_187, %dma_start3A_188] : memref<640x8x128xi32, #tpu.memory_space<hbm>> -> memref<1x8x128xi32, #tpu.memory_space<hbm>>
        %dma_start3A_190 = tpu.memref_squeeze %dma_start3A_189 : memref<1x8x128xi32, #tpu.memory_space<hbm>> -> memref<8x128xi32, #tpu.memory_space<hbm>>
        tpu.enqueue_dma source(%dma_start3A_190 : memref<8x128xi32, #tpu.memory_space<hbm>>) target(%arg6 : memref<8x128xi32, #tpu.memory_space<vmem>>) target_semaphore(%arg13 : memref<!tpu.dma_semaphore, #tpu.memory_space<semaphore_mem>>)
      } else {
      }
      %dma_wait3A_111 = arith.constant 0 : i32
      %dma_wait3A_112 = arith.constant 0 : i32
      %dma_wait3A_113 = tpu.memref_slice %arg6[%dma_wait3A_111, %dma_wait3A_112] : memref<8x128xi32, #tpu.memory_space<vmem>> -> memref<1x128xi32, #tpu.memory_space<vmem>>
      %dma_wait3A_114 = tpu.memref_squeeze %dma_wait3A_113 : memref<1x128xi32, #tpu.memory_space<vmem>> -> memref<128xi32, #tpu.memory_space<vmem>>
      %dma_wait3A_115 = arith.constant 0 : i32
      %dma_wait3A_116 = arith.constant 0 : i32
      %dma_wait3A_117 = tpu.memref_slice %arg2[%dma_wait3A_115, %dma_wait3A_116] : memref<10000x128xf32, #tpu.memory_space<hbm>> -> memref<10000x128xf32, #tpu.memory_space<hbm>>
      tpu.wait_indirect_dma semaphore(%arg11 : memref<!tpu.dma_semaphore, #tpu.memory_space<semaphore_mem>>) src(%dma_wait3A_117 : memref<10000x128xf32, #tpu.memory_space<hbm>>) dst(%arg8 : memref<128x128xf32, #tpu.memory_space<vmem>>)
      %run_scoped3A_118 = arith.constant 4 : i32
      "tpu.region"() ({
        %run_scoped3A_178 = tpu.sem_alloc : memref<!tpu.dma_semaphore, #tpu.memory_space<semaphore_mem>>
        %dma_start3A_179 = arith.constant 0 : i32
        %dma_start3A_180 = tpu.memref_slice %arg7[%run_scoped3A_118, %dma_start3A_179] : memref<8x128xi32, #tpu.memory_space<vmem>> -> memref<1x128xi32, #tpu.memory_space<vmem>>
        %dma_start3A_181 = tpu.memref_squeeze %dma_start3A_180 : memref<1x128xi32, #tpu.memory_space<vmem>> -> memref<128xi32, #tpu.memory_space<vmem>>
        %dma_start3A_182 = arith.constant 0 : i32
        %dma_start3A_183 = arith.constant 0 : i32
        %dma_start3A_184 = tpu.memref_slice %arg10[%dma_start3A_182, %dma_start3A_183] : memref<10240x128xf32, #tpu.memory_space<vmem_shared>> -> memref<10240x128xf32, #tpu.memory_space<vmem_shared>>
        tpu.enqueue_indirect_dma source(%arg8 : memref<128x128xf32, #tpu.memory_space<vmem>>) target(%dma_start3A_184 : memref<10240x128xf32, #tpu.memory_space<vmem_shared>>) offsets(%dma_start3A_181 : memref<128xi32, #tpu.memory_space<vmem>>) semaphore(%run_scoped3A_178 : memref<!tpu.dma_semaphore, #tpu.memory_space<semaphore_mem>>) {add = true}
        %dma_wait3A_185 = arith.constant 0 : i32
        %dma_wait3A_186 = tpu.memref_slice %arg7[%run_scoped3A_118, %dma_wait3A_185] : memref<8x128xi32, #tpu.memory_space<vmem>> -> memref<1x128xi32, #tpu.memory_space<vmem>>
        %dma_wait3A_187 = tpu.memref_squeeze %dma_wait3A_186 : memref<1x128xi32, #tpu.memory_space<vmem>> -> memref<128xi32, #tpu.memory_space<vmem>>
        %dma_wait3A_188 = arith.constant 0 : i32
        %dma_wait3A_189 = arith.constant 0 : i32
        %dma_wait3A_190 = tpu.memref_slice %arg10[%dma_wait3A_188, %dma_wait3A_189] : memref<10240x128xf32, #tpu.memory_space<vmem_shared>> -> memref<10240x128xf32, #tpu.memory_space<vmem_shared>>
        tpu.wait_indirect_dma semaphore(%run_scoped3A_178 : memref<!tpu.dma_semaphore, #tpu.memory_space<semaphore_mem>>) src(%arg8 : memref<128x128xf32, #tpu.memory_space<vmem>>) dst(%dma_wait3A_190 : memref<10240x128xf32, #tpu.memory_space<vmem_shared>>)
        tpu.yield
      }) : () -> ()
      %dma_start3A_119 = arith.constant 2 : i32
      %dma_start3A_120 = arith.constant 0 : i32
      %dma_start3A_121 = tpu.memref_slice %arg7[%dma_start3A_119, %dma_start3A_120] : memref<8x128xi32, #tpu.memory_space<vmem>> -> memref<1x128xi32, #tpu.memory_space<vmem>>
      %dma_start3A_122 = tpu.memref_squeeze %dma_start3A_121 : memref<1x128xi32, #tpu.memory_space<vmem>> -> memref<128xi32, #tpu.memory_space<vmem>>
      %dma_start3A_123 = arith.constant 0 : i32
      %dma_start3A_124 = arith.constant 0 : i32
      %dma_start3A_125 = tpu.memref_slice %arg2[%dma_start3A_123, %dma_start3A_124] : memref<10000x128xf32, #tpu.memory_space<hbm>> -> memref<10000x128xf32, #tpu.memory_space<hbm>>
      tpu.enqueue_indirect_dma source(%dma_start3A_125 : memref<10000x128xf32, #tpu.memory_space<hbm>>) target(%arg8 : memref<128x128xf32, #tpu.memory_space<vmem>>) offsets(%dma_start3A_122 : memref<128xi32, #tpu.memory_space<vmem>>) semaphore(%arg11 : memref<!tpu.dma_semaphore, #tpu.memory_space<semaphore_mem>>)
      %dma_wait3A_126 = arith.constant 0 : i32
      %dma_wait3A_127 = arith.constant 0 : i32
      %dma_wait3A_128 = tpu.memref_slice %arg6[%dma_wait3A_126, %dma_wait3A_127] : memref<8x128xi32, #tpu.memory_space<vmem>> -> memref<1x128xi32, #tpu.memory_space<vmem>>
      %dma_wait3A_129 = tpu.memref_squeeze %dma_wait3A_128 : memref<1x128xi32, #tpu.memory_space<vmem>> -> memref<128xi32, #tpu.memory_space<vmem>>
      %dma_wait3A_130 = arith.constant 0 : i32
      %dma_wait3A_131 = arith.constant 0 : i32
      %dma_wait3A_132 = tpu.memref_slice %arg2[%dma_wait3A_130, %dma_wait3A_131] : memref<10000x128xf32, #tpu.memory_space<hbm>> -> memref<10000x128xf32, #tpu.memory_space<hbm>>
      tpu.wait_indirect_dma semaphore(%arg12 : memref<!tpu.dma_semaphore, #tpu.memory_space<semaphore_mem>>) src(%dma_wait3A_132 : memref<10000x128xf32, #tpu.memory_space<hbm>>) dst(%arg9 : memref<128x128xf32, #tpu.memory_space<vmem>>)
      %run_scoped3A_133 = arith.constant 5 : i32
      "tpu.region"() ({
        %run_scoped3A_178 = tpu.sem_alloc : memref<!tpu.dma_semaphore, #tpu.memory_space<semaphore_mem>>
        %dma_start3A_179 = arith.constant 0 : i32
        %dma_start3A_180 = tpu.memref_slice %arg7[%run_scoped3A_133, %dma_start3A_179] : memref<8x128xi32, #tpu.memory_space<vmem>> -> memref<1x128xi32, #tpu.memory_space<vmem>>
        %dma_start3A_181 = tpu.memref_squeeze %dma_start3A_180 : memref<1x128xi32, #tpu.memory_space<vmem>> -> memref<128xi32, #tpu.memory_space<vmem>>
        %dma_start3A_182 = arith.constant 0 : i32
        %dma_start3A_183 = arith.constant 0 : i32
        %dma_start3A_184 = tpu.memref_slice %arg10[%dma_start3A_182, %dma_start3A_183] : memref<10240x128xf32, #tpu.memory_space<vmem_shared>> -> memref<10240x128xf32, #tpu.memory_space<vmem_shared>>
        tpu.enqueue_indirect_dma source(%arg9 : memref<128x128xf32, #tpu.memory_space<vmem>>) target(%dma_start3A_184 : memref<10240x128xf32, #tpu.memory_space<vmem_shared>>) offsets(%dma_start3A_181 : memref<128xi32, #tpu.memory_space<vmem>>) semaphore(%run_scoped3A_178 : memref<!tpu.dma_semaphore, #tpu.memory_space<semaphore_mem>>) {add = true}
        %dma_wait3A_185 = arith.constant 0 : i32
        %dma_wait3A_186 = tpu.memref_slice %arg7[%run_scoped3A_133, %dma_wait3A_185] : memref<8x128xi32, #tpu.memory_space<vmem>> -> memref<1x128xi32, #tpu.memory_space<vmem>>
        %dma_wait3A_187 = tpu.memref_squeeze %dma_wait3A_186 : memref<1x128xi32, #tpu.memory_space<vmem>> -> memref<128xi32, #tpu.memory_space<vmem>>
        %dma_wait3A_188 = arith.constant 0 : i32
        %dma_wait3A_189 = arith.constant 0 : i32
        %dma_wait3A_190 = tpu.memref_slice %arg10[%dma_wait3A_188, %dma_wait3A_189] : memref<10240x128xf32, #tpu.memory_space<vmem_shared>> -> memref<10240x128xf32, #tpu.memory_space<vmem_shared>>
        tpu.wait_indirect_dma semaphore(%run_scoped3A_178 : memref<!tpu.dma_semaphore, #tpu.memory_space<semaphore_mem>>) src(%arg9 : memref<128x128xf32, #tpu.memory_space<vmem>>) dst(%dma_wait3A_190 : memref<10240x128xf32, #tpu.memory_space<vmem_shared>>)
        tpu.yield
      }) : () -> ()
      %dma_start3A_134 = arith.constant 3 : i32
      %dma_start3A_135 = arith.constant 0 : i32
      %dma_start3A_136 = tpu.memref_slice %arg7[%dma_start3A_134, %dma_start3A_135] : memref<8x128xi32, #tpu.memory_space<vmem>> -> memref<1x128xi32, #tpu.memory_space<vmem>>
      %dma_start3A_137 = tpu.memref_squeeze %dma_start3A_136 : memref<1x128xi32, #tpu.memory_space<vmem>> -> memref<128xi32, #tpu.memory_space<vmem>>
      %dma_start3A_138 = arith.constant 0 : i32
      %dma_start3A_139 = arith.constant 0 : i32
      %dma_start3A_140 = tpu.memref_slice %arg2[%dma_start3A_138, %dma_start3A_139] : memref<10000x128xf32, #tpu.memory_space<hbm>> -> memref<10000x128xf32, #tpu.memory_space<hbm>>
      tpu.enqueue_indirect_dma source(%dma_start3A_140 : memref<10000x128xf32, #tpu.memory_space<hbm>>) target(%arg9 : memref<128x128xf32, #tpu.memory_space<vmem>>) offsets(%dma_start3A_137 : memref<128xi32, #tpu.memory_space<vmem>>) semaphore(%arg12 : memref<!tpu.dma_semaphore, #tpu.memory_space<semaphore_mem>>)
      %dma_wait3A_141 = arith.constant 0 : i32
      %dma_wait3A_142 = arith.constant 0 : i32
      %dma_wait3A_143 = tpu.memref_slice %arg6[%dma_wait3A_141, %dma_wait3A_142] : memref<8x128xi32, #tpu.memory_space<vmem>> -> memref<1x128xi32, #tpu.memory_space<vmem>>
      %dma_wait3A_144 = tpu.memref_squeeze %dma_wait3A_143 : memref<1x128xi32, #tpu.memory_space<vmem>> -> memref<128xi32, #tpu.memory_space<vmem>>
      %dma_wait3A_145 = arith.constant 0 : i32
      %dma_wait3A_146 = arith.constant 0 : i32
      %dma_wait3A_147 = tpu.memref_slice %arg2[%dma_wait3A_145, %dma_wait3A_146] : memref<10000x128xf32, #tpu.memory_space<hbm>> -> memref<10000x128xf32, #tpu.memory_space<hbm>>
      tpu.wait_indirect_dma semaphore(%arg11 : memref<!tpu.dma_semaphore, #tpu.memory_space<semaphore_mem>>) src(%dma_wait3A_147 : memref<10000x128xf32, #tpu.memory_space<hbm>>) dst(%arg8 : memref<128x128xf32, #tpu.memory_space<vmem>>)
      %run_scoped3A_148 = arith.constant 6 : i32
      "tpu.region"() ({
        %run_scoped3A_178 = tpu.sem_alloc : memref<!tpu.dma_semaphore, #tpu.memory_space<semaphore_mem>>
        %dma_start3A_179 = arith.constant 0 : i32
        %dma_start3A_180 = tpu.memref_slice %arg7[%run_scoped3A_148, %dma_start3A_179] : memref<8x128xi32, #tpu.memory_space<vmem>> -> memref<1x128xi32, #tpu.memory_space<vmem>>
        %dma_start3A_181 = tpu.memref_squeeze %dma_start3A_180 : memref<1x128xi32, #tpu.memory_space<vmem>> -> memref<128xi32, #tpu.memory_space<vmem>>
        %dma_start3A_182 = arith.constant 0 : i32
        %dma_start3A_183 = arith.constant 0 : i32
        %dma_start3A_184 = tpu.memref_slice %arg10[%dma_start3A_182, %dma_start3A_183] : memref<10240x128xf32, #tpu.memory_space<vmem_shared>> -> memref<10240x128xf32, #tpu.memory_space<vmem_shared>>
        tpu.enqueue_indirect_dma source(%arg8 : memref<128x128xf32, #tpu.memory_space<vmem>>) target(%dma_start3A_184 : memref<10240x128xf32, #tpu.memory_space<vmem_shared>>) offsets(%dma_start3A_181 : memref<128xi32, #tpu.memory_space<vmem>>) semaphore(%run_scoped3A_178 : memref<!tpu.dma_semaphore, #tpu.memory_space<semaphore_mem>>) {add = true}
        %dma_wait3A_185 = arith.constant 0 : i32
        %dma_wait3A_186 = tpu.memref_slice %arg7[%run_scoped3A_148, %dma_wait3A_185] : memref<8x128xi32, #tpu.memory_space<vmem>> -> memref<1x128xi32, #tpu.memory_space<vmem>>
        %dma_wait3A_187 = tpu.memref_squeeze %dma_wait3A_186 : memref<1x128xi32, #tpu.memory_space<vmem>> -> memref<128xi32, #tpu.memory_space<vmem>>
        %dma_wait3A_188 = arith.constant 0 : i32
        %dma_wait3A_189 = arith.constant 0 : i32
        %dma_wait3A_190 = tpu.memref_slice %arg10[%dma_wait3A_188, %dma_wait3A_189] : memref<10240x128xf32, #tpu.memory_space<vmem_shared>> -> memref<10240x128xf32, #tpu.memory_space<vmem_shared>>
        tpu.wait_indirect_dma semaphore(%run_scoped3A_178 : memref<!tpu.dma_semaphore, #tpu.memory_space<semaphore_mem>>) src(%arg8 : memref<128x128xf32, #tpu.memory_space<vmem>>) dst(%dma_wait3A_190 : memref<10240x128xf32, #tpu.memory_space<vmem_shared>>)
        tpu.yield
      }) : () -> ()
      %add3A_149 = arith.constant 1 : i32
      %add3A_150 = arith.addi %scan3A_40, %add3A_149 : i32
      %lt3A_151 = arith.constant 10 : i32
      %lt3A_152 = arith.cmpi slt, %add3A_150, %lt3A_151 : i32
      %convert_element_type3A_153 = arith.extui %lt3A_152 : i1 to i32
      %cond3A_154 = arith.constant 0 : i32
      %cond3A_155 = arith.cmpi ne, %convert_element_type3A_153, %cond3A_154 : i32
      scf.if %cond3A_155 {
        %dma_wait3A_178 = arith.constant 0 : i32
        %dma_wait3A_179 = arith.constant 0 : i32
        %dma_wait3A_180 = tpu.memref_slice %arg3[%mul3A_6, %dma_wait3A_178, %dma_wait3A_179] : memref<640x8x128xi32, #tpu.memory_space<hbm>> -> memref<1x8x128xi32, #tpu.memory_space<hbm>>
        %dma_wait3A_181 = tpu.memref_squeeze %dma_wait3A_180 : memref<1x8x128xi32, #tpu.memory_space<hbm>> -> memref<8x128xi32, #tpu.memory_space<hbm>>
        %dma_wait3A_182 = arith.constant 0 : i32
        %dma_wait3A_183 = arith.constant 0 : i32
        %dma_wait3A_184 = tpu.memref_slice %arg3[%mul3A_6, %dma_wait3A_182, %dma_wait3A_183] : memref<640x8x128xi32, #tpu.memory_space<hbm>> -> memref<1x8x128xi32, #tpu.memory_space<hbm>>
        %dma_wait3A_185 = tpu.memref_squeeze %dma_wait3A_184 : memref<1x8x128xi32, #tpu.memory_space<hbm>> -> memref<8x128xi32, #tpu.memory_space<hbm>>
        tpu.wait_dma2 semaphore(%arg13 : memref<!tpu.dma_semaphore, #tpu.memory_space<semaphore_mem>>) src(%dma_wait3A_185 : memref<8x128xi32, #tpu.memory_space<hbm>>) dst(%arg6 : memref<8x128xi32, #tpu.memory_space<vmem>>)
        %dma_start3A_186 = arith.constant 0 : i32
        %dma_start3A_187 = arith.constant 0 : i32
        %dma_start3A_188 = tpu.memref_slice %arg6[%dma_start3A_186, %dma_start3A_187] : memref<8x128xi32, #tpu.memory_space<vmem>> -> memref<1x128xi32, #tpu.memory_space<vmem>>
        %dma_start3A_189 = tpu.memref_squeeze %dma_start3A_188 : memref<1x128xi32, #tpu.memory_space<vmem>> -> memref<128xi32, #tpu.memory_space<vmem>>
        %dma_start3A_190 = arith.constant 0 : i32
        %dma_start3A_191 = arith.constant 0 : i32
        %dma_start3A_192 = tpu.memref_slice %arg2[%dma_start3A_190, %dma_start3A_191] : memref<10000x128xf32, #tpu.memory_space<hbm>> -> memref<10000x128xf32, #tpu.memory_space<hbm>>
        tpu.enqueue_indirect_dma source(%dma_start3A_192 : memref<10000x128xf32, #tpu.memory_space<hbm>>) target(%arg8 : memref<128x128xf32, #tpu.memory_space<vmem>>) offsets(%dma_start3A_189 : memref<128xi32, #tpu.memory_space<vmem>>) semaphore(%arg11 : memref<!tpu.dma_semaphore, #tpu.memory_space<semaphore_mem>>)
      } else {
      }
      %dma_wait3A_156 = arith.constant 0 : i32
      %dma_wait3A_157 = arith.constant 0 : i32
      %dma_wait3A_158 = tpu.memref_slice %arg6[%dma_wait3A_156, %dma_wait3A_157] : memref<8x128xi32, #tpu.memory_space<vmem>> -> memref<1x128xi32, #tpu.memory_space<vmem>>
      %dma_wait3A_159 = tpu.memref_squeeze %dma_wait3A_158 : memref<1x128xi32, #tpu.memory_space<vmem>> -> memref<128xi32, #tpu.memory_space<vmem>>
      %dma_wait3A_160 = arith.constant 0 : i32
      %dma_wait3A_161 = arith.constant 0 : i32
      %dma_wait3A_162 = tpu.memref_slice %arg2[%dma_wait3A_160, %dma_wait3A_161] : memref<10000x128xf32, #tpu.memory_space<hbm>> -> memref<10000x128xf32, #tpu.memory_space<hbm>>
      tpu.wait_indirect_dma semaphore(%arg12 : memref<!tpu.dma_semaphore, #tpu.memory_space<semaphore_mem>>) src(%dma_wait3A_162 : memref<10000x128xf32, #tpu.memory_space<hbm>>) dst(%arg9 : memref<128x128xf32, #tpu.memory_space<vmem>>)
      %run_scoped3A_163 = arith.constant 7 : i32
      "tpu.region"() ({
        %run_scoped3A_178 = tpu.sem_alloc : memref<!tpu.dma_semaphore, #tpu.memory_space<semaphore_mem>>
        %dma_start3A_179 = arith.constant 0 : i32
        %dma_start3A_180 = tpu.memref_slice %arg7[%run_scoped3A_163, %dma_start3A_179] : memref<8x128xi32, #tpu.memory_space<vmem>> -> memref<1x128xi32, #tpu.memory_space<vmem>>
        %dma_start3A_181 = tpu.memref_squeeze %dma_start3A_180 : memref<1x128xi32, #tpu.memory_space<vmem>> -> memref<128xi32, #tpu.memory_space<vmem>>
        %dma_start3A_182 = arith.constant 0 : i32
        %dma_start3A_183 = arith.constant 0 : i32
        %dma_start3A_184 = tpu.memref_slice %arg10[%dma_start3A_182, %dma_start3A_183] : memref<10240x128xf32, #tpu.memory_space<vmem_shared>> -> memref<10240x128xf32, #tpu.memory_space<vmem_shared>>
        tpu.enqueue_indirect_dma source(%arg9 : memref<128x128xf32, #tpu.memory_space<vmem>>) target(%dma_start3A_184 : memref<10240x128xf32, #tpu.memory_space<vmem_shared>>) offsets(%dma_start3A_181 : memref<128xi32, #tpu.memory_space<vmem>>) semaphore(%run_scoped3A_178 : memref<!tpu.dma_semaphore, #tpu.memory_space<semaphore_mem>>) {add = true}
        %dma_wait3A_185 = arith.constant 0 : i32
        %dma_wait3A_186 = tpu.memref_slice %arg7[%run_scoped3A_163, %dma_wait3A_185] : memref<8x128xi32, #tpu.memory_space<vmem>> -> memref<1x128xi32, #tpu.memory_space<vmem>>
        %dma_wait3A_187 = tpu.memref_squeeze %dma_wait3A_186 : memref<1x128xi32, #tpu.memory_space<vmem>> -> memref<128xi32, #tpu.memory_space<vmem>>
        %dma_wait3A_188 = arith.constant 0 : i32
        %dma_wait3A_189 = arith.constant 0 : i32
        %dma_wait3A_190 = tpu.memref_slice %arg10[%dma_wait3A_188, %dma_wait3A_189] : memref<10240x128xf32, #tpu.memory_space<vmem_shared>> -> memref<10240x128xf32, #tpu.memory_space<vmem_shared>>
        tpu.wait_indirect_dma semaphore(%run_scoped3A_178 : memref<!tpu.dma_semaphore, #tpu.memory_space<semaphore_mem>>) src(%arg9 : memref<128x128xf32, #tpu.memory_space<vmem>>) dst(%dma_wait3A_190 : memref<10240x128xf32, #tpu.memory_space<vmem_shared>>)
        tpu.yield
      }) : () -> ()
      %add3A_164 = arith.constant 1 : i32
      %add3A_165 = arith.addi %scan3A_40, %add3A_164 : i32
      %lt3A_166 = arith.constant 10 : i32
      %lt3A_167 = arith.cmpi slt, %add3A_165, %lt3A_166 : i32
      %convert_element_type3A_168 = arith.extui %lt3A_167 : i1 to i32
      %cond3A_169 = arith.constant 0 : i32
      %cond3A_170 = arith.cmpi ne, %convert_element_type3A_168, %cond3A_169 : i32
      scf.if %cond3A_170 {
        %dma_start3A_178 = arith.constant 1 : i32
        %dma_start3A_179 = arith.constant 0 : i32
        %dma_start3A_180 = tpu.memref_slice %arg6[%dma_start3A_178, %dma_start3A_179] : memref<8x128xi32, #tpu.memory_space<vmem>> -> memref<1x128xi32, #tpu.memory_space<vmem>>
        %dma_start3A_181 = tpu.memref_squeeze %dma_start3A_180 : memref<1x128xi32, #tpu.memory_space<vmem>> -> memref<128xi32, #tpu.memory_space<vmem>>
        %dma_start3A_182 = arith.constant 0 : i32
        %dma_start3A_183 = arith.constant 0 : i32
        %dma_start3A_184 = tpu.memref_slice %arg2[%dma_start3A_182, %dma_start3A_183] : memref<10000x128xf32, #tpu.memory_space<hbm>> -> memref<10000x128xf32, #tpu.memory_space<hbm>>
        tpu.enqueue_indirect_dma source(%dma_start3A_184 : memref<10000x128xf32, #tpu.memory_space<hbm>>) target(%arg9 : memref<128x128xf32, #tpu.memory_space<vmem>>) offsets(%dma_start3A_181 : memref<128xi32, #tpu.memory_space<vmem>>) semaphore(%arg12 : memref<!tpu.dma_semaphore, #tpu.memory_space<semaphore_mem>>)
      } else {
      }
      %add3A_171 = arith.constant 1 : i32
      %add3A_172 = arith.addi %scan3A_40, %add3A_171 : i32
      %lt3A_173 = arith.constant 10 : i32
      %lt3A_174 = arith.cmpi slt, %add3A_172, %lt3A_173 : i32
      %convert_element_type3A_175 = arith.extui %lt3A_174 : i1 to i32
      %cond3A_176 = arith.constant 0 : i32
      %cond3A_177 = arith.cmpi ne, %convert_element_type3A_175, %cond3A_176 : i32
      scf.if %cond3A_177 {
        %mul3A_178 = arith.constant 2 : i32
        %mul3A_179 = arith.muli %mul3A_178, %scan3A_40 : i32
        %add3A_180 = arith.constant 3 : i32
        %add3A_181 = arith.addi %mul3A_179, %add3A_180 : i32
        %add3A_182 = arith.addi %mul3A_6, %add3A_181 : i32
        %dma_start3A_183 = arith.constant 0 : i32
        %dma_start3A_184 = arith.constant 0 : i32
        %dma_start3A_185 = tpu.memref_slice %arg3[%add3A_182, %dma_start3A_183, %dma_start3A_184] : memref<640x8x128xi32, #tpu.memory_space<hbm>> -> memref<1x8x128xi32, #tpu.memory_space<hbm>>
        %dma_start3A_186 = tpu.memref_squeeze %dma_start3A_185 : memref<1x8x128xi32, #tpu.memory_space<hbm>> -> memref<8x128xi32, #tpu.memory_space<hbm>>
        %dma_start3A_187 = arith.constant 0 : i32
        %dma_start3A_188 = arith.constant 0 : i32
        %dma_start3A_189 = tpu.memref_slice %arg3[%add3A_182, %dma_start3A_187, %dma_start3A_188] : memref<640x8x128xi32, #tpu.memory_space<hbm>> -> memref<1x8x128xi32, #tpu.memory_space<hbm>>
        %dma_start3A_190 = tpu.memref_squeeze %dma_start3A_189 : memref<1x8x128xi32, #tpu.memory_space<hbm>> -> memref<8x128xi32, #tpu.memory_space<hbm>>
        tpu.enqueue_dma source(%dma_start3A_190 : memref<8x128xi32, #tpu.memory_space<hbm>>) target(%arg7 : memref<8x128xi32, #tpu.memory_space<vmem>>) target_semaphore(%arg14 : memref<!tpu.dma_semaphore, #tpu.memory_space<semaphore_mem>>)
      } else {
      }
    }
    %scan3A_34 = arith.constant 10 : i32
    %barrier3A_35 = arith.constant 0 : index
    tpu.barrier barrier_id(%barrier3A_35)
    %mul3A_36 = arith.constant 640 : i32
    %mul3A_37 = arith.muli %arg1, %mul3A_36 : i32
    %mul3A_38 = arith.constant 640 : i32
    %mul3A_39 = arith.muli %arg1, %mul3A_38 : i32
    "tpu.region"() ({
      %run_scoped3A = tpu.sem_alloc : memref<!tpu.dma_semaphore, #tpu.memory_space<semaphore_mem>>
      %dma_start3A_40 = arith.constant 0 : i32
      %dma_start3A_41 = tpu.memref_slice %arg5[%arg0, %mul3A_39, %dma_start3A_40] : memref<2x10240x128xf32, #tpu.memory_space<hbm>> -> memref<1x640x128xf32, #tpu.memory_space<hbm>>
      %dma_start3A_42 = tpu.memref_squeeze %dma_start3A_41 : memref<1x640x128xf32, #tpu.memory_space<hbm>> -> memref<640x128xf32, #tpu.memory_space<hbm>>
      %dma_start3A_43 = arith.constant 0 : i32
      %dma_start3A_44 = tpu.memref_slice %arg10[%mul3A_37, %dma_start3A_43] : memref<10240x128xf32, #tpu.memory_space<vmem_shared>> -> memref<640x128xf32, #tpu.memory_space<vmem_shared>>
      tpu.enqueue_dma source(%dma_start3A_44 : memref<640x128xf32, #tpu.memory_space<vmem_shared>>) target(%dma_start3A_42 : memref<640x128xf32, #tpu.memory_space<hbm>>) target_semaphore(%run_scoped3A : memref<!tpu.dma_semaphore, #tpu.memory_space<semaphore_mem>>)
      %dma_wait3A = arith.constant 0 : i32
      %dma_wait3A_45 = tpu.memref_slice %arg5[%arg0, %mul3A_39, %dma_wait3A] : memref<2x10240x128xf32, #tpu.memory_space<hbm>> -> memref<1x640x128xf32, #tpu.memory_space<hbm>>
      %dma_wait3A_46 = tpu.memref_squeeze %dma_wait3A_45 : memref<1x640x128xf32, #tpu.memory_space<hbm>> -> memref<640x128xf32, #tpu.memory_space<hbm>>
      %dma_wait3A_47 = arith.constant 0 : i32
      %dma_wait3A_48 = tpu.memref_slice %arg10[%mul3A_37, %dma_wait3A_47] : memref<10240x128xf32, #tpu.memory_space<vmem_shared>> -> memref<640x128xf32, #tpu.memory_space<vmem_shared>>
      tpu.wait_dma2 semaphore(%run_scoped3A : memref<!tpu.dma_semaphore, #tpu.memory_space<semaphore_mem>>) src(%dma_wait3A_48 : memref<640x128xf32, #tpu.memory_space<vmem_shared>>) dst(%dma_wait3A_46 : memref<640x128xf32, #tpu.memory_space<hbm>>)
      tpu.yield
    }) : () -> ()
    return
  }
}

#map = affine_map<(d0, d1) -> (0, 0)>
#map1 = affine_map<(d0, d1) -> (0, 0, 0)>
module attributes {stable_mosaic.version = 14 : i64} {
  func.func @_segment_sum_sc(%arg0: i32, %arg1: i32, %arg2: memref<10000x128xf32, #tpu.memory_space<hbm>>, %arg3: memref<640x8x128xi32, #tpu.memory_space<hbm>>, %arg4: memref<10240x128xf32, #tpu.memory_space<hbm>>, %arg5: memref<2x10240x128xf32, #tpu.memory_space<hbm>>, %arg6: memref<8x128xi32, #tpu.memory_space<vmem>>, %arg7: memref<8x128xi32, #tpu.memory_space<vmem>>, %arg8: memref<128x128xf32, #tpu.memory_space<vmem>>, %arg9: memref<128x128xf32, #tpu.memory_space<vmem>>, %arg10: memref<10240x128xf32, #tpu.memory_space<vmem_shared>>, %arg11: memref<!tpu.dma_semaphore, #tpu.memory_space<semaphore_mem>>, %arg12: memref<!tpu.dma_semaphore, #tpu.memory_space<semaphore_mem>>, %arg13: memref<!tpu.dma_semaphore, #tpu.memory_space<semaphore_mem>>, %arg14: memref<!tpu.dma_semaphore, #tpu.memory_space<semaphore_mem>>) attributes {dimension_semantics = [#tpu.dimension_semantics<core_parallel>, #tpu.dimension_semantics<subcore_parallel>], iteration_bounds = array<i64: 2, 16>, scalar_prefetch = 0 : i64, scratch_operands = 9 : i64, tpu.core_type = #tpu.core_type<sc_vector_subcore>, window_params = [{transform_indices = #map}, {transform_indices = #map1}, {transform_indices = #map}, {transform_indices = #map1}]} {
    %mul3A = arith.constant 2 : i32
    %mul3A_0 = arith.muli %arg1, %mul3A : i32
    %add3A = arith.addi %mul3A_0, %arg0 : i32
    %mul3A_1 = arith.constant 640 : i32
    %mul3A_2 = arith.muli %arg1, %mul3A_1 : i32
    %mul3A_3 = arith.constant 640 : i32
    %mul3A_4 = arith.muli %arg1, %mul3A_3 : i32
    "tpu.region"() ({
      %run_scoped3A = tpu.sem_alloc : memref<!tpu.dma_semaphore, #tpu.memory_space<semaphore_mem>>
      %dma_start3A_40 = arith.constant 0 : i32
      %dma_start3A_41 = tpu.memref_slice %arg10[%mul3A_4, %dma_start3A_40] : memref<10240x128xf32, #tpu.memory_space<vmem_shared>> -> memref<640x128xf32, #tpu.memory_space<vmem_shared>>
      %dma_start3A_42 = arith.constant 0 : i32
      %dma_start3A_43 = tpu.memref_slice %arg4[%mul3A_2, %dma_start3A_42] : memref<10240x128xf32, #tpu.memory_space<hbm>> -> memref<640x128xf32, #tpu.memory_space<hbm>>
      tpu.enqueue_dma source(%dma_start3A_43 : memref<640x128xf32, #tpu.memory_space<hbm>>) target(%dma_start3A_41 : memref<640x128xf32, #tpu.memory_space<vmem_shared>>) target_semaphore(%run_scoped3A : memref<!tpu.dma_semaphore, #tpu.memory_space<semaphore_mem>>)
      %dma_wait3A = arith.constant 0 : i32
      %dma_wait3A_44 = tpu.memref_slice %arg10[%mul3A_4, %dma_wait3A] : memref<10240x128xf32, #tpu.memory_space<vmem_shared>> -> memref<640x128xf32, #tpu.memory_space<vmem_shared>>
      %dma_wait3A_45 = arith.constant 0 : i32
      %dma_wait3A_46 = tpu.memref_slice %arg4[%mul3A_2, %dma_wait3A_45] : memref<10240x128xf32, #tpu.memory_space<hbm>> -> memref<640x128xf32, #tpu.memory_space<hbm>>
      tpu.wait_dma2 semaphore(%run_scoped3A : memref<!tpu.dma_semaphore, #tpu.memory_space<semaphore_mem>>) src(%dma_wait3A_46 : memref<640x128xf32, #tpu.memory_space<hbm>>) dst(%dma_wait3A_44 : memref<640x128xf32, #tpu.memory_space<vmem_shared>>)
      tpu.yield
    }) : () -> ()
    %barrier3A = arith.constant 0 : index
    tpu.barrier barrier_id(%barrier3A)
    %mul3A_5 = arith.constant 20 : i32
    %mul3A_6 = arith.muli %add3A, %mul3A_5 : i32
    "tpu.region"() ({
      %run_scoped3A = tpu.sem_alloc : memref<!tpu.dma_semaphore, #tpu.memory_space<semaphore_mem>>
      %dma_start3A_40 = arith.constant 0 : i32
      %dma_start3A_41 = arith.constant 0 : i32
      %dma_start3A_42 = tpu.memref_slice %arg3[%mul3A_6, %dma_start3A_40, %dma_start3A_41] : memref<640x8x128xi32, #tpu.memory_space<hbm>> -> memref<1x8x128xi32, #tpu.memory_space<hbm>>
      %dma_start3A_43 = tpu.memref_squeeze %dma_start3A_42 : memref<1x8x128xi32, #tpu.memory_space<hbm>> -> memref<8x128xi32, #tpu.memory_space<hbm>>
      %dma_start3A_44 = arith.constant 0 : i32
      %dma_start3A_45 = arith.constant 0 : i32
      %dma_start3A_46 = tpu.memref_slice %arg3[%mul3A_6, %dma_start3A_44, %dma_start3A_45] : memref<640x8x128xi32, #tpu.memory_space<hbm>> -> memref<1x8x128xi32, #tpu.memory_space<hbm>>
      %dma_start3A_47 = tpu.memref_squeeze %dma_start3A_46 : memref<1x8x128xi32, #tpu.memory_space<hbm>> -> memref<8x128xi32, #tpu.memory_space<hbm>>
      tpu.enqueue_dma source(%dma_start3A_47 : memref<8x128xi32, #tpu.memory_space<hbm>>) target(%arg6 : memref<8x128xi32, #tpu.memory_space<vmem>>) target_semaphore(%run_scoped3A : memref<!tpu.dma_semaphore, #tpu.memory_space<semaphore_mem>>)
      %dma_wait3A = arith.constant 0 : i32
      %dma_wait3A_48 = arith.constant 0 : i32
      %dma_wait3A_49 = tpu.memref_slice %arg3[%mul3A_6, %dma_wait3A, %dma_wait3A_48] : memref<640x8x128xi32, #tpu.memory_space<hbm>> -> memref<1x8x128xi32, #tpu.memory_space<hbm>>
      %dma_wait3A_50 = tpu.memref_squeeze %dma_wait3A_49 : memref<1x8x128xi32, #tpu.memory_space<hbm>> -> memref<8x128xi32, #tpu.memory_space<hbm>>
      %dma_wait3A_51 = arith.constant 0 : i32
      %dma_wait3A_52 = arith.constant 0 : i32
      %dma_wait3A_53 = tpu.memref_slice %arg3[%mul3A_6, %dma_wait3A_51, %dma_wait3A_52] : memref<640x8x128xi32, #tpu.memory_space<hbm>> -> memref<1x8x128xi32, #tpu.memory_space<hbm>>
      %dma_wait3A_54 = tpu.memref_squeeze %dma_wait3A_53 : memref<1x8x128xi32, #tpu.memory_space<hbm>> -> memref<8x128xi32, #tpu.memory_space<hbm>>
      tpu.wait_dma2 semaphore(%run_scoped3A : memref<!tpu.dma_semaphore, #tpu.memory_space<semaphore_mem>>) src(%dma_wait3A_54 : memref<8x128xi32, #tpu.memory_space<hbm>>) dst(%arg6 : memref<8x128xi32, #tpu.memory_space<vmem>>)
      tpu.yield
    }) : () -> ()
    %add3A_7 = arith.constant 1 : i32
    %add3A_8 = arith.addi %mul3A_6, %add3A_7 : i32
    %dma_start3A = arith.constant 0 : i32
    %dma_start3A_9 = arith.constant 0 : i32
    %dma_start3A_10 = tpu.memref_slice %arg3[%add3A_8, %dma_start3A, %dma_start3A_9] : memref<640x8x128xi32, #tpu.memory_space<hbm>> -> memref<1x8x128xi32, #tpu.memory_space<hbm>>
    %dma_start3A_11 = tpu.memref_squeeze %dma_start3A_10 : memref<1x8x128xi32, #tpu.memory_space<hbm>> -> memref<8x128xi32, #tpu.memory_space<hbm>>
    %dma_start3A_12 = arith.constant 0 : i32
    %dma_start3A_13 = arith.constant 0 : i32
    %dma_start3A_14 = tpu.memref_slice %arg3[%add3A_8, %dma_start3A_12, %dma_start3A_13] : memref<640x8x128xi32, #tpu.memory_space<hbm>> -> memref<1x8x128xi32, #tpu.memory_space<hbm>>
    %dma_start3A_15 = tpu.memref_squeeze %dma_start3A_14 : memref<1x8x128xi32, #tpu.memory_space<hbm>> -> memref<8x128xi32, #tpu.memory_space<hbm>>
    tpu.enqueue_dma source(%dma_start3A_15 : memref<8x128xi32, #tpu.memory_space<hbm>>) target(%arg7 : memref<8x128xi32, #tpu.memory_space<vmem>>) target_semaphore(%arg14 : memref<!tpu.dma_semaphore, #tpu.memory_space<semaphore_mem>>)
    %dma_start3A_16 = arith.constant 0 : i32
    %dma_start3A_17 = arith.constant 0 : i32
    %dma_start3A_18 = tpu.memref_slice %arg6[%dma_start3A_16, %dma_start3A_17] : memref<8x128xi32, #tpu.memory_space<vmem>> -> memref<1x128xi32, #tpu.memory_space<vmem>>
    %dma_start3A_19 = tpu.memref_squeeze %dma_start3A_18 : memref<1x128xi32, #tpu.memory_space<vmem>> -> memref<128xi32, #tpu.memory_space<vmem>>
    %dma_start3A_20 = arith.constant 0 : i32
    %dma_start3A_21 = arith.constant 0 : i32
    %dma_start3A_22 = tpu.memref_slice %arg2[%dma_start3A_20, %dma_start3A_21] : memref<10000x128xf32, #tpu.memory_space<hbm>> -> memref<10000x128xf32, #tpu.memory_space<hbm>>
    tpu.enqueue_indirect_dma source(%dma_start3A_22 : memref<10000x128xf32, #tpu.memory_space<hbm>>) target(%arg8 : memref<128x128xf32, #tpu.memory_space<vmem>>) offsets(%dma_start3A_19 : memref<128xi32, #tpu.memory_space<vmem>>) semaphore(%arg11 : memref<!tpu.dma_semaphore, #tpu.memory_space<semaphore_mem>>)
    %dma_start3A_23 = arith.constant 1 : i32
    %dma_start3A_24 = arith.constant 0 : i32
    %dma_start3A_25 = tpu.memref_slice %arg6[%dma_start3A_23, %dma_start3A_24] : memref<8x128xi32, #tpu.memory_space<vmem>> -> memref<1x128xi32, #tpu.memory_space<vmem>>
    %dma_start3A_26 = tpu.memref_squeeze %dma_start3A_25 : memref<1x128xi32, #tpu.memory_space<vmem>> -> memref<128xi32, #tpu.memory_space<vmem>>
    %dma_start3A_27 = arith.constant 0 : i32
    %dma_start3A_28 = arith.constant 0 : i32
    %dma_start3A_29 = tpu.memref_slice %arg2[%dma_start3A_27, %dma_start3A_28] : memref<10000x128xf32, #tpu.memory_space<hbm>> -> memref<10000x128xf32, #tpu.memory_space<hbm>>
    tpu.enqueue_indirect_dma source(%dma_start3A_29 : memref<10000x128xf32, #tpu.memory_space<hbm>>) target(%arg9 : memref<128x128xf32, #tpu.memory_space<vmem>>) offsets(%dma_start3A_26 : memref<128xi32, #tpu.memory_space<vmem>>) semaphore(%arg12 : memref<!tpu.dma_semaphore, #tpu.memory_space<semaphore_mem>>)
    %scan3A = arith.constant 0 : i32
    %scan3A_30 = arith.constant 0 : i32
    %scan3A_31 = arith.constant 10 : i32
    %scan3A_32 = arith.addi %scan3A_30, %scan3A_31 : i32
    %scan3A_33 = arith.constant 1 : i32
    scf.for %scan3A_40 = %scan3A_30 to %scan3A_32 step %scan3A_33  : i32 {
      %dma_wait3A = arith.constant 0 : i32
      %dma_wait3A_41 = arith.constant 0 : i32
      %dma_wait3A_42 = tpu.memref_slice %arg6[%dma_wait3A, %dma_wait3A_41] : memref<8x128xi32, #tpu.memory_space<vmem>> -> memref<1x128xi32, #tpu.memory_space<vmem>>
      %dma_wait3A_43 = tpu.memref_squeeze %dma_wait3A_42 : memref<1x128xi32, #tpu.memory_space<vmem>> -> memref<128xi32, #tpu.memory_space<vmem>>
      %dma_wait3A_44 = arith.constant 0 : i32
      %dma_wait3A_45 = arith.constant 0 : i32
      %dma_wait3A_46 = tpu.memref_slice %arg2[%dma_wait3A_44, %dma_wait3A_45] : memref<10000x128xf32, #tpu.memory_space<hbm>> -> memref<10000x128xf32, #tpu.memory_space<hbm>>
      tpu.wait_indirect_dma semaphore(%arg11 : memref<!tpu.dma_semaphore, #tpu.memory_space<semaphore_mem>>) src(%dma_wait3A_46 : memref<10000x128xf32, #tpu.memory_space<hbm>>) dst(%arg8 : memref<128x128xf32, #tpu.memory_space<vmem>>)
      %run_scoped3A = arith.constant 4 : i32
      "tpu.region"() ({
        %run_scoped3A_178 = tpu.sem_alloc : memref<!tpu.dma_semaphore, #tpu.memory_space<semaphore_mem>>
        %dma_start3A_179 = arith.constant 0 : i32
        %dma_start3A_180 = tpu.memref_slice %arg6[%run_scoped3A, %dma_start3A_179] : memref<8x128xi32, #tpu.memory_space<vmem>> -> memref<1x128xi32, #tpu.memory_space<vmem>>
        %dma_start3A_181 = tpu.memref_squeeze %dma_start3A_180 : memref<1x128xi32, #tpu.memory_space<vmem>> -> memref<128xi32, #tpu.memory_space<vmem>>
        %dma_start3A_182 = arith.constant 0 : i32
        %dma_start3A_183 = arith.constant 0 : i32
        %dma_start3A_184 = tpu.memref_slice %arg10[%dma_start3A_182, %dma_start3A_183] : memref<10240x128xf32, #tpu.memory_space<vmem_shared>> -> memref<10240x128xf32, #tpu.memory_space<vmem_shared>>
        tpu.enqueue_indirect_dma source(%arg8 : memref<128x128xf32, #tpu.memory_space<vmem>>) target(%dma_start3A_184 : memref<10240x128xf32, #tpu.memory_space<vmem_shared>>) offsets(%dma_start3A_181 : memref<128xi32, #tpu.memory_space<vmem>>) semaphore(%run_scoped3A_178 : memref<!tpu.dma_semaphore, #tpu.memory_space<semaphore_mem>>) {add = true}
        %dma_wait3A_185 = arith.constant 0 : i32
        %dma_wait3A_186 = tpu.memref_slice %arg6[%run_scoped3A, %dma_wait3A_185] : memref<8x128xi32, #tpu.memory_space<vmem>> -> memref<1x128xi32, #tpu.memory_space<vmem>>
        %dma_wait3A_187 = tpu.memref_squeeze %dma_wait3A_186 : memref<1x128xi32, #tpu.memory_space<vmem>> -> memref<128xi32, #tpu.memory_space<vmem>>
        %dma_wait3A_188 = arith.constant 0 : i32
        %dma_wait3A_189 = arith.constant 0 : i32
        %dma_wait3A_190 = tpu.memref_slice %arg10[%dma_wait3A_188, %dma_wait3A_189] : memref<10240x128xf32, #tpu.memory_space<vmem_shared>> -> memref<10240x128xf32, #tpu.memory_space<vmem_shared>>
        tpu.wait_indirect_dma semaphore(%run_scoped3A_178 : memref<!tpu.dma_semaphore, #tpu.memory_space<semaphore_mem>>) src(%arg8 : memref<128x128xf32, #tpu.memory_space<vmem>>) dst(%dma_wait3A_190 : memref<10240x128xf32, #tpu.memory_space<vmem_shared>>)
        tpu.yield
      }) : () -> ()
      %dma_start3A_47 = arith.constant 2 : i32
      %dma_start3A_48 = arith.constant 0 : i32
      %dma_start3A_49 = tpu.memref_slice %arg6[%dma_start3A_47, %dma_start3A_48] : memref<8x128xi32, #tpu.memory_space<vmem>> -> memref<1x128xi32, #tpu.memory_space<vmem>>
      %dma_start3A_50 = tpu.memref_squeeze %dma_start3A_49 : memref<1x128xi32, #tpu.memory_space<vmem>> -> memref<128xi32, #tpu.memory_space<vmem>>
      %dma_start3A_51 = arith.constant 0 : i32
      %dma_start3A_52 = arith.constant 0 : i32
      %dma_start3A_53 = tpu.memref_slice %arg2[%dma_start3A_51, %dma_start3A_52] : memref<10000x128xf32, #tpu.memory_space<hbm>> -> memref<10000x128xf32, #tpu.memory_space<hbm>>
      tpu.enqueue_indirect_dma source(%dma_start3A_53 : memref<10000x128xf32, #tpu.memory_space<hbm>>) target(%arg8 : memref<128x128xf32, #tpu.memory_space<vmem>>) offsets(%dma_start3A_50 : memref<128xi32, #tpu.memory_space<vmem>>) semaphore(%arg11 : memref<!tpu.dma_semaphore, #tpu.memory_space<semaphore_mem>>)
      %dma_wait3A_54 = arith.constant 0 : i32
      %dma_wait3A_55 = arith.constant 0 : i32
      %dma_wait3A_56 = tpu.memref_slice %arg6[%dma_wait3A_54, %dma_wait3A_55] : memref<8x128xi32, #tpu.memory_space<vmem>> -> memref<1x128xi32, #tpu.memory_space<vmem>>
      %dma_wait3A_57 = tpu.memref_squeeze %dma_wait3A_56 : memref<1x128xi32, #tpu.memory_space<vmem>> -> memref<128xi32, #tpu.memory_space<vmem>>
      %dma_wait3A_58 = arith.constant 0 : i32
      %dma_wait3A_59 = arith.constant 0 : i32
      %dma_wait3A_60 = tpu.memref_slice %arg2[%dma_wait3A_58, %dma_wait3A_59] : memref<10000x128xf32, #tpu.memory_space<hbm>> -> memref<10000x128xf32, #tpu.memory_space<hbm>>
      tpu.wait_indirect_dma semaphore(%arg12 : memref<!tpu.dma_semaphore, #tpu.memory_space<semaphore_mem>>) src(%dma_wait3A_60 : memref<10000x128xf32, #tpu.memory_space<hbm>>) dst(%arg9 : memref<128x128xf32, #tpu.memory_space<vmem>>)
      %run_scoped3A_61 = arith.constant 5 : i32
      "tpu.region"() ({
        %run_scoped3A_178 = tpu.sem_alloc : memref<!tpu.dma_semaphore, #tpu.memory_space<semaphore_mem>>
        %dma_start3A_179 = arith.constant 0 : i32
        %dma_start3A_180 = tpu.memref_slice %arg6[%run_scoped3A_61, %dma_start3A_179] : memref<8x128xi32, #tpu.memory_space<vmem>> -> memref<1x128xi32, #tpu.memory_space<vmem>>
        %dma_start3A_181 = tpu.memref_squeeze %dma_start3A_180 : memref<1x128xi32, #tpu.memory_space<vmem>> -> memref<128xi32, #tpu.memory_space<vmem>>
        %dma_start3A_182 = arith.constant 0 : i32
        %dma_start3A_183 = arith.constant 0 : i32
        %dma_start3A_184 = tpu.memref_slice %arg10[%dma_start3A_182, %dma_start3A_183] : memref<10240x128xf32, #tpu.memory_space<vmem_shared>> -> memref<10240x128xf32, #tpu.memory_space<vmem_shared>>
        tpu.enqueue_indirect_dma source(%arg9 : memref<128x128xf32, #tpu.memory_space<vmem>>) target(%dma_start3A_184 : memref<10240x128xf32, #tpu.memory_space<vmem_shared>>) offsets(%dma_start3A_181 : memref<128xi32, #tpu.memory_space<vmem>>) semaphore(%run_scoped3A_178 : memref<!tpu.dma_semaphore, #tpu.memory_space<semaphore_mem>>) {add = true}
        %dma_wait3A_185 = arith.constant 0 : i32
        %dma_wait3A_186 = tpu.memref_slice %arg6[%run_scoped3A_61, %dma_wait3A_185] : memref<8x128xi32, #tpu.memory_space<vmem>> -> memref<1x128xi32, #tpu.memory_space<vmem>>
        %dma_wait3A_187 = tpu.memref_squeeze %dma_wait3A_186 : memref<1x128xi32, #tpu.memory_space<vmem>> -> memref<128xi32, #tpu.memory_space<vmem>>
        %dma_wait3A_188 = arith.constant 0 : i32
        %dma_wait3A_189 = arith.constant 0 : i32
        %dma_wait3A_190 = tpu.memref_slice %arg10[%dma_wait3A_188, %dma_wait3A_189] : memref<10240x128xf32, #tpu.memory_space<vmem_shared>> -> memref<10240x128xf32, #tpu.memory_space<vmem_shared>>
        tpu.wait_indirect_dma semaphore(%run_scoped3A_178 : memref<!tpu.dma_semaphore, #tpu.memory_space<semaphore_mem>>) src(%arg9 : memref<128x128xf32, #tpu.memory_space<vmem>>) dst(%dma_wait3A_190 : memref<10240x128xf32, #tpu.memory_space<vmem_shared>>)
        tpu.yield
      }) : () -> ()
      %dma_start3A_62 = arith.constant 3 : i32
      %dma_start3A_63 = arith.constant 0 : i32
      %dma_start3A_64 = tpu.memref_slice %arg6[%dma_start3A_62, %dma_start3A_63] : memref<8x128xi32, #tpu.memory_space<vmem>> -> memref<1x128xi32, #tpu.memory_space<vmem>>
      %dma_start3A_65 = tpu.memref_squeeze %dma_start3A_64 : memref<1x128xi32, #tpu.memory_space<vmem>> -> memref<128xi32, #tpu.memory_space<vmem>>
      %dma_start3A_66 = arith.constant 0 : i32
      %dma_start3A_67 = arith.constant 0 : i32
      %dma_start3A_68 = tpu.memref_slice %arg2[%dma_start3A_66, %dma_start3A_67] : memref<10000x128xf32, #tpu.memory_space<hbm>> -> memref<10000x128xf32, #tpu.memory_space<hbm>>
      tpu.enqueue_indirect_dma source(%dma_start3A_68 : memref<10000x128xf32, #tpu.memory_space<hbm>>) target(%arg9 : memref<128x128xf32, #tpu.memory_space<vmem>>) offsets(%dma_start3A_65 : memref<128xi32, #tpu.memory_space<vmem>>) semaphore(%arg12 : memref<!tpu.dma_semaphore, #tpu.memory_space<semaphore_mem>>)
      %dma_wait3A_69 = arith.constant 0 : i32
      %dma_wait3A_70 = arith.constant 0 : i32
      %dma_wait3A_71 = tpu.memref_slice %arg6[%dma_wait3A_69, %dma_wait3A_70] : memref<8x128xi32, #tpu.memory_space<vmem>> -> memref<1x128xi32, #tpu.memory_space<vmem>>
      %dma_wait3A_72 = tpu.memref_squeeze %dma_wait3A_71 : memref<1x128xi32, #tpu.memory_space<vmem>> -> memref<128xi32, #tpu.memory_space<vmem>>
      %dma_wait3A_73 = arith.constant 0 : i32
      %dma_wait3A_74 = arith.constant 0 : i32
      %dma_wait3A_75 = tpu.memref_slice %arg2[%dma_wait3A_73, %dma_wait3A_74] : memref<10000x128xf32, #tpu.memory_space<hbm>> -> memref<10000x128xf32, #tpu.memory_space<hbm>>
      tpu.wait_indirect_dma semaphore(%arg11 : memref<!tpu.dma_semaphore, #tpu.memory_space<semaphore_mem>>) src(%dma_wait3A_75 : memref<10000x128xf32, #tpu.memory_space<hbm>>) dst(%arg8 : memref<128x128xf32, #tpu.memory_space<vmem>>)
      %run_scoped3A_76 = arith.constant 6 : i32
      "tpu.region"() ({
        %run_scoped3A_178 = tpu.sem_alloc : memref<!tpu.dma_semaphore, #tpu.memory_space<semaphore_mem>>
        %dma_start3A_179 = arith.constant 0 : i32
        %dma_start3A_180 = tpu.memref_slice %arg6[%run_scoped3A_76, %dma_start3A_179] : memref<8x128xi32, #tpu.memory_space<vmem>> -> memref<1x128xi32, #tpu.memory_space<vmem>>
        %dma_start3A_181 = tpu.memref_squeeze %dma_start3A_180 : memref<1x128xi32, #tpu.memory_space<vmem>> -> memref<128xi32, #tpu.memory_space<vmem>>
        %dma_start3A_182 = arith.constant 0 : i32
        %dma_start3A_183 = arith.constant 0 : i32
        %dma_start3A_184 = tpu.memref_slice %arg10[%dma_start3A_182, %dma_start3A_183] : memref<10240x128xf32, #tpu.memory_space<vmem_shared>> -> memref<10240x128xf32, #tpu.memory_space<vmem_shared>>
        tpu.enqueue_indirect_dma source(%arg8 : memref<128x128xf32, #tpu.memory_space<vmem>>) target(%dma_start3A_184 : memref<10240x128xf32, #tpu.memory_space<vmem_shared>>) offsets(%dma_start3A_181 : memref<128xi32, #tpu.memory_space<vmem>>) semaphore(%run_scoped3A_178 : memref<!tpu.dma_semaphore, #tpu.memory_space<semaphore_mem>>) {add = true}
        %dma_wait3A_185 = arith.constant 0 : i32
        %dma_wait3A_186 = tpu.memref_slice %arg6[%run_scoped3A_76, %dma_wait3A_185] : memref<8x128xi32, #tpu.memory_space<vmem>> -> memref<1x128xi32, #tpu.memory_space<vmem>>
        %dma_wait3A_187 = tpu.memref_squeeze %dma_wait3A_186 : memref<1x128xi32, #tpu.memory_space<vmem>> -> memref<128xi32, #tpu.memory_space<vmem>>
        %dma_wait3A_188 = arith.constant 0 : i32
        %dma_wait3A_189 = arith.constant 0 : i32
        %dma_wait3A_190 = tpu.memref_slice %arg10[%dma_wait3A_188, %dma_wait3A_189] : memref<10240x128xf32, #tpu.memory_space<vmem_shared>> -> memref<10240x128xf32, #tpu.memory_space<vmem_shared>>
        tpu.wait_indirect_dma semaphore(%run_scoped3A_178 : memref<!tpu.dma_semaphore, #tpu.memory_space<semaphore_mem>>) src(%arg8 : memref<128x128xf32, #tpu.memory_space<vmem>>) dst(%dma_wait3A_190 : memref<10240x128xf32, #tpu.memory_space<vmem_shared>>)
        tpu.yield
      }) : () -> ()
      %dma_wait3A_77 = arith.constant 0 : i32
      %dma_wait3A_78 = arith.constant 0 : i32
      %dma_wait3A_79 = tpu.memref_slice %arg3[%mul3A_6, %dma_wait3A_77, %dma_wait3A_78] : memref<640x8x128xi32, #tpu.memory_space<hbm>> -> memref<1x8x128xi32, #tpu.memory_space<hbm>>
      %dma_wait3A_80 = tpu.memref_squeeze %dma_wait3A_79 : memref<1x8x128xi32, #tpu.memory_space<hbm>> -> memref<8x128xi32, #tpu.memory_space<hbm>>
      %dma_wait3A_81 = arith.constant 0 : i32
      %dma_wait3A_82 = arith.constant 0 : i32
      %dma_wait3A_83 = tpu.memref_slice %arg3[%mul3A_6, %dma_wait3A_81, %dma_wait3A_82] : memref<640x8x128xi32, #tpu.memory_space<hbm>> -> memref<1x8x128xi32, #tpu.memory_space<hbm>>
      %dma_wait3A_84 = tpu.memref_squeeze %dma_wait3A_83 : memref<1x8x128xi32, #tpu.memory_space<hbm>> -> memref<8x128xi32, #tpu.memory_space<hbm>>
      tpu.wait_dma2 semaphore(%arg14 : memref<!tpu.dma_semaphore, #tpu.memory_space<semaphore_mem>>) src(%dma_wait3A_84 : memref<8x128xi32, #tpu.memory_space<hbm>>) dst(%arg7 : memref<8x128xi32, #tpu.memory_space<vmem>>)
      %dma_start3A_85 = arith.constant 0 : i32
      %dma_start3A_86 = arith.constant 0 : i32
      %dma_start3A_87 = tpu.memref_slice %arg7[%dma_start3A_85, %dma_start3A_86] : memref<8x128xi32, #tpu.memory_space<vmem>> -> memref<1x128xi32, #tpu.memory_space<vmem>>
      %dma_start3A_88 = tpu.memref_squeeze %dma_start3A_87 : memref<1x128xi32, #tpu.memory_space<vmem>> -> memref<128xi32, #tpu.memory_space<vmem>>
      %dma_start3A_89 = arith.constant 0 : i32
      %dma_start3A_90 = arith.constant 0 : i32
      %dma_start3A_91 = tpu.memref_slice %arg2[%dma_start3A_89, %dma_start3A_90] : memref<10000x128xf32, #tpu.memory_space<hbm>> -> memref<10000x128xf32, #tpu.memory_space<hbm>>
      tpu.enqueue_indirect_dma source(%dma_start3A_91 : memref<10000x128xf32, #tpu.memory_space<hbm>>) target(%arg8 : memref<128x128xf32, #tpu.memory_space<vmem>>) offsets(%dma_start3A_88 : memref<128xi32, #tpu.memory_space<vmem>>) semaphore(%arg11 : memref<!tpu.dma_semaphore, #tpu.memory_space<semaphore_mem>>)
      %dma_wait3A_92 = arith.constant 0 : i32
      %dma_wait3A_93 = arith.constant 0 : i32
      %dma_wait3A_94 = tpu.memref_slice %arg6[%dma_wait3A_92, %dma_wait3A_93] : memref<8x128xi32, #tpu.memory_space<vmem>> -> memref<1x128xi32, #tpu.memory_space<vmem>>
      %dma_wait3A_95 = tpu.memref_squeeze %dma_wait3A_94 : memref<1x128xi32, #tpu.memory_space<vmem>> -> memref<128xi32, #tpu.memory_space<vmem>>
      %dma_wait3A_96 = arith.constant 0 : i32
      %dma_wait3A_97 = arith.constant 0 : i32
      %dma_wait3A_98 = tpu.memref_slice %arg2[%dma_wait3A_96, %dma_wait3A_97] : memref<10000x128xf32, #tpu.memory_space<hbm>> -> memref<10000x128xf32, #tpu.memory_space<hbm>>
      tpu.wait_indirect_dma semaphore(%arg12 : memref<!tpu.dma_semaphore, #tpu.memory_space<semaphore_mem>>) src(%dma_wait3A_98 : memref<10000x128xf32, #tpu.memory_space<hbm>>) dst(%arg9 : memref<128x128xf32, #tpu.memory_space<vmem>>)
      %run_scoped3A_99 = arith.constant 7 : i32
      "tpu.region"() ({
        %run_scoped3A_178 = tpu.sem_alloc : memref<!tpu.dma_semaphore, #tpu.memory_space<semaphore_mem>>
        %dma_start3A_179 = arith.constant 0 : i32
        %dma_start3A_180 = tpu.memref_slice %arg6[%run_scoped3A_99, %dma_start3A_179] : memref<8x128xi32, #tpu.memory_space<vmem>> -> memref<1x128xi32, #tpu.memory_space<vmem>>
        %dma_start3A_181 = tpu.memref_squeeze %dma_start3A_180 : memref<1x128xi32, #tpu.memory_space<vmem>> -> memref<128xi32, #tpu.memory_space<vmem>>
        %dma_start3A_182 = arith.constant 0 : i32
        %dma_start3A_183 = arith.constant 0 : i32
        %dma_start3A_184 = tpu.memref_slice %arg10[%dma_start3A_182, %dma_start3A_183] : memref<10240x128xf32, #tpu.memory_space<vmem_shared>> -> memref<10240x128xf32, #tpu.memory_space<vmem_shared>>
        tpu.enqueue_indirect_dma source(%arg9 : memref<128x128xf32, #tpu.memory_space<vmem>>) target(%dma_start3A_184 : memref<10240x128xf32, #tpu.memory_space<vmem_shared>>) offsets(%dma_start3A_181 : memref<128xi32, #tpu.memory_space<vmem>>) semaphore(%run_scoped3A_178 : memref<!tpu.dma_semaphore, #tpu.memory_space<semaphore_mem>>) {add = true}
        %dma_wait3A_185 = arith.constant 0 : i32
        %dma_wait3A_186 = tpu.memref_slice %arg6[%run_scoped3A_99, %dma_wait3A_185] : memref<8x128xi32, #tpu.memory_space<vmem>> -> memref<1x128xi32, #tpu.memory_space<vmem>>
        %dma_wait3A_187 = tpu.memref_squeeze %dma_wait3A_186 : memref<1x128xi32, #tpu.memory_space<vmem>> -> memref<128xi32, #tpu.memory_space<vmem>>
        %dma_wait3A_188 = arith.constant 0 : i32
        %dma_wait3A_189 = arith.constant 0 : i32
        %dma_wait3A_190 = tpu.memref_slice %arg10[%dma_wait3A_188, %dma_wait3A_189] : memref<10240x128xf32, #tpu.memory_space<vmem_shared>> -> memref<10240x128xf32, #tpu.memory_space<vmem_shared>>
        tpu.wait_indirect_dma semaphore(%run_scoped3A_178 : memref<!tpu.dma_semaphore, #tpu.memory_space<semaphore_mem>>) src(%arg9 : memref<128x128xf32, #tpu.memory_space<vmem>>) dst(%dma_wait3A_190 : memref<10240x128xf32, #tpu.memory_space<vmem_shared>>)
        tpu.yield
      }) : () -> ()
      %dma_start3A_100 = arith.constant 1 : i32
      %dma_start3A_101 = arith.constant 0 : i32
      %dma_start3A_102 = tpu.memref_slice %arg7[%dma_start3A_100, %dma_start3A_101] : memref<8x128xi32, #tpu.memory_space<vmem>> -> memref<1x128xi32, #tpu.memory_space<vmem>>
      %dma_start3A_103 = tpu.memref_squeeze %dma_start3A_102 : memref<1x128xi32, #tpu.memory_space<vmem>> -> memref<128xi32, #tpu.memory_space<vmem>>
      %dma_start3A_104 = arith.constant 0 : i32
      %dma_start3A_105 = arith.constant 0 : i32
      %dma_start3A_106 = tpu.memref_slice %arg2[%dma_start3A_104, %dma_start3A_105] : memref<10000x128xf32, #tpu.memory_space<hbm>> -> memref<10000x128xf32, #tpu.memory_space<hbm>>
      tpu.enqueue_indirect_dma source(%dma_start3A_106 : memref<10000x128xf32, #tpu.memory_space<hbm>>) target(%arg9 : memref<128x128xf32, #tpu.memory_space<vmem>>) offsets(%dma_start3A_103 : memref<128xi32, #tpu.memory_space<vmem>>) semaphore(%arg12 : memref<!tpu.dma_semaphore, #tpu.memory_space<semaphore_mem>>)
      %add3A_107 = arith.constant 1 : i32
      %add3A_108 = arith.addi %scan3A_40, %add3A_107 : i32
      %lt3A = arith.constant 10 : i32
      %lt3A_109 = arith.cmpi slt, %add3A_108, %lt3A : i32
      %convert_element_type3A = arith.extui %lt3A_109 : i1 to i32
      %cond3A = arith.constant 0 : i32
      %cond3A_110 = arith.cmpi ne, %convert_element_type3A, %cond3A : i32
      scf.if %cond3A_110 {
        %mul3A_178 = arith.constant 2 : i32
        %mul3A_179 = arith.muli %mul3A_178, %scan3A_40 : i32
        %add3A_180 = arith.constant 2 : i32
        %add3A_181 = arith.addi %mul3A_179, %add3A_180 : i32
        %add3A_182 = arith.addi %mul3A_6, %add3A_181 : i32
        %dma_start3A_183 = arith.constant 0 : i32
        %dma_start3A_184 = arith.constant 0 : i32
        %dma_start3A_185 = tpu.memref_slice %arg3[%add3A_182, %dma_start3A_183, %dma_start3A_184] : memref<640x8x128xi32, #tpu.memory_space<hbm>> -> memref<1x8x128xi32, #tpu.memory_space<hbm>>
        %dma_start3A_186 = tpu.memref_squeeze %dma_start3A_185 : memref<1x8x128xi32, #tpu.memory_space<hbm>> -> memref<8x128xi32, #tpu.memory_space<hbm>>
        %dma_start3A_187 = arith.constant 0 : i32
        %dma_start3A_188 = arith.constant 0 : i32
        %dma_start3A_189 = tpu.memref_slice %arg3[%add3A_182, %dma_start3A_187, %dma_start3A_188] : memref<640x8x128xi32, #tpu.memory_space<hbm>> -> memref<1x8x128xi32, #tpu.memory_space<hbm>>
        %dma_start3A_190 = tpu.memref_squeeze %dma_start3A_189 : memref<1x8x128xi32, #tpu.memory_space<hbm>> -> memref<8x128xi32, #tpu.memory_space<hbm>>
        tpu.enqueue_dma source(%dma_start3A_190 : memref<8x128xi32, #tpu.memory_space<hbm>>) target(%arg6 : memref<8x128xi32, #tpu.memory_space<vmem>>) target_semaphore(%arg13 : memref<!tpu.dma_semaphore, #tpu.memory_space<semaphore_mem>>)
      } else {
      }
      %dma_wait3A_111 = arith.constant 0 : i32
      %dma_wait3A_112 = arith.constant 0 : i32
      %dma_wait3A_113 = tpu.memref_slice %arg6[%dma_wait3A_111, %dma_wait3A_112] : memref<8x128xi32, #tpu.memory_space<vmem>> -> memref<1x128xi32, #tpu.memory_space<vmem>>
      %dma_wait3A_114 = tpu.memref_squeeze %dma_wait3A_113 : memref<1x128xi32, #tpu.memory_space<vmem>> -> memref<128xi32, #tpu.memory_space<vmem>>
      %dma_wait3A_115 = arith.constant 0 : i32
      %dma_wait3A_116 = arith.constant 0 : i32
      %dma_wait3A_117 = tpu.memref_slice %arg2[%dma_wait3A_115, %dma_wait3A_116] : memref<10000x128xf32, #tpu.memory_space<hbm>> -> memref<10000x128xf32, #tpu.memory_space<hbm>>
      tpu.wait_indirect_dma semaphore(%arg11 : memref<!tpu.dma_semaphore, #tpu.memory_space<semaphore_mem>>) src(%dma_wait3A_117 : memref<10000x128xf32, #tpu.memory_space<hbm>>) dst(%arg8 : memref<128x128xf32, #tpu.memory_space<vmem>>)
      %run_scoped3A_118 = arith.constant 4 : i32
      "tpu.region"() ({
        %run_scoped3A_178 = tpu.sem_alloc : memref<!tpu.dma_semaphore, #tpu.memory_space<semaphore_mem>>
        %dma_start3A_179 = arith.constant 0 : i32
        %dma_start3A_180 = tpu.memref_slice %arg7[%run_scoped3A_118, %dma_start3A_179] : memref<8x128xi32, #tpu.memory_space<vmem>> -> memref<1x128xi32, #tpu.memory_space<vmem>>
        %dma_start3A_181 = tpu.memref_squeeze %dma_start3A_180 : memref<1x128xi32, #tpu.memory_space<vmem>> -> memref<128xi32, #tpu.memory_space<vmem>>
        %dma_start3A_182 = arith.constant 0 : i32
        %dma_start3A_183 = arith.constant 0 : i32
        %dma_start3A_184 = tpu.memref_slice %arg10[%dma_start3A_182, %dma_start3A_183] : memref<10240x128xf32, #tpu.memory_space<vmem_shared>> -> memref<10240x128xf32, #tpu.memory_space<vmem_shared>>
        tpu.enqueue_indirect_dma source(%arg8 : memref<128x128xf32, #tpu.memory_space<vmem>>) target(%dma_start3A_184 : memref<10240x128xf32, #tpu.memory_space<vmem_shared>>) offsets(%dma_start3A_181 : memref<128xi32, #tpu.memory_space<vmem>>) semaphore(%run_scoped3A_178 : memref<!tpu.dma_semaphore, #tpu.memory_space<semaphore_mem>>) {add = true}
        %dma_wait3A_185 = arith.constant 0 : i32
        %dma_wait3A_186 = tpu.memref_slice %arg7[%run_scoped3A_118, %dma_wait3A_185] : memref<8x128xi32, #tpu.memory_space<vmem>> -> memref<1x128xi32, #tpu.memory_space<vmem>>
        %dma_wait3A_187 = tpu.memref_squeeze %dma_wait3A_186 : memref<1x128xi32, #tpu.memory_space<vmem>> -> memref<128xi32, #tpu.memory_space<vmem>>
        %dma_wait3A_188 = arith.constant 0 : i32
        %dma_wait3A_189 = arith.constant 0 : i32
        %dma_wait3A_190 = tpu.memref_slice %arg10[%dma_wait3A_188, %dma_wait3A_189] : memref<10240x128xf32, #tpu.memory_space<vmem_shared>> -> memref<10240x128xf32, #tpu.memory_space<vmem_shared>>
        tpu.wait_indirect_dma semaphore(%run_scoped3A_178 : memref<!tpu.dma_semaphore, #tpu.memory_space<semaphore_mem>>) src(%arg8 : memref<128x128xf32, #tpu.memory_space<vmem>>) dst(%dma_wait3A_190 : memref<10240x128xf32, #tpu.memory_space<vmem_shared>>)
        tpu.yield
      }) : () -> ()
      %dma_start3A_119 = arith.constant 2 : i32
      %dma_start3A_120 = arith.constant 0 : i32
      %dma_start3A_121 = tpu.memref_slice %arg7[%dma_start3A_119, %dma_start3A_120] : memref<8x128xi32, #tpu.memory_space<vmem>> -> memref<1x128xi32, #tpu.memory_space<vmem>>
      %dma_start3A_122 = tpu.memref_squeeze %dma_start3A_121 : memref<1x128xi32, #tpu.memory_space<vmem>> -> memref<128xi32, #tpu.memory_space<vmem>>
      %dma_start3A_123 = arith.constant 0 : i32
      %dma_start3A_124 = arith.constant 0 : i32
      %dma_start3A_125 = tpu.memref_slice %arg2[%dma_start3A_123, %dma_start3A_124] : memref<10000x128xf32, #tpu.memory_space<hbm>> -> memref<10000x128xf32, #tpu.memory_space<hbm>>
      tpu.enqueue_indirect_dma source(%dma_start3A_125 : memref<10000x128xf32, #tpu.memory_space<hbm>>) target(%arg8 : memref<128x128xf32, #tpu.memory_space<vmem>>) offsets(%dma_start3A_122 : memref<128xi32, #tpu.memory_space<vmem>>) semaphore(%arg11 : memref<!tpu.dma_semaphore, #tpu.memory_space<semaphore_mem>>)
      %dma_wait3A_126 = arith.constant 0 : i32
      %dma_wait3A_127 = arith.constant 0 : i32
      %dma_wait3A_128 = tpu.memref_slice %arg6[%dma_wait3A_126, %dma_wait3A_127] : memref<8x128xi32, #tpu.memory_space<vmem>> -> memref<1x128xi32, #tpu.memory_space<vmem>>
      %dma_wait3A_129 = tpu.memref_squeeze %dma_wait3A_128 : memref<1x128xi32, #tpu.memory_space<vmem>> -> memref<128xi32, #tpu.memory_space<vmem>>
      %dma_wait3A_130 = arith.constant 0 : i32
      %dma_wait3A_131 = arith.constant 0 : i32
      %dma_wait3A_132 = tpu.memref_slice %arg2[%dma_wait3A_130, %dma_wait3A_131] : memref<10000x128xf32, #tpu.memory_space<hbm>> -> memref<10000x128xf32, #tpu.memory_space<hbm>>
      tpu.wait_indirect_dma semaphore(%arg12 : memref<!tpu.dma_semaphore, #tpu.memory_space<semaphore_mem>>) src(%dma_wait3A_132 : memref<10000x128xf32, #tpu.memory_space<hbm>>) dst(%arg9 : memref<128x128xf32, #tpu.memory_space<vmem>>)
      %run_scoped3A_133 = arith.constant 5 : i32
      "tpu.region"() ({
        %run_scoped3A_178 = tpu.sem_alloc : memref<!tpu.dma_semaphore, #tpu.memory_space<semaphore_mem>>
        %dma_start3A_179 = arith.constant 0 : i32
        %dma_start3A_180 = tpu.memref_slice %arg7[%run_scoped3A_133, %dma_start3A_179] : memref<8x128xi32, #tpu.memory_space<vmem>> -> memref<1x128xi32, #tpu.memory_space<vmem>>
        %dma_start3A_181 = tpu.memref_squeeze %dma_start3A_180 : memref<1x128xi32, #tpu.memory_space<vmem>> -> memref<128xi32, #tpu.memory_space<vmem>>
        %dma_start3A_182 = arith.constant 0 : i32
        %dma_start3A_183 = arith.constant 0 : i32
        %dma_start3A_184 = tpu.memref_slice %arg10[%dma_start3A_182, %dma_start3A_183] : memref<10240x128xf32, #tpu.memory_space<vmem_shared>> -> memref<10240x128xf32, #tpu.memory_space<vmem_shared>>
        tpu.enqueue_indirect_dma source(%arg9 : memref<128x128xf32, #tpu.memory_space<vmem>>) target(%dma_start3A_184 : memref<10240x128xf32, #tpu.memory_space<vmem_shared>>) offsets(%dma_start3A_181 : memref<128xi32, #tpu.memory_space<vmem>>) semaphore(%run_scoped3A_178 : memref<!tpu.dma_semaphore, #tpu.memory_space<semaphore_mem>>) {add = true}
        %dma_wait3A_185 = arith.constant 0 : i32
        %dma_wait3A_186 = tpu.memref_slice %arg7[%run_scoped3A_133, %dma_wait3A_185] : memref<8x128xi32, #tpu.memory_space<vmem>> -> memref<1x128xi32, #tpu.memory_space<vmem>>
        %dma_wait3A_187 = tpu.memref_squeeze %dma_wait3A_186 : memref<1x128xi32, #tpu.memory_space<vmem>> -> memref<128xi32, #tpu.memory_space<vmem>>
        %dma_wait3A_188 = arith.constant 0 : i32
        %dma_wait3A_189 = arith.constant 0 : i32
        %dma_wait3A_190 = tpu.memref_slice %arg10[%dma_wait3A_188, %dma_wait3A_189] : memref<10240x128xf32, #tpu.memory_space<vmem_shared>> -> memref<10240x128xf32, #tpu.memory_space<vmem_shared>>
        tpu.wait_indirect_dma semaphore(%run_scoped3A_178 : memref<!tpu.dma_semaphore, #tpu.memory_space<semaphore_mem>>) src(%arg9 : memref<128x128xf32, #tpu.memory_space<vmem>>) dst(%dma_wait3A_190 : memref<10240x128xf32, #tpu.memory_space<vmem_shared>>)
        tpu.yield
      }) : () -> ()
      %dma_start3A_134 = arith.constant 3 : i32
      %dma_start3A_135 = arith.constant 0 : i32
      %dma_start3A_136 = tpu.memref_slice %arg7[%dma_start3A_134, %dma_start3A_135] : memref<8x128xi32, #tpu.memory_space<vmem>> -> memref<1x128xi32, #tpu.memory_space<vmem>>
      %dma_start3A_137 = tpu.memref_squeeze %dma_start3A_136 : memref<1x128xi32, #tpu.memory_space<vmem>> -> memref<128xi32, #tpu.memory_space<vmem>>
      %dma_start3A_138 = arith.constant 0 : i32
      %dma_start3A_139 = arith.constant 0 : i32
      %dma_start3A_140 = tpu.memref_slice %arg2[%dma_start3A_138, %dma_start3A_139] : memref<10000x128xf32, #tpu.memory_space<hbm>> -> memref<10000x128xf32, #tpu.memory_space<hbm>>
      tpu.enqueue_indirect_dma source(%dma_start3A_140 : memref<10000x128xf32, #tpu.memory_space<hbm>>) target(%arg9 : memref<128x128xf32, #tpu.memory_space<vmem>>) offsets(%dma_start3A_137 : memref<128xi32, #tpu.memory_space<vmem>>) semaphore(%arg12 : memref<!tpu.dma_semaphore, #tpu.memory_space<semaphore_mem>>)
      %dma_wait3A_141 = arith.constant 0 : i32
      %dma_wait3A_142 = arith.constant 0 : i32
      %dma_wait3A_143 = tpu.memref_slice %arg6[%dma_wait3A_141, %dma_wait3A_142] : memref<8x128xi32, #tpu.memory_space<vmem>> -> memref<1x128xi32, #tpu.memory_space<vmem>>
      %dma_wait3A_144 = tpu.memref_squeeze %dma_wait3A_143 : memref<1x128xi32, #tpu.memory_space<vmem>> -> memref<128xi32, #tpu.memory_space<vmem>>
      %dma_wait3A_145 = arith.constant 0 : i32
      %dma_wait3A_146 = arith.constant 0 : i32
      %dma_wait3A_147 = tpu.memref_slice %arg2[%dma_wait3A_145, %dma_wait3A_146] : memref<10000x128xf32, #tpu.memory_space<hbm>> -> memref<10000x128xf32, #tpu.memory_space<hbm>>
      tpu.wait_indirect_dma semaphore(%arg11 : memref<!tpu.dma_semaphore, #tpu.memory_space<semaphore_mem>>) src(%dma_wait3A_147 : memref<10000x128xf32, #tpu.memory_space<hbm>>) dst(%arg8 : memref<128x128xf32, #tpu.memory_space<vmem>>)
      %run_scoped3A_148 = arith.constant 6 : i32
      "tpu.region"() ({
        %run_scoped3A_178 = tpu.sem_alloc : memref<!tpu.dma_semaphore, #tpu.memory_space<semaphore_mem>>
        %dma_start3A_179 = arith.constant 0 : i32
        %dma_start3A_180 = tpu.memref_slice %arg7[%run_scoped3A_148, %dma_start3A_179] : memref<8x128xi32, #tpu.memory_space<vmem>> -> memref<1x128xi32, #tpu.memory_space<vmem>>
        %dma_start3A_181 = tpu.memref_squeeze %dma_start3A_180 : memref<1x128xi32, #tpu.memory_space<vmem>> -> memref<128xi32, #tpu.memory_space<vmem>>
        %dma_start3A_182 = arith.constant 0 : i32
        %dma_start3A_183 = arith.constant 0 : i32
        %dma_start3A_184 = tpu.memref_slice %arg10[%dma_start3A_182, %dma_start3A_183] : memref<10240x128xf32, #tpu.memory_space<vmem_shared>> -> memref<10240x128xf32, #tpu.memory_space<vmem_shared>>
        tpu.enqueue_indirect_dma source(%arg8 : memref<128x128xf32, #tpu.memory_space<vmem>>) target(%dma_start3A_184 : memref<10240x128xf32, #tpu.memory_space<vmem_shared>>) offsets(%dma_start3A_181 : memref<128xi32, #tpu.memory_space<vmem>>) semaphore(%run_scoped3A_178 : memref<!tpu.dma_semaphore, #tpu.memory_space<semaphore_mem>>) {add = true}
        %dma_wait3A_185 = arith.constant 0 : i32
        %dma_wait3A_186 = tpu.memref_slice %arg7[%run_scoped3A_148, %dma_wait3A_185] : memref<8x128xi32, #tpu.memory_space<vmem>> -> memref<1x128xi32, #tpu.memory_space<vmem>>
        %dma_wait3A_187 = tpu.memref_squeeze %dma_wait3A_186 : memref<1x128xi32, #tpu.memory_space<vmem>> -> memref<128xi32, #tpu.memory_space<vmem>>
        %dma_wait3A_188 = arith.constant 0 : i32
        %dma_wait3A_189 = arith.constant 0 : i32
        %dma_wait3A_190 = tpu.memref_slice %arg10[%dma_wait3A_188, %dma_wait3A_189] : memref<10240x128xf32, #tpu.memory_space<vmem_shared>> -> memref<10240x128xf32, #tpu.memory_space<vmem_shared>>
        tpu.wait_indirect_dma semaphore(%run_scoped3A_178 : memref<!tpu.dma_semaphore, #tpu.memory_space<semaphore_mem>>) src(%arg8 : memref<128x128xf32, #tpu.memory_space<vmem>>) dst(%dma_wait3A_190 : memref<10240x128xf32, #tpu.memory_space<vmem_shared>>)
        tpu.yield
      }) : () -> ()
      %add3A_149 = arith.constant 1 : i32
      %add3A_150 = arith.addi %scan3A_40, %add3A_149 : i32
      %lt3A_151 = arith.constant 10 : i32
      %lt3A_152 = arith.cmpi slt, %add3A_150, %lt3A_151 : i32
      %convert_element_type3A_153 = arith.extui %lt3A_152 : i1 to i32
      %cond3A_154 = arith.constant 0 : i32
      %cond3A_155 = arith.cmpi ne, %convert_element_type3A_153, %cond3A_154 : i32
      scf.if %cond3A_155 {
        %dma_wait3A_178 = arith.constant 0 : i32
        %dma_wait3A_179 = arith.constant 0 : i32
        %dma_wait3A_180 = tpu.memref_slice %arg3[%mul3A_6, %dma_wait3A_178, %dma_wait3A_179] : memref<640x8x128xi32, #tpu.memory_space<hbm>> -> memref<1x8x128xi32, #tpu.memory_space<hbm>>
        %dma_wait3A_181 = tpu.memref_squeeze %dma_wait3A_180 : memref<1x8x128xi32, #tpu.memory_space<hbm>> -> memref<8x128xi32, #tpu.memory_space<hbm>>
        %dma_wait3A_182 = arith.constant 0 : i32
        %dma_wait3A_183 = arith.constant 0 : i32
        %dma_wait3A_184 = tpu.memref_slice %arg3[%mul3A_6, %dma_wait3A_182, %dma_wait3A_183] : memref<640x8x128xi32, #tpu.memory_space<hbm>> -> memref<1x8x128xi32, #tpu.memory_space<hbm>>
        %dma_wait3A_185 = tpu.memref_squeeze %dma_wait3A_184 : memref<1x8x128xi32, #tpu.memory_space<hbm>> -> memref<8x128xi32, #tpu.memory_space<hbm>>
        tpu.wait_dma2 semaphore(%arg13 : memref<!tpu.dma_semaphore, #tpu.memory_space<semaphore_mem>>) src(%dma_wait3A_185 : memref<8x128xi32, #tpu.memory_space<hbm>>) dst(%arg6 : memref<8x128xi32, #tpu.memory_space<vmem>>)
        %dma_start3A_186 = arith.constant 0 : i32
        %dma_start3A_187 = arith.constant 0 : i32
        %dma_start3A_188 = tpu.memref_slice %arg6[%dma_start3A_186, %dma_start3A_187] : memref<8x128xi32, #tpu.memory_space<vmem>> -> memref<1x128xi32, #tpu.memory_space<vmem>>
        %dma_start3A_189 = tpu.memref_squeeze %dma_start3A_188 : memref<1x128xi32, #tpu.memory_space<vmem>> -> memref<128xi32, #tpu.memory_space<vmem>>
        %dma_start3A_190 = arith.constant 0 : i32
        %dma_start3A_191 = arith.constant 0 : i32
        %dma_start3A_192 = tpu.memref_slice %arg2[%dma_start3A_190, %dma_start3A_191] : memref<10000x128xf32, #tpu.memory_space<hbm>> -> memref<10000x128xf32, #tpu.memory_space<hbm>>
        tpu.enqueue_indirect_dma source(%dma_start3A_192 : memref<10000x128xf32, #tpu.memory_space<hbm>>) target(%arg8 : memref<128x128xf32, #tpu.memory_space<vmem>>) offsets(%dma_start3A_189 : memref<128xi32, #tpu.memory_space<vmem>>) semaphore(%arg11 : memref<!tpu.dma_semaphore, #tpu.memory_space<semaphore_mem>>)
      } else {
      }
      %dma_wait3A_156 = arith.constant 0 : i32
      %dma_wait3A_157 = arith.constant 0 : i32
      %dma_wait3A_158 = tpu.memref_slice %arg6[%dma_wait3A_156, %dma_wait3A_157] : memref<8x128xi32, #tpu.memory_space<vmem>> -> memref<1x128xi32, #tpu.memory_space<vmem>>
      %dma_wait3A_159 = tpu.memref_squeeze %dma_wait3A_158 : memref<1x128xi32, #tpu.memory_space<vmem>> -> memref<128xi32, #tpu.memory_space<vmem>>
      %dma_wait3A_160 = arith.constant 0 : i32
      %dma_wait3A_161 = arith.constant 0 : i32
      %dma_wait3A_162 = tpu.memref_slice %arg2[%dma_wait3A_160, %dma_wait3A_161] : memref<10000x128xf32, #tpu.memory_space<hbm>> -> memref<10000x128xf32, #tpu.memory_space<hbm>>
      tpu.wait_indirect_dma semaphore(%arg12 : memref<!tpu.dma_semaphore, #tpu.memory_space<semaphore_mem>>) src(%dma_wait3A_162 : memref<10000x128xf32, #tpu.memory_space<hbm>>) dst(%arg9 : memref<128x128xf32, #tpu.memory_space<vmem>>)
      %run_scoped3A_163 = arith.constant 7 : i32
      "tpu.region"() ({
        %run_scoped3A_178 = tpu.sem_alloc : memref<!tpu.dma_semaphore, #tpu.memory_space<semaphore_mem>>
        %dma_start3A_179 = arith.constant 0 : i32
        %dma_start3A_180 = tpu.memref_slice %arg7[%run_scoped3A_163, %dma_start3A_179] : memref<8x128xi32, #tpu.memory_space<vmem>> -> memref<1x128xi32, #tpu.memory_space<vmem>>
        %dma_start3A_181 = tpu.memref_squeeze %dma_start3A_180 : memref<1x128xi32, #tpu.memory_space<vmem>> -> memref<128xi32, #tpu.memory_space<vmem>>
        %dma_start3A_182 = arith.constant 0 : i32
        %dma_start3A_183 = arith.constant 0 : i32
        %dma_start3A_184 = tpu.memref_slice %arg10[%dma_start3A_182, %dma_start3A_183] : memref<10240x128xf32, #tpu.memory_space<vmem_shared>> -> memref<10240x128xf32, #tpu.memory_space<vmem_shared>>
        tpu.enqueue_indirect_dma source(%arg9 : memref<128x128xf32, #tpu.memory_space<vmem>>) target(%dma_start3A_184 : memref<10240x128xf32, #tpu.memory_space<vmem_shared>>) offsets(%dma_start3A_181 : memref<128xi32, #tpu.memory_space<vmem>>) semaphore(%run_scoped3A_178 : memref<!tpu.dma_semaphore, #tpu.memory_space<semaphore_mem>>) {add = true}
        %dma_wait3A_185 = arith.constant 0 : i32
        %dma_wait3A_186 = tpu.memref_slice %arg7[%run_scoped3A_163, %dma_wait3A_185] : memref<8x128xi32, #tpu.memory_space<vmem>> -> memref<1x128xi32, #tpu.memory_space<vmem>>
        %dma_wait3A_187 = tpu.memref_squeeze %dma_wait3A_186 : memref<1x128xi32, #tpu.memory_space<vmem>> -> memref<128xi32, #tpu.memory_space<vmem>>
        %dma_wait3A_188 = arith.constant 0 : i32
        %dma_wait3A_189 = arith.constant 0 : i32
        %dma_wait3A_190 = tpu.memref_slice %arg10[%dma_wait3A_188, %dma_wait3A_189] : memref<10240x128xf32, #tpu.memory_space<vmem_shared>> -> memref<10240x128xf32, #tpu.memory_space<vmem_shared>>
        tpu.wait_indirect_dma semaphore(%run_scoped3A_178 : memref<!tpu.dma_semaphore, #tpu.memory_space<semaphore_mem>>) src(%arg9 : memref<128x128xf32, #tpu.memory_space<vmem>>) dst(%dma_wait3A_190 : memref<10240x128xf32, #tpu.memory_space<vmem_shared>>)
        tpu.yield
      }) : () -> ()
      %add3A_164 = arith.constant 1 : i32
      %add3A_165 = arith.addi %scan3A_40, %add3A_164 : i32
      %lt3A_166 = arith.constant 10 : i32
      %lt3A_167 = arith.cmpi slt, %add3A_165, %lt3A_166 : i32
      %convert_element_type3A_168 = arith.extui %lt3A_167 : i1 to i32
      %cond3A_169 = arith.constant 0 : i32
      %cond3A_170 = arith.cmpi ne, %convert_element_type3A_168, %cond3A_169 : i32
      scf.if %cond3A_170 {
        %dma_start3A_178 = arith.constant 1 : i32
        %dma_start3A_179 = arith.constant 0 : i32
        %dma_start3A_180 = tpu.memref_slice %arg6[%dma_start3A_178, %dma_start3A_179] : memref<8x128xi32, #tpu.memory_space<vmem>> -> memref<1x128xi32, #tpu.memory_space<vmem>>
        %dma_start3A_181 = tpu.memref_squeeze %dma_start3A_180 : memref<1x128xi32, #tpu.memory_space<vmem>> -> memref<128xi32, #tpu.memory_space<vmem>>
        %dma_start3A_182 = arith.constant 0 : i32
        %dma_start3A_183 = arith.constant 0 : i32
        %dma_start3A_184 = tpu.memref_slice %arg2[%dma_start3A_182, %dma_start3A_183] : memref<10000x128xf32, #tpu.memory_space<hbm>> -> memref<10000x128xf32, #tpu.memory_space<hbm>>
        tpu.enqueue_indirect_dma source(%dma_start3A_184 : memref<10000x128xf32, #tpu.memory_space<hbm>>) target(%arg9 : memref<128x128xf32, #tpu.memory_space<vmem>>) offsets(%dma_start3A_181 : memref<128xi32, #tpu.memory_space<vmem>>) semaphore(%arg12 : memref<!tpu.dma_semaphore, #tpu.memory_space<semaphore_mem>>)
      } else {
      }
      %add3A_171 = arith.constant 1 : i32
      %add3A_172 = arith.addi %scan3A_40, %add3A_171 : i32
      %lt3A_173 = arith.constant 10 : i32
      %lt3A_174 = arith.cmpi slt, %add3A_172, %lt3A_173 : i32
      %convert_element_type3A_175 = arith.extui %lt3A_174 : i1 to i32
      %cond3A_176 = arith.constant 0 : i32
      %cond3A_177 = arith.cmpi ne, %convert_element_type3A_175, %cond3A_176 : i32
      scf.if %cond3A_177 {
        %mul3A_178 = arith.constant 2 : i32
        %mul3A_179 = arith.muli %mul3A_178, %scan3A_40 : i32
        %add3A_180 = arith.constant 3 : i32
        %add3A_181 = arith.addi %mul3A_179, %add3A_180 : i32
        %add3A_182 = arith.addi %mul3A_6, %add3A_181 : i32
        %dma_start3A_183 = arith.constant 0 : i32
        %dma_start3A_184 = arith.constant 0 : i32
        %dma_start3A_185 = tpu.memref_slice %arg3[%add3A_182, %dma_start3A_183, %dma_start3A_184] : memref<640x8x128xi32, #tpu.memory_space<hbm>> -> memref<1x8x128xi32, #tpu.memory_space<hbm>>
        %dma_start3A_186 = tpu.memref_squeeze %dma_start3A_185 : memref<1x8x128xi32, #tpu.memory_space<hbm>> -> memref<8x128xi32, #tpu.memory_space<hbm>>
        %dma_start3A_187 = arith.constant 0 : i32
        %dma_start3A_188 = arith.constant 0 : i32
        %dma_start3A_189 = tpu.memref_slice %arg3[%add3A_182, %dma_start3A_187, %dma_start3A_188] : memref<640x8x128xi32, #tpu.memory_space<hbm>> -> memref<1x8x128xi32, #tpu.memory_space<hbm>>
        %dma_start3A_190 = tpu.memref_squeeze %dma_start3A_189 : memref<1x8x128xi32, #tpu.memory_space<hbm>> -> memref<8x128xi32, #tpu.memory_space<hbm>>
        tpu.enqueue_dma source(%dma_start3A_190 : memref<8x128xi32, #tpu.memory_space<hbm>>) target(%arg7 : memref<8x128xi32, #tpu.memory_space<vmem>>) target_semaphore(%arg14 : memref<!tpu.dma_semaphore, #tpu.memory_space<semaphore_mem>>)
      } else {
      }
    }
    %scan3A_34 = arith.constant 10 : i32
    %barrier3A_35 = arith.constant 0 : index
    tpu.barrier barrier_id(%barrier3A_35)
    %mul3A_36 = arith.constant 640 : i32
    %mul3A_37 = arith.muli %arg1, %mul3A_36 : i32
    %mul3A_38 = arith.constant 640 : i32
    %mul3A_39 = arith.muli %arg1, %mul3A_38 : i32
    "tpu.region"() ({
      %run_scoped3A = tpu.sem_alloc : memref<!tpu.dma_semaphore, #tpu.memory_space<semaphore_mem>>
      %dma_start3A_40 = arith.constant 0 : i32
      %dma_start3A_41 = tpu.memref_slice %arg5[%arg0, %mul3A_39, %dma_start3A_40] : memref<2x10240x128xf32, #tpu.memory_space<hbm>> -> memref<1x640x128xf32, #tpu.memory_space<hbm>>
      %dma_start3A_42 = tpu.memref_squeeze %dma_start3A_41 : memref<1x640x128xf32, #tpu.memory_space<hbm>> -> memref<640x128xf32, #tpu.memory_space<hbm>>
      %dma_start3A_43 = arith.constant 0 : i32
      %dma_start3A_44 = tpu.memref_slice %arg10[%mul3A_37, %dma_start3A_43] : memref<10240x128xf32, #tpu.memory_space<vmem_shared>> -> memref<640x128xf32, #tpu.memory_space<vmem_shared>>
      tpu.enqueue_dma source(%dma_start3A_44 : memref<640x128xf32, #tpu.memory_space<vmem_shared>>) target(%dma_start3A_42 : memref<640x128xf32, #tpu.memory_space<hbm>>) target_semaphore(%run_scoped3A : memref<!tpu.dma_semaphore, #tpu.memory_space<semaphore_mem>>)
      %dma_wait3A = arith.constant 0 : i32
      %dma_wait3A_45 = tpu.memref_slice %arg5[%arg0, %mul3A_39, %dma_wait3A] : memref<2x10240x128xf32, #tpu.memory_space<hbm>> -> memref<1x640x128xf32, #tpu.memory_space<hbm>>
      %dma_wait3A_46 = tpu.memref_squeeze %dma_wait3A_45 : memref<1x640x128xf32, #tpu.memory_space<hbm>> -> memref<640x128xf32, #tpu.memory_space<hbm>>
      %dma_wait3A_47 = arith.constant 0 : i32
      %dma_wait3A_48 = tpu.memref_slice %arg10[%mul3A_37, %dma_wait3A_47] : memref<10240x128xf32, #tpu.memory_space<vmem_shared>> -> memref<640x128xf32, #tpu.memory_space<vmem_shared>>
      tpu.wait_dma2 semaphore(%run_scoped3A : memref<!tpu.dma_semaphore, #tpu.memory_space<semaphore_mem>>) src(%dma_wait3A_48 : memref<640x128xf32, #tpu.memory_space<vmem_shared>>) dst(%dma_wait3A_46 : memref<640x128xf32, #tpu.memory_space<hbm>>)
      tpu.yield
    }) : () -> ()
    return
  }
}

#map = affine_map<(d0, d1) -> (0, 0)>
#map1 = affine_map<(d0, d1) -> (0, 0, 0)>
module attributes {stable_mosaic.version = 14 : i64} {
  func.func @_segment_sum_sc(%arg0: i32, %arg1: i32, %arg2: memref<10000x128xf32, #tpu.memory_space<hbm>>, %arg3: memref<640x8x128xi32, #tpu.memory_space<hbm>>, %arg4: memref<10240x128xf32, #tpu.memory_space<hbm>>, %arg5: memref<2x10240x128xf32, #tpu.memory_space<hbm>>, %arg6: memref<8x128xi32, #tpu.memory_space<vmem>>, %arg7: memref<8x128xi32, #tpu.memory_space<vmem>>, %arg8: memref<128x128xf32, #tpu.memory_space<vmem>>, %arg9: memref<128x128xf32, #tpu.memory_space<vmem>>, %arg10: memref<10240x128xf32, #tpu.memory_space<vmem_shared>>, %arg11: memref<!tpu.dma_semaphore, #tpu.memory_space<semaphore_mem>>, %arg12: memref<!tpu.dma_semaphore, #tpu.memory_space<semaphore_mem>>, %arg13: memref<!tpu.dma_semaphore, #tpu.memory_space<semaphore_mem>>, %arg14: memref<!tpu.dma_semaphore, #tpu.memory_space<semaphore_mem>>) attributes {dimension_semantics = [#tpu.dimension_semantics<core_parallel>, #tpu.dimension_semantics<subcore_parallel>], iteration_bounds = array<i64: 2, 16>, scalar_prefetch = 0 : i64, scratch_operands = 9 : i64, tpu.core_type = #tpu.core_type<sc_vector_subcore>, window_params = [{transform_indices = #map}, {transform_indices = #map1}, {transform_indices = #map}, {transform_indices = #map1}]} {
    %mul3A = arith.constant 2 : i32
    %mul3A_0 = arith.muli %arg1, %mul3A : i32
    %add3A = arith.addi %mul3A_0, %arg0 : i32
    %mul3A_1 = arith.constant 640 : i32
    %mul3A_2 = arith.muli %arg1, %mul3A_1 : i32
    %mul3A_3 = arith.constant 640 : i32
    %mul3A_4 = arith.muli %arg1, %mul3A_3 : i32
    "tpu.region"() ({
      %run_scoped3A = tpu.sem_alloc : memref<!tpu.dma_semaphore, #tpu.memory_space<semaphore_mem>>
      %dma_start3A_40 = arith.constant 0 : i32
      %dma_start3A_41 = tpu.memref_slice %arg10[%mul3A_4, %dma_start3A_40] : memref<10240x128xf32, #tpu.memory_space<vmem_shared>> -> memref<640x128xf32, #tpu.memory_space<vmem_shared>>
      %dma_start3A_42 = arith.constant 0 : i32
      %dma_start3A_43 = tpu.memref_slice %arg4[%mul3A_2, %dma_start3A_42] : memref<10240x128xf32, #tpu.memory_space<hbm>> -> memref<640x128xf32, #tpu.memory_space<hbm>>
      tpu.enqueue_dma source(%dma_start3A_43 : memref<640x128xf32, #tpu.memory_space<hbm>>) target(%dma_start3A_41 : memref<640x128xf32, #tpu.memory_space<vmem_shared>>) target_semaphore(%run_scoped3A : memref<!tpu.dma_semaphore, #tpu.memory_space<semaphore_mem>>)
      %dma_wait3A = arith.constant 0 : i32
      %dma_wait3A_44 = tpu.memref_slice %arg10[%mul3A_4, %dma_wait3A] : memref<10240x128xf32, #tpu.memory_space<vmem_shared>> -> memref<640x128xf32, #tpu.memory_space<vmem_shared>>
      %dma_wait3A_45 = arith.constant 0 : i32
      %dma_wait3A_46 = tpu.memref_slice %arg4[%mul3A_2, %dma_wait3A_45] : memref<10240x128xf32, #tpu.memory_space<hbm>> -> memref<640x128xf32, #tpu.memory_space<hbm>>
      tpu.wait_dma2 semaphore(%run_scoped3A : memref<!tpu.dma_semaphore, #tpu.memory_space<semaphore_mem>>) src(%dma_wait3A_46 : memref<640x128xf32, #tpu.memory_space<hbm>>) dst(%dma_wait3A_44 : memref<640x128xf32, #tpu.memory_space<vmem_shared>>)
      tpu.yield
    }) : () -> ()
    %barrier3A = arith.constant 0 : index
    tpu.barrier barrier_id(%barrier3A)
    %mul3A_5 = arith.constant 20 : i32
    %mul3A_6 = arith.muli %add3A, %mul3A_5 : i32
    "tpu.region"() ({
      %run_scoped3A = tpu.sem_alloc : memref<!tpu.dma_semaphore, #tpu.memory_space<semaphore_mem>>
      %dma_start3A_40 = arith.constant 0 : i32
      %dma_start3A_41 = arith.constant 0 : i32
      %dma_start3A_42 = tpu.memref_slice %arg3[%mul3A_6, %dma_start3A_40, %dma_start3A_41] : memref<640x8x128xi32, #tpu.memory_space<hbm>> -> memref<1x8x128xi32, #tpu.memory_space<hbm>>
      %dma_start3A_43 = tpu.memref_squeeze %dma_start3A_42 : memref<1x8x128xi32, #tpu.memory_space<hbm>> -> memref<8x128xi32, #tpu.memory_space<hbm>>
      %dma_start3A_44 = arith.constant 0 : i32
      %dma_start3A_45 = arith.constant 0 : i32
      %dma_start3A_46 = tpu.memref_slice %arg3[%mul3A_6, %dma_start3A_44, %dma_start3A_45] : memref<640x8x128xi32, #tpu.memory_space<hbm>> -> memref<1x8x128xi32, #tpu.memory_space<hbm>>
      %dma_start3A_47 = tpu.memref_squeeze %dma_start3A_46 : memref<1x8x128xi32, #tpu.memory_space<hbm>> -> memref<8x128xi32, #tpu.memory_space<hbm>>
      tpu.enqueue_dma source(%dma_start3A_47 : memref<8x128xi32, #tpu.memory_space<hbm>>) target(%arg6 : memref<8x128xi32, #tpu.memory_space<vmem>>) target_semaphore(%run_scoped3A : memref<!tpu.dma_semaphore, #tpu.memory_space<semaphore_mem>>)
      %dma_wait3A = arith.constant 0 : i32
      %dma_wait3A_48 = arith.constant 0 : i32
      %dma_wait3A_49 = tpu.memref_slice %arg3[%mul3A_6, %dma_wait3A, %dma_wait3A_48] : memref<640x8x128xi32, #tpu.memory_space<hbm>> -> memref<1x8x128xi32, #tpu.memory_space<hbm>>
      %dma_wait3A_50 = tpu.memref_squeeze %dma_wait3A_49 : memref<1x8x128xi32, #tpu.memory_space<hbm>> -> memref<8x128xi32, #tpu.memory_space<hbm>>
      %dma_wait3A_51 = arith.constant 0 : i32
      %dma_wait3A_52 = arith.constant 0 : i32
      %dma_wait3A_53 = tpu.memref_slice %arg3[%mul3A_6, %dma_wait3A_51, %dma_wait3A_52] : memref<640x8x128xi32, #tpu.memory_space<hbm>> -> memref<1x8x128xi32, #tpu.memory_space<hbm>>
      %dma_wait3A_54 = tpu.memref_squeeze %dma_wait3A_53 : memref<1x8x128xi32, #tpu.memory_space<hbm>> -> memref<8x128xi32, #tpu.memory_space<hbm>>
      tpu.wait_dma2 semaphore(%run_scoped3A : memref<!tpu.dma_semaphore, #tpu.memory_space<semaphore_mem>>) src(%dma_wait3A_54 : memref<8x128xi32, #tpu.memory_space<hbm>>) dst(%arg6 : memref<8x128xi32, #tpu.memory_space<vmem>>)
      tpu.yield
    }) : () -> ()
    %add3A_7 = arith.constant 1 : i32
    %add3A_8 = arith.addi %mul3A_6, %add3A_7 : i32
    %dma_start3A = arith.constant 0 : i32
    %dma_start3A_9 = arith.constant 0 : i32
    %dma_start3A_10 = tpu.memref_slice %arg3[%add3A_8, %dma_start3A, %dma_start3A_9] : memref<640x8x128xi32, #tpu.memory_space<hbm>> -> memref<1x8x128xi32, #tpu.memory_space<hbm>>
    %dma_start3A_11 = tpu.memref_squeeze %dma_start3A_10 : memref<1x8x128xi32, #tpu.memory_space<hbm>> -> memref<8x128xi32, #tpu.memory_space<hbm>>
    %dma_start3A_12 = arith.constant 0 : i32
    %dma_start3A_13 = arith.constant 0 : i32
    %dma_start3A_14 = tpu.memref_slice %arg3[%add3A_8, %dma_start3A_12, %dma_start3A_13] : memref<640x8x128xi32, #tpu.memory_space<hbm>> -> memref<1x8x128xi32, #tpu.memory_space<hbm>>
    %dma_start3A_15 = tpu.memref_squeeze %dma_start3A_14 : memref<1x8x128xi32, #tpu.memory_space<hbm>> -> memref<8x128xi32, #tpu.memory_space<hbm>>
    tpu.enqueue_dma source(%dma_start3A_15 : memref<8x128xi32, #tpu.memory_space<hbm>>) target(%arg7 : memref<8x128xi32, #tpu.memory_space<vmem>>) target_semaphore(%arg14 : memref<!tpu.dma_semaphore, #tpu.memory_space<semaphore_mem>>)
    %dma_start3A_16 = arith.constant 0 : i32
    %dma_start3A_17 = arith.constant 0 : i32
    %dma_start3A_18 = tpu.memref_slice %arg6[%dma_start3A_16, %dma_start3A_17] : memref<8x128xi32, #tpu.memory_space<vmem>> -> memref<1x128xi32, #tpu.memory_space<vmem>>
    %dma_start3A_19 = tpu.memref_squeeze %dma_start3A_18 : memref<1x128xi32, #tpu.memory_space<vmem>> -> memref<128xi32, #tpu.memory_space<vmem>>
    %dma_start3A_20 = arith.constant 0 : i32
    %dma_start3A_21 = arith.constant 0 : i32
    %dma_start3A_22 = tpu.memref_slice %arg2[%dma_start3A_20, %dma_start3A_21] : memref<10000x128xf32, #tpu.memory_space<hbm>> -> memref<10000x128xf32, #tpu.memory_space<hbm>>
    tpu.enqueue_indirect_dma source(%dma_start3A_22 : memref<10000x128xf32, #tpu.memory_space<hbm>>) target(%arg8 : memref<128x128xf32, #tpu.memory_space<vmem>>) offsets(%dma_start3A_19 : memref<128xi32, #tpu.memory_space<vmem>>) semaphore(%arg11 : memref<!tpu.dma_semaphore, #tpu.memory_space<semaphore_mem>>)
    %dma_start3A_23 = arith.constant 1 : i32
    %dma_start3A_24 = arith.constant 0 : i32
    %dma_start3A_25 = tpu.memref_slice %arg6[%dma_start3A_23, %dma_start3A_24] : memref<8x128xi32, #tpu.memory_space<vmem>> -> memref<1x128xi32, #tpu.memory_space<vmem>>
    %dma_start3A_26 = tpu.memref_squeeze %dma_start3A_25 : memref<1x128xi32, #tpu.memory_space<vmem>> -> memref<128xi32, #tpu.memory_space<vmem>>
    %dma_start3A_27 = arith.constant 0 : i32
    %dma_start3A_28 = arith.constant 0 : i32
    %dma_start3A_29 = tpu.memref_slice %arg2[%dma_start3A_27, %dma_start3A_28] : memref<10000x128xf32, #tpu.memory_space<hbm>> -> memref<10000x128xf32, #tpu.memory_space<hbm>>
    tpu.enqueue_indirect_dma source(%dma_start3A_29 : memref<10000x128xf32, #tpu.memory_space<hbm>>) target(%arg9 : memref<128x128xf32, #tpu.memory_space<vmem>>) offsets(%dma_start3A_26 : memref<128xi32, #tpu.memory_space<vmem>>) semaphore(%arg12 : memref<!tpu.dma_semaphore, #tpu.memory_space<semaphore_mem>>)
    %scan3A = arith.constant 0 : i32
    %scan3A_30 = arith.constant 0 : i32
    %scan3A_31 = arith.constant 10 : i32
    %scan3A_32 = arith.addi %scan3A_30, %scan3A_31 : i32
    %scan3A_33 = arith.constant 1 : i32
    scf.for %scan3A_40 = %scan3A_30 to %scan3A_32 step %scan3A_33  : i32 {
      %dma_wait3A = arith.constant 0 : i32
      %dma_wait3A_41 = arith.constant 0 : i32
      %dma_wait3A_42 = tpu.memref_slice %arg6[%dma_wait3A, %dma_wait3A_41] : memref<8x128xi32, #tpu.memory_space<vmem>> -> memref<1x128xi32, #tpu.memory_space<vmem>>
      %dma_wait3A_43 = tpu.memref_squeeze %dma_wait3A_42 : memref<1x128xi32, #tpu.memory_space<vmem>> -> memref<128xi32, #tpu.memory_space<vmem>>
      %dma_wait3A_44 = arith.constant 0 : i32
      %dma_wait3A_45 = arith.constant 0 : i32
      %dma_wait3A_46 = tpu.memref_slice %arg2[%dma_wait3A_44, %dma_wait3A_45] : memref<10000x128xf32, #tpu.memory_space<hbm>> -> memref<10000x128xf32, #tpu.memory_space<hbm>>
      tpu.wait_indirect_dma semaphore(%arg11 : memref<!tpu.dma_semaphore, #tpu.memory_space<semaphore_mem>>) src(%dma_wait3A_46 : memref<10000x128xf32, #tpu.memory_space<hbm>>) dst(%arg8 : memref<128x128xf32, #tpu.memory_space<vmem>>)
      %run_scoped3A = arith.constant 4 : i32
      "tpu.region"() ({
        %run_scoped3A_178 = tpu.sem_alloc : memref<!tpu.dma_semaphore, #tpu.memory_space<semaphore_mem>>
        %dma_start3A_179 = arith.constant 0 : i32
        %dma_start3A_180 = tpu.memref_slice %arg6[%run_scoped3A, %dma_start3A_179] : memref<8x128xi32, #tpu.memory_space<vmem>> -> memref<1x128xi32, #tpu.memory_space<vmem>>
        %dma_start3A_181 = tpu.memref_squeeze %dma_start3A_180 : memref<1x128xi32, #tpu.memory_space<vmem>> -> memref<128xi32, #tpu.memory_space<vmem>>
        %dma_start3A_182 = arith.constant 0 : i32
        %dma_start3A_183 = arith.constant 0 : i32
        %dma_start3A_184 = tpu.memref_slice %arg10[%dma_start3A_182, %dma_start3A_183] : memref<10240x128xf32, #tpu.memory_space<vmem_shared>> -> memref<10240x128xf32, #tpu.memory_space<vmem_shared>>
        tpu.enqueue_indirect_dma source(%arg8 : memref<128x128xf32, #tpu.memory_space<vmem>>) target(%dma_start3A_184 : memref<10240x128xf32, #tpu.memory_space<vmem_shared>>) offsets(%dma_start3A_181 : memref<128xi32, #tpu.memory_space<vmem>>) semaphore(%run_scoped3A_178 : memref<!tpu.dma_semaphore, #tpu.memory_space<semaphore_mem>>) {add = true}
        %dma_wait3A_185 = arith.constant 0 : i32
        %dma_wait3A_186 = tpu.memref_slice %arg6[%run_scoped3A, %dma_wait3A_185] : memref<8x128xi32, #tpu.memory_space<vmem>> -> memref<1x128xi32, #tpu.memory_space<vmem>>
        %dma_wait3A_187 = tpu.memref_squeeze %dma_wait3A_186 : memref<1x128xi32, #tpu.memory_space<vmem>> -> memref<128xi32, #tpu.memory_space<vmem>>
        %dma_wait3A_188 = arith.constant 0 : i32
        %dma_wait3A_189 = arith.constant 0 : i32
        %dma_wait3A_190 = tpu.memref_slice %arg10[%dma_wait3A_188, %dma_wait3A_189] : memref<10240x128xf32, #tpu.memory_space<vmem_shared>> -> memref<10240x128xf32, #tpu.memory_space<vmem_shared>>
        tpu.wait_indirect_dma semaphore(%run_scoped3A_178 : memref<!tpu.dma_semaphore, #tpu.memory_space<semaphore_mem>>) src(%arg8 : memref<128x128xf32, #tpu.memory_space<vmem>>) dst(%dma_wait3A_190 : memref<10240x128xf32, #tpu.memory_space<vmem_shared>>)
        tpu.yield
      }) : () -> ()
      %dma_start3A_47 = arith.constant 2 : i32
      %dma_start3A_48 = arith.constant 0 : i32
      %dma_start3A_49 = tpu.memref_slice %arg6[%dma_start3A_47, %dma_start3A_48] : memref<8x128xi32, #tpu.memory_space<vmem>> -> memref<1x128xi32, #tpu.memory_space<vmem>>
      %dma_start3A_50 = tpu.memref_squeeze %dma_start3A_49 : memref<1x128xi32, #tpu.memory_space<vmem>> -> memref<128xi32, #tpu.memory_space<vmem>>
      %dma_start3A_51 = arith.constant 0 : i32
      %dma_start3A_52 = arith.constant 0 : i32
      %dma_start3A_53 = tpu.memref_slice %arg2[%dma_start3A_51, %dma_start3A_52] : memref<10000x128xf32, #tpu.memory_space<hbm>> -> memref<10000x128xf32, #tpu.memory_space<hbm>>
      tpu.enqueue_indirect_dma source(%dma_start3A_53 : memref<10000x128xf32, #tpu.memory_space<hbm>>) target(%arg8 : memref<128x128xf32, #tpu.memory_space<vmem>>) offsets(%dma_start3A_50 : memref<128xi32, #tpu.memory_space<vmem>>) semaphore(%arg11 : memref<!tpu.dma_semaphore, #tpu.memory_space<semaphore_mem>>)
      %dma_wait3A_54 = arith.constant 0 : i32
      %dma_wait3A_55 = arith.constant 0 : i32
      %dma_wait3A_56 = tpu.memref_slice %arg6[%dma_wait3A_54, %dma_wait3A_55] : memref<8x128xi32, #tpu.memory_space<vmem>> -> memref<1x128xi32, #tpu.memory_space<vmem>>
      %dma_wait3A_57 = tpu.memref_squeeze %dma_wait3A_56 : memref<1x128xi32, #tpu.memory_space<vmem>> -> memref<128xi32, #tpu.memory_space<vmem>>
      %dma_wait3A_58 = arith.constant 0 : i32
      %dma_wait3A_59 = arith.constant 0 : i32
      %dma_wait3A_60 = tpu.memref_slice %arg2[%dma_wait3A_58, %dma_wait3A_59] : memref<10000x128xf32, #tpu.memory_space<hbm>> -> memref<10000x128xf32, #tpu.memory_space<hbm>>
      tpu.wait_indirect_dma semaphore(%arg12 : memref<!tpu.dma_semaphore, #tpu.memory_space<semaphore_mem>>) src(%dma_wait3A_60 : memref<10000x128xf32, #tpu.memory_space<hbm>>) dst(%arg9 : memref<128x128xf32, #tpu.memory_space<vmem>>)
      %run_scoped3A_61 = arith.constant 5 : i32
      "tpu.region"() ({
        %run_scoped3A_178 = tpu.sem_alloc : memref<!tpu.dma_semaphore, #tpu.memory_space<semaphore_mem>>
        %dma_start3A_179 = arith.constant 0 : i32
        %dma_start3A_180 = tpu.memref_slice %arg6[%run_scoped3A_61, %dma_start3A_179] : memref<8x128xi32, #tpu.memory_space<vmem>> -> memref<1x128xi32, #tpu.memory_space<vmem>>
        %dma_start3A_181 = tpu.memref_squeeze %dma_start3A_180 : memref<1x128xi32, #tpu.memory_space<vmem>> -> memref<128xi32, #tpu.memory_space<vmem>>
        %dma_start3A_182 = arith.constant 0 : i32
        %dma_start3A_183 = arith.constant 0 : i32
        %dma_start3A_184 = tpu.memref_slice %arg10[%dma_start3A_182, %dma_start3A_183] : memref<10240x128xf32, #tpu.memory_space<vmem_shared>> -> memref<10240x128xf32, #tpu.memory_space<vmem_shared>>
        tpu.enqueue_indirect_dma source(%arg9 : memref<128x128xf32, #tpu.memory_space<vmem>>) target(%dma_start3A_184 : memref<10240x128xf32, #tpu.memory_space<vmem_shared>>) offsets(%dma_start3A_181 : memref<128xi32, #tpu.memory_space<vmem>>) semaphore(%run_scoped3A_178 : memref<!tpu.dma_semaphore, #tpu.memory_space<semaphore_mem>>) {add = true}
        %dma_wait3A_185 = arith.constant 0 : i32
        %dma_wait3A_186 = tpu.memref_slice %arg6[%run_scoped3A_61, %dma_wait3A_185] : memref<8x128xi32, #tpu.memory_space<vmem>> -> memref<1x128xi32, #tpu.memory_space<vmem>>
        %dma_wait3A_187 = tpu.memref_squeeze %dma_wait3A_186 : memref<1x128xi32, #tpu.memory_space<vmem>> -> memref<128xi32, #tpu.memory_space<vmem>>
        %dma_wait3A_188 = arith.constant 0 : i32
        %dma_wait3A_189 = arith.constant 0 : i32
        %dma_wait3A_190 = tpu.memref_slice %arg10[%dma_wait3A_188, %dma_wait3A_189] : memref<10240x128xf32, #tpu.memory_space<vmem_shared>> -> memref<10240x128xf32, #tpu.memory_space<vmem_shared>>
        tpu.wait_indirect_dma semaphore(%run_scoped3A_178 : memref<!tpu.dma_semaphore, #tpu.memory_space<semaphore_mem>>) src(%arg9 : memref<128x128xf32, #tpu.memory_space<vmem>>) dst(%dma_wait3A_190 : memref<10240x128xf32, #tpu.memory_space<vmem_shared>>)
        tpu.yield
      }) : () -> ()
      %dma_start3A_62 = arith.constant 3 : i32
      %dma_start3A_63 = arith.constant 0 : i32
      %dma_start3A_64 = tpu.memref_slice %arg6[%dma_start3A_62, %dma_start3A_63] : memref<8x128xi32, #tpu.memory_space<vmem>> -> memref<1x128xi32, #tpu.memory_space<vmem>>
      %dma_start3A_65 = tpu.memref_squeeze %dma_start3A_64 : memref<1x128xi32, #tpu.memory_space<vmem>> -> memref<128xi32, #tpu.memory_space<vmem>>
      %dma_start3A_66 = arith.constant 0 : i32
      %dma_start3A_67 = arith.constant 0 : i32
      %dma_start3A_68 = tpu.memref_slice %arg2[%dma_start3A_66, %dma_start3A_67] : memref<10000x128xf32, #tpu.memory_space<hbm>> -> memref<10000x128xf32, #tpu.memory_space<hbm>>
      tpu.enqueue_indirect_dma source(%dma_start3A_68 : memref<10000x128xf32, #tpu.memory_space<hbm>>) target(%arg9 : memref<128x128xf32, #tpu.memory_space<vmem>>) offsets(%dma_start3A_65 : memref<128xi32, #tpu.memory_space<vmem>>) semaphore(%arg12 : memref<!tpu.dma_semaphore, #tpu.memory_space<semaphore_mem>>)
      %dma_wait3A_69 = arith.constant 0 : i32
      %dma_wait3A_70 = arith.constant 0 : i32
      %dma_wait3A_71 = tpu.memref_slice %arg6[%dma_wait3A_69, %dma_wait3A_70] : memref<8x128xi32, #tpu.memory_space<vmem>> -> memref<1x128xi32, #tpu.memory_space<vmem>>
      %dma_wait3A_72 = tpu.memref_squeeze %dma_wait3A_71 : memref<1x128xi32, #tpu.memory_space<vmem>> -> memref<128xi32, #tpu.memory_space<vmem>>
      %dma_wait3A_73 = arith.constant 0 : i32
      %dma_wait3A_74 = arith.constant 0 : i32
      %dma_wait3A_75 = tpu.memref_slice %arg2[%dma_wait3A_73, %dma_wait3A_74] : memref<10000x128xf32, #tpu.memory_space<hbm>> -> memref<10000x128xf32, #tpu.memory_space<hbm>>
      tpu.wait_indirect_dma semaphore(%arg11 : memref<!tpu.dma_semaphore, #tpu.memory_space<semaphore_mem>>) src(%dma_wait3A_75 : memref<10000x128xf32, #tpu.memory_space<hbm>>) dst(%arg8 : memref<128x128xf32, #tpu.memory_space<vmem>>)
      %run_scoped3A_76 = arith.constant 6 : i32
      "tpu.region"() ({
        %run_scoped3A_178 = tpu.sem_alloc : memref<!tpu.dma_semaphore, #tpu.memory_space<semaphore_mem>>
        %dma_start3A_179 = arith.constant 0 : i32
        %dma_start3A_180 = tpu.memref_slice %arg6[%run_scoped3A_76, %dma_start3A_179] : memref<8x128xi32, #tpu.memory_space<vmem>> -> memref<1x128xi32, #tpu.memory_space<vmem>>
        %dma_start3A_181 = tpu.memref_squeeze %dma_start3A_180 : memref<1x128xi32, #tpu.memory_space<vmem>> -> memref<128xi32, #tpu.memory_space<vmem>>
        %dma_start3A_182 = arith.constant 0 : i32
        %dma_start3A_183 = arith.constant 0 : i32
        %dma_start3A_184 = tpu.memref_slice %arg10[%dma_start3A_182, %dma_start3A_183] : memref<10240x128xf32, #tpu.memory_space<vmem_shared>> -> memref<10240x128xf32, #tpu.memory_space<vmem_shared>>
        tpu.enqueue_indirect_dma source(%arg8 : memref<128x128xf32, #tpu.memory_space<vmem>>) target(%dma_start3A_184 : memref<10240x128xf32, #tpu.memory_space<vmem_shared>>) offsets(%dma_start3A_181 : memref<128xi32, #tpu.memory_space<vmem>>) semaphore(%run_scoped3A_178 : memref<!tpu.dma_semaphore, #tpu.memory_space<semaphore_mem>>) {add = true}
        %dma_wait3A_185 = arith.constant 0 : i32
        %dma_wait3A_186 = tpu.memref_slice %arg6[%run_scoped3A_76, %dma_wait3A_185] : memref<8x128xi32, #tpu.memory_space<vmem>> -> memref<1x128xi32, #tpu.memory_space<vmem>>
        %dma_wait3A_187 = tpu.memref_squeeze %dma_wait3A_186 : memref<1x128xi32, #tpu.memory_space<vmem>> -> memref<128xi32, #tpu.memory_space<vmem>>
        %dma_wait3A_188 = arith.constant 0 : i32
        %dma_wait3A_189 = arith.constant 0 : i32
        %dma_wait3A_190 = tpu.memref_slice %arg10[%dma_wait3A_188, %dma_wait3A_189] : memref<10240x128xf32, #tpu.memory_space<vmem_shared>> -> memref<10240x128xf32, #tpu.memory_space<vmem_shared>>
        tpu.wait_indirect_dma semaphore(%run_scoped3A_178 : memref<!tpu.dma_semaphore, #tpu.memory_space<semaphore_mem>>) src(%arg8 : memref<128x128xf32, #tpu.memory_space<vmem>>) dst(%dma_wait3A_190 : memref<10240x128xf32, #tpu.memory_space<vmem_shared>>)
        tpu.yield
      }) : () -> ()
      %dma_wait3A_77 = arith.constant 0 : i32
      %dma_wait3A_78 = arith.constant 0 : i32
      %dma_wait3A_79 = tpu.memref_slice %arg3[%mul3A_6, %dma_wait3A_77, %dma_wait3A_78] : memref<640x8x128xi32, #tpu.memory_space<hbm>> -> memref<1x8x128xi32, #tpu.memory_space<hbm>>
      %dma_wait3A_80 = tpu.memref_squeeze %dma_wait3A_79 : memref<1x8x128xi32, #tpu.memory_space<hbm>> -> memref<8x128xi32, #tpu.memory_space<hbm>>
      %dma_wait3A_81 = arith.constant 0 : i32
      %dma_wait3A_82 = arith.constant 0 : i32
      %dma_wait3A_83 = tpu.memref_slice %arg3[%mul3A_6, %dma_wait3A_81, %dma_wait3A_82] : memref<640x8x128xi32, #tpu.memory_space<hbm>> -> memref<1x8x128xi32, #tpu.memory_space<hbm>>
      %dma_wait3A_84 = tpu.memref_squeeze %dma_wait3A_83 : memref<1x8x128xi32, #tpu.memory_space<hbm>> -> memref<8x128xi32, #tpu.memory_space<hbm>>
      tpu.wait_dma2 semaphore(%arg14 : memref<!tpu.dma_semaphore, #tpu.memory_space<semaphore_mem>>) src(%dma_wait3A_84 : memref<8x128xi32, #tpu.memory_space<hbm>>) dst(%arg7 : memref<8x128xi32, #tpu.memory_space<vmem>>)
      %dma_start3A_85 = arith.constant 0 : i32
      %dma_start3A_86 = arith.constant 0 : i32
      %dma_start3A_87 = tpu.memref_slice %arg7[%dma_start3A_85, %dma_start3A_86] : memref<8x128xi32, #tpu.memory_space<vmem>> -> memref<1x128xi32, #tpu.memory_space<vmem>>
      %dma_start3A_88 = tpu.memref_squeeze %dma_start3A_87 : memref<1x128xi32, #tpu.memory_space<vmem>> -> memref<128xi32, #tpu.memory_space<vmem>>
      %dma_start3A_89 = arith.constant 0 : i32
      %dma_start3A_90 = arith.constant 0 : i32
      %dma_start3A_91 = tpu.memref_slice %arg2[%dma_start3A_89, %dma_start3A_90] : memref<10000x128xf32, #tpu.memory_space<hbm>> -> memref<10000x128xf32, #tpu.memory_space<hbm>>
      tpu.enqueue_indirect_dma source(%dma_start3A_91 : memref<10000x128xf32, #tpu.memory_space<hbm>>) target(%arg8 : memref<128x128xf32, #tpu.memory_space<vmem>>) offsets(%dma_start3A_88 : memref<128xi32, #tpu.memory_space<vmem>>) semaphore(%arg11 : memref<!tpu.dma_semaphore, #tpu.memory_space<semaphore_mem>>)
      %dma_wait3A_92 = arith.constant 0 : i32
      %dma_wait3A_93 = arith.constant 0 : i32
      %dma_wait3A_94 = tpu.memref_slice %arg6[%dma_wait3A_92, %dma_wait3A_93] : memref<8x128xi32, #tpu.memory_space<vmem>> -> memref<1x128xi32, #tpu.memory_space<vmem>>
      %dma_wait3A_95 = tpu.memref_squeeze %dma_wait3A_94 : memref<1x128xi32, #tpu.memory_space<vmem>> -> memref<128xi32, #tpu.memory_space<vmem>>
      %dma_wait3A_96 = arith.constant 0 : i32
      %dma_wait3A_97 = arith.constant 0 : i32
      %dma_wait3A_98 = tpu.memref_slice %arg2[%dma_wait3A_96, %dma_wait3A_97] : memref<10000x128xf32, #tpu.memory_space<hbm>> -> memref<10000x128xf32, #tpu.memory_space<hbm>>
      tpu.wait_indirect_dma semaphore(%arg12 : memref<!tpu.dma_semaphore, #tpu.memory_space<semaphore_mem>>) src(%dma_wait3A_98 : memref<10000x128xf32, #tpu.memory_space<hbm>>) dst(%arg9 : memref<128x128xf32, #tpu.memory_space<vmem>>)
      %run_scoped3A_99 = arith.constant 7 : i32
      "tpu.region"() ({
        %run_scoped3A_178 = tpu.sem_alloc : memref<!tpu.dma_semaphore, #tpu.memory_space<semaphore_mem>>
        %dma_start3A_179 = arith.constant 0 : i32
        %dma_start3A_180 = tpu.memref_slice %arg6[%run_scoped3A_99, %dma_start3A_179] : memref<8x128xi32, #tpu.memory_space<vmem>> -> memref<1x128xi32, #tpu.memory_space<vmem>>
        %dma_start3A_181 = tpu.memref_squeeze %dma_start3A_180 : memref<1x128xi32, #tpu.memory_space<vmem>> -> memref<128xi32, #tpu.memory_space<vmem>>
        %dma_start3A_182 = arith.constant 0 : i32
        %dma_start3A_183 = arith.constant 0 : i32
        %dma_start3A_184 = tpu.memref_slice %arg10[%dma_start3A_182, %dma_start3A_183] : memref<10240x128xf32, #tpu.memory_space<vmem_shared>> -> memref<10240x128xf32, #tpu.memory_space<vmem_shared>>
        tpu.enqueue_indirect_dma source(%arg9 : memref<128x128xf32, #tpu.memory_space<vmem>>) target(%dma_start3A_184 : memref<10240x128xf32, #tpu.memory_space<vmem_shared>>) offsets(%dma_start3A_181 : memref<128xi32, #tpu.memory_space<vmem>>) semaphore(%run_scoped3A_178 : memref<!tpu.dma_semaphore, #tpu.memory_space<semaphore_mem>>) {add = true}
        %dma_wait3A_185 = arith.constant 0 : i32
        %dma_wait3A_186 = tpu.memref_slice %arg6[%run_scoped3A_99, %dma_wait3A_185] : memref<8x128xi32, #tpu.memory_space<vmem>> -> memref<1x128xi32, #tpu.memory_space<vmem>>
        %dma_wait3A_187 = tpu.memref_squeeze %dma_wait3A_186 : memref<1x128xi32, #tpu.memory_space<vmem>> -> memref<128xi32, #tpu.memory_space<vmem>>
        %dma_wait3A_188 = arith.constant 0 : i32
        %dma_wait3A_189 = arith.constant 0 : i32
        %dma_wait3A_190 = tpu.memref_slice %arg10[%dma_wait3A_188, %dma_wait3A_189] : memref<10240x128xf32, #tpu.memory_space<vmem_shared>> -> memref<10240x128xf32, #tpu.memory_space<vmem_shared>>
        tpu.wait_indirect_dma semaphore(%run_scoped3A_178 : memref<!tpu.dma_semaphore, #tpu.memory_space<semaphore_mem>>) src(%arg9 : memref<128x128xf32, #tpu.memory_space<vmem>>) dst(%dma_wait3A_190 : memref<10240x128xf32, #tpu.memory_space<vmem_shared>>)
        tpu.yield
      }) : () -> ()
      %dma_start3A_100 = arith.constant 1 : i32
      %dma_start3A_101 = arith.constant 0 : i32
      %dma_start3A_102 = tpu.memref_slice %arg7[%dma_start3A_100, %dma_start3A_101] : memref<8x128xi32, #tpu.memory_space<vmem>> -> memref<1x128xi32, #tpu.memory_space<vmem>>
      %dma_start3A_103 = tpu.memref_squeeze %dma_start3A_102 : memref<1x128xi32, #tpu.memory_space<vmem>> -> memref<128xi32, #tpu.memory_space<vmem>>
      %dma_start3A_104 = arith.constant 0 : i32
      %dma_start3A_105 = arith.constant 0 : i32
      %dma_start3A_106 = tpu.memref_slice %arg2[%dma_start3A_104, %dma_start3A_105] : memref<10000x128xf32, #tpu.memory_space<hbm>> -> memref<10000x128xf32, #tpu.memory_space<hbm>>
      tpu.enqueue_indirect_dma source(%dma_start3A_106 : memref<10000x128xf32, #tpu.memory_space<hbm>>) target(%arg9 : memref<128x128xf32, #tpu.memory_space<vmem>>) offsets(%dma_start3A_103 : memref<128xi32, #tpu.memory_space<vmem>>) semaphore(%arg12 : memref<!tpu.dma_semaphore, #tpu.memory_space<semaphore_mem>>)
      %add3A_107 = arith.constant 1 : i32
      %add3A_108 = arith.addi %scan3A_40, %add3A_107 : i32
      %lt3A = arith.constant 10 : i32
      %lt3A_109 = arith.cmpi slt, %add3A_108, %lt3A : i32
      %convert_element_type3A = arith.extui %lt3A_109 : i1 to i32
      %cond3A = arith.constant 0 : i32
      %cond3A_110 = arith.cmpi ne, %convert_element_type3A, %cond3A : i32
      scf.if %cond3A_110 {
        %mul3A_178 = arith.constant 2 : i32
        %mul3A_179 = arith.muli %mul3A_178, %scan3A_40 : i32
        %add3A_180 = arith.constant 2 : i32
        %add3A_181 = arith.addi %mul3A_179, %add3A_180 : i32
        %add3A_182 = arith.addi %mul3A_6, %add3A_181 : i32
        %dma_start3A_183 = arith.constant 0 : i32
        %dma_start3A_184 = arith.constant 0 : i32
        %dma_start3A_185 = tpu.memref_slice %arg3[%add3A_182, %dma_start3A_183, %dma_start3A_184] : memref<640x8x128xi32, #tpu.memory_space<hbm>> -> memref<1x8x128xi32, #tpu.memory_space<hbm>>
        %dma_start3A_186 = tpu.memref_squeeze %dma_start3A_185 : memref<1x8x128xi32, #tpu.memory_space<hbm>> -> memref<8x128xi32, #tpu.memory_space<hbm>>
        %dma_start3A_187 = arith.constant 0 : i32
        %dma_start3A_188 = arith.constant 0 : i32
        %dma_start3A_189 = tpu.memref_slice %arg3[%add3A_182, %dma_start3A_187, %dma_start3A_188] : memref<640x8x128xi32, #tpu.memory_space<hbm>> -> memref<1x8x128xi32, #tpu.memory_space<hbm>>
        %dma_start3A_190 = tpu.memref_squeeze %dma_start3A_189 : memref<1x8x128xi32, #tpu.memory_space<hbm>> -> memref<8x128xi32, #tpu.memory_space<hbm>>
        tpu.enqueue_dma source(%dma_start3A_190 : memref<8x128xi32, #tpu.memory_space<hbm>>) target(%arg6 : memref<8x128xi32, #tpu.memory_space<vmem>>) target_semaphore(%arg13 : memref<!tpu.dma_semaphore, #tpu.memory_space<semaphore_mem>>)
      } else {
      }
      %dma_wait3A_111 = arith.constant 0 : i32
      %dma_wait3A_112 = arith.constant 0 : i32
      %dma_wait3A_113 = tpu.memref_slice %arg6[%dma_wait3A_111, %dma_wait3A_112] : memref<8x128xi32, #tpu.memory_space<vmem>> -> memref<1x128xi32, #tpu.memory_space<vmem>>
      %dma_wait3A_114 = tpu.memref_squeeze %dma_wait3A_113 : memref<1x128xi32, #tpu.memory_space<vmem>> -> memref<128xi32, #tpu.memory_space<vmem>>
      %dma_wait3A_115 = arith.constant 0 : i32
      %dma_wait3A_116 = arith.constant 0 : i32
      %dma_wait3A_117 = tpu.memref_slice %arg2[%dma_wait3A_115, %dma_wait3A_116] : memref<10000x128xf32, #tpu.memory_space<hbm>> -> memref<10000x128xf32, #tpu.memory_space<hbm>>
      tpu.wait_indirect_dma semaphore(%arg11 : memref<!tpu.dma_semaphore, #tpu.memory_space<semaphore_mem>>) src(%dma_wait3A_117 : memref<10000x128xf32, #tpu.memory_space<hbm>>) dst(%arg8 : memref<128x128xf32, #tpu.memory_space<vmem>>)
      %run_scoped3A_118 = arith.constant 4 : i32
      "tpu.region"() ({
        %run_scoped3A_178 = tpu.sem_alloc : memref<!tpu.dma_semaphore, #tpu.memory_space<semaphore_mem>>
        %dma_start3A_179 = arith.constant 0 : i32
        %dma_start3A_180 = tpu.memref_slice %arg7[%run_scoped3A_118, %dma_start3A_179] : memref<8x128xi32, #tpu.memory_space<vmem>> -> memref<1x128xi32, #tpu.memory_space<vmem>>
        %dma_start3A_181 = tpu.memref_squeeze %dma_start3A_180 : memref<1x128xi32, #tpu.memory_space<vmem>> -> memref<128xi32, #tpu.memory_space<vmem>>
        %dma_start3A_182 = arith.constant 0 : i32
        %dma_start3A_183 = arith.constant 0 : i32
        %dma_start3A_184 = tpu.memref_slice %arg10[%dma_start3A_182, %dma_start3A_183] : memref<10240x128xf32, #tpu.memory_space<vmem_shared>> -> memref<10240x128xf32, #tpu.memory_space<vmem_shared>>
        tpu.enqueue_indirect_dma source(%arg8 : memref<128x128xf32, #tpu.memory_space<vmem>>) target(%dma_start3A_184 : memref<10240x128xf32, #tpu.memory_space<vmem_shared>>) offsets(%dma_start3A_181 : memref<128xi32, #tpu.memory_space<vmem>>) semaphore(%run_scoped3A_178 : memref<!tpu.dma_semaphore, #tpu.memory_space<semaphore_mem>>) {add = true}
        %dma_wait3A_185 = arith.constant 0 : i32
        %dma_wait3A_186 = tpu.memref_slice %arg7[%run_scoped3A_118, %dma_wait3A_185] : memref<8x128xi32, #tpu.memory_space<vmem>> -> memref<1x128xi32, #tpu.memory_space<vmem>>
        %dma_wait3A_187 = tpu.memref_squeeze %dma_wait3A_186 : memref<1x128xi32, #tpu.memory_space<vmem>> -> memref<128xi32, #tpu.memory_space<vmem>>
        %dma_wait3A_188 = arith.constant 0 : i32
        %dma_wait3A_189 = arith.constant 0 : i32
        %dma_wait3A_190 = tpu.memref_slice %arg10[%dma_wait3A_188, %dma_wait3A_189] : memref<10240x128xf32, #tpu.memory_space<vmem_shared>> -> memref<10240x128xf32, #tpu.memory_space<vmem_shared>>
        tpu.wait_indirect_dma semaphore(%run_scoped3A_178 : memref<!tpu.dma_semaphore, #tpu.memory_space<semaphore_mem>>) src(%arg8 : memref<128x128xf32, #tpu.memory_space<vmem>>) dst(%dma_wait3A_190 : memref<10240x128xf32, #tpu.memory_space<vmem_shared>>)
        tpu.yield
      }) : () -> ()
      %dma_start3A_119 = arith.constant 2 : i32
      %dma_start3A_120 = arith.constant 0 : i32
      %dma_start3A_121 = tpu.memref_slice %arg7[%dma_start3A_119, %dma_start3A_120] : memref<8x128xi32, #tpu.memory_space<vmem>> -> memref<1x128xi32, #tpu.memory_space<vmem>>
      %dma_start3A_122 = tpu.memref_squeeze %dma_start3A_121 : memref<1x128xi32, #tpu.memory_space<vmem>> -> memref<128xi32, #tpu.memory_space<vmem>>
      %dma_start3A_123 = arith.constant 0 : i32
      %dma_start3A_124 = arith.constant 0 : i32
      %dma_start3A_125 = tpu.memref_slice %arg2[%dma_start3A_123, %dma_start3A_124] : memref<10000x128xf32, #tpu.memory_space<hbm>> -> memref<10000x128xf32, #tpu.memory_space<hbm>>
      tpu.enqueue_indirect_dma source(%dma_start3A_125 : memref<10000x128xf32, #tpu.memory_space<hbm>>) target(%arg8 : memref<128x128xf32, #tpu.memory_space<vmem>>) offsets(%dma_start3A_122 : memref<128xi32, #tpu.memory_space<vmem>>) semaphore(%arg11 : memref<!tpu.dma_semaphore, #tpu.memory_space<semaphore_mem>>)
      %dma_wait3A_126 = arith.constant 0 : i32
      %dma_wait3A_127 = arith.constant 0 : i32
      %dma_wait3A_128 = tpu.memref_slice %arg6[%dma_wait3A_126, %dma_wait3A_127] : memref<8x128xi32, #tpu.memory_space<vmem>> -> memref<1x128xi32, #tpu.memory_space<vmem>>
      %dma_wait3A_129 = tpu.memref_squeeze %dma_wait3A_128 : memref<1x128xi32, #tpu.memory_space<vmem>> -> memref<128xi32, #tpu.memory_space<vmem>>
      %dma_wait3A_130 = arith.constant 0 : i32
      %dma_wait3A_131 = arith.constant 0 : i32
      %dma_wait3A_132 = tpu.memref_slice %arg2[%dma_wait3A_130, %dma_wait3A_131] : memref<10000x128xf32, #tpu.memory_space<hbm>> -> memref<10000x128xf32, #tpu.memory_space<hbm>>
      tpu.wait_indirect_dma semaphore(%arg12 : memref<!tpu.dma_semaphore, #tpu.memory_space<semaphore_mem>>) src(%dma_wait3A_132 : memref<10000x128xf32, #tpu.memory_space<hbm>>) dst(%arg9 : memref<128x128xf32, #tpu.memory_space<vmem>>)
      %run_scoped3A_133 = arith.constant 5 : i32
      "tpu.region"() ({
        %run_scoped3A_178 = tpu.sem_alloc : memref<!tpu.dma_semaphore, #tpu.memory_space<semaphore_mem>>
        %dma_start3A_179 = arith.constant 0 : i32
        %dma_start3A_180 = tpu.memref_slice %arg7[%run_scoped3A_133, %dma_start3A_179] : memref<8x128xi32, #tpu.memory_space<vmem>> -> memref<1x128xi32, #tpu.memory_space<vmem>>
        %dma_start3A_181 = tpu.memref_squeeze %dma_start3A_180 : memref<1x128xi32, #tpu.memory_space<vmem>> -> memref<128xi32, #tpu.memory_space<vmem>>
        %dma_start3A_182 = arith.constant 0 : i32
        %dma_start3A_183 = arith.constant 0 : i32
        %dma_start3A_184 = tpu.memref_slice %arg10[%dma_start3A_182, %dma_start3A_183] : memref<10240x128xf32, #tpu.memory_space<vmem_shared>> -> memref<10240x128xf32, #tpu.memory_space<vmem_shared>>
        tpu.enqueue_indirect_dma source(%arg9 : memref<128x128xf32, #tpu.memory_space<vmem>>) target(%dma_start3A_184 : memref<10240x128xf32, #tpu.memory_space<vmem_shared>>) offsets(%dma_start3A_181 : memref<128xi32, #tpu.memory_space<vmem>>) semaphore(%run_scoped3A_178 : memref<!tpu.dma_semaphore, #tpu.memory_space<semaphore_mem>>) {add = true}
        %dma_wait3A_185 = arith.constant 0 : i32
        %dma_wait3A_186 = tpu.memref_slice %arg7[%run_scoped3A_133, %dma_wait3A_185] : memref<8x128xi32, #tpu.memory_space<vmem>> -> memref<1x128xi32, #tpu.memory_space<vmem>>
        %dma_wait3A_187 = tpu.memref_squeeze %dma_wait3A_186 : memref<1x128xi32, #tpu.memory_space<vmem>> -> memref<128xi32, #tpu.memory_space<vmem>>
        %dma_wait3A_188 = arith.constant 0 : i32
        %dma_wait3A_189 = arith.constant 0 : i32
        %dma_wait3A_190 = tpu.memref_slice %arg10[%dma_wait3A_188, %dma_wait3A_189] : memref<10240x128xf32, #tpu.memory_space<vmem_shared>> -> memref<10240x128xf32, #tpu.memory_space<vmem_shared>>
        tpu.wait_indirect_dma semaphore(%run_scoped3A_178 : memref<!tpu.dma_semaphore, #tpu.memory_space<semaphore_mem>>) src(%arg9 : memref<128x128xf32, #tpu.memory_space<vmem>>) dst(%dma_wait3A_190 : memref<10240x128xf32, #tpu.memory_space<vmem_shared>>)
        tpu.yield
      }) : () -> ()
      %dma_start3A_134 = arith.constant 3 : i32
      %dma_start3A_135 = arith.constant 0 : i32
      %dma_start3A_136 = tpu.memref_slice %arg7[%dma_start3A_134, %dma_start3A_135] : memref<8x128xi32, #tpu.memory_space<vmem>> -> memref<1x128xi32, #tpu.memory_space<vmem>>
      %dma_start3A_137 = tpu.memref_squeeze %dma_start3A_136 : memref<1x128xi32, #tpu.memory_space<vmem>> -> memref<128xi32, #tpu.memory_space<vmem>>
      %dma_start3A_138 = arith.constant 0 : i32
      %dma_start3A_139 = arith.constant 0 : i32
      %dma_start3A_140 = tpu.memref_slice %arg2[%dma_start3A_138, %dma_start3A_139] : memref<10000x128xf32, #tpu.memory_space<hbm>> -> memref<10000x128xf32, #tpu.memory_space<hbm>>
      tpu.enqueue_indirect_dma source(%dma_start3A_140 : memref<10000x128xf32, #tpu.memory_space<hbm>>) target(%arg9 : memref<128x128xf32, #tpu.memory_space<vmem>>) offsets(%dma_start3A_137 : memref<128xi32, #tpu.memory_space<vmem>>) semaphore(%arg12 : memref<!tpu.dma_semaphore, #tpu.memory_space<semaphore_mem>>)
      %dma_wait3A_141 = arith.constant 0 : i32
      %dma_wait3A_142 = arith.constant 0 : i32
      %dma_wait3A_143 = tpu.memref_slice %arg6[%dma_wait3A_141, %dma_wait3A_142] : memref<8x128xi32, #tpu.memory_space<vmem>> -> memref<1x128xi32, #tpu.memory_space<vmem>>
      %dma_wait3A_144 = tpu.memref_squeeze %dma_wait3A_143 : memref<1x128xi32, #tpu.memory_space<vmem>> -> memref<128xi32, #tpu.memory_space<vmem>>
      %dma_wait3A_145 = arith.constant 0 : i32
      %dma_wait3A_146 = arith.constant 0 : i32
      %dma_wait3A_147 = tpu.memref_slice %arg2[%dma_wait3A_145, %dma_wait3A_146] : memref<10000x128xf32, #tpu.memory_space<hbm>> -> memref<10000x128xf32, #tpu.memory_space<hbm>>
      tpu.wait_indirect_dma semaphore(%arg11 : memref<!tpu.dma_semaphore, #tpu.memory_space<semaphore_mem>>) src(%dma_wait3A_147 : memref<10000x128xf32, #tpu.memory_space<hbm>>) dst(%arg8 : memref<128x128xf32, #tpu.memory_space<vmem>>)
      %run_scoped3A_148 = arith.constant 6 : i32
      "tpu.region"() ({
        %run_scoped3A_178 = tpu.sem_alloc : memref<!tpu.dma_semaphore, #tpu.memory_space<semaphore_mem>>
        %dma_start3A_179 = arith.constant 0 : i32
        %dma_start3A_180 = tpu.memref_slice %arg7[%run_scoped3A_148, %dma_start3A_179] : memref<8x128xi32, #tpu.memory_space<vmem>> -> memref<1x128xi32, #tpu.memory_space<vmem>>
        %dma_start3A_181 = tpu.memref_squeeze %dma_start3A_180 : memref<1x128xi32, #tpu.memory_space<vmem>> -> memref<128xi32, #tpu.memory_space<vmem>>
        %dma_start3A_182 = arith.constant 0 : i32
        %dma_start3A_183 = arith.constant 0 : i32
        %dma_start3A_184 = tpu.memref_slice %arg10[%dma_start3A_182, %dma_start3A_183] : memref<10240x128xf32, #tpu.memory_space<vmem_shared>> -> memref<10240x128xf32, #tpu.memory_space<vmem_shared>>
        tpu.enqueue_indirect_dma source(%arg8 : memref<128x128xf32, #tpu.memory_space<vmem>>) target(%dma_start3A_184 : memref<10240x128xf32, #tpu.memory_space<vmem_shared>>) offsets(%dma_start3A_181 : memref<128xi32, #tpu.memory_space<vmem>>) semaphore(%run_scoped3A_178 : memref<!tpu.dma_semaphore, #tpu.memory_space<semaphore_mem>>) {add = true}
        %dma_wait3A_185 = arith.constant 0 : i32
        %dma_wait3A_186 = tpu.memref_slice %arg7[%run_scoped3A_148, %dma_wait3A_185] : memref<8x128xi32, #tpu.memory_space<vmem>> -> memref<1x128xi32, #tpu.memory_space<vmem>>
        %dma_wait3A_187 = tpu.memref_squeeze %dma_wait3A_186 : memref<1x128xi32, #tpu.memory_space<vmem>> -> memref<128xi32, #tpu.memory_space<vmem>>
        %dma_wait3A_188 = arith.constant 0 : i32
        %dma_wait3A_189 = arith.constant 0 : i32
        %dma_wait3A_190 = tpu.memref_slice %arg10[%dma_wait3A_188, %dma_wait3A_189] : memref<10240x128xf32, #tpu.memory_space<vmem_shared>> -> memref<10240x128xf32, #tpu.memory_space<vmem_shared>>
        tpu.wait_indirect_dma semaphore(%run_scoped3A_178 : memref<!tpu.dma_semaphore, #tpu.memory_space<semaphore_mem>>) src(%arg8 : memref<128x128xf32, #tpu.memory_space<vmem>>) dst(%dma_wait3A_190 : memref<10240x128xf32, #tpu.memory_space<vmem_shared>>)
        tpu.yield
      }) : () -> ()
      %add3A_149 = arith.constant 1 : i32
      %add3A_150 = arith.addi %scan3A_40, %add3A_149 : i32
      %lt3A_151 = arith.constant 10 : i32
      %lt3A_152 = arith.cmpi slt, %add3A_150, %lt3A_151 : i32
      %convert_element_type3A_153 = arith.extui %lt3A_152 : i1 to i32
      %cond3A_154 = arith.constant 0 : i32
      %cond3A_155 = arith.cmpi ne, %convert_element_type3A_153, %cond3A_154 : i32
      scf.if %cond3A_155 {
        %dma_wait3A_178 = arith.constant 0 : i32
        %dma_wait3A_179 = arith.constant 0 : i32
        %dma_wait3A_180 = tpu.memref_slice %arg3[%mul3A_6, %dma_wait3A_178, %dma_wait3A_179] : memref<640x8x128xi32, #tpu.memory_space<hbm>> -> memref<1x8x128xi32, #tpu.memory_space<hbm>>
        %dma_wait3A_181 = tpu.memref_squeeze %dma_wait3A_180 : memref<1x8x128xi32, #tpu.memory_space<hbm>> -> memref<8x128xi32, #tpu.memory_space<hbm>>
        %dma_wait3A_182 = arith.constant 0 : i32
        %dma_wait3A_183 = arith.constant 0 : i32
        %dma_wait3A_184 = tpu.memref_slice %arg3[%mul3A_6, %dma_wait3A_182, %dma_wait3A_183] : memref<640x8x128xi32, #tpu.memory_space<hbm>> -> memref<1x8x128xi32, #tpu.memory_space<hbm>>
        %dma_wait3A_185 = tpu.memref_squeeze %dma_wait3A_184 : memref<1x8x128xi32, #tpu.memory_space<hbm>> -> memref<8x128xi32, #tpu.memory_space<hbm>>
        tpu.wait_dma2 semaphore(%arg13 : memref<!tpu.dma_semaphore, #tpu.memory_space<semaphore_mem>>) src(%dma_wait3A_185 : memref<8x128xi32, #tpu.memory_space<hbm>>) dst(%arg6 : memref<8x128xi32, #tpu.memory_space<vmem>>)
        %dma_start3A_186 = arith.constant 0 : i32
        %dma_start3A_187 = arith.constant 0 : i32
        %dma_start3A_188 = tpu.memref_slice %arg6[%dma_start3A_186, %dma_start3A_187] : memref<8x128xi32, #tpu.memory_space<vmem>> -> memref<1x128xi32, #tpu.memory_space<vmem>>
        %dma_start3A_189 = tpu.memref_squeeze %dma_start3A_188 : memref<1x128xi32, #tpu.memory_space<vmem>> -> memref<128xi32, #tpu.memory_space<vmem>>
        %dma_start3A_190 = arith.constant 0 : i32
        %dma_start3A_191 = arith.constant 0 : i32
        %dma_start3A_192 = tpu.memref_slice %arg2[%dma_start3A_190, %dma_start3A_191] : memref<10000x128xf32, #tpu.memory_space<hbm>> -> memref<10000x128xf32, #tpu.memory_space<hbm>>
        tpu.enqueue_indirect_dma source(%dma_start3A_192 : memref<10000x128xf32, #tpu.memory_space<hbm>>) target(%arg8 : memref<128x128xf32, #tpu.memory_space<vmem>>) offsets(%dma_start3A_189 : memref<128xi32, #tpu.memory_space<vmem>>) semaphore(%arg11 : memref<!tpu.dma_semaphore, #tpu.memory_space<semaphore_mem>>)
      } else {
      }
      %dma_wait3A_156 = arith.constant 0 : i32
      %dma_wait3A_157 = arith.constant 0 : i32
      %dma_wait3A_158 = tpu.memref_slice %arg6[%dma_wait3A_156, %dma_wait3A_157] : memref<8x128xi32, #tpu.memory_space<vmem>> -> memref<1x128xi32, #tpu.memory_space<vmem>>
      %dma_wait3A_159 = tpu.memref_squeeze %dma_wait3A_158 : memref<1x128xi32, #tpu.memory_space<vmem>> -> memref<128xi32, #tpu.memory_space<vmem>>
      %dma_wait3A_160 = arith.constant 0 : i32
      %dma_wait3A_161 = arith.constant 0 : i32
      %dma_wait3A_162 = tpu.memref_slice %arg2[%dma_wait3A_160, %dma_wait3A_161] : memref<10000x128xf32, #tpu.memory_space<hbm>> -> memref<10000x128xf32, #tpu.memory_space<hbm>>
      tpu.wait_indirect_dma semaphore(%arg12 : memref<!tpu.dma_semaphore, #tpu.memory_space<semaphore_mem>>) src(%dma_wait3A_162 : memref<10000x128xf32, #tpu.memory_space<hbm>>) dst(%arg9 : memref<128x128xf32, #tpu.memory_space<vmem>>)
      %run_scoped3A_163 = arith.constant 7 : i32
      "tpu.region"() ({
        %run_scoped3A_178 = tpu.sem_alloc : memref<!tpu.dma_semaphore, #tpu.memory_space<semaphore_mem>>
        %dma_start3A_179 = arith.constant 0 : i32
        %dma_start3A_180 = tpu.memref_slice %arg7[%run_scoped3A_163, %dma_start3A_179] : memref<8x128xi32, #tpu.memory_space<vmem>> -> memref<1x128xi32, #tpu.memory_space<vmem>>
        %dma_start3A_181 = tpu.memref_squeeze %dma_start3A_180 : memref<1x128xi32, #tpu.memory_space<vmem>> -> memref<128xi32, #tpu.memory_space<vmem>>
        %dma_start3A_182 = arith.constant 0 : i32
        %dma_start3A_183 = arith.constant 0 : i32
        %dma_start3A_184 = tpu.memref_slice %arg10[%dma_start3A_182, %dma_start3A_183] : memref<10240x128xf32, #tpu.memory_space<vmem_shared>> -> memref<10240x128xf32, #tpu.memory_space<vmem_shared>>
        tpu.enqueue_indirect_dma source(%arg9 : memref<128x128xf32, #tpu.memory_space<vmem>>) target(%dma_start3A_184 : memref<10240x128xf32, #tpu.memory_space<vmem_shared>>) offsets(%dma_start3A_181 : memref<128xi32, #tpu.memory_space<vmem>>) semaphore(%run_scoped3A_178 : memref<!tpu.dma_semaphore, #tpu.memory_space<semaphore_mem>>) {add = true}
        %dma_wait3A_185 = arith.constant 0 : i32
        %dma_wait3A_186 = tpu.memref_slice %arg7[%run_scoped3A_163, %dma_wait3A_185] : memref<8x128xi32, #tpu.memory_space<vmem>> -> memref<1x128xi32, #tpu.memory_space<vmem>>
        %dma_wait3A_187 = tpu.memref_squeeze %dma_wait3A_186 : memref<1x128xi32, #tpu.memory_space<vmem>> -> memref<128xi32, #tpu.memory_space<vmem>>
        %dma_wait3A_188 = arith.constant 0 : i32
        %dma_wait3A_189 = arith.constant 0 : i32
        %dma_wait3A_190 = tpu.memref_slice %arg10[%dma_wait3A_188, %dma_wait3A_189] : memref<10240x128xf32, #tpu.memory_space<vmem_shared>> -> memref<10240x128xf32, #tpu.memory_space<vmem_shared>>
        tpu.wait_indirect_dma semaphore(%run_scoped3A_178 : memref<!tpu.dma_semaphore, #tpu.memory_space<semaphore_mem>>) src(%arg9 : memref<128x128xf32, #tpu.memory_space<vmem>>) dst(%dma_wait3A_190 : memref<10240x128xf32, #tpu.memory_space<vmem_shared>>)
        tpu.yield
      }) : () -> ()
      %add3A_164 = arith.constant 1 : i32
      %add3A_165 = arith.addi %scan3A_40, %add3A_164 : i32
      %lt3A_166 = arith.constant 10 : i32
      %lt3A_167 = arith.cmpi slt, %add3A_165, %lt3A_166 : i32
      %convert_element_type3A_168 = arith.extui %lt3A_167 : i1 to i32
      %cond3A_169 = arith.constant 0 : i32
      %cond3A_170 = arith.cmpi ne, %convert_element_type3A_168, %cond3A_169 : i32
      scf.if %cond3A_170 {
        %dma_start3A_178 = arith.constant 1 : i32
        %dma_start3A_179 = arith.constant 0 : i32
        %dma_start3A_180 = tpu.memref_slice %arg6[%dma_start3A_178, %dma_start3A_179] : memref<8x128xi32, #tpu.memory_space<vmem>> -> memref<1x128xi32, #tpu.memory_space<vmem>>
        %dma_start3A_181 = tpu.memref_squeeze %dma_start3A_180 : memref<1x128xi32, #tpu.memory_space<vmem>> -> memref<128xi32, #tpu.memory_space<vmem>>
        %dma_start3A_182 = arith.constant 0 : i32
        %dma_start3A_183 = arith.constant 0 : i32
        %dma_start3A_184 = tpu.memref_slice %arg2[%dma_start3A_182, %dma_start3A_183] : memref<10000x128xf32, #tpu.memory_space<hbm>> -> memref<10000x128xf32, #tpu.memory_space<hbm>>
        tpu.enqueue_indirect_dma source(%dma_start3A_184 : memref<10000x128xf32, #tpu.memory_space<hbm>>) target(%arg9 : memref<128x128xf32, #tpu.memory_space<vmem>>) offsets(%dma_start3A_181 : memref<128xi32, #tpu.memory_space<vmem>>) semaphore(%arg12 : memref<!tpu.dma_semaphore, #tpu.memory_space<semaphore_mem>>)
      } else {
      }
      %add3A_171 = arith.constant 1 : i32
      %add3A_172 = arith.addi %scan3A_40, %add3A_171 : i32
      %lt3A_173 = arith.constant 10 : i32
      %lt3A_174 = arith.cmpi slt, %add3A_172, %lt3A_173 : i32
      %convert_element_type3A_175 = arith.extui %lt3A_174 : i1 to i32
      %cond3A_176 = arith.constant 0 : i32
      %cond3A_177 = arith.cmpi ne, %convert_element_type3A_175, %cond3A_176 : i32
      scf.if %cond3A_177 {
        %mul3A_178 = arith.constant 2 : i32
        %mul3A_179 = arith.muli %mul3A_178, %scan3A_40 : i32
        %add3A_180 = arith.constant 3 : i32
        %add3A_181 = arith.addi %mul3A_179, %add3A_180 : i32
        %add3A_182 = arith.addi %mul3A_6, %add3A_181 : i32
        %dma_start3A_183 = arith.constant 0 : i32
        %dma_start3A_184 = arith.constant 0 : i32
        %dma_start3A_185 = tpu.memref_slice %arg3[%add3A_182, %dma_start3A_183, %dma_start3A_184] : memref<640x8x128xi32, #tpu.memory_space<hbm>> -> memref<1x8x128xi32, #tpu.memory_space<hbm>>
        %dma_start3A_186 = tpu.memref_squeeze %dma_start3A_185 : memref<1x8x128xi32, #tpu.memory_space<hbm>> -> memref<8x128xi32, #tpu.memory_space<hbm>>
        %dma_start3A_187 = arith.constant 0 : i32
        %dma_start3A_188 = arith.constant 0 : i32
        %dma_start3A_189 = tpu.memref_slice %arg3[%add3A_182, %dma_start3A_187, %dma_start3A_188] : memref<640x8x128xi32, #tpu.memory_space<hbm>> -> memref<1x8x128xi32, #tpu.memory_space<hbm>>
        %dma_start3A_190 = tpu.memref_squeeze %dma_start3A_189 : memref<1x8x128xi32, #tpu.memory_space<hbm>> -> memref<8x128xi32, #tpu.memory_space<hbm>>
        tpu.enqueue_dma source(%dma_start3A_190 : memref<8x128xi32, #tpu.memory_space<hbm>>) target(%arg7 : memref<8x128xi32, #tpu.memory_space<vmem>>) target_semaphore(%arg14 : memref<!tpu.dma_semaphore, #tpu.memory_space<semaphore_mem>>)
      } else {
      }
    }
    %scan3A_34 = arith.constant 10 : i32
    %barrier3A_35 = arith.constant 0 : index
    tpu.barrier barrier_id(%barrier3A_35)
    %mul3A_36 = arith.constant 640 : i32
    %mul3A_37 = arith.muli %arg1, %mul3A_36 : i32
    %mul3A_38 = arith.constant 640 : i32
    %mul3A_39 = arith.muli %arg1, %mul3A_38 : i32
    "tpu.region"() ({
      %run_scoped3A = tpu.sem_alloc : memref<!tpu.dma_semaphore, #tpu.memory_space<semaphore_mem>>
      %dma_start3A_40 = arith.constant 0 : i32
      %dma_start3A_41 = tpu.memref_slice %arg5[%arg0, %mul3A_39, %dma_start3A_40] : memref<2x10240x128xf32, #tpu.memory_space<hbm>> -> memref<1x640x128xf32, #tpu.memory_space<hbm>>
      %dma_start3A_42 = tpu.memref_squeeze %dma_start3A_41 : memref<1x640x128xf32, #tpu.memory_space<hbm>> -> memref<640x128xf32, #tpu.memory_space<hbm>>
      %dma_start3A_43 = arith.constant 0 : i32
      %dma_start3A_44 = tpu.memref_slice %arg10[%mul3A_37, %dma_start3A_43] : memref<10240x128xf32, #tpu.memory_space<vmem_shared>> -> memref<640x128xf32, #tpu.memory_space<vmem_shared>>
      tpu.enqueue_dma source(%dma_start3A_44 : memref<640x128xf32, #tpu.memory_space<vmem_shared>>) target(%dma_start3A_42 : memref<640x128xf32, #tpu.memory_space<hbm>>) target_semaphore(%run_scoped3A : memref<!tpu.dma_semaphore, #tpu.memory_space<semaphore_mem>>)
      %dma_wait3A = arith.constant 0 : i32
      %dma_wait3A_45 = tpu.memref_slice %arg5[%arg0, %mul3A_39, %dma_wait3A] : memref<2x10240x128xf32, #tpu.memory_space<hbm>> -> memref<1x640x128xf32, #tpu.memory_space<hbm>>
      %dma_wait3A_46 = tpu.memref_squeeze %dma_wait3A_45 : memref<1x640x128xf32, #tpu.memory_space<hbm>> -> memref<640x128xf32, #tpu.memory_space<hbm>>
      %dma_wait3A_47 = arith.constant 0 : i32
      %dma_wait3A_48 = tpu.memref_slice %arg10[%mul3A_37, %dma_wait3A_47] : memref<10240x128xf32, #tpu.memory_space<vmem_shared>> -> memref<640x128xf32, #tpu.memory_space<vmem_shared>>
      tpu.wait_dma2 semaphore(%run_scoped3A : memref<!tpu.dma_semaphore, #tpu.memory_space<semaphore_mem>>) src(%dma_wait3A_48 : memref<640x128xf32, #tpu.memory_space<vmem_shared>>) dst(%dma_wait3A_46 : memref<640x128xf32, #tpu.memory_space<hbm>>)
      tpu.yield
    }) : () -> ()
    return
  }
}

#map = affine_map<(d0, d1) -> (0, 0)>
#map1 = affine_map<(d0, d1) -> (0, 0, 0)>
module attributes {stable_mosaic.version = 14 : i64} {
  func.func @_segment_sum_sc(%arg0: i32, %arg1: i32, %arg2: memref<10000x128xf32, #tpu.memory_space<hbm>>, %arg3: memref<640x8x128xi32, #tpu.memory_space<hbm>>, %arg4: memref<10240x128xf32, #tpu.memory_space<hbm>>, %arg5: memref<2x10240x128xf32, #tpu.memory_space<hbm>>, %arg6: memref<8x128xi32, #tpu.memory_space<vmem>>, %arg7: memref<8x128xi32, #tpu.memory_space<vmem>>, %arg8: memref<128x128xf32, #tpu.memory_space<vmem>>, %arg9: memref<128x128xf32, #tpu.memory_space<vmem>>, %arg10: memref<10240x128xf32, #tpu.memory_space<vmem_shared>>, %arg11: memref<!tpu.dma_semaphore, #tpu.memory_space<semaphore_mem>>, %arg12: memref<!tpu.dma_semaphore, #tpu.memory_space<semaphore_mem>>, %arg13: memref<!tpu.dma_semaphore, #tpu.memory_space<semaphore_mem>>, %arg14: memref<!tpu.dma_semaphore, #tpu.memory_space<semaphore_mem>>) attributes {dimension_semantics = [#tpu.dimension_semantics<core_parallel>, #tpu.dimension_semantics<subcore_parallel>], iteration_bounds = array<i64: 2, 16>, scalar_prefetch = 0 : i64, scratch_operands = 9 : i64, tpu.core_type = #tpu.core_type<sc_vector_subcore>, window_params = [{transform_indices = #map}, {transform_indices = #map1}, {transform_indices = #map}, {transform_indices = #map1}]} {
    %mul3A = arith.constant 2 : i32
    %mul3A_0 = arith.muli %arg1, %mul3A : i32
    %add3A = arith.addi %mul3A_0, %arg0 : i32
    %mul3A_1 = arith.constant 640 : i32
    %mul3A_2 = arith.muli %arg1, %mul3A_1 : i32
    %mul3A_3 = arith.constant 640 : i32
    %mul3A_4 = arith.muli %arg1, %mul3A_3 : i32
    "tpu.region"() ({
      %run_scoped3A = tpu.sem_alloc : memref<!tpu.dma_semaphore, #tpu.memory_space<semaphore_mem>>
      %dma_start3A_40 = arith.constant 0 : i32
      %dma_start3A_41 = tpu.memref_slice %arg10[%mul3A_4, %dma_start3A_40] : memref<10240x128xf32, #tpu.memory_space<vmem_shared>> -> memref<640x128xf32, #tpu.memory_space<vmem_shared>>
      %dma_start3A_42 = arith.constant 0 : i32
      %dma_start3A_43 = tpu.memref_slice %arg4[%mul3A_2, %dma_start3A_42] : memref<10240x128xf32, #tpu.memory_space<hbm>> -> memref<640x128xf32, #tpu.memory_space<hbm>>
      tpu.enqueue_dma source(%dma_start3A_43 : memref<640x128xf32, #tpu.memory_space<hbm>>) target(%dma_start3A_41 : memref<640x128xf32, #tpu.memory_space<vmem_shared>>) target_semaphore(%run_scoped3A : memref<!tpu.dma_semaphore, #tpu.memory_space<semaphore_mem>>)
      %dma_wait3A = arith.constant 0 : i32
      %dma_wait3A_44 = tpu.memref_slice %arg10[%mul3A_4, %dma_wait3A] : memref<10240x128xf32, #tpu.memory_space<vmem_shared>> -> memref<640x128xf32, #tpu.memory_space<vmem_shared>>
      %dma_wait3A_45 = arith.constant 0 : i32
      %dma_wait3A_46 = tpu.memref_slice %arg4[%mul3A_2, %dma_wait3A_45] : memref<10240x128xf32, #tpu.memory_space<hbm>> -> memref<640x128xf32, #tpu.memory_space<hbm>>
      tpu.wait_dma2 semaphore(%run_scoped3A : memref<!tpu.dma_semaphore, #tpu.memory_space<semaphore_mem>>) src(%dma_wait3A_46 : memref<640x128xf32, #tpu.memory_space<hbm>>) dst(%dma_wait3A_44 : memref<640x128xf32, #tpu.memory_space<vmem_shared>>)
      tpu.yield
    }) : () -> ()
    %barrier3A = arith.constant 0 : index
    tpu.barrier barrier_id(%barrier3A)
    %mul3A_5 = arith.constant 20 : i32
    %mul3A_6 = arith.muli %add3A, %mul3A_5 : i32
    "tpu.region"() ({
      %run_scoped3A = tpu.sem_alloc : memref<!tpu.dma_semaphore, #tpu.memory_space<semaphore_mem>>
      %dma_start3A_40 = arith.constant 0 : i32
      %dma_start3A_41 = arith.constant 0 : i32
      %dma_start3A_42 = tpu.memref_slice %arg3[%mul3A_6, %dma_start3A_40, %dma_start3A_41] : memref<640x8x128xi32, #tpu.memory_space<hbm>> -> memref<1x8x128xi32, #tpu.memory_space<hbm>>
      %dma_start3A_43 = tpu.memref_squeeze %dma_start3A_42 : memref<1x8x128xi32, #tpu.memory_space<hbm>> -> memref<8x128xi32, #tpu.memory_space<hbm>>
      %dma_start3A_44 = arith.constant 0 : i32
      %dma_start3A_45 = arith.constant 0 : i32
      %dma_start3A_46 = tpu.memref_slice %arg3[%mul3A_6, %dma_start3A_44, %dma_start3A_45] : memref<640x8x128xi32, #tpu.memory_space<hbm>> -> memref<1x8x128xi32, #tpu.memory_space<hbm>>
      %dma_start3A_47 = tpu.memref_squeeze %dma_start3A_46 : memref<1x8x128xi32, #tpu.memory_space<hbm>> -> memref<8x128xi32, #tpu.memory_space<hbm>>
      tpu.enqueue_dma source(%dma_start3A_47 : memref<8x128xi32, #tpu.memory_space<hbm>>) target(%arg6 : memref<8x128xi32, #tpu.memory_space<vmem>>) target_semaphore(%run_scoped3A : memref<!tpu.dma_semaphore, #tpu.memory_space<semaphore_mem>>)
      %dma_wait3A = arith.constant 0 : i32
      %dma_wait3A_48 = arith.constant 0 : i32
      %dma_wait3A_49 = tpu.memref_slice %arg3[%mul3A_6, %dma_wait3A, %dma_wait3A_48] : memref<640x8x128xi32, #tpu.memory_space<hbm>> -> memref<1x8x128xi32, #tpu.memory_space<hbm>>
      %dma_wait3A_50 = tpu.memref_squeeze %dma_wait3A_49 : memref<1x8x128xi32, #tpu.memory_space<hbm>> -> memref<8x128xi32, #tpu.memory_space<hbm>>
      %dma_wait3A_51 = arith.constant 0 : i32
      %dma_wait3A_52 = arith.constant 0 : i32
      %dma_wait3A_53 = tpu.memref_slice %arg3[%mul3A_6, %dma_wait3A_51, %dma_wait3A_52] : memref<640x8x128xi32, #tpu.memory_space<hbm>> -> memref<1x8x128xi32, #tpu.memory_space<hbm>>
      %dma_wait3A_54 = tpu.memref_squeeze %dma_wait3A_53 : memref<1x8x128xi32, #tpu.memory_space<hbm>> -> memref<8x128xi32, #tpu.memory_space<hbm>>
      tpu.wait_dma2 semaphore(%run_scoped3A : memref<!tpu.dma_semaphore, #tpu.memory_space<semaphore_mem>>) src(%dma_wait3A_54 : memref<8x128xi32, #tpu.memory_space<hbm>>) dst(%arg6 : memref<8x128xi32, #tpu.memory_space<vmem>>)
      tpu.yield
    }) : () -> ()
    %add3A_7 = arith.constant 1 : i32
    %add3A_8 = arith.addi %mul3A_6, %add3A_7 : i32
    %dma_start3A = arith.constant 0 : i32
    %dma_start3A_9 = arith.constant 0 : i32
    %dma_start3A_10 = tpu.memref_slice %arg3[%add3A_8, %dma_start3A, %dma_start3A_9] : memref<640x8x128xi32, #tpu.memory_space<hbm>> -> memref<1x8x128xi32, #tpu.memory_space<hbm>>
    %dma_start3A_11 = tpu.memref_squeeze %dma_start3A_10 : memref<1x8x128xi32, #tpu.memory_space<hbm>> -> memref<8x128xi32, #tpu.memory_space<hbm>>
    %dma_start3A_12 = arith.constant 0 : i32
    %dma_start3A_13 = arith.constant 0 : i32
    %dma_start3A_14 = tpu.memref_slice %arg3[%add3A_8, %dma_start3A_12, %dma_start3A_13] : memref<640x8x128xi32, #tpu.memory_space<hbm>> -> memref<1x8x128xi32, #tpu.memory_space<hbm>>
    %dma_start3A_15 = tpu.memref_squeeze %dma_start3A_14 : memref<1x8x128xi32, #tpu.memory_space<hbm>> -> memref<8x128xi32, #tpu.memory_space<hbm>>
    tpu.enqueue_dma source(%dma_start3A_15 : memref<8x128xi32, #tpu.memory_space<hbm>>) target(%arg7 : memref<8x128xi32, #tpu.memory_space<vmem>>) target_semaphore(%arg14 : memref<!tpu.dma_semaphore, #tpu.memory_space<semaphore_mem>>)
    %dma_start3A_16 = arith.constant 0 : i32
    %dma_start3A_17 = arith.constant 0 : i32
    %dma_start3A_18 = tpu.memref_slice %arg6[%dma_start3A_16, %dma_start3A_17] : memref<8x128xi32, #tpu.memory_space<vmem>> -> memref<1x128xi32, #tpu.memory_space<vmem>>
    %dma_start3A_19 = tpu.memref_squeeze %dma_start3A_18 : memref<1x128xi32, #tpu.memory_space<vmem>> -> memref<128xi32, #tpu.memory_space<vmem>>
    %dma_start3A_20 = arith.constant 0 : i32
    %dma_start3A_21 = arith.constant 0 : i32
    %dma_start3A_22 = tpu.memref_slice %arg2[%dma_start3A_20, %dma_start3A_21] : memref<10000x128xf32, #tpu.memory_space<hbm>> -> memref<10000x128xf32, #tpu.memory_space<hbm>>
    tpu.enqueue_indirect_dma source(%dma_start3A_22 : memref<10000x128xf32, #tpu.memory_space<hbm>>) target(%arg8 : memref<128x128xf32, #tpu.memory_space<vmem>>) offsets(%dma_start3A_19 : memref<128xi32, #tpu.memory_space<vmem>>) semaphore(%arg11 : memref<!tpu.dma_semaphore, #tpu.memory_space<semaphore_mem>>)
    %dma_start3A_23 = arith.constant 1 : i32
    %dma_start3A_24 = arith.constant 0 : i32
    %dma_start3A_25 = tpu.memref_slice %arg6[%dma_start3A_23, %dma_start3A_24] : memref<8x128xi32, #tpu.memory_space<vmem>> -> memref<1x128xi32, #tpu.memory_space<vmem>>
    %dma_start3A_26 = tpu.memref_squeeze %dma_start3A_25 : memref<1x128xi32, #tpu.memory_space<vmem>> -> memref<128xi32, #tpu.memory_space<vmem>>
    %dma_start3A_27 = arith.constant 0 : i32
    %dma_start3A_28 = arith.constant 0 : i32
    %dma_start3A_29 = tpu.memref_slice %arg2[%dma_start3A_27, %dma_start3A_28] : memref<10000x128xf32, #tpu.memory_space<hbm>> -> memref<10000x128xf32, #tpu.memory_space<hbm>>
    tpu.enqueue_indirect_dma source(%dma_start3A_29 : memref<10000x128xf32, #tpu.memory_space<hbm>>) target(%arg9 : memref<128x128xf32, #tpu.memory_space<vmem>>) offsets(%dma_start3A_26 : memref<128xi32, #tpu.memory_space<vmem>>) semaphore(%arg12 : memref<!tpu.dma_semaphore, #tpu.memory_space<semaphore_mem>>)
    %scan3A = arith.constant 0 : i32
    %scan3A_30 = arith.constant 0 : i32
    %scan3A_31 = arith.constant 10 : i32
    %scan3A_32 = arith.addi %scan3A_30, %scan3A_31 : i32
    %scan3A_33 = arith.constant 1 : i32
    scf.for %scan3A_40 = %scan3A_30 to %scan3A_32 step %scan3A_33  : i32 {
      %dma_wait3A = arith.constant 0 : i32
      %dma_wait3A_41 = arith.constant 0 : i32
      %dma_wait3A_42 = tpu.memref_slice %arg6[%dma_wait3A, %dma_wait3A_41] : memref<8x128xi32, #tpu.memory_space<vmem>> -> memref<1x128xi32, #tpu.memory_space<vmem>>
      %dma_wait3A_43 = tpu.memref_squeeze %dma_wait3A_42 : memref<1x128xi32, #tpu.memory_space<vmem>> -> memref<128xi32, #tpu.memory_space<vmem>>
      %dma_wait3A_44 = arith.constant 0 : i32
      %dma_wait3A_45 = arith.constant 0 : i32
      %dma_wait3A_46 = tpu.memref_slice %arg2[%dma_wait3A_44, %dma_wait3A_45] : memref<10000x128xf32, #tpu.memory_space<hbm>> -> memref<10000x128xf32, #tpu.memory_space<hbm>>
      tpu.wait_indirect_dma semaphore(%arg11 : memref<!tpu.dma_semaphore, #tpu.memory_space<semaphore_mem>>) src(%dma_wait3A_46 : memref<10000x128xf32, #tpu.memory_space<hbm>>) dst(%arg8 : memref<128x128xf32, #tpu.memory_space<vmem>>)
      %run_scoped3A = arith.constant 4 : i32
      "tpu.region"() ({
        %run_scoped3A_178 = tpu.sem_alloc : memref<!tpu.dma_semaphore, #tpu.memory_space<semaphore_mem>>
        %dma_start3A_179 = arith.constant 0 : i32
        %dma_start3A_180 = tpu.memref_slice %arg6[%run_scoped3A, %dma_start3A_179] : memref<8x128xi32, #tpu.memory_space<vmem>> -> memref<1x128xi32, #tpu.memory_space<vmem>>
        %dma_start3A_181 = tpu.memref_squeeze %dma_start3A_180 : memref<1x128xi32, #tpu.memory_space<vmem>> -> memref<128xi32, #tpu.memory_space<vmem>>
        %dma_start3A_182 = arith.constant 0 : i32
        %dma_start3A_183 = arith.constant 0 : i32
        %dma_start3A_184 = tpu.memref_slice %arg10[%dma_start3A_182, %dma_start3A_183] : memref<10240x128xf32, #tpu.memory_space<vmem_shared>> -> memref<10240x128xf32, #tpu.memory_space<vmem_shared>>
        tpu.enqueue_indirect_dma source(%arg8 : memref<128x128xf32, #tpu.memory_space<vmem>>) target(%dma_start3A_184 : memref<10240x128xf32, #tpu.memory_space<vmem_shared>>) offsets(%dma_start3A_181 : memref<128xi32, #tpu.memory_space<vmem>>) semaphore(%run_scoped3A_178 : memref<!tpu.dma_semaphore, #tpu.memory_space<semaphore_mem>>) {add = true}
        %dma_wait3A_185 = arith.constant 0 : i32
        %dma_wait3A_186 = tpu.memref_slice %arg6[%run_scoped3A, %dma_wait3A_185] : memref<8x128xi32, #tpu.memory_space<vmem>> -> memref<1x128xi32, #tpu.memory_space<vmem>>
        %dma_wait3A_187 = tpu.memref_squeeze %dma_wait3A_186 : memref<1x128xi32, #tpu.memory_space<vmem>> -> memref<128xi32, #tpu.memory_space<vmem>>
        %dma_wait3A_188 = arith.constant 0 : i32
        %dma_wait3A_189 = arith.constant 0 : i32
        %dma_wait3A_190 = tpu.memref_slice %arg10[%dma_wait3A_188, %dma_wait3A_189] : memref<10240x128xf32, #tpu.memory_space<vmem_shared>> -> memref<10240x128xf32, #tpu.memory_space<vmem_shared>>
        tpu.wait_indirect_dma semaphore(%run_scoped3A_178 : memref<!tpu.dma_semaphore, #tpu.memory_space<semaphore_mem>>) src(%arg8 : memref<128x128xf32, #tpu.memory_space<vmem>>) dst(%dma_wait3A_190 : memref<10240x128xf32, #tpu.memory_space<vmem_shared>>)
        tpu.yield
      }) : () -> ()
      %dma_start3A_47 = arith.constant 2 : i32
      %dma_start3A_48 = arith.constant 0 : i32
      %dma_start3A_49 = tpu.memref_slice %arg6[%dma_start3A_47, %dma_start3A_48] : memref<8x128xi32, #tpu.memory_space<vmem>> -> memref<1x128xi32, #tpu.memory_space<vmem>>
      %dma_start3A_50 = tpu.memref_squeeze %dma_start3A_49 : memref<1x128xi32, #tpu.memory_space<vmem>> -> memref<128xi32, #tpu.memory_space<vmem>>
      %dma_start3A_51 = arith.constant 0 : i32
      %dma_start3A_52 = arith.constant 0 : i32
      %dma_start3A_53 = tpu.memref_slice %arg2[%dma_start3A_51, %dma_start3A_52] : memref<10000x128xf32, #tpu.memory_space<hbm>> -> memref<10000x128xf32, #tpu.memory_space<hbm>>
      tpu.enqueue_indirect_dma source(%dma_start3A_53 : memref<10000x128xf32, #tpu.memory_space<hbm>>) target(%arg8 : memref<128x128xf32, #tpu.memory_space<vmem>>) offsets(%dma_start3A_50 : memref<128xi32, #tpu.memory_space<vmem>>) semaphore(%arg11 : memref<!tpu.dma_semaphore, #tpu.memory_space<semaphore_mem>>)
      %dma_wait3A_54 = arith.constant 0 : i32
      %dma_wait3A_55 = arith.constant 0 : i32
      %dma_wait3A_56 = tpu.memref_slice %arg6[%dma_wait3A_54, %dma_wait3A_55] : memref<8x128xi32, #tpu.memory_space<vmem>> -> memref<1x128xi32, #tpu.memory_space<vmem>>
      %dma_wait3A_57 = tpu.memref_squeeze %dma_wait3A_56 : memref<1x128xi32, #tpu.memory_space<vmem>> -> memref<128xi32, #tpu.memory_space<vmem>>
      %dma_wait3A_58 = arith.constant 0 : i32
      %dma_wait3A_59 = arith.constant 0 : i32
      %dma_wait3A_60 = tpu.memref_slice %arg2[%dma_wait3A_58, %dma_wait3A_59] : memref<10000x128xf32, #tpu.memory_space<hbm>> -> memref<10000x128xf32, #tpu.memory_space<hbm>>
      tpu.wait_indirect_dma semaphore(%arg12 : memref<!tpu.dma_semaphore, #tpu.memory_space<semaphore_mem>>) src(%dma_wait3A_60 : memref<10000x128xf32, #tpu.memory_space<hbm>>) dst(%arg9 : memref<128x128xf32, #tpu.memory_space<vmem>>)
      %run_scoped3A_61 = arith.constant 5 : i32
      "tpu.region"() ({
        %run_scoped3A_178 = tpu.sem_alloc : memref<!tpu.dma_semaphore, #tpu.memory_space<semaphore_mem>>
        %dma_start3A_179 = arith.constant 0 : i32
        %dma_start3A_180 = tpu.memref_slice %arg6[%run_scoped3A_61, %dma_start3A_179] : memref<8x128xi32, #tpu.memory_space<vmem>> -> memref<1x128xi32, #tpu.memory_space<vmem>>
        %dma_start3A_181 = tpu.memref_squeeze %dma_start3A_180 : memref<1x128xi32, #tpu.memory_space<vmem>> -> memref<128xi32, #tpu.memory_space<vmem>>
        %dma_start3A_182 = arith.constant 0 : i32
        %dma_start3A_183 = arith.constant 0 : i32
        %dma_start3A_184 = tpu.memref_slice %arg10[%dma_start3A_182, %dma_start3A_183] : memref<10240x128xf32, #tpu.memory_space<vmem_shared>> -> memref<10240x128xf32, #tpu.memory_space<vmem_shared>>
        tpu.enqueue_indirect_dma source(%arg9 : memref<128x128xf32, #tpu.memory_space<vmem>>) target(%dma_start3A_184 : memref<10240x128xf32, #tpu.memory_space<vmem_shared>>) offsets(%dma_start3A_181 : memref<128xi32, #tpu.memory_space<vmem>>) semaphore(%run_scoped3A_178 : memref<!tpu.dma_semaphore, #tpu.memory_space<semaphore_mem>>) {add = true}
        %dma_wait3A_185 = arith.constant 0 : i32
        %dma_wait3A_186 = tpu.memref_slice %arg6[%run_scoped3A_61, %dma_wait3A_185] : memref<8x128xi32, #tpu.memory_space<vmem>> -> memref<1x128xi32, #tpu.memory_space<vmem>>
        %dma_wait3A_187 = tpu.memref_squeeze %dma_wait3A_186 : memref<1x128xi32, #tpu.memory_space<vmem>> -> memref<128xi32, #tpu.memory_space<vmem>>
        %dma_wait3A_188 = arith.constant 0 : i32
        %dma_wait3A_189 = arith.constant 0 : i32
        %dma_wait3A_190 = tpu.memref_slice %arg10[%dma_wait3A_188, %dma_wait3A_189] : memref<10240x128xf32, #tpu.memory_space<vmem_shared>> -> memref<10240x128xf32, #tpu.memory_space<vmem_shared>>
        tpu.wait_indirect_dma semaphore(%run_scoped3A_178 : memref<!tpu.dma_semaphore, #tpu.memory_space<semaphore_mem>>) src(%arg9 : memref<128x128xf32, #tpu.memory_space<vmem>>) dst(%dma_wait3A_190 : memref<10240x128xf32, #tpu.memory_space<vmem_shared>>)
        tpu.yield
      }) : () -> ()
      %dma_start3A_62 = arith.constant 3 : i32
      %dma_start3A_63 = arith.constant 0 : i32
      %dma_start3A_64 = tpu.memref_slice %arg6[%dma_start3A_62, %dma_start3A_63] : memref<8x128xi32, #tpu.memory_space<vmem>> -> memref<1x128xi32, #tpu.memory_space<vmem>>
      %dma_start3A_65 = tpu.memref_squeeze %dma_start3A_64 : memref<1x128xi32, #tpu.memory_space<vmem>> -> memref<128xi32, #tpu.memory_space<vmem>>
      %dma_start3A_66 = arith.constant 0 : i32
      %dma_start3A_67 = arith.constant 0 : i32
      %dma_start3A_68 = tpu.memref_slice %arg2[%dma_start3A_66, %dma_start3A_67] : memref<10000x128xf32, #tpu.memory_space<hbm>> -> memref<10000x128xf32, #tpu.memory_space<hbm>>
      tpu.enqueue_indirect_dma source(%dma_start3A_68 : memref<10000x128xf32, #tpu.memory_space<hbm>>) target(%arg9 : memref<128x128xf32, #tpu.memory_space<vmem>>) offsets(%dma_start3A_65 : memref<128xi32, #tpu.memory_space<vmem>>) semaphore(%arg12 : memref<!tpu.dma_semaphore, #tpu.memory_space<semaphore_mem>>)
      %dma_wait3A_69 = arith.constant 0 : i32
      %dma_wait3A_70 = arith.constant 0 : i32
      %dma_wait3A_71 = tpu.memref_slice %arg6[%dma_wait3A_69, %dma_wait3A_70] : memref<8x128xi32, #tpu.memory_space<vmem>> -> memref<1x128xi32, #tpu.memory_space<vmem>>
      %dma_wait3A_72 = tpu.memref_squeeze %dma_wait3A_71 : memref<1x128xi32, #tpu.memory_space<vmem>> -> memref<128xi32, #tpu.memory_space<vmem>>
      %dma_wait3A_73 = arith.constant 0 : i32
      %dma_wait3A_74 = arith.constant 0 : i32
      %dma_wait3A_75 = tpu.memref_slice %arg2[%dma_wait3A_73, %dma_wait3A_74] : memref<10000x128xf32, #tpu.memory_space<hbm>> -> memref<10000x128xf32, #tpu.memory_space<hbm>>
      tpu.wait_indirect_dma semaphore(%arg11 : memref<!tpu.dma_semaphore, #tpu.memory_space<semaphore_mem>>) src(%dma_wait3A_75 : memref<10000x128xf32, #tpu.memory_space<hbm>>) dst(%arg8 : memref<128x128xf32, #tpu.memory_space<vmem>>)
      %run_scoped3A_76 = arith.constant 6 : i32
      "tpu.region"() ({
        %run_scoped3A_178 = tpu.sem_alloc : memref<!tpu.dma_semaphore, #tpu.memory_space<semaphore_mem>>
        %dma_start3A_179 = arith.constant 0 : i32
        %dma_start3A_180 = tpu.memref_slice %arg6[%run_scoped3A_76, %dma_start3A_179] : memref<8x128xi32, #tpu.memory_space<vmem>> -> memref<1x128xi32, #tpu.memory_space<vmem>>
        %dma_start3A_181 = tpu.memref_squeeze %dma_start3A_180 : memref<1x128xi32, #tpu.memory_space<vmem>> -> memref<128xi32, #tpu.memory_space<vmem>>
        %dma_start3A_182 = arith.constant 0 : i32
        %dma_start3A_183 = arith.constant 0 : i32
        %dma_start3A_184 = tpu.memref_slice %arg10[%dma_start3A_182, %dma_start3A_183] : memref<10240x128xf32, #tpu.memory_space<vmem_shared>> -> memref<10240x128xf32, #tpu.memory_space<vmem_shared>>
        tpu.enqueue_indirect_dma source(%arg8 : memref<128x128xf32, #tpu.memory_space<vmem>>) target(%dma_start3A_184 : memref<10240x128xf32, #tpu.memory_space<vmem_shared>>) offsets(%dma_start3A_181 : memref<128xi32, #tpu.memory_space<vmem>>) semaphore(%run_scoped3A_178 : memref<!tpu.dma_semaphore, #tpu.memory_space<semaphore_mem>>) {add = true}
        %dma_wait3A_185 = arith.constant 0 : i32
        %dma_wait3A_186 = tpu.memref_slice %arg6[%run_scoped3A_76, %dma_wait3A_185] : memref<8x128xi32, #tpu.memory_space<vmem>> -> memref<1x128xi32, #tpu.memory_space<vmem>>
        %dma_wait3A_187 = tpu.memref_squeeze %dma_wait3A_186 : memref<1x128xi32, #tpu.memory_space<vmem>> -> memref<128xi32, #tpu.memory_space<vmem>>
        %dma_wait3A_188 = arith.constant 0 : i32
        %dma_wait3A_189 = arith.constant 0 : i32
        %dma_wait3A_190 = tpu.memref_slice %arg10[%dma_wait3A_188, %dma_wait3A_189] : memref<10240x128xf32, #tpu.memory_space<vmem_shared>> -> memref<10240x128xf32, #tpu.memory_space<vmem_shared>>
        tpu.wait_indirect_dma semaphore(%run_scoped3A_178 : memref<!tpu.dma_semaphore, #tpu.memory_space<semaphore_mem>>) src(%arg8 : memref<128x128xf32, #tpu.memory_space<vmem>>) dst(%dma_wait3A_190 : memref<10240x128xf32, #tpu.memory_space<vmem_shared>>)
        tpu.yield
      }) : () -> ()
      %dma_wait3A_77 = arith.constant 0 : i32
      %dma_wait3A_78 = arith.constant 0 : i32
      %dma_wait3A_79 = tpu.memref_slice %arg3[%mul3A_6, %dma_wait3A_77, %dma_wait3A_78] : memref<640x8x128xi32, #tpu.memory_space<hbm>> -> memref<1x8x128xi32, #tpu.memory_space<hbm>>
      %dma_wait3A_80 = tpu.memref_squeeze %dma_wait3A_79 : memref<1x8x128xi32, #tpu.memory_space<hbm>> -> memref<8x128xi32, #tpu.memory_space<hbm>>
      %dma_wait3A_81 = arith.constant 0 : i32
      %dma_wait3A_82 = arith.constant 0 : i32
      %dma_wait3A_83 = tpu.memref_slice %arg3[%mul3A_6, %dma_wait3A_81, %dma_wait3A_82] : memref<640x8x128xi32, #tpu.memory_space<hbm>> -> memref<1x8x128xi32, #tpu.memory_space<hbm>>
      %dma_wait3A_84 = tpu.memref_squeeze %dma_wait3A_83 : memref<1x8x128xi32, #tpu.memory_space<hbm>> -> memref<8x128xi32, #tpu.memory_space<hbm>>
      tpu.wait_dma2 semaphore(%arg14 : memref<!tpu.dma_semaphore, #tpu.memory_space<semaphore_mem>>) src(%dma_wait3A_84 : memref<8x128xi32, #tpu.memory_space<hbm>>) dst(%arg7 : memref<8x128xi32, #tpu.memory_space<vmem>>)
      %dma_start3A_85 = arith.constant 0 : i32
      %dma_start3A_86 = arith.constant 0 : i32
      %dma_start3A_87 = tpu.memref_slice %arg7[%dma_start3A_85, %dma_start3A_86] : memref<8x128xi32, #tpu.memory_space<vmem>> -> memref<1x128xi32, #tpu.memory_space<vmem>>
      %dma_start3A_88 = tpu.memref_squeeze %dma_start3A_87 : memref<1x128xi32, #tpu.memory_space<vmem>> -> memref<128xi32, #tpu.memory_space<vmem>>
      %dma_start3A_89 = arith.constant 0 : i32
      %dma_start3A_90 = arith.constant 0 : i32
      %dma_start3A_91 = tpu.memref_slice %arg2[%dma_start3A_89, %dma_start3A_90] : memref<10000x128xf32, #tpu.memory_space<hbm>> -> memref<10000x128xf32, #tpu.memory_space<hbm>>
      tpu.enqueue_indirect_dma source(%dma_start3A_91 : memref<10000x128xf32, #tpu.memory_space<hbm>>) target(%arg8 : memref<128x128xf32, #tpu.memory_space<vmem>>) offsets(%dma_start3A_88 : memref<128xi32, #tpu.memory_space<vmem>>) semaphore(%arg11 : memref<!tpu.dma_semaphore, #tpu.memory_space<semaphore_mem>>)
      %dma_wait3A_92 = arith.constant 0 : i32
      %dma_wait3A_93 = arith.constant 0 : i32
      %dma_wait3A_94 = tpu.memref_slice %arg6[%dma_wait3A_92, %dma_wait3A_93] : memref<8x128xi32, #tpu.memory_space<vmem>> -> memref<1x128xi32, #tpu.memory_space<vmem>>
      %dma_wait3A_95 = tpu.memref_squeeze %dma_wait3A_94 : memref<1x128xi32, #tpu.memory_space<vmem>> -> memref<128xi32, #tpu.memory_space<vmem>>
      %dma_wait3A_96 = arith.constant 0 : i32
      %dma_wait3A_97 = arith.constant 0 : i32
      %dma_wait3A_98 = tpu.memref_slice %arg2[%dma_wait3A_96, %dma_wait3A_97] : memref<10000x128xf32, #tpu.memory_space<hbm>> -> memref<10000x128xf32, #tpu.memory_space<hbm>>
      tpu.wait_indirect_dma semaphore(%arg12 : memref<!tpu.dma_semaphore, #tpu.memory_space<semaphore_mem>>) src(%dma_wait3A_98 : memref<10000x128xf32, #tpu.memory_space<hbm>>) dst(%arg9 : memref<128x128xf32, #tpu.memory_space<vmem>>)
      %run_scoped3A_99 = arith.constant 7 : i32
      "tpu.region"() ({
        %run_scoped3A_178 = tpu.sem_alloc : memref<!tpu.dma_semaphore, #tpu.memory_space<semaphore_mem>>
        %dma_start3A_179 = arith.constant 0 : i32
        %dma_start3A_180 = tpu.memref_slice %arg6[%run_scoped3A_99, %dma_start3A_179] : memref<8x128xi32, #tpu.memory_space<vmem>> -> memref<1x128xi32, #tpu.memory_space<vmem>>
        %dma_start3A_181 = tpu.memref_squeeze %dma_start3A_180 : memref<1x128xi32, #tpu.memory_space<vmem>> -> memref<128xi32, #tpu.memory_space<vmem>>
        %dma_start3A_182 = arith.constant 0 : i32
        %dma_start3A_183 = arith.constant 0 : i32
        %dma_start3A_184 = tpu.memref_slice %arg10[%dma_start3A_182, %dma_start3A_183] : memref<10240x128xf32, #tpu.memory_space<vmem_shared>> -> memref<10240x128xf32, #tpu.memory_space<vmem_shared>>
        tpu.enqueue_indirect_dma source(%arg9 : memref<128x128xf32, #tpu.memory_space<vmem>>) target(%dma_start3A_184 : memref<10240x128xf32, #tpu.memory_space<vmem_shared>>) offsets(%dma_start3A_181 : memref<128xi32, #tpu.memory_space<vmem>>) semaphore(%run_scoped3A_178 : memref<!tpu.dma_semaphore, #tpu.memory_space<semaphore_mem>>) {add = true}
        %dma_wait3A_185 = arith.constant 0 : i32
        %dma_wait3A_186 = tpu.memref_slice %arg6[%run_scoped3A_99, %dma_wait3A_185] : memref<8x128xi32, #tpu.memory_space<vmem>> -> memref<1x128xi32, #tpu.memory_space<vmem>>
        %dma_wait3A_187 = tpu.memref_squeeze %dma_wait3A_186 : memref<1x128xi32, #tpu.memory_space<vmem>> -> memref<128xi32, #tpu.memory_space<vmem>>
        %dma_wait3A_188 = arith.constant 0 : i32
        %dma_wait3A_189 = arith.constant 0 : i32
        %dma_wait3A_190 = tpu.memref_slice %arg10[%dma_wait3A_188, %dma_wait3A_189] : memref<10240x128xf32, #tpu.memory_space<vmem_shared>> -> memref<10240x128xf32, #tpu.memory_space<vmem_shared>>
        tpu.wait_indirect_dma semaphore(%run_scoped3A_178 : memref<!tpu.dma_semaphore, #tpu.memory_space<semaphore_mem>>) src(%arg9 : memref<128x128xf32, #tpu.memory_space<vmem>>) dst(%dma_wait3A_190 : memref<10240x128xf32, #tpu.memory_space<vmem_shared>>)
        tpu.yield
      }) : () -> ()
      %dma_start3A_100 = arith.constant 1 : i32
      %dma_start3A_101 = arith.constant 0 : i32
      %dma_start3A_102 = tpu.memref_slice %arg7[%dma_start3A_100, %dma_start3A_101] : memref<8x128xi32, #tpu.memory_space<vmem>> -> memref<1x128xi32, #tpu.memory_space<vmem>>
      %dma_start3A_103 = tpu.memref_squeeze %dma_start3A_102 : memref<1x128xi32, #tpu.memory_space<vmem>> -> memref<128xi32, #tpu.memory_space<vmem>>
      %dma_start3A_104 = arith.constant 0 : i32
      %dma_start3A_105 = arith.constant 0 : i32
      %dma_start3A_106 = tpu.memref_slice %arg2[%dma_start3A_104, %dma_start3A_105] : memref<10000x128xf32, #tpu.memory_space<hbm>> -> memref<10000x128xf32, #tpu.memory_space<hbm>>
      tpu.enqueue_indirect_dma source(%dma_start3A_106 : memref<10000x128xf32, #tpu.memory_space<hbm>>) target(%arg9 : memref<128x128xf32, #tpu.memory_space<vmem>>) offsets(%dma_start3A_103 : memref<128xi32, #tpu.memory_space<vmem>>) semaphore(%arg12 : memref<!tpu.dma_semaphore, #tpu.memory_space<semaphore_mem>>)
      %add3A_107 = arith.constant 1 : i32
      %add3A_108 = arith.addi %scan3A_40, %add3A_107 : i32
      %lt3A = arith.constant 10 : i32
      %lt3A_109 = arith.cmpi slt, %add3A_108, %lt3A : i32
      %convert_element_type3A = arith.extui %lt3A_109 : i1 to i32
      %cond3A = arith.constant 0 : i32
      %cond3A_110 = arith.cmpi ne, %convert_element_type3A, %cond3A : i32
      scf.if %cond3A_110 {
        %mul3A_178 = arith.constant 2 : i32
        %mul3A_179 = arith.muli %mul3A_178, %scan3A_40 : i32
        %add3A_180 = arith.constant 2 : i32
        %add3A_181 = arith.addi %mul3A_179, %add3A_180 : i32
        %add3A_182 = arith.addi %mul3A_6, %add3A_181 : i32
        %dma_start3A_183 = arith.constant 0 : i32
        %dma_start3A_184 = arith.constant 0 : i32
        %dma_start3A_185 = tpu.memref_slice %arg3[%add3A_182, %dma_start3A_183, %dma_start3A_184] : memref<640x8x128xi32, #tpu.memory_space<hbm>> -> memref<1x8x128xi32, #tpu.memory_space<hbm>>
        %dma_start3A_186 = tpu.memref_squeeze %dma_start3A_185 : memref<1x8x128xi32, #tpu.memory_space<hbm>> -> memref<8x128xi32, #tpu.memory_space<hbm>>
        %dma_start3A_187 = arith.constant 0 : i32
        %dma_start3A_188 = arith.constant 0 : i32
        %dma_start3A_189 = tpu.memref_slice %arg3[%add3A_182, %dma_start3A_187, %dma_start3A_188] : memref<640x8x128xi32, #tpu.memory_space<hbm>> -> memref<1x8x128xi32, #tpu.memory_space<hbm>>
        %dma_start3A_190 = tpu.memref_squeeze %dma_start3A_189 : memref<1x8x128xi32, #tpu.memory_space<hbm>> -> memref<8x128xi32, #tpu.memory_space<hbm>>
        tpu.enqueue_dma source(%dma_start3A_190 : memref<8x128xi32, #tpu.memory_space<hbm>>) target(%arg6 : memref<8x128xi32, #tpu.memory_space<vmem>>) target_semaphore(%arg13 : memref<!tpu.dma_semaphore, #tpu.memory_space<semaphore_mem>>)
      } else {
      }
      %dma_wait3A_111 = arith.constant 0 : i32
      %dma_wait3A_112 = arith.constant 0 : i32
      %dma_wait3A_113 = tpu.memref_slice %arg6[%dma_wait3A_111, %dma_wait3A_112] : memref<8x128xi32, #tpu.memory_space<vmem>> -> memref<1x128xi32, #tpu.memory_space<vmem>>
      %dma_wait3A_114 = tpu.memref_squeeze %dma_wait3A_113 : memref<1x128xi32, #tpu.memory_space<vmem>> -> memref<128xi32, #tpu.memory_space<vmem>>
      %dma_wait3A_115 = arith.constant 0 : i32
      %dma_wait3A_116 = arith.constant 0 : i32
      %dma_wait3A_117 = tpu.memref_slice %arg2[%dma_wait3A_115, %dma_wait3A_116] : memref<10000x128xf32, #tpu.memory_space<hbm>> -> memref<10000x128xf32, #tpu.memory_space<hbm>>
      tpu.wait_indirect_dma semaphore(%arg11 : memref<!tpu.dma_semaphore, #tpu.memory_space<semaphore_mem>>) src(%dma_wait3A_117 : memref<10000x128xf32, #tpu.memory_space<hbm>>) dst(%arg8 : memref<128x128xf32, #tpu.memory_space<vmem>>)
      %run_scoped3A_118 = arith.constant 4 : i32
      "tpu.region"() ({
        %run_scoped3A_178 = tpu.sem_alloc : memref<!tpu.dma_semaphore, #tpu.memory_space<semaphore_mem>>
        %dma_start3A_179 = arith.constant 0 : i32
        %dma_start3A_180 = tpu.memref_slice %arg7[%run_scoped3A_118, %dma_start3A_179] : memref<8x128xi32, #tpu.memory_space<vmem>> -> memref<1x128xi32, #tpu.memory_space<vmem>>
        %dma_start3A_181 = tpu.memref_squeeze %dma_start3A_180 : memref<1x128xi32, #tpu.memory_space<vmem>> -> memref<128xi32, #tpu.memory_space<vmem>>
        %dma_start3A_182 = arith.constant 0 : i32
        %dma_start3A_183 = arith.constant 0 : i32
        %dma_start3A_184 = tpu.memref_slice %arg10[%dma_start3A_182, %dma_start3A_183] : memref<10240x128xf32, #tpu.memory_space<vmem_shared>> -> memref<10240x128xf32, #tpu.memory_space<vmem_shared>>
        tpu.enqueue_indirect_dma source(%arg8 : memref<128x128xf32, #tpu.memory_space<vmem>>) target(%dma_start3A_184 : memref<10240x128xf32, #tpu.memory_space<vmem_shared>>) offsets(%dma_start3A_181 : memref<128xi32, #tpu.memory_space<vmem>>) semaphore(%run_scoped3A_178 : memref<!tpu.dma_semaphore, #tpu.memory_space<semaphore_mem>>) {add = true}
        %dma_wait3A_185 = arith.constant 0 : i32
        %dma_wait3A_186 = tpu.memref_slice %arg7[%run_scoped3A_118, %dma_wait3A_185] : memref<8x128xi32, #tpu.memory_space<vmem>> -> memref<1x128xi32, #tpu.memory_space<vmem>>
        %dma_wait3A_187 = tpu.memref_squeeze %dma_wait3A_186 : memref<1x128xi32, #tpu.memory_space<vmem>> -> memref<128xi32, #tpu.memory_space<vmem>>
        %dma_wait3A_188 = arith.constant 0 : i32
        %dma_wait3A_189 = arith.constant 0 : i32
        %dma_wait3A_190 = tpu.memref_slice %arg10[%dma_wait3A_188, %dma_wait3A_189] : memref<10240x128xf32, #tpu.memory_space<vmem_shared>> -> memref<10240x128xf32, #tpu.memory_space<vmem_shared>>
        tpu.wait_indirect_dma semaphore(%run_scoped3A_178 : memref<!tpu.dma_semaphore, #tpu.memory_space<semaphore_mem>>) src(%arg8 : memref<128x128xf32, #tpu.memory_space<vmem>>) dst(%dma_wait3A_190 : memref<10240x128xf32, #tpu.memory_space<vmem_shared>>)
        tpu.yield
      }) : () -> ()
      %dma_start3A_119 = arith.constant 2 : i32
      %dma_start3A_120 = arith.constant 0 : i32
      %dma_start3A_121 = tpu.memref_slice %arg7[%dma_start3A_119, %dma_start3A_120] : memref<8x128xi32, #tpu.memory_space<vmem>> -> memref<1x128xi32, #tpu.memory_space<vmem>>
      %dma_start3A_122 = tpu.memref_squeeze %dma_start3A_121 : memref<1x128xi32, #tpu.memory_space<vmem>> -> memref<128xi32, #tpu.memory_space<vmem>>
      %dma_start3A_123 = arith.constant 0 : i32
      %dma_start3A_124 = arith.constant 0 : i32
      %dma_start3A_125 = tpu.memref_slice %arg2[%dma_start3A_123, %dma_start3A_124] : memref<10000x128xf32, #tpu.memory_space<hbm>> -> memref<10000x128xf32, #tpu.memory_space<hbm>>
      tpu.enqueue_indirect_dma source(%dma_start3A_125 : memref<10000x128xf32, #tpu.memory_space<hbm>>) target(%arg8 : memref<128x128xf32, #tpu.memory_space<vmem>>) offsets(%dma_start3A_122 : memref<128xi32, #tpu.memory_space<vmem>>) semaphore(%arg11 : memref<!tpu.dma_semaphore, #tpu.memory_space<semaphore_mem>>)
      %dma_wait3A_126 = arith.constant 0 : i32
      %dma_wait3A_127 = arith.constant 0 : i32
      %dma_wait3A_128 = tpu.memref_slice %arg6[%dma_wait3A_126, %dma_wait3A_127] : memref<8x128xi32, #tpu.memory_space<vmem>> -> memref<1x128xi32, #tpu.memory_space<vmem>>
      %dma_wait3A_129 = tpu.memref_squeeze %dma_wait3A_128 : memref<1x128xi32, #tpu.memory_space<vmem>> -> memref<128xi32, #tpu.memory_space<vmem>>
      %dma_wait3A_130 = arith.constant 0 : i32
      %dma_wait3A_131 = arith.constant 0 : i32
      %dma_wait3A_132 = tpu.memref_slice %arg2[%dma_wait3A_130, %dma_wait3A_131] : memref<10000x128xf32, #tpu.memory_space<hbm>> -> memref<10000x128xf32, #tpu.memory_space<hbm>>
      tpu.wait_indirect_dma semaphore(%arg12 : memref<!tpu.dma_semaphore, #tpu.memory_space<semaphore_mem>>) src(%dma_wait3A_132 : memref<10000x128xf32, #tpu.memory_space<hbm>>) dst(%arg9 : memref<128x128xf32, #tpu.memory_space<vmem>>)
      %run_scoped3A_133 = arith.constant 5 : i32
      "tpu.region"() ({
        %run_scoped3A_178 = tpu.sem_alloc : memref<!tpu.dma_semaphore, #tpu.memory_space<semaphore_mem>>
        %dma_start3A_179 = arith.constant 0 : i32
        %dma_start3A_180 = tpu.memref_slice %arg7[%run_scoped3A_133, %dma_start3A_179] : memref<8x128xi32, #tpu.memory_space<vmem>> -> memref<1x128xi32, #tpu.memory_space<vmem>>
        %dma_start3A_181 = tpu.memref_squeeze %dma_start3A_180 : memref<1x128xi32, #tpu.memory_space<vmem>> -> memref<128xi32, #tpu.memory_space<vmem>>
        %dma_start3A_182 = arith.constant 0 : i32
        %dma_start3A_183 = arith.constant 0 : i32
        %dma_start3A_184 = tpu.memref_slice %arg10[%dma_start3A_182, %dma_start3A_183] : memref<10240x128xf32, #tpu.memory_space<vmem_shared>> -> memref<10240x128xf32, #tpu.memory_space<vmem_shared>>
        tpu.enqueue_indirect_dma source(%arg9 : memref<128x128xf32, #tpu.memory_space<vmem>>) target(%dma_start3A_184 : memref<10240x128xf32, #tpu.memory_space<vmem_shared>>) offsets(%dma_start3A_181 : memref<128xi32, #tpu.memory_space<vmem>>) semaphore(%run_scoped3A_178 : memref<!tpu.dma_semaphore, #tpu.memory_space<semaphore_mem>>) {add = true}
        %dma_wait3A_185 = arith.constant 0 : i32
        %dma_wait3A_186 = tpu.memref_slice %arg7[%run_scoped3A_133, %dma_wait3A_185] : memref<8x128xi32, #tpu.memory_space<vmem>> -> memref<1x128xi32, #tpu.memory_space<vmem>>
        %dma_wait3A_187 = tpu.memref_squeeze %dma_wait3A_186 : memref<1x128xi32, #tpu.memory_space<vmem>> -> memref<128xi32, #tpu.memory_space<vmem>>
        %dma_wait3A_188 = arith.constant 0 : i32
        %dma_wait3A_189 = arith.constant 0 : i32
        %dma_wait3A_190 = tpu.memref_slice %arg10[%dma_wait3A_188, %dma_wait3A_189] : memref<10240x128xf32, #tpu.memory_space<vmem_shared>> -> memref<10240x128xf32, #tpu.memory_space<vmem_shared>>
        tpu.wait_indirect_dma semaphore(%run_scoped3A_178 : memref<!tpu.dma_semaphore, #tpu.memory_space<semaphore_mem>>) src(%arg9 : memref<128x128xf32, #tpu.memory_space<vmem>>) dst(%dma_wait3A_190 : memref<10240x128xf32, #tpu.memory_space<vmem_shared>>)
        tpu.yield
      }) : () -> ()
      %dma_start3A_134 = arith.constant 3 : i32
      %dma_start3A_135 = arith.constant 0 : i32
      %dma_start3A_136 = tpu.memref_slice %arg7[%dma_start3A_134, %dma_start3A_135] : memref<8x128xi32, #tpu.memory_space<vmem>> -> memref<1x128xi32, #tpu.memory_space<vmem>>
      %dma_start3A_137 = tpu.memref_squeeze %dma_start3A_136 : memref<1x128xi32, #tpu.memory_space<vmem>> -> memref<128xi32, #tpu.memory_space<vmem>>
      %dma_start3A_138 = arith.constant 0 : i32
      %dma_start3A_139 = arith.constant 0 : i32
      %dma_start3A_140 = tpu.memref_slice %arg2[%dma_start3A_138, %dma_start3A_139] : memref<10000x128xf32, #tpu.memory_space<hbm>> -> memref<10000x128xf32, #tpu.memory_space<hbm>>
      tpu.enqueue_indirect_dma source(%dma_start3A_140 : memref<10000x128xf32, #tpu.memory_space<hbm>>) target(%arg9 : memref<128x128xf32, #tpu.memory_space<vmem>>) offsets(%dma_start3A_137 : memref<128xi32, #tpu.memory_space<vmem>>) semaphore(%arg12 : memref<!tpu.dma_semaphore, #tpu.memory_space<semaphore_mem>>)
      %dma_wait3A_141 = arith.constant 0 : i32
      %dma_wait3A_142 = arith.constant 0 : i32
      %dma_wait3A_143 = tpu.memref_slice %arg6[%dma_wait3A_141, %dma_wait3A_142] : memref<8x128xi32, #tpu.memory_space<vmem>> -> memref<1x128xi32, #tpu.memory_space<vmem>>
      %dma_wait3A_144 = tpu.memref_squeeze %dma_wait3A_143 : memref<1x128xi32, #tpu.memory_space<vmem>> -> memref<128xi32, #tpu.memory_space<vmem>>
      %dma_wait3A_145 = arith.constant 0 : i32
      %dma_wait3A_146 = arith.constant 0 : i32
      %dma_wait3A_147 = tpu.memref_slice %arg2[%dma_wait3A_145, %dma_wait3A_146] : memref<10000x128xf32, #tpu.memory_space<hbm>> -> memref<10000x128xf32, #tpu.memory_space<hbm>>
      tpu.wait_indirect_dma semaphore(%arg11 : memref<!tpu.dma_semaphore, #tpu.memory_space<semaphore_mem>>) src(%dma_wait3A_147 : memref<10000x128xf32, #tpu.memory_space<hbm>>) dst(%arg8 : memref<128x128xf32, #tpu.memory_space<vmem>>)
      %run_scoped3A_148 = arith.constant 6 : i32
      "tpu.region"() ({
        %run_scoped3A_178 = tpu.sem_alloc : memref<!tpu.dma_semaphore, #tpu.memory_space<semaphore_mem>>
        %dma_start3A_179 = arith.constant 0 : i32
        %dma_start3A_180 = tpu.memref_slice %arg7[%run_scoped3A_148, %dma_start3A_179] : memref<8x128xi32, #tpu.memory_space<vmem>> -> memref<1x128xi32, #tpu.memory_space<vmem>>
        %dma_start3A_181 = tpu.memref_squeeze %dma_start3A_180 : memref<1x128xi32, #tpu.memory_space<vmem>> -> memref<128xi32, #tpu.memory_space<vmem>>
        %dma_start3A_182 = arith.constant 0 : i32
        %dma_start3A_183 = arith.constant 0 : i32
        %dma_start3A_184 = tpu.memref_slice %arg10[%dma_start3A_182, %dma_start3A_183] : memref<10240x128xf32, #tpu.memory_space<vmem_shared>> -> memref<10240x128xf32, #tpu.memory_space<vmem_shared>>
        tpu.enqueue_indirect_dma source(%arg8 : memref<128x128xf32, #tpu.memory_space<vmem>>) target(%dma_start3A_184 : memref<10240x128xf32, #tpu.memory_space<vmem_shared>>) offsets(%dma_start3A_181 : memref<128xi32, #tpu.memory_space<vmem>>) semaphore(%run_scoped3A_178 : memref<!tpu.dma_semaphore, #tpu.memory_space<semaphore_mem>>) {add = true}
        %dma_wait3A_185 = arith.constant 0 : i32
        %dma_wait3A_186 = tpu.memref_slice %arg7[%run_scoped3A_148, %dma_wait3A_185] : memref<8x128xi32, #tpu.memory_space<vmem>> -> memref<1x128xi32, #tpu.memory_space<vmem>>
        %dma_wait3A_187 = tpu.memref_squeeze %dma_wait3A_186 : memref<1x128xi32, #tpu.memory_space<vmem>> -> memref<128xi32, #tpu.memory_space<vmem>>
        %dma_wait3A_188 = arith.constant 0 : i32
        %dma_wait3A_189 = arith.constant 0 : i32
        %dma_wait3A_190 = tpu.memref_slice %arg10[%dma_wait3A_188, %dma_wait3A_189] : memref<10240x128xf32, #tpu.memory_space<vmem_shared>> -> memref<10240x128xf32, #tpu.memory_space<vmem_shared>>
        tpu.wait_indirect_dma semaphore(%run_scoped3A_178 : memref<!tpu.dma_semaphore, #tpu.memory_space<semaphore_mem>>) src(%arg8 : memref<128x128xf32, #tpu.memory_space<vmem>>) dst(%dma_wait3A_190 : memref<10240x128xf32, #tpu.memory_space<vmem_shared>>)
        tpu.yield
      }) : () -> ()
      %add3A_149 = arith.constant 1 : i32
      %add3A_150 = arith.addi %scan3A_40, %add3A_149 : i32
      %lt3A_151 = arith.constant 10 : i32
      %lt3A_152 = arith.cmpi slt, %add3A_150, %lt3A_151 : i32
      %convert_element_type3A_153 = arith.extui %lt3A_152 : i1 to i32
      %cond3A_154 = arith.constant 0 : i32
      %cond3A_155 = arith.cmpi ne, %convert_element_type3A_153, %cond3A_154 : i32
      scf.if %cond3A_155 {
        %dma_wait3A_178 = arith.constant 0 : i32
        %dma_wait3A_179 = arith.constant 0 : i32
        %dma_wait3A_180 = tpu.memref_slice %arg3[%mul3A_6, %dma_wait3A_178, %dma_wait3A_179] : memref<640x8x128xi32, #tpu.memory_space<hbm>> -> memref<1x8x128xi32, #tpu.memory_space<hbm>>
        %dma_wait3A_181 = tpu.memref_squeeze %dma_wait3A_180 : memref<1x8x128xi32, #tpu.memory_space<hbm>> -> memref<8x128xi32, #tpu.memory_space<hbm>>
        %dma_wait3A_182 = arith.constant 0 : i32
        %dma_wait3A_183 = arith.constant 0 : i32
        %dma_wait3A_184 = tpu.memref_slice %arg3[%mul3A_6, %dma_wait3A_182, %dma_wait3A_183] : memref<640x8x128xi32, #tpu.memory_space<hbm>> -> memref<1x8x128xi32, #tpu.memory_space<hbm>>
        %dma_wait3A_185 = tpu.memref_squeeze %dma_wait3A_184 : memref<1x8x128xi32, #tpu.memory_space<hbm>> -> memref<8x128xi32, #tpu.memory_space<hbm>>
        tpu.wait_dma2 semaphore(%arg13 : memref<!tpu.dma_semaphore, #tpu.memory_space<semaphore_mem>>) src(%dma_wait3A_185 : memref<8x128xi32, #tpu.memory_space<hbm>>) dst(%arg6 : memref<8x128xi32, #tpu.memory_space<vmem>>)
        %dma_start3A_186 = arith.constant 0 : i32
        %dma_start3A_187 = arith.constant 0 : i32
        %dma_start3A_188 = tpu.memref_slice %arg6[%dma_start3A_186, %dma_start3A_187] : memref<8x128xi32, #tpu.memory_space<vmem>> -> memref<1x128xi32, #tpu.memory_space<vmem>>
        %dma_start3A_189 = tpu.memref_squeeze %dma_start3A_188 : memref<1x128xi32, #tpu.memory_space<vmem>> -> memref<128xi32, #tpu.memory_space<vmem>>
        %dma_start3A_190 = arith.constant 0 : i32
        %dma_start3A_191 = arith.constant 0 : i32
        %dma_start3A_192 = tpu.memref_slice %arg2[%dma_start3A_190, %dma_start3A_191] : memref<10000x128xf32, #tpu.memory_space<hbm>> -> memref<10000x128xf32, #tpu.memory_space<hbm>>
        tpu.enqueue_indirect_dma source(%dma_start3A_192 : memref<10000x128xf32, #tpu.memory_space<hbm>>) target(%arg8 : memref<128x128xf32, #tpu.memory_space<vmem>>) offsets(%dma_start3A_189 : memref<128xi32, #tpu.memory_space<vmem>>) semaphore(%arg11 : memref<!tpu.dma_semaphore, #tpu.memory_space<semaphore_mem>>)
      } else {
      }
      %dma_wait3A_156 = arith.constant 0 : i32
      %dma_wait3A_157 = arith.constant 0 : i32
      %dma_wait3A_158 = tpu.memref_slice %arg6[%dma_wait3A_156, %dma_wait3A_157] : memref<8x128xi32, #tpu.memory_space<vmem>> -> memref<1x128xi32, #tpu.memory_space<vmem>>
      %dma_wait3A_159 = tpu.memref_squeeze %dma_wait3A_158 : memref<1x128xi32, #tpu.memory_space<vmem>> -> memref<128xi32, #tpu.memory_space<vmem>>
      %dma_wait3A_160 = arith.constant 0 : i32
      %dma_wait3A_161 = arith.constant 0 : i32
      %dma_wait3A_162 = tpu.memref_slice %arg2[%dma_wait3A_160, %dma_wait3A_161] : memref<10000x128xf32, #tpu.memory_space<hbm>> -> memref<10000x128xf32, #tpu.memory_space<hbm>>
      tpu.wait_indirect_dma semaphore(%arg12 : memref<!tpu.dma_semaphore, #tpu.memory_space<semaphore_mem>>) src(%dma_wait3A_162 : memref<10000x128xf32, #tpu.memory_space<hbm>>) dst(%arg9 : memref<128x128xf32, #tpu.memory_space<vmem>>)
      %run_scoped3A_163 = arith.constant 7 : i32
      "tpu.region"() ({
        %run_scoped3A_178 = tpu.sem_alloc : memref<!tpu.dma_semaphore, #tpu.memory_space<semaphore_mem>>
        %dma_start3A_179 = arith.constant 0 : i32
        %dma_start3A_180 = tpu.memref_slice %arg7[%run_scoped3A_163, %dma_start3A_179] : memref<8x128xi32, #tpu.memory_space<vmem>> -> memref<1x128xi32, #tpu.memory_space<vmem>>
        %dma_start3A_181 = tpu.memref_squeeze %dma_start3A_180 : memref<1x128xi32, #tpu.memory_space<vmem>> -> memref<128xi32, #tpu.memory_space<vmem>>
        %dma_start3A_182 = arith.constant 0 : i32
        %dma_start3A_183 = arith.constant 0 : i32
        %dma_start3A_184 = tpu.memref_slice %arg10[%dma_start3A_182, %dma_start3A_183] : memref<10240x128xf32, #tpu.memory_space<vmem_shared>> -> memref<10240x128xf32, #tpu.memory_space<vmem_shared>>
        tpu.enqueue_indirect_dma source(%arg9 : memref<128x128xf32, #tpu.memory_space<vmem>>) target(%dma_start3A_184 : memref<10240x128xf32, #tpu.memory_space<vmem_shared>>) offsets(%dma_start3A_181 : memref<128xi32, #tpu.memory_space<vmem>>) semaphore(%run_scoped3A_178 : memref<!tpu.dma_semaphore, #tpu.memory_space<semaphore_mem>>) {add = true}
        %dma_wait3A_185 = arith.constant 0 : i32
        %dma_wait3A_186 = tpu.memref_slice %arg7[%run_scoped3A_163, %dma_wait3A_185] : memref<8x128xi32, #tpu.memory_space<vmem>> -> memref<1x128xi32, #tpu.memory_space<vmem>>
        %dma_wait3A_187 = tpu.memref_squeeze %dma_wait3A_186 : memref<1x128xi32, #tpu.memory_space<vmem>> -> memref<128xi32, #tpu.memory_space<vmem>>
        %dma_wait3A_188 = arith.constant 0 : i32
        %dma_wait3A_189 = arith.constant 0 : i32
        %dma_wait3A_190 = tpu.memref_slice %arg10[%dma_wait3A_188, %dma_wait3A_189] : memref<10240x128xf32, #tpu.memory_space<vmem_shared>> -> memref<10240x128xf32, #tpu.memory_space<vmem_shared>>
        tpu.wait_indirect_dma semaphore(%run_scoped3A_178 : memref<!tpu.dma_semaphore, #tpu.memory_space<semaphore_mem>>) src(%arg9 : memref<128x128xf32, #tpu.memory_space<vmem>>) dst(%dma_wait3A_190 : memref<10240x128xf32, #tpu.memory_space<vmem_shared>>)
        tpu.yield
      }) : () -> ()
      %add3A_164 = arith.constant 1 : i32
      %add3A_165 = arith.addi %scan3A_40, %add3A_164 : i32
      %lt3A_166 = arith.constant 10 : i32
      %lt3A_167 = arith.cmpi slt, %add3A_165, %lt3A_166 : i32
      %convert_element_type3A_168 = arith.extui %lt3A_167 : i1 to i32
      %cond3A_169 = arith.constant 0 : i32
      %cond3A_170 = arith.cmpi ne, %convert_element_type3A_168, %cond3A_169 : i32
      scf.if %cond3A_170 {
        %dma_start3A_178 = arith.constant 1 : i32
        %dma_start3A_179 = arith.constant 0 : i32
        %dma_start3A_180 = tpu.memref_slice %arg6[%dma_start3A_178, %dma_start3A_179] : memref<8x128xi32, #tpu.memory_space<vmem>> -> memref<1x128xi32, #tpu.memory_space<vmem>>
        %dma_start3A_181 = tpu.memref_squeeze %dma_start3A_180 : memref<1x128xi32, #tpu.memory_space<vmem>> -> memref<128xi32, #tpu.memory_space<vmem>>
        %dma_start3A_182 = arith.constant 0 : i32
        %dma_start3A_183 = arith.constant 0 : i32
        %dma_start3A_184 = tpu.memref_slice %arg2[%dma_start3A_182, %dma_start3A_183] : memref<10000x128xf32, #tpu.memory_space<hbm>> -> memref<10000x128xf32, #tpu.memory_space<hbm>>
        tpu.enqueue_indirect_dma source(%dma_start3A_184 : memref<10000x128xf32, #tpu.memory_space<hbm>>) target(%arg9 : memref<128x128xf32, #tpu.memory_space<vmem>>) offsets(%dma_start3A_181 : memref<128xi32, #tpu.memory_space<vmem>>) semaphore(%arg12 : memref<!tpu.dma_semaphore, #tpu.memory_space<semaphore_mem>>)
      } else {
      }
      %add3A_171 = arith.constant 1 : i32
      %add3A_172 = arith.addi %scan3A_40, %add3A_171 : i32
      %lt3A_173 = arith.constant 10 : i32
      %lt3A_174 = arith.cmpi slt, %add3A_172, %lt3A_173 : i32
      %convert_element_type3A_175 = arith.extui %lt3A_174 : i1 to i32
      %cond3A_176 = arith.constant 0 : i32
      %cond3A_177 = arith.cmpi ne, %convert_element_type3A_175, %cond3A_176 : i32
      scf.if %cond3A_177 {
        %mul3A_178 = arith.constant 2 : i32
        %mul3A_179 = arith.muli %mul3A_178, %scan3A_40 : i32
        %add3A_180 = arith.constant 3 : i32
        %add3A_181 = arith.addi %mul3A_179, %add3A_180 : i32
        %add3A_182 = arith.addi %mul3A_6, %add3A_181 : i32
        %dma_start3A_183 = arith.constant 0 : i32
        %dma_start3A_184 = arith.constant 0 : i32
        %dma_start3A_185 = tpu.memref_slice %arg3[%add3A_182, %dma_start3A_183, %dma_start3A_184] : memref<640x8x128xi32, #tpu.memory_space<hbm>> -> memref<1x8x128xi32, #tpu.memory_space<hbm>>
        %dma_start3A_186 = tpu.memref_squeeze %dma_start3A_185 : memref<1x8x128xi32, #tpu.memory_space<hbm>> -> memref<8x128xi32, #tpu.memory_space<hbm>>
        %dma_start3A_187 = arith.constant 0 : i32
        %dma_start3A_188 = arith.constant 0 : i32
        %dma_start3A_189 = tpu.memref_slice %arg3[%add3A_182, %dma_start3A_187, %dma_start3A_188] : memref<640x8x128xi32, #tpu.memory_space<hbm>> -> memref<1x8x128xi32, #tpu.memory_space<hbm>>
        %dma_start3A_190 = tpu.memref_squeeze %dma_start3A_189 : memref<1x8x128xi32, #tpu.memory_space<hbm>> -> memref<8x128xi32, #tpu.memory_space<hbm>>
        tpu.enqueue_dma source(%dma_start3A_190 : memref<8x128xi32, #tpu.memory_space<hbm>>) target(%arg7 : memref<8x128xi32, #tpu.memory_space<vmem>>) target_semaphore(%arg14 : memref<!tpu.dma_semaphore, #tpu.memory_space<semaphore_mem>>)
      } else {
      }
    }
    %scan3A_34 = arith.constant 10 : i32
    %barrier3A_35 = arith.constant 0 : index
    tpu.barrier barrier_id(%barrier3A_35)
    %mul3A_36 = arith.constant 640 : i32
    %mul3A_37 = arith.muli %arg1, %mul3A_36 : i32
    %mul3A_38 = arith.constant 640 : i32
    %mul3A_39 = arith.muli %arg1, %mul3A_38 : i32
    "tpu.region"() ({
      %run_scoped3A = tpu.sem_alloc : memref<!tpu.dma_semaphore, #tpu.memory_space<semaphore_mem>>
      %dma_start3A_40 = arith.constant 0 : i32
      %dma_start3A_41 = tpu.memref_slice %arg5[%arg0, %mul3A_39, %dma_start3A_40] : memref<2x10240x128xf32, #tpu.memory_space<hbm>> -> memref<1x640x128xf32, #tpu.memory_space<hbm>>
      %dma_start3A_42 = tpu.memref_squeeze %dma_start3A_41 : memref<1x640x128xf32, #tpu.memory_space<hbm>> -> memref<640x128xf32, #tpu.memory_space<hbm>>
      %dma_start3A_43 = arith.constant 0 : i32
      %dma_start3A_44 = tpu.memref_slice %arg10[%mul3A_37, %dma_start3A_43] : memref<10240x128xf32, #tpu.memory_space<vmem_shared>> -> memref<640x128xf32, #tpu.memory_space<vmem_shared>>
      tpu.enqueue_dma source(%dma_start3A_44 : memref<640x128xf32, #tpu.memory_space<vmem_shared>>) target(%dma_start3A_42 : memref<640x128xf32, #tpu.memory_space<hbm>>) target_semaphore(%run_scoped3A : memref<!tpu.dma_semaphore, #tpu.memory_space<semaphore_mem>>)
      %dma_wait3A = arith.constant 0 : i32
      %dma_wait3A_45 = tpu.memref_slice %arg5[%arg0, %mul3A_39, %dma_wait3A] : memref<2x10240x128xf32, #tpu.memory_space<hbm>> -> memref<1x640x128xf32, #tpu.memory_space<hbm>>
      %dma_wait3A_46 = tpu.memref_squeeze %dma_wait3A_45 : memref<1x640x128xf32, #tpu.memory_space<hbm>> -> memref<640x128xf32, #tpu.memory_space<hbm>>
      %dma_wait3A_47 = arith.constant 0 : i32
      %dma_wait3A_48 = tpu.memref_slice %arg10[%mul3A_37, %dma_wait3A_47] : memref<10240x128xf32, #tpu.memory_space<vmem_shared>> -> memref<640x128xf32, #tpu.memory_space<vmem_shared>>
      tpu.wait_dma2 semaphore(%run_scoped3A : memref<!tpu.dma_semaphore, #tpu.memory_space<semaphore_mem>>) src(%dma_wait3A_48 : memref<640x128xf32, #tpu.memory_space<vmem_shared>>) dst(%dma_wait3A_46 : memref<640x128xf32, #tpu.memory_space<hbm>>)
      tpu.yield
    }) : () -> ()
    return
  }
}

module attributes {stable_mosaic.version = 14 : i64} {
  func.func @_gin_mid_body(%arg0: memref<1x1xf32, #tpu.memory_space<smem>>, %arg1: memref<10000x128xf32, #tpu.memory_space<vmem>>, %arg2: memref<10240x128xf32, #tpu.memory_space<vmem>>, %arg3: memref<10240x128xf32, #tpu.memory_space<vmem>>, %arg4: memref<128x256xf32, #tpu.memory_space<vmem>>, %arg5: memref<1x256xf32, #tpu.memory_space<vmem>>, %arg6: memref<1x256xf32, #tpu.memory_space<vmem>>, %arg7: memref<256x128xf32, #tpu.memory_space<vmem>>, %arg8: memref<1x128xf32, #tpu.memory_space<vmem>>, %arg9: memref<1x128xf32, #tpu.memory_space<vmem>>, %arg10: memref<10000x128xf32, #tpu.memory_space<vmem>>, %arg11: memref<10000x128xf32, #tpu.memory_space<vmem>>) attributes {dimension_semantics = [], scalar_prefetch = 0 : i64, scratch_operands = 0 : i64, tpu.core_type = #tpu.core_type<tc>} {
    %get3A = arith.constant 0 : index
    %get3A_0 = arith.constant 0 : index
    %get3A_1 = memref.load %arg0[%get3A, %get3A_0] : memref<1x1xf32, #tpu.memory_space<smem>>
    %add3A = arith.constant 1.000000e+00 : f32
    %add3A_2 = arith.addf %add3A, %get3A_1 : f32
    %get3A_3 = arith.constant 0 : index
    %get3A_4 = arith.constant 0 : index
    %get3A_5 = vector.load %arg1[%get3A_3, %get3A_4] : memref<10000x128xf32, #tpu.memory_space<vmem>>, vector<10000x128xf32>
    %mul3A = vector.broadcast %add3A_2 : f32 to vector<10000x128xf32>
    %mul3A_6 = arith.mulf %mul3A, %get3A_5 : vector<10000x128xf32>
    %get3A_7 = arith.constant 0 : index
    %get3A_8 = arith.constant 0 : index
    %get3A_9 = vector.load %arg2[%get3A_7, %get3A_8] : memref<10240x128xf32, #tpu.memory_space<vmem>>, vector<10000x128xf32>
    %add3A_10 = arith.addf %mul3A_6, %get3A_9 : vector<10000x128xf32>
    %get3A_11 = arith.constant 0 : index
    %get3A_12 = arith.constant 0 : index
    %get3A_13 = vector.load %arg3[%get3A_11, %get3A_12] : memref<10240x128xf32, #tpu.memory_space<vmem>>, vector<10000x128xf32>
    %add3A_14 = arith.addf %add3A_10, %get3A_13 : vector<10000x128xf32>
    %get3A_15 = arith.constant 0 : index
    %get3A_16 = arith.constant 0 : index
    %get3A_17 = vector.load %arg4[%get3A_15, %get3A_16] : memref<128x256xf32, #tpu.memory_space<vmem>>, vector<128x256xf32>
    %dot_general3A = arith.constant dense<0.000000e+00> : vector<10000x256xf32>
    %dot_general3A_18 = tpu.matmul %add3A_14, %get3A_17, %dot_general3A {dimension_numbers = #tpu.dot_dimension_numbers<[1], [0], [0], [1], [0, 0, 1, 1], [], []>, transpose_lhs_hint = false} : vector<10000x128xf32>, vector<128x256xf32>, vector<10000x256xf32> -> vector<10000x256xf32>
    %get3A_19 = arith.constant 0 : index
    %get3A_20 = arith.constant 0 : index
    %get3A_21 = vector.load %arg5[%get3A_19, %get3A_20] : memref<1x256xf32, #tpu.memory_space<vmem>>, vector<1x256xf32>
    %get3A_22 = arith.constant 0 : index
    %get3A_23 = arith.constant 0 : index
    %get3A_24 = vector.load %arg6[%get3A_22, %get3A_23] : memref<1x256xf32, #tpu.memory_space<vmem>>, vector<1x256xf32>
    %reduce_sum3A = arith.constant dense<0.000000e+00> : vector<256xf32>
    %reduce_sum3A_25 = vector.multi_reduction <add>, %dot_general3A_18, %reduce_sum3A [0] : vector<10000x256xf32> to vector<256xf32>
    %broadcast_in_dim3A = vector.shape_cast %reduce_sum3A_25 : vector<256xf32> to vector<1x256xf32>
    %div3A = arith.constant 1.000000e+04 : f32
    %div3A_26 = vector.broadcast %div3A : f32 to vector<1x256xf32>
    %div3A_27 = arith.divf %broadcast_in_dim3A, %div3A_26 : vector<1x256xf32>
    %sub3A = vector.broadcast %div3A_27 : vector<1x256xf32> to vector<10000x256xf32>
    %sub3A_28 = arith.subf %dot_general3A_18, %sub3A : vector<10000x256xf32>
    %integer_pow3A = arith.mulf %sub3A_28, %sub3A_28 : vector<10000x256xf32>
    %reduce_sum3A_29 = arith.constant dense<0.000000e+00> : vector<256xf32>
    %reduce_sum3A_30 = vector.multi_reduction <add>, %integer_pow3A, %reduce_sum3A_29 [0] : vector<10000x256xf32> to vector<256xf32>
    %broadcast_in_dim3A_31 = vector.shape_cast %reduce_sum3A_30 : vector<256xf32> to vector<1x256xf32>
    %div3A_32 = arith.constant 1.000000e+04 : f32
    %div3A_33 = vector.broadcast %div3A_32 : f32 to vector<1x256xf32>
    %div3A_34 = arith.divf %broadcast_in_dim3A_31, %div3A_33 : vector<1x256xf32>
    %sub3A_35 = vector.broadcast %div3A_27 : vector<1x256xf32> to vector<10000x256xf32>
    %sub3A_36 = arith.subf %dot_general3A_18, %sub3A_35 : vector<10000x256xf32>
    %add3A_37 = arith.constant 9.99999974E-6 : f32
    %add3A_38 = vector.broadcast %add3A_37 : f32 to vector<1x256xf32>
    %add3A_39 = arith.addf %div3A_34, %add3A_38 : vector<1x256xf32>
    %sqrt3A = math.sqrt %add3A_39 : vector<1x256xf32>
    %div3A_40 = vector.broadcast %sqrt3A : vector<1x256xf32> to vector<10000x256xf32>
    %div3A_41 = arith.divf %sub3A_36, %div3A_40 : vector<10000x256xf32>
    %mul3A_42 = vector.broadcast %get3A_21 : vector<1x256xf32> to vector<10000x256xf32>
    %mul3A_43 = arith.mulf %div3A_41, %mul3A_42 : vector<10000x256xf32>
    %add3A_44 = vector.broadcast %get3A_24 : vector<1x256xf32> to vector<10000x256xf32>
    %add3A_45 = arith.addf %mul3A_43, %add3A_44 : vector<10000x256xf32>
    %max3A = arith.constant 0.000000e+00 : f32
    %max3A_46 = vector.broadcast %max3A : f32 to vector<10000x256xf32>
    %max3A_47 = arith.maximumf %add3A_45, %max3A_46 : vector<10000x256xf32>
    %get3A_48 = arith.constant 0 : index
    %get3A_49 = arith.constant 0 : index
    %get3A_50 = vector.load %arg7[%get3A_48, %get3A_49] : memref<256x128xf32, #tpu.memory_space<vmem>>, vector<256x128xf32>
    %dot_general3A_51 = arith.constant dense<0.000000e+00> : vector<10000x128xf32>
    %dot_general3A_52 = tpu.matmul %max3A_47, %get3A_50, %dot_general3A_51 {dimension_numbers = #tpu.dot_dimension_numbers<[1], [0], [0], [1], [0, 0, 1, 1], [], []>, transpose_lhs_hint = false} : vector<10000x256xf32>, vector<256x128xf32>, vector<10000x128xf32> -> vector<10000x128xf32>
    %get3A_53 = arith.constant 0 : index
    %get3A_54 = arith.constant 0 : index
    %get3A_55 = vector.load %arg8[%get3A_53, %get3A_54] : memref<1x128xf32, #tpu.memory_space<vmem>>, vector<1x128xf32>
    %get3A_56 = arith.constant 0 : index
    %get3A_57 = arith.constant 0 : index
    %get3A_58 = vector.load %arg9[%get3A_56, %get3A_57] : memref<1x128xf32, #tpu.memory_space<vmem>>, vector<1x128xf32>
    %reduce_sum3A_59 = arith.constant dense<0.000000e+00> : vector<128xf32>
    %reduce_sum3A_60 = vector.multi_reduction <add>, %dot_general3A_52, %reduce_sum3A_59 [0] : vector<10000x128xf32> to vector<128xf32>
    %broadcast_in_dim3A_61 = vector.shape_cast %reduce_sum3A_60 : vector<128xf32> to vector<1x128xf32>
    %div3A_62 = arith.constant 1.000000e+04 : f32
    %div3A_63 = vector.broadcast %div3A_62 : f32 to vector<1x128xf32>
    %div3A_64 = arith.divf %broadcast_in_dim3A_61, %div3A_63 : vector<1x128xf32>
    %sub3A_65 = vector.broadcast %div3A_64 : vector<1x128xf32> to vector<10000x128xf32>
    %sub3A_66 = arith.subf %dot_general3A_52, %sub3A_65 : vector<10000x128xf32>
    %integer_pow3A_67 = arith.mulf %sub3A_66, %sub3A_66 : vector<10000x128xf32>
    %reduce_sum3A_68 = arith.constant dense<0.000000e+00> : vector<128xf32>
    %reduce_sum3A_69 = vector.multi_reduction <add>, %integer_pow3A_67, %reduce_sum3A_68 [0] : vector<10000x128xf32> to vector<128xf32>
    %broadcast_in_dim3A_70 = vector.shape_cast %reduce_sum3A_69 : vector<128xf32> to vector<1x128xf32>
    %div3A_71 = arith.constant 1.000000e+04 : f32
    %div3A_72 = vector.broadcast %div3A_71 : f32 to vector<1x128xf32>
    %div3A_73 = arith.divf %broadcast_in_dim3A_70, %div3A_72 : vector<1x128xf32>
    %sub3A_74 = vector.broadcast %div3A_64 : vector<1x128xf32> to vector<10000x128xf32>
    %sub3A_75 = arith.subf %dot_general3A_52, %sub3A_74 : vector<10000x128xf32>
    %add3A_76 = arith.constant 9.99999974E-6 : f32
    %add3A_77 = vector.broadcast %add3A_76 : f32 to vector<1x128xf32>
    %add3A_78 = arith.addf %div3A_73, %add3A_77 : vector<1x128xf32>
    %sqrt3A_79 = math.sqrt %add3A_78 : vector<1x128xf32>
    %div3A_80 = vector.broadcast %sqrt3A_79 : vector<1x128xf32> to vector<10000x128xf32>
    %div3A_81 = arith.divf %sub3A_75, %div3A_80 : vector<10000x128xf32>
    %mul3A_82 = vector.broadcast %get3A_55 : vector<1x128xf32> to vector<10000x128xf32>
    %mul3A_83 = arith.mulf %div3A_81, %mul3A_82 : vector<10000x128xf32>
    %add3A_84 = vector.broadcast %get3A_58 : vector<1x128xf32> to vector<10000x128xf32>
    %add3A_85 = arith.addf %mul3A_83, %add3A_84 : vector<10000x128xf32>
    %get3A_86 = arith.constant 0 : index
    %get3A_87 = arith.constant 0 : index
    %get3A_88 = vector.load %arg10[%get3A_86, %get3A_87] : memref<10000x128xf32, #tpu.memory_space<vmem>>, vector<10000x128xf32>
    %mul3A_89 = arith.mulf %add3A_85, %get3A_88 : vector<10000x128xf32>
    %max3A_90 = arith.constant 0.000000e+00 : f32
    %max3A_91 = vector.broadcast %max3A_90 : f32 to vector<10000x128xf32>
    %max3A_92 = arith.maximumf %mul3A_89, %max3A_91 : vector<10000x128xf32>
    %swap3A = arith.constant 0 : index
    %swap3A_93 = arith.constant 0 : index
    %swap3A_94 = vector.load %arg11[%swap3A, %swap3A_93] : memref<10000x128xf32, #tpu.memory_space<vmem>>, vector<10000x128xf32>
    tpu.vector_store %arg11[%swap3A, %swap3A_93], %max3A_92 {strides = array<i32>} : memref<10000x128xf32, #tpu.memory_space<vmem>>, vector<10000x128xf32>,
    return
  }
}

module attributes {stable_mosaic.version = 14 : i64} {
  func.func @_gin_last_body(%arg0: memref<1x1xf32, #tpu.memory_space<smem>>, %arg1: memref<10000x128xf32, #tpu.memory_space<vmem>>, %arg2: memref<10240x128xf32, #tpu.memory_space<vmem>>, %arg3: memref<10240x128xf32, #tpu.memory_space<vmem>>, %arg4: memref<128x256xf32, #tpu.memory_space<vmem>>, %arg5: memref<1x256xf32, #tpu.memory_space<vmem>>, %arg6: memref<1x256xf32, #tpu.memory_space<vmem>>, %arg7: memref<256x128xf32, #tpu.memory_space<vmem>>, %arg8: memref<10000x128xf32, #tpu.memory_space<vmem>>, %arg9: memref<1x10000xi32, #tpu.memory_space<vmem>>, %arg10: memref<16x128xf32, #tpu.memory_space<vmem>>) attributes {dimension_semantics = [], scalar_prefetch = 0 : i64, scratch_operands = 0 : i64, tpu.core_type = #tpu.core_type<tc>} {
    %get3A = arith.constant 0 : index
    %get3A_0 = arith.constant 0 : index
    %get3A_1 = memref.load %arg0[%get3A, %get3A_0] : memref<1x1xf32, #tpu.memory_space<smem>>
    %add3A = arith.constant 1.000000e+00 : f32
    %add3A_2 = arith.addf %add3A, %get3A_1 : f32
    %get3A_3 = arith.constant 0 : index
    %get3A_4 = arith.constant 0 : index
    %get3A_5 = vector.load %arg1[%get3A_3, %get3A_4] : memref<10000x128xf32, #tpu.memory_space<vmem>>, vector<10000x128xf32>
    %mul3A = vector.broadcast %add3A_2 : f32 to vector<10000x128xf32>
    %mul3A_6 = arith.mulf %mul3A, %get3A_5 : vector<10000x128xf32>
    %get3A_7 = arith.constant 0 : index
    %get3A_8 = arith.constant 0 : index
    %get3A_9 = vector.load %arg2[%get3A_7, %get3A_8] : memref<10240x128xf32, #tpu.memory_space<vmem>>, vector<10000x128xf32>
    %add3A_10 = arith.addf %mul3A_6, %get3A_9 : vector<10000x128xf32>
    %get3A_11 = arith.constant 0 : index
    %get3A_12 = arith.constant 0 : index
    %get3A_13 = vector.load %arg3[%get3A_11, %get3A_12] : memref<10240x128xf32, #tpu.memory_space<vmem>>, vector<10000x128xf32>
    %add3A_14 = arith.addf %add3A_10, %get3A_13 : vector<10000x128xf32>
    %get3A_15 = arith.constant 0 : index
    %get3A_16 = arith.constant 0 : index
    %get3A_17 = vector.load %arg4[%get3A_15, %get3A_16] : memref<128x256xf32, #tpu.memory_space<vmem>>, vector<128x256xf32>
    %dot_general3A = arith.constant dense<0.000000e+00> : vector<10000x256xf32>
    %dot_general3A_18 = tpu.matmul %add3A_14, %get3A_17, %dot_general3A {dimension_numbers = #tpu.dot_dimension_numbers<[1], [0], [0], [1], [0, 0, 1, 1], [], []>, transpose_lhs_hint = false} : vector<10000x128xf32>, vector<128x256xf32>, vector<10000x256xf32> -> vector<10000x256xf32>
    %get3A_19 = arith.constant 0 : index
    %get3A_20 = arith.constant 0 : index
    %get3A_21 = vector.load %arg5[%get3A_19, %get3A_20] : memref<1x256xf32, #tpu.memory_space<vmem>>, vector<1x256xf32>
    %get3A_22 = arith.constant 0 : index
    %get3A_23 = arith.constant 0 : index
    %get3A_24 = vector.load %arg6[%get3A_22, %get3A_23] : memref<1x256xf32, #tpu.memory_space<vmem>>, vector<1x256xf32>
    %reduce_sum3A = arith.constant dense<0.000000e+00> : vector<256xf32>
    %reduce_sum3A_25 = vector.multi_reduction <add>, %dot_general3A_18, %reduce_sum3A [0] : vector<10000x256xf32> to vector<256xf32>
    %broadcast_in_dim3A = vector.shape_cast %reduce_sum3A_25 : vector<256xf32> to vector<1x256xf32>
    %div3A = arith.constant 1.000000e+04 : f32
    %div3A_26 = vector.broadcast %div3A : f32 to vector<1x256xf32>
    %div3A_27 = arith.divf %broadcast_in_dim3A, %div3A_26 : vector<1x256xf32>
    %sub3A = vector.broadcast %div3A_27 : vector<1x256xf32> to vector<10000x256xf32>
    %sub3A_28 = arith.subf %dot_general3A_18, %sub3A : vector<10000x256xf32>
    %integer_pow3A = arith.mulf %sub3A_28, %sub3A_28 : vector<10000x256xf32>
    %reduce_sum3A_29 = arith.constant dense<0.000000e+00> : vector<256xf32>
    %reduce_sum3A_30 = vector.multi_reduction <add>, %integer_pow3A, %reduce_sum3A_29 [0] : vector<10000x256xf32> to vector<256xf32>
    %broadcast_in_dim3A_31 = vector.shape_cast %reduce_sum3A_30 : vector<256xf32> to vector<1x256xf32>
    %div3A_32 = arith.constant 1.000000e+04 : f32
    %div3A_33 = vector.broadcast %div3A_32 : f32 to vector<1x256xf32>
    %div3A_34 = arith.divf %broadcast_in_dim3A_31, %div3A_33 : vector<1x256xf32>
    %sub3A_35 = vector.broadcast %div3A_27 : vector<1x256xf32> to vector<10000x256xf32>
    %sub3A_36 = arith.subf %dot_general3A_18, %sub3A_35 : vector<10000x256xf32>
    %add3A_37 = arith.constant 9.99999974E-6 : f32
    %add3A_38 = vector.broadcast %add3A_37 : f32 to vector<1x256xf32>
    %add3A_39 = arith.addf %div3A_34, %add3A_38 : vector<1x256xf32>
    %sqrt3A = math.sqrt %add3A_39 : vector<1x256xf32>
    %div3A_40 = vector.broadcast %sqrt3A : vector<1x256xf32> to vector<10000x256xf32>
    %div3A_41 = arith.divf %sub3A_36, %div3A_40 : vector<10000x256xf32>
    %mul3A_42 = vector.broadcast %get3A_21 : vector<1x256xf32> to vector<10000x256xf32>
    %mul3A_43 = arith.mulf %div3A_41, %mul3A_42 : vector<10000x256xf32>
    %add3A_44 = vector.broadcast %get3A_24 : vector<1x256xf32> to vector<10000x256xf32>
    %add3A_45 = arith.addf %mul3A_43, %add3A_44 : vector<10000x256xf32>
    %max3A = arith.constant 0.000000e+00 : f32
    %max3A_46 = vector.broadcast %max3A : f32 to vector<10000x256xf32>
    %max3A_47 = arith.maximumf %add3A_45, %max3A_46 : vector<10000x256xf32>
    %get3A_48 = arith.constant 0 : index
    %get3A_49 = arith.constant 0 : index
    %get3A_50 = vector.load %arg7[%get3A_48, %get3A_49] : memref<256x128xf32, #tpu.memory_space<vmem>>, vector<256x128xf32>
    %dot_general3A_51 = arith.constant dense<0.000000e+00> : vector<10000x128xf32>
    %dot_general3A_52 = tpu.matmul %max3A_47, %get3A_50, %dot_general3A_51 {dimension_numbers = #tpu.dot_dimension_numbers<[1], [0], [0], [1], [0, 0, 1, 1], [], []>, transpose_lhs_hint = false} : vector<10000x256xf32>, vector<256x128xf32>, vector<10000x128xf32> -> vector<10000x128xf32>
    %get3A_53 = arith.constant 0 : index
    %get3A_54 = arith.constant 0 : index
    %get3A_55 = vector.load %arg8[%get3A_53, %get3A_54] : memref<10000x128xf32, #tpu.memory_space<vmem>>, vector<10000x128xf32>
    %mul3A_56 = arith.mulf %dot_general3A_52, %get3A_55 : vector<10000x128xf32>
    %max3A_57 = arith.constant 0.000000e+00 : f32
    %max3A_58 = vector.broadcast %max3A_57 : f32 to vector<10000x128xf32>
    %max3A_59 = arith.maximumf %mul3A_56, %max3A_58 : vector<10000x128xf32>
    %iota3A = tpu.iota {dimensions = array<i32: 0>} : vector<16x10000xi32>
    %get3A_60 = arith.constant 0 : index
    %get3A_61 = arith.constant 0 : index
    %get3A_62 = vector.load %arg9[%get3A_60, %get3A_61] : memref<1x10000xi32, #tpu.memory_space<vmem>>, vector<1x10000xi32>
    %eq3A = vector.broadcast %get3A_62 : vector<1x10000xi32> to vector<16x10000xi32>
    %eq3A_63 = arith.cmpi eq, %iota3A, %eq3A : vector<16x10000xi32>
    %convert_element_type3A = arith.extui %eq3A_63 : vector<16x10000xi1> to vector<16x10000xi32>
    %convert_element_type3A_64 = arith.sitofp %convert_element_type3A : vector<16x10000xi32> to vector<16x10000xf32>
    %dot_general3A_65 = arith.constant dense<0.000000e+00> : vector<16x128xf32>
    %dot_general3A_66 = tpu.matmul %convert_element_type3A_64, %max3A_59, %dot_general3A_65 {dimension_numbers = #tpu.dot_dimension_numbers<[1], [0], [0], [1], [0, 0, 1, 1], [], []>, transpose_lhs_hint = false} : vector<16x10000xf32>, vector<10000x128xf32>, vector<16x128xf32> -> vector<16x128xf32>
    %reduce_sum3A_67 = arith.constant dense<0.000000e+00> : vector<16xf32>
    %reduce_sum3A_68 = vector.multi_reduction <add>, %convert_element_type3A_64, %reduce_sum3A_67 [1] : vector<16x10000xf32> to vector<16xf32>
    %broadcast_in_dim3A_69 = vector.shape_cast %reduce_sum3A_68 : vector<16xf32> to vector<16x1xf32>
    %max3A_70 = arith.constant 1.000000e+00 : f32
    %max3A_71 = vector.broadcast %max3A_70 : f32 to vector<16x1xf32>
    %max3A_72 = arith.maximumf %broadcast_in_dim3A_69, %max3A_71 : vector<16x1xf32>
    %div3A_73 = vector.broadcast %max3A_72 : vector<16x1xf32> to vector<16x128xf32>
    %div3A_74 = arith.divf %dot_general3A_66, %div3A_73 : vector<16x128xf32>
    %swap3A = arith.constant 0 : index
    %swap3A_75 = arith.constant 0 : index
    %swap3A_76 = vector.load %arg10[%swap3A, %swap3A_75] : memref<16x128xf32, #tpu.memory_space<vmem>>, vector<16x128xf32>
    tpu.vector_store %arg10[%swap3A, %swap3A_75], %div3A_74 {strides = array<i32>} : memref<16x128xf32, #tpu.memory_space<vmem>>, vector<16x128xf32>,
    return
  }
}

</mosaic_0001>

<sc_bundles>
// kernel: kernel.16.cloned.1.call-start
scs
__scs_entry_jumppad:
0x0: {  	(pc) =	sbr.rel $0x88, $3  }
0x1: {  	(tag) =	ssettag $0x0;
	lr =	simm.s32 $0x1  }
0x2: {  	[smem:$0x3F6F] =	sst lr;
	_ =	strace $0xD0000000  }
0x3: {  	_ = 	snop  }
0x4: {  	_ = 	snop  }
0x5: {  	_ = 	snop  }
0x6: {  	_ = 	snop  }
0x7: {  	_ = 	snop  }
__scs_overlays_trampoline_lowered:
0x8: {  	[smem:$0x3F7E] =	sst s0  }
0x9: {  	[smem:$0x3F7F] =	sst s1  }
0xa: {  	[smem:$0x3F80] =	sst s2  }
0xb: {  	[smem:$0x3F81] =	sst s3  }
0xc: {  	[smem:$0x3F82] =	sst s4  }
0xd: {  	[smem:$0x3F83] =	sst s5  }
0xe: {  	[smem:$0x3F84] =	sst s6  }
0xf: {  	[smem:$0x3F85] =	sst s7  }
0x10: {  	[smem:$0x3F86] =	sst s8  }
0x11: {  	[smem:$0x3F87] =	sst s9;
	s0 =	simm.s32 @!p0 $0x0  }
0x12: {  	s1 =	sld [smem:$0x3F6D];
	s0 =	simm.s32 @p0 $0x1  }
0x13: {  	[smem:$0x3F88] =	sst s0;
	s0 =	simm.s32 @!p1 $0x0  }
0x14: {  	s2 =	sld [smem:$0x3F6C];
	s0 =	simm.s32 @p1 $0x1  }
0x15: {  	[smem:$0x3F89] =	sst s0;
	s0 =	simm.s32 @!p2 $0x0  }
0x16: {  	s3 =	sld [smem:$0x3FDB];
	s0 =	simm.s32 @p2 $0x1  }
0x17: {  	s4 =	simm.s32 $0x1BF5;
	[smem:$0x3F8B] =	sst s0  }
0x18: {  	s0 =	sld [smem:$0x3F6E];
	_ =	swait.ge [sflag:s4], $0x0  }
0x19: {  	s7 =	sld [smem:$0x3F6F]  }
0x1a: {  	s8 =	sadd.s32 $0xFFFFE003, lr  }
0x1b: {  	s9 =	sadd.s32 $0xFFFFFEF7, lr;
	s5 =	simm.s32 $0xFFFFFFFF;
	p2 =	slt.u32 s8, $0xFFFFF086  }
0x1c: {  	p1 =	slt.u32 s9, $0xF7A;
	s5 =	simm.s32 @!p2 $0x0  }
0x1d: {  	s5 =	simm.s32 @p1 $0x1;
	p0 =	seq.s32 s7, s2  }
0x1e: {  	s7 =	smul.u32 @!p0 $0xF7A, s2;
	p2 =	seq.s32 @!p0 s5, $0x0  }
0x1f: {  	s9 =	smul.u32 $0xF7A, s1;
	s8 =	simm.s32 @!p0 $0x1BF5;
	p2 =	por !p2, p0  }
0x20: {  	[sflag:s8] =	ssyncset.s32 @!p0 $0xFFFFF086;
	s6 =	sadd.s32 @!p0 s3, s7;
	s7 =	simm.s32 @!p0 $0x108  }
0x21: {  	s3 =	sadd.s32 s3, s9;
	s6 =	sadd.s32 @!p0 $0x88, s6;
	s7 =	simm.s32 @p2 $0x1082  }
0x22: {  	[simem:s7], [sflag:s8] =	dma.local @!p0 [hbm:s6], $0xF7A  }
0x23: {  	s9 =	sor.u32 $0xD0000000, s2;
	s6 =	simm.s32 $0x108;
	_ =	swait.ge @!p0 [sflag:s8], $0x0  }
0x24: {  	s3 =	sadd.s32 $0x88, s3;
	s6 =	simm.s32 @!p1 $0x1082;
	[sflag:s4] =	ssyncset.s32 $0xFFFFF086  }
0x25: {  	[simem:s6], [sflag:s4] =	dma.local [hbm:s3], $0xF7A  }
0x26: {  	[smem:$0x3F6F] =	sst s1;
	(tag) =	ssettag s2;
	_ =	strace s9  }
0x27: {  	s1 =	sld [smem:$0x3F7F]  }
0x28: {  	s2 =	sld [smem:$0x3F80]  }
0x29: {  	s4 =	sld [smem:$0x3F82]  }
0x2a: {  	p0 =	seq.s32 s5, $0x0;
	s5 =	sld [smem:$0x3F83]  }
0x2b: {  	s6 =	sld [smem:$0x3F84]  }
0x2c: {  	s7 =	sld [smem:$0x3F85]  }
0x2d: {  	s3 =	simm.s32 $0x108;
	s8 =	sld [smem:$0x3F86]  }
0x2e: {  	s3 =	simm.s32 @!p0 $0x1082;
	s9 =	sld [smem:$0x3F87]  }
0x2f: {  	lr =	sadd.s32 s0, s3;
	s0 =	sld [smem:$0x3F7E]  }
0x30: {  	s3 =	sld [smem:$0x3F81]  }
0x31: {  	[smem:$0x3F8A] =	sst s10  }
0x32: {  	s10 =	sld [smem:$0x3F88];
	_ =	sdelay $0x3  }
0x33: {  	p0 =	seq.s32 s10, $0x1;
	s10 =	sld [smem:$0x3F8A];
	_ =	sdelay $0x3  }
0x34: {  	[smem:$0x3F8A] =	sst s10  }
0x35: {  	s10 =	sld [smem:$0x3F89];
	_ =	sdelay $0x3  }
0x36: {  	p1 =	seq.s32 s10, $0x1;
	s10 =	sld [smem:$0x3F8A];
	_ =	sdelay $0x3  }
0x37: {  	[smem:$0x3F8A] =	sst s10  }
0x38: {  	s10 =	sld [smem:$0x3F8B]  }
0x39: {  	_ = 	snop;
	(pc) =	sbr.ind lr, $3  }
0x3a: {  	_ = 	snop  }
0x3b: {  	_ = 	snop  }
0x3c: {  	p2 =	seq.s32 s10, $0x1;
	s10 =	sld [smem:$0x3F8A]  }
0x3d: {  	_ =	shalt  }
0x3e: {  	_ =	shalt  }
0x3f: {  	_ =	shalt  }
0x40: {  	_ =	shalt  }
0x41: {  	_ =	shalt  }
0x42: {  	_ =	shalt  }
0x43: {  	_ =	shalt  }
0x44: {  	_ =	shalt  }
0x45: {  	_ =	shalt  }
0x46: {  	_ =	shalt  }
0x47: {  	_ =	shalt  }
0x48: {  	_ =	shalt  }
0x49: {  	_ =	shalt  }
0x4a: {  	_ =	shalt  }
0x4b: {  	_ =	shalt  }
0x4c: {  	_ =	shalt  }
0x4d: {  	_ =	shalt  }
0x4e: {  	_ =	shalt  }
0x4f: {  	_ =	shalt  }
0x50: {  	_ =	shalt  }
0x51: {  	_ =	shalt  }
0x52: {  	_ =	shalt  }
0x53: {  	_ =	shalt  }
0x54: {  	_ =	shalt  }
0x55: {  	_ =	shalt  }
0x56: {  	_ =	shalt  }
0x57: {  	_ =	shalt  }
0x58: {  	_ =	shalt  }
0x59: {  	_ =	shalt  }
0x5a: {  	_ =	shalt  }
0x5b: {  	_ =	shalt  }
0x5c: {  	_ =	shalt  }
0x5d: {  	_ =	shalt  }
0x5e: {  	_ =	shalt  }
0x5f: {  	_ =	shalt  }
0x60: {  	_ =	shalt  }
0x61: {  	_ =	shalt  }
0x62: {  	_ =	shalt  }
0x63: {  	_ =	shalt  }
0x64: {  	_ =	shalt  }
0x65: {  	_ =	shalt  }
0x66: {  	_ =	shalt  }
0x67: {  	_ =	shalt  }
0x68: {  	_ =	shalt  }
0x69: {  	_ =	shalt  }
0x6a: {  	_ =	shalt  }
0x6b: {  	_ =	shalt  }
0x6c: {  	_ =	shalt  }
0x6d: {  	_ =	shalt  }
0x6e: {  	_ =	shalt  }
0x6f: {  	_ =	shalt  }
0x70: {  	_ =	shalt  }
0x71: {  	_ =	shalt  }
0x72: {  	_ =	shalt  }
0x73: {  	_ =	shalt  }
0x74: {  	_ =	shalt  }
0x75: {  	_ =	shalt  }
0x76: {  	_ =	shalt  }
0x77: {  	_ =	shalt  }
0x78: {  	_ =	shalt  }
0x79: {  	_ =	shalt  }
0x7a: {  	_ =	shalt  }
0x7b: {  	_ =	shalt  }
0x7c: {  	_ =	shalt  }
0x7d: {  	_ =	shalt  }
0x7e: {  	_ =	shalt  }
0x7f: {  	_ =	shalt  }
0x80: {  	_ =	shalt  }
0x81: {  	_ =	shalt  }
0x82: {  	_ =	shalt  }
0x83: {  	_ =	shalt  }
0x84: {  	_ =	shalt  }
0x85: {  	_ =	shalt  }
0x86: {  	_ =	shalt  }
0x87: {  	_ =	shalt  }
.Lfunc_end0:
.L_simem_size_0:
called_computation_lowered:
.L_overlay_start_0:
0x88: {  	s2 =	sld [smem:$0x3FD9]  }
0x89: {  	s3 =	sld [smem:$0x3FFE];
	_ =	sdelay $0x1  }
0x8a: {  	s1 =	srdreg.scid  }
0x8b: {  	s0 =	sand.u32 $0x1, s1  }
0x8c: {  	s17 =	sshll.u32 s0, $0xA;
	s2 =	sadd.s32 s3, s2  }
0x8d: {  	s2 =	sadd.s32 s2, s17  }
0x8e: {  	[smem:$0x3F96] =	sst s2  }
0x8f: {  	_ = 	snop  }
0x90: {  	s2 =	sld [smem:$0x3FC9];
	(tm) =	ssettm $0x1  }
0x91: {  	s18 =	sld [smem:$0x3FFB];
	_ =	sdelay $0x3  }
0x92: {  	_ =	strace s18  }
0x93: {  	s3 =	sld [smem:$0x3FFC];
	_ =	sdelay $0x3  }
0x94: {  	_ =	strace s3  }
0x95: {  	s3 =	sld [smem:$0x3FFD];
	_ =	sdelay $0x3  }
0x96: {  	_ =	strace s3  }
0x97: {  	_ =	strace $0x8FFFFFFF  }
0x98: {  	s19 =	sld [smem:$0x3FDB];
	_ =	sdelay $0x1  }
0x99: {  	s4 =	simm.s32 $_scs_section_size  }
0x9a: {  	s5 =	simm.s32 $_size__tile_overlayer_lowered;
	s6 =	simm.s32 $_tile_overlayer_lowered  }
0x9b: {  	s22 =	simm.s32 $0x1BFF;
	s21 =	sshll.u32 s6, $0x1;
	s3 =	sadd.s32 s4, s19  }
0x9c: {  	s7 =	simm.s32 $0x0;
	s20 =	sshll.u32 s5, $0x1;
	s5 =	sadd.s32 s21, s3  }
0x9d: {  	[timem:s7], [sflag:s22] =	dma.local [hbm:s5], s20  }
0x9e: {  	_ =	swait.ge [sflag:s22], s20  }
0x9f: {  	s4 =	ssub.s32 $0x0, s20;
	[sflag:s22] =	ssyncset.done $0x0  }
0xa0: {  	[sflag:s22] =	ssyncadd.s32 s4;
	_ =	sdelay $0x1  }
0xa1: {  	s23 =	simm.s32 $0x1B8B  }
0xa2: {  	_ =	swait.ge [sflag:s23], $0x1  }
0xa3: {  	[sflag:s23] =	ssyncset.done $0x0  }
0xa4: {  	s25 =	simm.s32 $0x1B8E;
	s24 =	sld [smem:$0x3FFE];
	[sflag:s23] =	ssyncadd.s32 $0xFFFFFFFF  }
0xa5: {  	s26 =	simm.s32 $execute0_lowered;
	[smem:$0x3FD2] =	sst s25  }
0xa6: {  	s5 =	sshll.u32 s26, $0x1;
	_ =	strace $0x80000046;
	[dreg:$0x1] =	wrdreg $0xFFFFFFFF  }
0xa7: {  	s28 =	simm.s32 $_size_execute0_lowered;
	s3 =	sadd.s32 s3, s5;
	[dreg:$0x0] =	wrdreg $0x0  }
0xa8: {  	s5 =	sshll.u32 s28, $0x1;
	[dreg:$0x2] =	wrdreg s3  }
0xa9: {  	[dreg:$0x3] =	wrdreg s5  }
0xaa: {  	[dreg:$0x4] =	wrdreg $0xC0  }
0xab: {  	_ =	task [dreg:s7], $0x5FFFF  }
0xac: {  	[dreg:$0x1] =	wrdreg $0xFFFFFFFF  }
0xad: {  	[dreg:$0x0] =	wrdreg $0x60  }
0xae: {  	[dreg:$0x2] =	wrdreg s2  }
0xaf: {  	[dreg:$0x3] =	wrdreg s24  }
0xb0: {  	[dreg:$0x4] =	wrdreg $0x88000  }
0xb1: {  	[dreg:$0x5] =	wrdreg $0x9  }
0xb2: {  	_ =	task.clear_ibuf [dreg:s7], $0x6FFFF;
	_ =	strace $0x90000046  }
0xb3: {  	s29 =	simm.s32 $0x9;
	_ =	strace $0x80000048  }
0xb4: {  	_ =	swait.ge [sflag:s29], $0x1  }
0xb5: {  	[sflag:s29] =	ssyncadd.s32 $0xFFFFFFFF  }
0xb6: {  	_ =	strace $0x90000048  }
0xb7: {  	_ =	sfence  }
0xb8: {  	s30 =	sld [smem:$0x0];
	_ =	sdelay $0x2  }
0xb9: {  	s31 =	sshll.u32 s1, $0xD;
	s1 =	sshrl.u32 s1, $0x2  }
0xba: {  	s3 =	sand.u32 $0x4000, s31;
	s1 =	sadd.s32 s1, s30  }
0xbb: {  	s0 =	sor.u32 s3, s0;
	s1 =	sshll.u32 s1, $0x11  }
0xbc: {  	s0 =	sor.u32 s1, s0  }
0xbd: {  	s0 =	sadd.s32 $0x8F2B, s0  }
0xbe: {  	[sflag:s0] =	ssyncadd.remote.s32 $0x1  }
0xbf: {  	_ =	sfence.sel $0xFFFF  }
0xc0: {  	[dreg:$0x0] =	wrdreg $0xFFFFFFFF;
	(pc) =	sbr.abs _section_cstart, $3  }
0xc1: {  	[dreg:$0x1] =	wrdreg $0xFFFFFFFF  }
0xc2: {  	_ =	task.clear_ibuf [dreg:s7], $0x2FFFF;
	_ =	strace $0x9FFFFFFF  }
0xc3: {  	(tm) =	ssettm $0x7FFFFFFF  }
tec
execute0_lowered:
.L_overlay_start_1:
0x0: {  	(tag) =	ssettag $0x1  }
0x1: {  	s1 =	rddreg [dreg:$0x0]  }
0x2: {  	s0 =	rddreg [dreg:$0x1];
	s11 =	stileid.u32  }
0x3: {  	s2 =	srdreg.scid;
	s3 =	rddreg [dreg:$0x2]  }
0x4: {  	s4 =	simm.s32 $0x0;
	s13 =	simm.s32 $0x5;
	s14 =	simm.s32 $0x400  }
0x5: {  	s15 =	simm.s32 $0x80;
	s16 =	simm.s32 $0x800;
	s17 =	simm.s32 $0x4800  }
0x6: {  	s18 =	simm.s32 $0x1;
	s19 =	simm.s32 $0x200;
	s20 =	simm.s32 $0x100  }
0x7: {  	s28 =	simm.s32 $0x480;
	s29 =	simm.s32 $0x600;
	s30 =	simm.s32 $0x500  }
0x8: {  	s31 =	simm.s32 $0x680;
	s5 =	smul.u32 $0x14000, s11;
	s2 =	sand.u32 $0x1, s2  }
0x9: {  	[smem:$0x7FF] =	sst s4;
	s21 =	sadd.s32 $0x5200, s0;
	s10 =	smul.u32 $0x50000, s11  }
0xa: {  	s9 =	sshll.u32 s11, $0x1;
	s24 =	smul.u32 $0x1400, s11;
	s25 =	sshll.u32 s11, $0x6  }
0xb: {  	s6 =	smul.u32 $0x140000, s2;
	_ =	strace $0x80000047;
	s8 =	ssub.s32 $0x2, s2  }
0xc: {  	s9 =	sor.u32 s2, s9;
	s2 =	smul.u32 $0xA00, s2;
	s7 =	sshrl.u32 s5, $0x3  }
0xd: {  	s22 =	sshrl.u32 s8, $0x1;
	s23 =	sshrl.u32 s10, $0x2;
	s9 =	smul.u32 $0xA00, s9  }
0xe: {  	s5 =	sadd.s32 s5, s6;
	s7 =	sadd.s32 s7, s0;
	s6 =	sadd.s32 s24, s21  }
0xf: {  	s24 =	simm.s32 $0x300;
	s5 =	sshrl.u32 s5, $0x3;
	s7 =	sadd.s32 $0x19200, s7  }
0x10: {  	s9 =	sadd.s32 s21, s9;
	s11 =	sadd.s32 s2, s6;
	s21 =	simm.s32 $0x2  }
0x11: {  	s2 =	simm.s32 $0x580;
	s0 =	sadd.s32 s5, s0;
	s5 =	ssub.s32 s8, s22  }
0x12: {  	s8 =	sadd.s32 s23, s3;
	[dreg:$0x4] =	wrdreg s7;
	s7 =	sor.u32 $0x1C05, s25  }
0x13: {  	[dreg:$0x5] =	wrdreg s9;
	s9 =	sadd.s32 $0x80, s9;
	s22 =	simm.s32 $0x280  }
.Ltmp0:
0x14: {  	s23 =	simm.s32 $0x180;
	s25 =	simm.s32 $0x4;
	(pc) =	sbr.rel .LBB2_1-.Ltmp0, $4  }
0x15: {  	[dreg:$0x6] =	wrdreg s9;
	s0 =	sadd.s32 $0x41200, s0;
	s26 =	smax.u32 s5, $0x1  }
0x16: {  	s10 =	sshrl.u32 s8, $0x3;
	s5 =	simm.s32 $0x780;
	[dreg:$0x7] =	wrdreg s0  }
0x17: {  	s8 =	simm.s32 $0x3;
	s9 =	simm.s32 $0x0;
	[dreg:$0x8] =	wrdreg s26  }
0x18: {  	s26 =	simm.s32 $0x380;
	s0 =	simm.s32 $0x700;
	[dreg:$0x9] =	wrdreg s10  }
.LBB2_3:
0x19: {  	_ =	swait.ge [sflag:s21], $0x4000  }
0x1a: {  	[sflag:s21] =	ssyncset.done $0x0  }
0x1b: {  	[sflag:s21] =	ssyncadd.s32 $0xFFFFC000  }
0x1c: {  	[spmem:s3] =	stream.indirect.scatter.add.f32 [tilespmem:s17], [sflag:$0x5], $0x80, s5, s15, $0xb8;
	[tilespmem:$0x1C800] =	vst v63  }
0x1d: {  	_ =	swait.ge [sflag:s13], $0x4000  }
0x1e: {  	[sflag:s13] =	ssyncset.done $0x0  }
0x1f: {  	[sflag:s13] =	ssyncadd.s32 $0xFFFFC000  }
.LBB2_5:
0x20: {  	[bflag:$0x0] =	sbarrier.arrive $0xFFFF  }
0x21: {  	s6 =	rddreg [dreg:$0x7]  }
0x22: {  	s10 =	rddreg [dreg:$0x9]  }
0x23: {  	[hbm:s6], [sflag:s12] =	dma.local [spmem:s10], $0x2800  }
0x24: {  	_ =	swait.ge [sflag:s13], $0x2800  }
0x25: {  	s7 =	smov.u32 s12;
	s9 =	sadd.s32 $0x1, s9;
	s12 =	rddreg [dreg:$0x8]  }
0x26: {  	p0 =	sne.s32 s9, s12  }
.Ltmp1:
0x27: {  	_ = 	snop;
	(pc) =	sbr.rel @!p0 .LBB2_6-.Ltmp1, $3  }
0x28: {  	_ =	sdelay $0x1  }
0x29: {  	[sflag:s13] =	ssyncset.done $0x0  }
0x2a: {  	[sflag:s13] =	ssyncadd.s32 $0xFFFFD800  }
.LBB2_1:
0x2b: {  	s6 =	rddreg [dreg:$0x4]  }
0x2c: {  	[spmem:s10], [sflag:s7] =	dma.local [hbm:s6], $0x2800  }
0x2d: {  	_ =	swait.ge [sflag:s13], $0x2800  }
0x2e: {  	[sflag:s13] =	ssyncset.done $0x0  }
0x2f: {  	[sflag:s13] =	ssyncadd.s32 $0xFFFFD800  }
0x30: {  	[bflag:$0x0] =	sbarrier.arrive $0xFFFF  }
0x31: {  	s12 =	smov.u32 s7;
	s7 =	rddreg [dreg:$0x5]  }
0x32: {  	[tilespmem:s4], [sflag:$0x5] =	stream.linear.gather [hbm4b:s7+s4], $0x400, $0x38;
	[tilespmem:$0x1C800] =	vst v63  }
0x33: {  	_ =	swait.ge [sflag:s13], $0x400  }
0x34: {  	[sflag:s13] =	ssyncset.done $0x0  }
0x35: {  	s10 =	rddreg [dreg:$0x6];
	[sflag:s13] =	ssyncadd.s32 $0xFFFFFC00  }
0x36: {  	[tilespmem:s14], [sflag:$0x4] =	stream.linear.gather [hbm4b:s10+s4], $0x400, $0x38;
	[tilespmem:$0x1C800] =	vst v63  }
0x37: {  	_ = 	snop  }
0x38: {  	[tilespmem:s16], [sflag:$0x1] =	stream.indirect.gather [hbm4b:s1+s15], $0x80, s4, s15, $0xb8;
	[tilespmem:$0x1C800] =	vst v63  }
0x39: {  	s6 =	simm.s32 $0xFFFFF600  }
0x3a: {  	[tilespmem:s17], [sflag:$0x2] =	stream.indirect.gather [hbm4b:s1+s15], $0x80, s15, s15, $0xb8;
	[tilespmem:$0x1C800] =	vst v63  }
.LBB2_2:
0x3b: {  	_ =	swait.ge [sflag:s18], $0x4000  }
0x3c: {  	[sflag:s18] =	ssyncset.done $0x0  }
0x3d: {  	[sflag:s18] =	ssyncadd.s32 $0xFFFFC000  }
0x3e: {  	[spmem:s3] =	stream.indirect.scatter.add.f32 [tilespmem:s16], [sflag:$0x5], $0x80, s19, s15, $0xb8;
	[tilespmem:$0x1C800] =	vst v63  }
0x3f: {  	_ =	swait.ge [sflag:s13], $0x4000  }
0x40: {  	[sflag:s13] =	ssyncset.done $0x0  }
0x41: {  	[sflag:s13] =	ssyncadd.s32 $0xFFFFC000  }
0x42: {  	[tilespmem:s16], [sflag:$0x1] =	stream.indirect.gather [hbm4b:s1+s15], $0x80, s20, s15, $0xb8;
	[tilespmem:$0x1C800] =	vst v63  }
0x43: {  	_ =	swait.ge [sflag:s21], $0x4000  }
0x44: {  	[sflag:s21] =	ssyncset.done $0x0  }
0x45: {  	[sflag:s21] =	ssyncadd.s32 $0xFFFFC000  }
0x46: {  	[spmem:s3] =	stream.indirect.scatter.add.f32 [tilespmem:s17], [sflag:$0x5], $0x80, s22, s15, $0xb8;
	[tilespmem:$0x1C800] =	vst v63  }
0x47: {  	_ =	swait.ge [sflag:s13], $0x4000  }
0x48: {  	[sflag:s13] =	ssyncset.done $0x0  }
0x49: {  	[sflag:s13] =	ssyncadd.s32 $0xFFFFC000  }
0x4a: {  	[tilespmem:s17], [sflag:$0x2] =	stream.indirect.gather [hbm4b:s1+s15], $0x80, s23, s15, $0xb8;
	[tilespmem:$0x1C800] =	vst v63  }
0x4b: {  	_ =	swait.ge [sflag:s18], $0x4000  }
0x4c: {  	[sflag:s18] =	ssyncset.done $0x0  }
0x4d: {  	[sflag:s18] =	ssyncadd.s32 $0xFFFFC000  }
0x4e: {  	[spmem:s3] =	stream.indirect.scatter.add.f32 [tilespmem:s16], [sflag:$0x5], $0x80, s24, s15, $0xb8;
	[tilespmem:$0x1C800] =	vst v63  }
0x4f: {  	_ =	swait.ge [sflag:s13], $0x4000  }
0x50: {  	[sflag:s13] =	ssyncset.done $0x0  }
0x51: {  	[sflag:s13] =	ssyncadd.s32 $0xFFFFC000  }
0x52: {  	_ =	swait.ge [sflag:s25], $0x400  }
0x53: {  	[sflag:s25] =	ssyncset.done $0x0  }
0x54: {  	[sflag:s25] =	ssyncadd.s32 $0xFFFFFC00  }
0x55: {  	[tilespmem:s16], [sflag:$0x1] =	stream.indirect.gather [hbm4b:s1+s15], $0x80, s14, s15, $0xb8;
	[tilespmem:$0x1C800] =	vst v63  }
0x56: {  	_ =	swait.ge [sflag:s21], $0x4000  }
0x57: {  	[sflag:s21] =	ssyncset.done $0x0  }
0x58: {  	[sflag:s21] =	ssyncadd.s32 $0xFFFFC000  }
0x59: {  	[spmem:s3] =	stream.indirect.scatter.add.f32 [tilespmem:s17], [sflag:$0x5], $0x80, s26, s15, $0xb8;
	[tilespmem:$0x1C800] =	vst v63  }
0x5a: {  	_ =	swait.ge [sflag:s13], $0x4000  }
0x5b: {  	p0 =	seq.s32 s6, $0xFFFFFF00;
	[sflag:s13] =	ssyncset.done $0x0  }
0x5c: {  	s10 =	sadd.s32 @!p0 s6, s11;
	[sflag:s13] =	ssyncadd.s32 $0xFFFFC000  }
0x5d: {  	[tilespmem:s17], [sflag:$0x2] =	stream.indirect.gather [hbm4b:s1+s15], $0x80, s28, s15, $0xb8;
	[tilespmem:$0x1C800] =	vst v63  }
0x5e: {  	s7 =	simm.s32 @!p0 $0x0;
	s10 =	sadd.s32 @!p0 $0xB00, s10  }
0x5f: {  	[tilespmem:s7], [sflag:$0x3] =	stream.linear.gather @!p0 [hbm4b:s10+s7], $0x400, $0x38;
	[tilespmem:$0x1C800] =	vst v63  }
0x60: {  	_ =	swait.ge [sflag:s18], $0x4000  }
0x61: {  	[sflag:s18] =	ssyncset.done $0x0  }
0x62: {  	[sflag:s18] =	ssyncadd.s32 $0xFFFFC000  }
0x63: {  	[spmem:s3] =	stream.indirect.scatter.add.f32 [tilespmem:s16], [sflag:$0x5], $0x80, s29, s15, $0xb8;
	[tilespmem:$0x1C800] =	vst v63  }
0x64: {  	_ =	swait.ge [sflag:s13], $0x4000  }
0x65: {  	[sflag:s13] =	ssyncset.done $0x0  }
0x66: {  	[sflag:s13] =	ssyncadd.s32 $0xFFFFC000  }
0x67: {  	[tilespmem:s16], [sflag:$0x1] =	stream.indirect.gather [hbm4b:s1+s15], $0x80, s30, s15, $0xb8;
	[tilespmem:$0x1C800] =	vst v63  }
0x68: {  	_ =	swait.ge [sflag:s21], $0x4000  }
0x69: {  	[sflag:s21] =	ssyncset.done $0x0  }
0x6a: {  	[sflag:s21] =	ssyncadd.s32 $0xFFFFC000  }
0x6b: {  	[spmem:s3] =	stream.indirect.scatter.add.f32 [tilespmem:s17], [sflag:$0x5], $0x80, s31, s15, $0xb8;
	[tilespmem:$0x1C800] =	vst v63  }
0x6c: {  	_ =	swait.ge [sflag:s13], $0x4000  }
0x6d: {  	[sflag:s13] =	ssyncset.done $0x0  }
0x6e: {  	[sflag:s13] =	ssyncadd.s32 $0xFFFFC000  }
0x6f: {  	[tilespmem:s17], [sflag:$0x2] =	stream.indirect.gather [hbm4b:s1+s15], $0x80, s2, s15, $0xb8;
	[tilespmem:$0x1C800] =	vst v63  }
0x70: {  	_ =	swait.ge [sflag:s18], $0x4000  }
0x71: {  	p0 =	sne.s32 s6, $0xFFFFFF00;
	[sflag:s18] =	ssyncset.done $0x0  }
.Ltmp2:
0x72: {  	[sflag:s18] =	ssyncadd.s32 $0xFFFFC000;
	(pc) =	sbr.rel @!p0 .LBB2_3-.Ltmp2, $4  }
0x73: {  	[spmem:s3] =	stream.indirect.scatter.add.f32 [tilespmem:s16], [sflag:$0x5], $0x80, s0, s15, $0xb8;
	[tilespmem:$0x1C800] =	vst v63  }
0x74: {  	_ =	swait.ge [sflag:s13], $0x4000  }
0x75: {  	[sflag:s13] =	ssyncset.done $0x0  }
0x76: {  	[sflag:s13] =	ssyncadd.s32 $0xFFFFC000  }
0x77: {  	_ =	swait.ge [sflag:s8], $0x400  }
0x78: {  	[sflag:s8] =	ssyncset.done $0x0  }
0x79: {  	[sflag:s8] =	ssyncadd.s32 $0xFFFFFC00  }
0x7a: {  	[tilespmem:s16], [sflag:$0x1] =	stream.indirect.gather [hbm4b:s1+s15], $0x80, s4, s15, $0xb8;
	[tilespmem:$0x1C800] =	vst v63  }
0x7b: {  	_ =	swait.ge [sflag:s21], $0x4000  }
0x7c: {  	[sflag:s21] =	ssyncset.done $0x0  }
0x7d: {  	s7 =	sadd.s32 s6, s11;
	s6 =	sadd.s32 $0x100, s6;
	[sflag:s21] =	ssyncadd.s32 $0xFFFFC000  }
0x7e: {  	[spmem:s3] =	stream.indirect.scatter.add.f32 [tilespmem:s17], [sflag:$0x5], $0x80, s5, s15, $0xb8;
	[tilespmem:$0x1C800] =	vst v63  }
0x7f: {  	p0 =	sne.s32 s6, $0x0;
	_ =	swait.ge [sflag:s13], $0x4000  }
.Ltmp3:
0x80: {  	[sflag:s13] =	ssyncset.done $0x0;
	(pc) =	sbr.rel @p0 .LBB2_2-.Ltmp3, $4  }
.Ltmp4:
0x81: {  	[sflag:s13] =	ssyncadd.s32 $0xFFFFC000;
	(pc) =	sbr.rel @!p0 .LBB2_5-.Ltmp4, $4  }
0x82: {  	[tilespmem:s17], [sflag:$0x2] =	stream.indirect.gather [hbm4b:s1+s15], $0x80, s15, s15, $0xb8;
	[tilespmem:$0x1C800] =	vst v63  }
0x83: {  	s7 =	sadd.s32 $0xB80, s7  }
0x84: {  	[tilespmem:s14], [sflag:$0x4] =	stream.linear.gather [hbm4b:s7+s4], $0x400, $0x38;
	[tilespmem:$0x1C800] =	vst v63  }
0x85: {  	_ = 	snop  }
.LBB2_6:
0x86: {  	_ =	sfence.sel $0x180000  }
0x87: {  	[bflag:$0x0] =	sbarrier.arrive $0xFFFF  }
0x88: {  	_ =	strace $0x90000047  }
0x89: {  	s0 =	stileid.u32;
	[bflag:$0x2] =	sbarrier.arrive $0xFFFF  }
0x8a: {  	p0 =	sne.s32 s0, $0x0;
	s0 =	rddreg [dreg:$0x3]  }
0x8b: {  	s0 =	sadd.s32 @!p0 $0x100000, s0  }
0x8c: {  	[sflag:s0] =	ssyncadd.tile.s32 @!p0 $0x1;
	_ =	shalt  }
.Lfunc_end2:
_tile_overlayer_lowered:
.L_overlay_start_2:
0x8d: {  	(tag) =	ssettag $0x2  }
0x8e: {  	s0 =	rddreg [dreg:$0x0];
	s2 =	stileid.u32  }
0x8f: {  	s1 =	rddreg [dreg:$0x1];
	p0 =	sne.s32 s2, $0x0  }
0x90: {  	s3 =	rddreg [dreg:$0x2];
	[bflag:$0x3] =	sbarrier.arrive $0xFFFF;
	s2 =	simm.s32 @!p0 $0x1C05  }
0x91: {  	[timem:s3], [sflag:s2] =	dma.local @!p0 [hbm:s0], s1  }
0x92: {  	s0 =	simm.s32 @!p0 $0x5  }
0x93: {  	_ =	swait.ge @!p0 [sflag:s0], s1  }
0x94: {  	s1 =	ssub.s32 @!p0 $0x0, s1;
	[sflag:s0] =	ssyncset.done @!p0 $0x0  }
0x95: {  	[sflag:s0] =	ssyncadd.s32 @!p0 s1  }
0x96: {  	[bflag:$0x3] =	sbarrier.arrive $0xFFFF  }
0x97: {  	_ =	shalt  }

// kernel: kernel.19.cloned.1.call-start
scs
__scs_entry_jumppad:
0x0: {  	(pc) =	sbr.rel $0x88, $3  }
0x1: {  	(tag) =	ssettag $0x0;
	lr =	simm.s32 $0x1  }
0x2: {  	[smem:$0x3F6F] =	sst lr;
	_ =	strace $0xD0000000  }
0x3: {  	_ = 	snop  }
0x4: {  	_ = 	snop  }
0x5: {  	_ = 	snop  }
0x6: {  	_ = 	snop  }
0x7: {  	_ = 	snop  }
__scs_overlays_trampoline_lowered:
0x8: {  	[smem:$0x3F7E] =	sst s0  }
0x9: {  	[smem:$0x3F7F] =	sst s1  }
0xa: {  	[smem:$0x3F80] =	sst s2  }
0xb: {  	[smem:$0x3F81] =	sst s3  }
0xc: {  	[smem:$0x3F82] =	sst s4  }
0xd: {  	[smem:$0x3F83] =	sst s5  }
0xe: {  	[smem:$0x3F84] =	sst s6  }
0xf: {  	[smem:$0x3F85] =	sst s7  }
0x10: {  	[smem:$0x3F86] =	sst s8  }
0x11: {  	[smem:$0x3F87] =	sst s9;
	s0 =	simm.s32 @!p0 $0x0  }
0x12: {  	s1 =	sld [smem:$0x3F6D];
	s0 =	simm.s32 @p0 $0x1  }
0x13: {  	[smem:$0x3F88] =	sst s0;
	s0 =	simm.s32 @!p1 $0x0  }
0x14: {  	s2 =	sld [smem:$0x3F6C];
	s0 =	simm.s32 @p1 $0x1  }
0x15: {  	[smem:$0x3F89] =	sst s0;
	s0 =	simm.s32 @!p2 $0x0  }
0x16: {  	s3 =	sld [smem:$0x3FDB];
	s0 =	simm.s32 @p2 $0x1  }
0x17: {  	s4 =	simm.s32 $0x1BF5;
	[smem:$0x3F8B] =	sst s0  }
0x18: {  	s0 =	sld [smem:$0x3F6E];
	_ =	swait.ge [sflag:s4], $0x0  }
0x19: {  	s7 =	sld [smem:$0x3F6F]  }
0x1a: {  	s8 =	sadd.s32 $0xFFFFE003, lr  }
0x1b: {  	s9 =	sadd.s32 $0xFFFFFEF7, lr;
	s5 =	simm.s32 $0xFFFFFFFF;
	p2 =	slt.u32 s8, $0xFFFFF086  }
0x1c: {  	p1 =	slt.u32 s9, $0xF7A;
	s5 =	simm.s32 @!p2 $0x0  }
0x1d: {  	s5 =	simm.s32 @p1 $0x1;
	p0 =	seq.s32 s7, s2  }
0x1e: {  	s7 =	smul.u32 @!p0 $0xF7A, s2;
	p2 =	seq.s32 @!p0 s5, $0x0  }
0x1f: {  	s9 =	smul.u32 $0xF7A, s1;
	s8 =	simm.s32 @!p0 $0x1BF5;
	p2 =	por !p2, p0  }
0x20: {  	[sflag:s8] =	ssyncset.s32 @!p0 $0xFFFFF086;
	s6 =	sadd.s32 @!p0 s3, s7;
	s7 =	simm.s32 @!p0 $0x108  }
0x21: {  	s3 =	sadd.s32 s3, s9;
	s6 =	sadd.s32 @!p0 $0x88, s6;
	s7 =	simm.s32 @p2 $0x1082  }
0x22: {  	[simem:s7], [sflag:s8] =	dma.local @!p0 [hbm:s6], $0xF7A  }
0x23: {  	s9 =	sor.u32 $0xD0000000, s2;
	s6 =	simm.s32 $0x108;
	_ =	swait.ge @!p0 [sflag:s8], $0x0  }
0x24: {  	s3 =	sadd.s32 $0x88, s3;
	s6 =	simm.s32 @!p1 $0x1082;
	[sflag:s4] =	ssyncset.s32 $0xFFFFF086  }
0x25: {  	[simem:s6], [sflag:s4] =	dma.local [hbm:s3], $0xF7A  }
0x26: {  	[smem:$0x3F6F] =	sst s1;
	(tag) =	ssettag s2;
	_ =	strace s9  }
0x27: {  	s1 =	sld [smem:$0x3F7F]  }
0x28: {  	s2 =	sld [smem:$0x3F80]  }
0x29: {  	s4 =	sld [smem:$0x3F82]  }
0x2a: {  	p0 =	seq.s32 s5, $0x0;
	s5 =	sld [smem:$0x3F83]  }
0x2b: {  	s6 =	sld [smem:$0x3F84]  }
0x2c: {  	s7 =	sld [smem:$0x3F85]  }
0x2d: {  	s3 =	simm.s32 $0x108;
	s8 =	sld [smem:$0x3F86]  }
0x2e: {  	s3 =	simm.s32 @!p0 $0x1082;
	s9 =	sld [smem:$0x3F87]  }
0x2f: {  	lr =	sadd.s32 s0, s3;
	s0 =	sld [smem:$0x3F7E]  }
0x30: {  	s3 =	sld [smem:$0x3F81]  }
0x31: {  	[smem:$0x3F8A] =	sst s10  }
0x32: {  	s10 =	sld [smem:$0x3F88];
	_ =	sdelay $0x3  }
0x33: {  	p0 =	seq.s32 s10, $0x1;
	s10 =	sld [smem:$0x3F8A];
	_ =	sdelay $0x3  }
0x34: {  	[smem:$0x3F8A] =	sst s10  }
0x35: {  	s10 =	sld [smem:$0x3F89];
	_ =	sdelay $0x3  }
0x36: {  	p1 =	seq.s32 s10, $0x1;
	s10 =	sld [smem:$0x3F8A];
	_ =	sdelay $0x3  }
0x37: {  	[smem:$0x3F8A] =	sst s10  }
0x38: {  	s10 =	sld [smem:$0x3F8B]  }
0x39: {  	_ = 	snop;
	(pc) =	sbr.ind lr, $3  }
0x3a: {  	_ = 	snop  }
0x3b: {  	_ = 	snop  }
0x3c: {  	p2 =	seq.s32 s10, $0x1;
	s10 =	sld [smem:$0x3F8A]  }
0x3d: {  	_ =	shalt  }
0x3e: {  	_ =	shalt  }
0x3f: {  	_ =	shalt  }
0x40: {  	_ =	shalt  }
0x41: {  	_ =	shalt  }
0x42: {  	_ =	shalt  }
0x43: {  	_ =	shalt  }
0x44: {  	_ =	shalt  }
0x45: {  	_ =	shalt  }
0x46: {  	_ =	shalt  }
0x47: {  	_ =	shalt  }
0x48: {  	_ =	shalt  }
0x49: {  	_ =	shalt  }
0x4a: {  	_ =	shalt  }
0x4b: {  	_ =	shalt  }
0x4c: {  	_ =	shalt  }
0x4d: {  	_ =	shalt  }
0x4e: {  	_ =	shalt  }
0x4f: {  	_ =	shalt  }
0x50: {  	_ =	shalt  }
0x51: {  	_ =	shalt  }
0x52: {  	_ =	shalt  }
0x53: {  	_ =	shalt  }
0x54: {  	_ =	shalt  }
0x55: {  	_ =	shalt  }
0x56: {  	_ =	shalt  }
0x57: {  	_ =	shalt  }
0x58: {  	_ =	shalt  }
0x59: {  	_ =	shalt  }
0x5a: {  	_ =	shalt  }
0x5b: {  	_ =	shalt  }
0x5c: {  	_ =	shalt  }
0x5d: {  	_ =	shalt  }
0x5e: {  	_ =	shalt  }
0x5f: {  	_ =	shalt  }
0x60: {  	_ =	shalt  }
0x61: {  	_ =	shalt  }
0x62: {  	_ =	shalt  }
0x63: {  	_ =	shalt  }
0x64: {  	_ =	shalt  }
0x65: {  	_ =	shalt  }
0x66: {  	_ =	shalt  }
0x67: {  	_ =	shalt  }
0x68: {  	_ =	shalt  }
0x69: {  	_ =	shalt  }
0x6a: {  	_ =	shalt  }
0x6b: {  	_ =	shalt  }
0x6c: {  	_ =	shalt  }
0x6d: {  	_ =	shalt  }
0x6e: {  	_ =	shalt  }
0x6f: {  	_ =	shalt  }
0x70: {  	_ =	shalt  }
0x71: {  	_ =	shalt  }
0x72: {  	_ =	shalt  }
0x73: {  	_ =	shalt  }
0x74: {  	_ =	shalt  }
0x75: {  	_ =	shalt  }
0x76: {  	_ =	shalt  }
0x77: {  	_ =	shalt  }
0x78: {  	_ =	shalt  }
0x79: {  	_ =	shalt  }
0x7a: {  	_ =	shalt  }
0x7b: {  	_ =	shalt  }
0x7c: {  	_ =	shalt  }
0x7d: {  	_ =	shalt  }
0x7e: {  	_ =	shalt  }
0x7f: {  	_ =	shalt  }
0x80: {  	_ =	shalt  }
0x81: {  	_ =	shalt  }
0x82: {  	_ =	shalt  }
0x83: {  	_ =	shalt  }
0x84: {  	_ =	shalt  }
0x85: {  	_ =	shalt  }
0x86: {  	_ =	shalt  }
0x87: {  	_ =	shalt  }
.Lfunc_end0:
.L_simem_size_0:
called_computation.1_lowered:
.L_overlay_start_0:
0x88: {  	s2 =	sld [smem:$0x3FD9]  }
0x89: {  	s3 =	sld [smem:$0x3FFE];
	_ =	sdelay $0x1  }
0x8a: {  	s1 =	srdreg.scid  }
0x8b: {  	s0 =	sand.u32 $0x1, s1  }
0x8c: {  	s16 =	sshll.u32 s0, $0xA;
	s2 =	sadd.s32 s3, s2  }
0x8d: {  	s2 =	sadd.s32 s2, s16  }
0x8e: {  	[smem:$0x3F96] =	sst s2  }
0x8f: {  	_ = 	snop  }
0x90: {  	(tm) =	ssettm $0x1  }
0x91: {  	s17 =	sld [smem:$0x3FFB];
	_ =	sdelay $0x3  }
0x92: {  	_ =	strace s17  }
0x93: {  	s2 =	sld [smem:$0x3FFC];
	_ =	sdelay $0x3  }
0x94: {  	_ =	strace s2  }
0x95: {  	s2 =	sld [smem:$0x3FFD];
	_ =	sdelay $0x3  }
0x96: {  	_ =	strace s2  }
0x97: {  	_ =	strace $0x8FFFFFFF  }
0x98: {  	s18 =	sld [smem:$0x3FDB];
	_ =	sdelay $0x1  }
0x99: {  	s19 =	simm.s32 $_scs_section_size  }
0x9a: {  	s4 =	simm.s32 $_size__tile_overlayer_lowered;
	s5 =	simm.s32 $_tile_overlayer_lowered  }
0x9b: {  	s22 =	simm.s32 $0x1BFF;
	s21 =	sshll.u32 s5, $0x1;
	s2 =	sadd.s32 s19, s18  }
0x9c: {  	s6 =	simm.s32 $0x0;
	s20 =	sshll.u32 s4, $0x1;
	s4 =	sadd.s32 s21, s2  }
0x9d: {  	[timem:s6], [sflag:s22] =	dma.local [hbm:s4], s20  }
0x9e: {  	_ =	swait.ge [sflag:s22], s20  }
0x9f: {  	s3 =	ssub.s32 $0x0, s20;
	[sflag:s22] =	ssyncset.done $0x0  }
0xa0: {  	[sflag:s22] =	ssyncadd.s32 s3;
	_ =	sdelay $0x1  }
0xa1: {  	s23 =	simm.s32 $0x1B8B  }
0xa2: {  	_ =	swait.ge [sflag:s23], $0x1  }
0xa3: {  	[sflag:s23] =	ssyncset.done $0x0  }
0xa4: {  	s25 =	simm.s32 $0x1B8E;
	s24 =	sld [smem:$0x3FFE];
	[sflag:s23] =	ssyncadd.s32 $0xFFFFFFFF  }
0xa5: {  	s26 =	simm.s32 $execute0_lowered;
	[smem:$0x3FD2] =	sst s25  }
0xa6: {  	s4 =	sshll.u32 s26, $0x1;
	_ =	strace $0x80000049;
	[dreg:$0x1] =	wrdreg $0xFFFFFFFF  }
0xa7: {  	s28 =	simm.s32 $_size_execute0_lowered;
	s2 =	sadd.s32 s2, s4;
	[dreg:$0x0] =	wrdreg $0x0  }
0xa8: {  	s4 =	sshll.u32 s28, $0x1;
	[dreg:$0x2] =	wrdreg s2  }
0xa9: {  	[dreg:$0x3] =	wrdreg s4  }
0xaa: {  	[dreg:$0x4] =	wrdreg $0xC0  }
0xab: {  	_ =	task [dreg:s6], $0x5FFFF  }
0xac: {  	[dreg:$0x1] =	wrdreg $0xFFFFFFFF  }
0xad: {  	[dreg:$0x0] =	wrdreg $0x60  }
0xae: {  	[dreg:$0x2] =	wrdreg s24  }
0xaf: {  	[dreg:$0x3] =	wrdreg $0x88000  }
0xb0: {  	[dreg:$0x4] =	wrdreg $0x9  }
0xb1: {  	_ =	task.clear_ibuf [dreg:s6], $0x5FFFF;
	_ =	strace $0x90000049  }
0xb2: {  	s29 =	simm.s32 $0x9;
	_ =	strace $0x8000004B  }
0xb3: {  	_ =	swait.ge [sflag:s29], $0x1  }
0xb4: {  	[sflag:s29] =	ssyncadd.s32 $0xFFFFFFFF  }
0xb5: {  	_ =	strace $0x9000004B  }
0xb6: {  	_ =	sfence  }
0xb7: {  	s30 =	sld [smem:$0x0];
	_ =	sdelay $0x2  }
0xb8: {  	s31 =	sshll.u32 s1, $0xD;
	s1 =	sshrl.u32 s1, $0x2  }
0xb9: {  	s3 =	sand.u32 $0x4000, s31;
	s1 =	sadd.s32 s1, s30  }
0xba: {  	s0 =	sor.u32 s3, s0;
	s1 =	sshll.u32 s1, $0x11  }
0xbb: {  	s0 =	sor.u32 s1, s0  }
0xbc: {  	s0 =	sadd.s32 $0x8F2B, s0  }
0xbd: {  	[sflag:s0] =	ssyncadd.remote.s32 $0x1  }
0xbe: {  	_ =	sfence.sel $0xFFFF  }
0xbf: {  	[dreg:$0x0] =	wrdreg $0xFFFFFFFF;
	(pc) =	sbr.abs _section_cstart, $3  }
0xc0: {  	[dreg:$0x1] =	wrdreg $0xFFFFFFFF  }
0xc1: {  	_ =	task.clear_ibuf [dreg:s6], $0x2FFFF;
	_ =	strace $0x9FFFFFFF  }
0xc2: {  	(tm) =	ssettm $0x7FFFFFFF  }
0xc3: {  	_ =	shalt  }
tec
execute0_lowered:
.L_overlay_start_1:
0x0: {  	(tag) =	ssettag $0x1  }
0x1: {  	s0 =	rddreg [dreg:$0x0]  }
0x2: {  	s2 =	rddreg [dreg:$0x1]  }
0x3: {  	s11 =	stileid.u32;
	s1 =	srdreg.scid;
	s3 =	simm.s32 $0x0  }
0x4: {  	s13 =	simm.s32 $0x5;
	s14 =	simm.s32 $0x400;
	s15 =	simm.s32 $0x80  }
0x5: {  	s16 =	simm.s32 $0x800;
	s17 =	simm.s32 $0x4800;
	s18 =	simm.s32 $0x1  }
0x6: {  	s19 =	simm.s32 $0x200;
	s20 =	simm.s32 $0x100;
	s28 =	simm.s32 $0x480  }
0x7: {  	s29 =	simm.s32 $0x600;
	s30 =	simm.s32 $0x500;
	s31 =	simm.s32 $0x680  }
0x8: {  	s5 =	smul.u32 $0x14000, s11;
	s1 =	sand.u32 $0x1, s1;
	[smem:$0x7FF] =	sst s3  }
0x9: {  	s4 =	sadd.s32 $0x41200, s0;
	s21 =	sadd.s32 $0x5200, s0;
	s10 =	smul.u32 $0x50000, s11  }
0xa: {  	s9 =	sshll.u32 s11, $0x1;
	s24 =	smul.u32 $0x1400, s11;
	s25 =	sshll.u32 s11, $0x6  }
0xb: {  	s6 =	smul.u32 $0x140000, s1;
	_ =	strace $0x8000004A;
	s8 =	ssub.s32 $0x2, s1  }
0xc: {  	s9 =	sor.u32 s1, s9;
	s1 =	smul.u32 $0xA00, s1;
	s7 =	sshrl.u32 s5, $0x3  }
0xd: {  	s22 =	sshrl.u32 s8, $0x1;
	s23 =	sshrl.u32 s10, $0x2;
	s9 =	smul.u32 $0xA00, s9  }
0xe: {  	s5 =	sadd.s32 s5, s6;
	s7 =	sadd.s32 s7, s0;
	s6 =	sadd.s32 s24, s21  }
0xf: {  	s24 =	simm.s32 $0x300;
	s5 =	sshrl.u32 s5, $0x3;
	s7 =	sadd.s32 $0x19200, s7  }
0x10: {  	s9 =	sadd.s32 s21, s9;
	s11 =	sadd.s32 s1, s6;
	s21 =	simm.s32 $0x2  }
0x11: {  	s1 =	simm.s32 $0x700;
	s0 =	sadd.s32 s5, s0;
	s5 =	ssub.s32 s8, s22  }
0x12: {  	s8 =	sadd.s32 s23, s2;
	[dreg:$0x3] =	wrdreg s7;
	s7 =	sor.u32 $0x1C05, s25  }
0x13: {  	[dreg:$0x4] =	wrdreg s9;
	s9 =	sadd.s32 $0x80, s9;
	s22 =	simm.s32 $0x280  }
.Ltmp0:
0x14: {  	s23 =	simm.s32 $0x180;
	s25 =	simm.s32 $0x4;
	(pc) =	sbr.rel .LBB2_1-.Ltmp0, $4  }
0x15: {  	[dreg:$0x5] =	wrdreg s9;
	s0 =	sadd.s32 $0x92800, s0;
	s26 =	smax.u32 s5, $0x1  }
0x16: {  	s10 =	sshrl.u32 s8, $0x3;
	s5 =	simm.s32 $0x780;
	[dreg:$0x6] =	wrdreg s0  }
0x17: {  	s8 =	simm.s32 $0x3;
	s9 =	simm.s32 $0x0;
	[dreg:$0x7] =	wrdreg s26  }
0x18: {  	s26 =	simm.s32 $0x380;
	s0 =	simm.s32 $0x580;
	[dreg:$0x8] =	wrdreg s10  }
.LBB2_3:
0x19: {  	_ =	swait.ge [sflag:s21], $0x4000  }
0x1a: {  	[sflag:s21] =	ssyncset.done $0x0  }
0x1b: {  	[sflag:s21] =	ssyncadd.s32 $0xFFFFC000  }
0x1c: {  	[spmem:s2] =	stream.indirect.scatter.add.f32 [tilespmem:s17], [sflag:$0x5], $0x80, s5, s15, $0xb8;
	[tilespmem:$0x1C800] =	vst v63  }
0x1d: {  	_ =	swait.ge [sflag:s13], $0x4000  }
0x1e: {  	[sflag:s13] =	ssyncset.done $0x0  }
0x1f: {  	[sflag:s13] =	ssyncadd.s32 $0xFFFFC000  }
.LBB2_5:
0x20: {  	[bflag:$0x0] =	sbarrier.arrive $0xFFFF  }
0x21: {  	s6 =	rddreg [dreg:$0x6]  }
0x22: {  	s10 =	rddreg [dreg:$0x8]  }
0x23: {  	[hbm:s6], [sflag:s12] =	dma.local [spmem:s10], $0x2800  }
0x24: {  	_ =	swait.ge [sflag:s13], $0x2800  }
0x25: {  	s7 =	smov.u32 s12;
	s9 =	sadd.s32 $0x1, s9;
	s12 =	rddreg [dreg:$0x7]  }
0x26: {  	p0 =	sne.s32 s9, s12  }
.Ltmp1:
0x27: {  	_ = 	snop;
	(pc) =	sbr.rel @!p0 .LBB2_6-.Ltmp1, $3  }
0x28: {  	_ =	sdelay $0x1  }
0x29: {  	[sflag:s13] =	ssyncset.done $0x0  }
0x2a: {  	[sflag:s13] =	ssyncadd.s32 $0xFFFFD800  }
.LBB2_1:
0x2b: {  	s6 =	rddreg [dreg:$0x3]  }
0x2c: {  	[spmem:s10], [sflag:s7] =	dma.local [hbm:s6], $0x2800  }
0x2d: {  	_ =	swait.ge [sflag:s13], $0x2800  }
0x2e: {  	[sflag:s13] =	ssyncset.done $0x0  }
0x2f: {  	[sflag:s13] =	ssyncadd.s32 $0xFFFFD800  }
0x30: {  	[bflag:$0x0] =	sbarrier.arrive $0xFFFF  }
0x31: {  	s12 =	smov.u32 s7;
	s7 =	rddreg [dreg:$0x4]  }
0x32: {  	[tilespmem:s3], [sflag:$0x5] =	stream.linear.gather [hbm4b:s7+s3], $0x400, $0x38;
	[tilespmem:$0x1C800] =	vst v63  }
0x33: {  	_ =	swait.ge [sflag:s13], $0x400  }
0x34: {  	[sflag:s13] =	ssyncset.done $0x0  }
0x35: {  	s10 =	rddreg [dreg:$0x5];
	[sflag:s13] =	ssyncadd.s32 $0xFFFFFC00  }
0x36: {  	[tilespmem:s14], [sflag:$0x4] =	stream.linear.gather [hbm4b:s10+s3], $0x400, $0x38;
	[tilespmem:$0x1C800] =	vst v63  }
0x37: {  	_ = 	snop  }
0x38: {  	[tilespmem:s16], [sflag:$0x1] =	stream.indirect.gather [hbm4b:s4+s15], $0x80, s3, s15, $0xb8;
	[tilespmem:$0x1C800] =	vst v63  }
0x39: {  	s6 =	simm.s32 $0xFFFFF600  }
0x3a: {  	[tilespmem:s17], [sflag:$0x2] =	stream.indirect.gather [hbm4b:s4+s15], $0x80, s15, s15, $0xb8;
	[tilespmem:$0x1C800] =	vst v63  }
.LBB2_2:
0x3b: {  	_ =	swait.ge [sflag:s18], $0x4000  }
0x3c: {  	[sflag:s18] =	ssyncset.done $0x0  }
0x3d: {  	[sflag:s18] =	ssyncadd.s32 $0xFFFFC000  }
0x3e: {  	[spmem:s2] =	stream.indirect.scatter.add.f32 [tilespmem:s16], [sflag:$0x5], $0x80, s19, s15, $0xb8;
	[tilespmem:$0x1C800] =	vst v63  }
0x3f: {  	_ =	swait.ge [sflag:s13], $0x4000  }
0x40: {  	[sflag:s13] =	ssyncset.done $0x0  }
0x41: {  	[sflag:s13] =	ssyncadd.s32 $0xFFFFC000  }
0x42: {  	[tilespmem:s16], [sflag:$0x1] =	stream.indirect.gather [hbm4b:s4+s15], $0x80, s20, s15, $0xb8;
	[tilespmem:$0x1C800] =	vst v63  }
0x43: {  	_ =	swait.ge [sflag:s21], $0x4000  }
0x44: {  	[sflag:s21] =	ssyncset.done $0x0  }
0x45: {  	[sflag:s21] =	ssyncadd.s32 $0xFFFFC000  }
0x46: {  	[spmem:s2] =	stream.indirect.scatter.add.f32 [tilespmem:s17], [sflag:$0x5], $0x80, s22, s15, $0xb8;
	[tilespmem:$0x1C800] =	vst v63  }
0x47: {  	_ =	swait.ge [sflag:s13], $0x4000  }
0x48: {  	[sflag:s13] =	ssyncset.done $0x0  }
0x49: {  	[sflag:s13] =	ssyncadd.s32 $0xFFFFC000  }
0x4a: {  	[tilespmem:s17], [sflag:$0x2] =	stream.indirect.gather [hbm4b:s4+s15], $0x80, s23, s15, $0xb8;
	[tilespmem:$0x1C800] =	vst v63  }
0x4b: {  	_ =	swait.ge [sflag:s18], $0x4000  }
0x4c: {  	[sflag:s18] =	ssyncset.done $0x0  }
0x4d: {  	[sflag:s18] =	ssyncadd.s32 $0xFFFFC000  }
0x4e: {  	[spmem:s2] =	stream.indirect.scatter.add.f32 [tilespmem:s16], [sflag:$0x5], $0x80, s24, s15, $0xb8;
	[tilespmem:$0x1C800] =	vst v63  }
0x4f: {  	_ =	swait.ge [sflag:s13], $0x4000  }
0x50: {  	[sflag:s13] =	ssyncset.done $0x0  }
0x51: {  	[sflag:s13] =	ssyncadd.s32 $0xFFFFC000  }
0x52: {  	_ =	swait.ge [sflag:s25], $0x400  }
0x53: {  	[sflag:s25] =	ssyncset.done $0x0  }
0x54: {  	[sflag:s25] =	ssyncadd.s32 $0xFFFFFC00  }
0x55: {  	[tilespmem:s16], [sflag:$0x1] =	stream.indirect.gather [hbm4b:s4+s15], $0x80, s14, s15, $0xb8;
	[tilespmem:$0x1C800] =	vst v63  }
0x56: {  	_ =	swait.ge [sflag:s21], $0x4000  }
0x57: {  	[sflag:s21] =	ssyncset.done $0x0  }
0x58: {  	[sflag:s21] =	ssyncadd.s32 $0xFFFFC000  }
0x59: {  	[spmem:s2] =	stream.indirect.scatter.add.f32 [tilespmem:s17], [sflag:$0x5], $0x80, s26, s15, $0xb8;
	[tilespmem:$0x1C800] =	vst v63  }
0x5a: {  	_ =	swait.ge [sflag:s13], $0x4000  }
0x5b: {  	p0 =	seq.s32 s6, $0xFFFFFF00;
	[sflag:s13] =	ssyncset.done $0x0  }
0x5c: {  	s10 =	sadd.s32 @!p0 s6, s11;
	[sflag:s13] =	ssyncadd.s32 $0xFFFFC000  }
0x5d: {  	[tilespmem:s17], [sflag:$0x2] =	stream.indirect.gather [hbm4b:s4+s15], $0x80, s28, s15, $0xb8;
	[tilespmem:$0x1C800] =	vst v63  }
0x5e: {  	s7 =	simm.s32 @!p0 $0x0;
	s10 =	sadd.s32 @!p0 $0xB00, s10  }
0x5f: {  	[tilespmem:s7], [sflag:$0x3] =	stream.linear.gather @!p0 [hbm4b:s10+s7], $0x400, $0x38;
	[tilespmem:$0x1C800] =	vst v63  }
0x60: {  	_ =	swait.ge [sflag:s18], $0x4000  }
0x61: {  	[sflag:s18] =	ssyncset.done $0x0  }
0x62: {  	[sflag:s18] =	ssyncadd.s32 $0xFFFFC000  }
0x63: {  	[spmem:s2] =	stream.indirect.scatter.add.f32 [tilespmem:s16], [sflag:$0x5], $0x80, s29, s15, $0xb8;
	[tilespmem:$0x1C800] =	vst v63  }
0x64: {  	_ =	swait.ge [sflag:s13], $0x4000  }
0x65: {  	[sflag:s13] =	ssyncset.done $0x0  }
0x66: {  	[sflag:s13] =	ssyncadd.s32 $0xFFFFC000  }
0x67: {  	[tilespmem:s16], [sflag:$0x1] =	stream.indirect.gather [hbm4b:s4+s15], $0x80, s30, s15, $0xb8;
	[tilespmem:$0x1C800] =	vst v63  }
0x68: {  	_ =	swait.ge [sflag:s21], $0x4000  }
0x69: {  	[sflag:s21] =	ssyncset.done $0x0  }
0x6a: {  	[sflag:s21] =	ssyncadd.s32 $0xFFFFC000  }
0x6b: {  	[spmem:s2] =	stream.indirect.scatter.add.f32 [tilespmem:s17], [sflag:$0x5], $0x80, s31, s15, $0xb8;
	[tilespmem:$0x1C800] =	vst v63  }
0x6c: {  	_ =	swait.ge [sflag:s13], $0x4000  }
0x6d: {  	[sflag:s13] =	ssyncset.done $0x0  }
0x6e: {  	[sflag:s13] =	ssyncadd.s32 $0xFFFFC000  }
0x6f: {  	[tilespmem:s17], [sflag:$0x2] =	stream.indirect.gather [hbm4b:s4+s15], $0x80, s0, s15, $0xb8;
	[tilespmem:$0x1C800] =	vst v63  }
0x70: {  	_ =	swait.ge [sflag:s18], $0x4000  }
0x71: {  	p0 =	sne.s32 s6, $0xFFFFFF00;
	[sflag:s18] =	ssyncset.done $0x0  }
.Ltmp2:
0x72: {  	[sflag:s18] =	ssyncadd.s32 $0xFFFFC000;
	(pc) =	sbr.rel @!p0 .LBB2_3-.Ltmp2, $4  }
0x73: {  	[spmem:s2] =	stream.indirect.scatter.add.f32 [tilespmem:s16], [sflag:$0x5], $0x80, s1, s15, $0xb8;
	[tilespmem:$0x1C800] =	vst v63  }
0x74: {  	_ =	swait.ge [sflag:s13], $0x4000  }
0x75: {  	[sflag:s13] =	ssyncset.done $0x0  }
0x76: {  	[sflag:s13] =	ssyncadd.s32 $0xFFFFC000  }
0x77: {  	_ =	swait.ge [sflag:s8], $0x400  }
0x78: {  	[sflag:s8] =	ssyncset.done $0x0  }
0x79: {  	[sflag:s8] =	ssyncadd.s32 $0xFFFFFC00  }
0x7a: {  	[tilespmem:s16], [sflag:$0x1] =	stream.indirect.gather [hbm4b:s4+s15], $0x80, s3, s15, $0xb8;
	[tilespmem:$0x1C800] =	vst v63  }
0x7b: {  	_ =	swait.ge [sflag:s21], $0x4000  }
0x7c: {  	[sflag:s21] =	ssyncset.done $0x0  }
0x7d: {  	s7 =	sadd.s32 s6, s11;
	s6 =	sadd.s32 $0x100, s6;
	[sflag:s21] =	ssyncadd.s32 $0xFFFFC000  }
0x7e: {  	[spmem:s2] =	stream.indirect.scatter.add.f32 [tilespmem:s17], [sflag:$0x5], $0x80, s5, s15, $0xb8;
	[tilespmem:$0x1C800] =	vst v63  }
0x7f: {  	p0 =	sne.s32 s6, $0x0;
	_ =	swait.ge [sflag:s13], $0x4000  }
.Ltmp3:
0x80: {  	[sflag:s13] =	ssyncset.done $0x0;
	(pc) =	sbr.rel @p0 .LBB2_2-.Ltmp3, $4  }
.Ltmp4:
0x81: {  	[sflag:s13] =	ssyncadd.s32 $0xFFFFC000;
	(pc) =	sbr.rel @!p0 .LBB2_5-.Ltmp4, $4  }
0x82: {  	[tilespmem:s17], [sflag:$0x2] =	stream.indirect.gather [hbm4b:s4+s15], $0x80, s15, s15, $0xb8;
	[tilespmem:$0x1C800] =	vst v63  }
0x83: {  	s7 =	sadd.s32 $0xB80, s7  }
0x84: {  	[tilespmem:s14], [sflag:$0x4] =	stream.linear.gather [hbm4b:s7+s3], $0x400, $0x38;
	[tilespmem:$0x1C800] =	vst v63  }
0x85: {  	_ = 	snop  }
.LBB2_6:
0x86: {  	_ =	sfence.sel $0x180000  }
0x87: {  	[bflag:$0x0] =	sbarrier.arrive $0xFFFF  }
0x88: {  	_ =	strace $0x9000004A  }
0x89: {  	s0 =	stileid.u32;
	[bflag:$0x2] =	sbarrier.arrive $0xFFFF  }
0x8a: {  	p0 =	sne.s32 s0, $0x0;
	s0 =	rddreg [dreg:$0x2]  }
0x8b: {  	s0 =	sadd.s32 @!p0 $0x100000, s0  }
0x8c: {  	[sflag:s0] =	ssyncadd.tile.s32 @!p0 $0x1;
	_ =	shalt  }
.Lfunc_end2:
_tile_overlayer_lowered:
.L_overlay_start_2:
0x8d: {  	(tag) =	ssettag $0x2  }
0x8e: {  	s0 =	rddreg [dreg:$0x0];
	s2 =	stileid.u32  }
0x8f: {  	s1 =	rddreg [dreg:$0x1];
	p0 =	sne.s32 s2, $0x0  }
0x90: {  	s3 =	rddreg [dreg:$0x2];
	[bflag:$0x3] =	sbarrier.arrive $0xFFFF;
	s2 =	simm.s32 @!p0 $0x1C05  }
0x91: {  	[timem:s3], [sflag:s2] =	dma.local @!p0 [hbm:s0], s1  }
0x92: {  	s0 =	simm.s32 @!p0 $0x5  }
0x93: {  	_ =	swait.ge @!p0 [sflag:s0], s1  }
0x94: {  	s1 =	ssub.s32 @!p0 $0x0, s1;
	[sflag:s0] =	ssyncset.done @!p0 $0x0  }
0x95: {  	[sflag:s0] =	ssyncadd.s32 @!p0 s1  }
0x96: {  	[bflag:$0x3] =	sbarrier.arrive $0xFFFF  }
0x97: {  	_ =	shalt  }

// kernel: kernel.22.cloned.1.call-start
scs
__scs_entry_jumppad:
0x0: {  	(pc) =	sbr.rel $0x88, $3  }
0x1: {  	(tag) =	ssettag $0x0;
	lr =	simm.s32 $0x1  }
0x2: {  	[smem:$0x3F6F] =	sst lr;
	_ =	strace $0xD0000000  }
0x3: {  	_ = 	snop  }
0x4: {  	_ = 	snop  }
0x5: {  	_ = 	snop  }
0x6: {  	_ = 	snop  }
0x7: {  	_ = 	snop  }
__scs_overlays_trampoline_lowered:
0x8: {  	[smem:$0x3F7E] =	sst s0  }
0x9: {  	[smem:$0x3F7F] =	sst s1  }
0xa: {  	[smem:$0x3F80] =	sst s2  }
0xb: {  	[smem:$0x3F81] =	sst s3  }
0xc: {  	[smem:$0x3F82] =	sst s4  }
0xd: {  	[smem:$0x3F83] =	sst s5  }
0xe: {  	[smem:$0x3F84] =	sst s6  }
0xf: {  	[smem:$0x3F85] =	sst s7  }
0x10: {  	[smem:$0x3F86] =	sst s8  }
0x11: {  	[smem:$0x3F87] =	sst s9;
	s0 =	simm.s32 @!p0 $0x0  }
0x12: {  	s1 =	sld [smem:$0x3F6D];
	s0 =	simm.s32 @p0 $0x1  }
0x13: {  	[smem:$0x3F88] =	sst s0;
	s0 =	simm.s32 @!p1 $0x0  }
0x14: {  	s2 =	sld [smem:$0x3F6C];
	s0 =	simm.s32 @p1 $0x1  }
0x15: {  	[smem:$0x3F89] =	sst s0;
	s0 =	simm.s32 @!p2 $0x0  }
0x16: {  	s3 =	sld [smem:$0x3FDB];
	s0 =	simm.s32 @p2 $0x1  }
0x17: {  	s4 =	simm.s32 $0x1BF5;
	[smem:$0x3F8B] =	sst s0  }
0x18: {  	s0 =	sld [smem:$0x3F6E];
	_ =	swait.ge [sflag:s4], $0x0  }
0x19: {  	s7 =	sld [smem:$0x3F6F]  }
0x1a: {  	s8 =	sadd.s32 $0xFFFFE003, lr  }
0x1b: {  	s9 =	sadd.s32 $0xFFFFFEF7, lr;
	s5 =	simm.s32 $0xFFFFFFFF;
	p2 =	slt.u32 s8, $0xFFFFF086  }
0x1c: {  	p1 =	slt.u32 s9, $0xF7A;
	s5 =	simm.s32 @!p2 $0x0  }
0x1d: {  	s5 =	simm.s32 @p1 $0x1;
	p0 =	seq.s32 s7, s2  }
0x1e: {  	s7 =	smul.u32 @!p0 $0xF7A, s2;
	p2 =	seq.s32 @!p0 s5, $0x0  }
0x1f: {  	s9 =	smul.u32 $0xF7A, s1;
	s8 =	simm.s32 @!p0 $0x1BF5;
	p2 =	por !p2, p0  }
0x20: {  	[sflag:s8] =	ssyncset.s32 @!p0 $0xFFFFF086;
	s6 =	sadd.s32 @!p0 s3, s7;
	s7 =	simm.s32 @!p0 $0x108  }
0x21: {  	s3 =	sadd.s32 s3, s9;
	s6 =	sadd.s32 @!p0 $0x88, s6;
	s7 =	simm.s32 @p2 $0x1082  }
0x22: {  	[simem:s7], [sflag:s8] =	dma.local @!p0 [hbm:s6], $0xF7A  }
0x23: {  	s9 =	sor.u32 $0xD0000000, s2;
	s6 =	simm.s32 $0x108;
	_ =	swait.ge @!p0 [sflag:s8], $0x0  }
0x24: {  	s3 =	sadd.s32 $0x88, s3;
	s6 =	simm.s32 @!p1 $0x1082;
	[sflag:s4] =	ssyncset.s32 $0xFFFFF086  }
0x25: {  	[simem:s6], [sflag:s4] =	dma.local [hbm:s3], $0xF7A  }
0x26: {  	[smem:$0x3F6F] =	sst s1;
	(tag) =	ssettag s2;
	_ =	strace s9  }
0x27: {  	s1 =	sld [smem:$0x3F7F]  }
0x28: {  	s2 =	sld [smem:$0x3F80]  }
0x29: {  	s4 =	sld [smem:$0x3F82]  }
0x2a: {  	p0 =	seq.s32 s5, $0x0;
	s5 =	sld [smem:$0x3F83]  }
0x2b: {  	s6 =	sld [smem:$0x3F84]  }
0x2c: {  	s7 =	sld [smem:$0x3F85]  }
0x2d: {  	s3 =	simm.s32 $0x108;
	s8 =	sld [smem:$0x3F86]  }
0x2e: {  	s3 =	simm.s32 @!p0 $0x1082;
	s9 =	sld [smem:$0x3F87]  }
0x2f: {  	lr =	sadd.s32 s0, s3;
	s0 =	sld [smem:$0x3F7E]  }
0x30: {  	s3 =	sld [smem:$0x3F81]  }
0x31: {  	[smem:$0x3F8A] =	sst s10  }
0x32: {  	s10 =	sld [smem:$0x3F88];
	_ =	sdelay $0x3  }
0x33: {  	p0 =	seq.s32 s10, $0x1;
	s10 =	sld [smem:$0x3F8A];
	_ =	sdelay $0x3  }
0x34: {  	[smem:$0x3F8A] =	sst s10  }
0x35: {  	s10 =	sld [smem:$0x3F89];
	_ =	sdelay $0x3  }
0x36: {  	p1 =	seq.s32 s10, $0x1;
	s10 =	sld [smem:$0x3F8A];
	_ =	sdelay $0x3  }
0x37: {  	[smem:$0x3F8A] =	sst s10  }
0x38: {  	s10 =	sld [smem:$0x3F8B]  }
0x39: {  	_ = 	snop;
	(pc) =	sbr.ind lr, $3  }
0x3a: {  	_ = 	snop  }
0x3b: {  	_ = 	snop  }
0x3c: {  	p2 =	seq.s32 s10, $0x1;
	s10 =	sld [smem:$0x3F8A]  }
0x3d: {  	_ =	shalt  }
0x3e: {  	_ =	shalt  }
0x3f: {  	_ =	shalt  }
0x40: {  	_ =	shalt  }
0x41: {  	_ =	shalt  }
0x42: {  	_ =	shalt  }
0x43: {  	_ =	shalt  }
0x44: {  	_ =	shalt  }
0x45: {  	_ =	shalt  }
0x46: {  	_ =	shalt  }
0x47: {  	_ =	shalt  }
0x48: {  	_ =	shalt  }
0x49: {  	_ =	shalt  }
0x4a: {  	_ =	shalt  }
0x4b: {  	_ =	shalt  }
0x4c: {  	_ =	shalt  }
0x4d: {  	_ =	shalt  }
0x4e: {  	_ =	shalt  }
0x4f: {  	_ =	shalt  }
0x50: {  	_ =	shalt  }
0x51: {  	_ =	shalt  }
0x52: {  	_ =	shalt  }
0x53: {  	_ =	shalt  }
0x54: {  	_ =	shalt  }
0x55: {  	_ =	shalt  }
0x56: {  	_ =	shalt  }
0x57: {  	_ =	shalt  }
0x58: {  	_ =	shalt  }
0x59: {  	_ =	shalt  }
0x5a: {  	_ =	shalt  }
0x5b: {  	_ =	shalt  }
0x5c: {  	_ =	shalt  }
0x5d: {  	_ =	shalt  }
0x5e: {  	_ =	shalt  }
0x5f: {  	_ =	shalt  }
0x60: {  	_ =	shalt  }
0x61: {  	_ =	shalt  }
0x62: {  	_ =	shalt  }
0x63: {  	_ =	shalt  }
0x64: {  	_ =	shalt  }
0x65: {  	_ =	shalt  }
0x66: {  	_ =	shalt  }
0x67: {  	_ =	shalt  }
0x68: {  	_ =	shalt  }
0x69: {  	_ =	shalt  }
0x6a: {  	_ =	shalt  }
0x6b: {  	_ =	shalt  }
0x6c: {  	_ =	shalt  }
0x6d: {  	_ =	shalt  }
0x6e: {  	_ =	shalt  }
0x6f: {  	_ =	shalt  }
0x70: {  	_ =	shalt  }
0x71: {  	_ =	shalt  }
0x72: {  	_ =	shalt  }
0x73: {  	_ =	shalt  }
0x74: {  	_ =	shalt  }
0x75: {  	_ =	shalt  }
0x76: {  	_ =	shalt  }
0x77: {  	_ =	shalt  }
0x78: {  	_ =	shalt  }
0x79: {  	_ =	shalt  }
0x7a: {  	_ =	shalt  }
0x7b: {  	_ =	shalt  }
0x7c: {  	_ =	shalt  }
0x7d: {  	_ =	shalt  }
0x7e: {  	_ =	shalt  }
0x7f: {  	_ =	shalt  }
0x80: {  	_ =	shalt  }
0x81: {  	_ =	shalt  }
0x82: {  	_ =	shalt  }
0x83: {  	_ =	shalt  }
0x84: {  	_ =	shalt  }
0x85: {  	_ =	shalt  }
0x86: {  	_ =	shalt  }
0x87: {  	_ =	shalt  }
.Lfunc_end0:
.L_simem_size_0:
called_computation.2_lowered:
.L_overlay_start_0:
0x88: {  	s2 =	sld [smem:$0x3FD9]  }
0x89: {  	s3 =	sld [smem:$0x3FFE];
	_ =	sdelay $0x1  }
0x8a: {  	s1 =	srdreg.scid  }
0x8b: {  	s0 =	sand.u32 $0x1, s1  }
0x8c: {  	s16 =	sshll.u32 s0, $0xA;
	s2 =	sadd.s32 s3, s2  }
0x8d: {  	s2 =	sadd.s32 s2, s16  }
0x8e: {  	[smem:$0x3F96] =	sst s2  }
0x8f: {  	_ = 	snop  }
0x90: {  	(tm) =	ssettm $0x1  }
0x91: {  	s17 =	sld [smem:$0x3FFB];
	_ =	sdelay $0x3  }
0x92: {  	_ =	strace s17  }
0x93: {  	s2 =	sld [smem:$0x3FFC];
	_ =	sdelay $0x3  }
0x94: {  	_ =	strace s2  }
0x95: {  	s2 =	sld [smem:$0x3FFD];
	_ =	sdelay $0x3  }
0x96: {  	_ =	strace s2  }
0x97: {  	_ =	strace $0x8FFFFFFF  }
0x98: {  	s18 =	sld [smem:$0x3FDB];
	_ =	sdelay $0x1  }
0x99: {  	s19 =	simm.s32 $_scs_section_size  }
0x9a: {  	s4 =	simm.s32 $_size__tile_overlayer_lowered;
	s5 =	simm.s32 $_tile_overlayer_lowered  }
0x9b: {  	s22 =	simm.s32 $0x1BFF;
	s21 =	sshll.u32 s5, $0x1;
	s2 =	sadd.s32 s19, s18  }
0x9c: {  	s6 =	simm.s32 $0x0;
	s20 =	sshll.u32 s4, $0x1;
	s4 =	sadd.s32 s21, s2  }
0x9d: {  	[timem:s6], [sflag:s22] =	dma.local [hbm:s4], s20  }
0x9e: {  	_ =	swait.ge [sflag:s22], s20  }
0x9f: {  	s3 =	ssub.s32 $0x0, s20;
	[sflag:s22] =	ssyncset.done $0x0  }
0xa0: {  	[sflag:s22] =	ssyncadd.s32 s3;
	_ =	sdelay $0x1  }
0xa1: {  	s23 =	simm.s32 $0x1B8B  }
0xa2: {  	_ =	swait.ge [sflag:s23], $0x1  }
0xa3: {  	[sflag:s23] =	ssyncset.done $0x0  }
0xa4: {  	s25 =	simm.s32 $0x1B8E;
	s24 =	sld [smem:$0x3FFE];
	[sflag:s23] =	ssyncadd.s32 $0xFFFFFFFF  }
0xa5: {  	s26 =	simm.s32 $execute0_lowered;
	[smem:$0x3FD2] =	sst s25  }
0xa6: {  	s4 =	sshll.u32 s26, $0x1;
	_ =	strace $0x8000004C;
	[dreg:$0x1] =	wrdreg $0xFFFFFFFF  }
0xa7: {  	s28 =	simm.s32 $_size_execute0_lowered;
	s2 =	sadd.s32 s2, s4;
	[dreg:$0x0] =	wrdreg $0x0  }
0xa8: {  	s4 =	sshll.u32 s28, $0x1;
	[dreg:$0x2] =	wrdreg s2  }
0xa9: {  	[dreg:$0x3] =	wrdreg s4  }
0xaa: {  	[dreg:$0x4] =	wrdreg $0xC0  }
0xab: {  	_ =	task [dreg:s6], $0x5FFFF  }
0xac: {  	[dreg:$0x1] =	wrdreg $0xFFFFFFFF  }
0xad: {  	[dreg:$0x0] =	wrdreg $0x60  }
0xae: {  	[dreg:$0x2] =	wrdreg s24  }
0xaf: {  	[dreg:$0x3] =	wrdreg $0x88000  }
0xb0: {  	[dreg:$0x4] =	wrdreg $0x9  }
0xb1: {  	_ =	task.clear_ibuf [dreg:s6], $0x5FFFF;
	_ =	strace $0x9000004C  }
0xb2: {  	s29 =	simm.s32 $0x9;
	_ =	strace $0x8000004E  }
0xb3: {  	_ =	swait.ge [sflag:s29], $0x1  }
0xb4: {  	[sflag:s29] =	ssyncadd.s32 $0xFFFFFFFF  }
0xb5: {  	_ =	strace $0x9000004E  }
0xb6: {  	_ =	sfence  }
0xb7: {  	s30 =	sld [smem:$0x0];
	_ =	sdelay $0x2  }
0xb8: {  	s31 =	sshll.u32 s1, $0xD;
	s1 =	sshrl.u32 s1, $0x2  }
0xb9: {  	s3 =	sand.u32 $0x4000, s31;
	s1 =	sadd.s32 s1, s30  }
0xba: {  	s0 =	sor.u32 s3, s0;
	s1 =	sshll.u32 s1, $0x11  }
0xbb: {  	s0 =	sor.u32 s1, s0  }
0xbc: {  	s0 =	sadd.s32 $0x8F2B, s0  }
0xbd: {  	[sflag:s0] =	ssyncadd.remote.s32 $0x1  }
0xbe: {  	_ =	sfence.sel $0xFFFF  }
0xbf: {  	[dreg:$0x0] =	wrdreg $0xFFFFFFFF;
	(pc) =	sbr.abs _section_cstart, $3  }
0xc0: {  	[dreg:$0x1] =	wrdreg $0xFFFFFFFF  }
0xc1: {  	_ =	task.clear_ibuf [dreg:s6], $0x2FFFF;
	_ =	strace $0x9FFFFFFF  }
0xc2: {  	(tm) =	ssettm $0x7FFFFFFF  }
0xc3: {  	_ =	shalt  }
tec
execute0_lowered:
.L_overlay_start_1:
0x0: {  	(tag) =	ssettag $0x1  }
0x1: {  	s0 =	rddreg [dreg:$0x0]  }
0x2: {  	s2 =	rddreg [dreg:$0x1]  }
0x3: {  	s11 =	stileid.u32;
	s1 =	srdreg.scid;
	s3 =	simm.s32 $0x0  }
0x4: {  	s13 =	simm.s32 $0x5;
	s14 =	simm.s32 $0x400;
	s15 =	simm.s32 $0x80  }
0x5: {  	s16 =	simm.s32 $0x800;
	s17 =	simm.s32 $0x4800;
	s18 =	simm.s32 $0x1  }
0x6: {  	s19 =	simm.s32 $0x200;
	s20 =	simm.s32 $0x100;
	s28 =	simm.s32 $0x480  }
0x7: {  	s29 =	simm.s32 $0x600;
	s30 =	simm.s32 $0x500;
	s31 =	simm.s32 $0x680  }
0x8: {  	s5 =	smul.u32 $0x14000, s11;
	s1 =	sand.u32 $0x1, s1;
	[smem:$0x7FF] =	sst s3  }
0x9: {  	s4 =	sadd.s32 $0x90A00, s0;
	s21 =	sadd.s32 $0x5200, s0;
	s10 =	smul.u32 $0x50000, s11  }
0xa: {  	s9 =	sshll.u32 s11, $0x1;
	s24 =	smul.u32 $0x1400, s11;
	s25 =	sshll.u32 s11, $0x6  }
0xb: {  	s6 =	smul.u32 $0x140000, s1;
	_ =	strace $0x8000004D;
	s8 =	ssub.s32 $0x2, s1  }
0xc: {  	s9 =	sor.u32 s1, s9;
	s1 =	smul.u32 $0xA00, s1;
	s7 =	sshrl.u32 s5, $0x3  }
0xd: {  	s22 =	sshrl.u32 s8, $0x1;
	s23 =	sshrl.u32 s10, $0x2;
	s9 =	smul.u32 $0xA00, s9  }
0xe: {  	s5 =	sadd.s32 s5, s6;
	s7 =	sadd.s32 s7, s0;
	s6 =	sadd.s32 s24, s21  }
0xf: {  	s24 =	simm.s32 $0x300;
	s5 =	sshrl.u32 s5, $0x3;
	s7 =	sadd.s32 $0x19200, s7  }
0x10: {  	s9 =	sadd.s32 s21, s9;
	s11 =	sadd.s32 s1, s6;
	s21 =	simm.s32 $0x2  }
0x11: {  	s1 =	simm.s32 $0x700;
	s0 =	sadd.s32 s5, s0;
	s5 =	ssub.s32 s8, s22  }
0x12: {  	s8 =	sadd.s32 s23, s2;
	[dreg:$0x3] =	wrdreg s7;
	s7 =	sor.u32 $0x1C05, s25  }
0x13: {  	[dreg:$0x4] =	wrdreg s9;
	s9 =	sadd.s32 $0x80, s9;
	s22 =	simm.s32 $0x280  }
.Ltmp0:
0x14: {  	s23 =	simm.s32 $0x180;
	s25 =	simm.s32 $0x4;
	(pc) =	sbr.rel .LBB2_1-.Ltmp0, $4  }
0x15: {  	[dreg:$0x5] =	wrdreg s9;
	s0 =	sadd.s32 $0x17F000, s0;
	s26 =	smax.u32 s5, $0x1  }
0x16: {  	s10 =	sshrl.u32 s8, $0x3;
	s5 =	simm.s32 $0x780;
	[dreg:$0x6] =	wrdreg s0  }
0x17: {  	s8 =	simm.s32 $0x3;
	s9 =	simm.s32 $0x0;
	[dreg:$0x7] =	wrdreg s26  }
0x18: {  	s26 =	simm.s32 $0x380;
	s0 =	simm.s32 $0x580;
	[dreg:$0x8] =	wrdreg s10  }
.LBB2_3:
0x19: {  	_ =	swait.ge [sflag:s21], $0x4000  }
0x1a: {  	[sflag:s21] =	ssyncset.done $0x0  }
0x1b: {  	[sflag:s21] =	ssyncadd.s32 $0xFFFFC000  }
0x1c: {  	[spmem:s2] =	stream.indirect.scatter.add.f32 [tilespmem:s17], [sflag:$0x5], $0x80, s5, s15, $0xb8;
	[tilespmem:$0x1C800] =	vst v63  }
0x1d: {  	_ =	swait.ge [sflag:s13], $0x4000  }
0x1e: {  	[sflag:s13] =	ssyncset.done $0x0  }
0x1f: {  	[sflag:s13] =	ssyncadd.s32 $0xFFFFC000  }
.LBB2_5:
0x20: {  	[bflag:$0x0] =	sbarrier.arrive $0xFFFF  }
0x21: {  	s6 =	rddreg [dreg:$0x6]  }
0x22: {  	s10 =	rddreg [dreg:$0x8]  }
0x23: {  	[hbm:s6], [sflag:s12] =	dma.local [spmem:s10], $0x2800  }
0x24: {  	_ =	swait.ge [sflag:s13], $0x2800  }
0x25: {  	s7 =	smov.u32 s12;
	s9 =	sadd.s32 $0x1, s9;
	s12 =	rddreg [dreg:$0x7]  }
0x26: {  	p0 =	sne.s32 s9, s12  }
.Ltmp1:
0x27: {  	_ = 	snop;
	(pc) =	sbr.rel @!p0 .LBB2_6-.Ltmp1, $3  }
0x28: {  	_ =	sdelay $0x1  }
0x29: {  	[sflag:s13] =	ssyncset.done $0x0  }
0x2a: {  	[sflag:s13] =	ssyncadd.s32 $0xFFFFD800  }
.LBB2_1:
0x2b: {  	s6 =	rddreg [dreg:$0x3]  }
0x2c: {  	[spmem:s10], [sflag:s7] =	dma.local [hbm:s6], $0x2800  }
0x2d: {  	_ =	swait.ge [sflag:s13], $0x2800  }
0x2e: {  	[sflag:s13] =	ssyncset.done $0x0  }
0x2f: {  	[sflag:s13] =	ssyncadd.s32 $0xFFFFD800  }
0x30: {  	[bflag:$0x0] =	sbarrier.arrive $0xFFFF  }
0x31: {  	s12 =	smov.u32 s7;
	s7 =	rddreg [dreg:$0x4]  }
0x32: {  	[tilespmem:s3], [sflag:$0x5] =	stream.linear.gather [hbm4b:s7+s3], $0x400, $0x38;
	[tilespmem:$0x1C800] =	vst v63  }
0x33: {  	_ =	swait.ge [sflag:s13], $0x400  }
0x34: {  	[sflag:s13] =	ssyncset.done $0x0  }
0x35: {  	s10 =	rddreg [dreg:$0x5];
	[sflag:s13] =	ssyncadd.s32 $0xFFFFFC00  }
0x36: {  	[tilespmem:s14], [sflag:$0x4] =	stream.linear.gather [hbm4b:s10+s3], $0x400, $0x38;
	[tilespmem:$0x1C800] =	vst v63  }
0x37: {  	_ = 	snop  }
0x38: {  	[tilespmem:s16], [sflag:$0x1] =	stream.indirect.gather [hbm4b:s4+s15], $0x80, s3, s15, $0xb8;
	[tilespmem:$0x1C800] =	vst v63  }
0x39: {  	s6 =	simm.s32 $0xFFFFF600  }
0x3a: {  	[tilespmem:s17], [sflag:$0x2] =	stream.indirect.gather [hbm4b:s4+s15], $0x80, s15, s15, $0xb8;
	[tilespmem:$0x1C800] =	vst v63  }
.LBB2_2:
0x3b: {  	_ =	swait.ge [sflag:s18], $0x4000  }
0x3c: {  	[sflag:s18] =	ssyncset.done $0x0  }
0x3d: {  	[sflag:s18] =	ssyncadd.s32 $0xFFFFC000  }
0x3e: {  	[spmem:s2] =	stream.indirect.scatter.add.f32 [tilespmem:s16], [sflag:$0x5], $0x80, s19, s15, $0xb8;
	[tilespmem:$0x1C800] =	vst v63  }
0x3f: {  	_ =	swait.ge [sflag:s13], $0x4000  }
0x40: {  	[sflag:s13] =	ssyncset.done $0x0  }
0x41: {  	[sflag:s13] =	ssyncadd.s32 $0xFFFFC000  }
0x42: {  	[tilespmem:s16], [sflag:$0x1] =	stream.indirect.gather [hbm4b:s4+s15], $0x80, s20, s15, $0xb8;
	[tilespmem:$0x1C800] =	vst v63  }
0x43: {  	_ =	swait.ge [sflag:s21], $0x4000  }
0x44: {  	[sflag:s21] =	ssyncset.done $0x0  }
0x45: {  	[sflag:s21] =	ssyncadd.s32 $0xFFFFC000  }
0x46: {  	[spmem:s2] =	stream.indirect.scatter.add.f32 [tilespmem:s17], [sflag:$0x5], $0x80, s22, s15, $0xb8;
	[tilespmem:$0x1C800] =	vst v63  }
0x47: {  	_ =	swait.ge [sflag:s13], $0x4000  }
0x48: {  	[sflag:s13] =	ssyncset.done $0x0  }
0x49: {  	[sflag:s13] =	ssyncadd.s32 $0xFFFFC000  }
0x4a: {  	[tilespmem:s17], [sflag:$0x2] =	stream.indirect.gather [hbm4b:s4+s15], $0x80, s23, s15, $0xb8;
	[tilespmem:$0x1C800] =	vst v63  }
0x4b: {  	_ =	swait.ge [sflag:s18], $0x4000  }
0x4c: {  	[sflag:s18] =	ssyncset.done $0x0  }
0x4d: {  	[sflag:s18] =	ssyncadd.s32 $0xFFFFC000  }
0x4e: {  	[spmem:s2] =	stream.indirect.scatter.add.f32 [tilespmem:s16], [sflag:$0x5], $0x80, s24, s15, $0xb8;
	[tilespmem:$0x1C800] =	vst v63  }
0x4f: {  	_ =	swait.ge [sflag:s13], $0x4000  }
0x50: {  	[sflag:s13] =	ssyncset.done $0x0  }
0x51: {  	[sflag:s13] =	ssyncadd.s32 $0xFFFFC000  }
0x52: {  	_ =	swait.ge [sflag:s25], $0x400  }
0x53: {  	[sflag:s25] =	ssyncset.done $0x0  }
0x54: {  	[sflag:s25] =	ssyncadd.s32 $0xFFFFFC00  }
0x55: {  	[tilespmem:s16], [sflag:$0x1] =	stream.indirect.gather [hbm4b:s4+s15], $0x80, s14, s15, $0xb8;
	[tilespmem:$0x1C800] =	vst v63  }
0x56: {  	_ =	swait.ge [sflag:s21], $0x4000  }
0x57: {  	[sflag:s21] =	ssyncset.done $0x0  }
0x58: {  	[sflag:s21] =	ssyncadd.s32 $0xFFFFC000  }
0x59: {  	[spmem:s2] =	stream.indirect.scatter.add.f32 [tilespmem:s17], [sflag:$0x5], $0x80, s26, s15, $0xb8;
	[tilespmem:$0x1C800] =	vst v63  }
0x5a: {  	_ =	swait.ge [sflag:s13], $0x4000  }
0x5b: {  	p0 =	seq.s32 s6, $0xFFFFFF00;
	[sflag:s13] =	ssyncset.done $0x0  }
0x5c: {  	s10 =	sadd.s32 @!p0 s6, s11;
	[sflag:s13] =	ssyncadd.s32 $0xFFFFC000  }
0x5d: {  	[tilespmem:s17], [sflag:$0x2] =	stream.indirect.gather [hbm4b:s4+s15], $0x80, s28, s15, $0xb8;
	[tilespmem:$0x1C800] =	vst v63  }
0x5e: {  	s7 =	simm.s32 @!p0 $0x0;
	s10 =	sadd.s32 @!p0 $0xB00, s10  }
0x5f: {  	[tilespmem:s7], [sflag:$0x3] =	stream.linear.gather @!p0 [hbm4b:s10+s7], $0x400, $0x38;
	[tilespmem:$0x1C800] =	vst v63  }
0x60: {  	_ =	swait.ge [sflag:s18], $0x4000  }
0x61: {  	[sflag:s18] =	ssyncset.done $0x0  }
0x62: {  	[sflag:s18] =	ssyncadd.s32 $0xFFFFC000  }
0x63: {  	[spmem:s2] =	stream.indirect.scatter.add.f32 [tilespmem:s16], [sflag:$0x5], $0x80, s29, s15, $0xb8;
	[tilespmem:$0x1C800] =	vst v63  }
0x64: {  	_ =	swait.ge [sflag:s13], $0x4000  }
0x65: {  	[sflag:s13] =	ssyncset.done $0x0  }
0x66: {  	[sflag:s13] =	ssyncadd.s32 $0xFFFFC000  }
0x67: {  	[tilespmem:s16], [sflag:$0x1] =	stream.indirect.gather [hbm4b:s4+s15], $0x80, s30, s15, $0xb8;
	[tilespmem:$0x1C800] =	vst v63  }
0x68: {  	_ =	swait.ge [sflag:s21], $0x4000  }
0x69: {  	[sflag:s21] =	ssyncset.done $0x0  }
0x6a: {  	[sflag:s21] =	ssyncadd.s32 $0xFFFFC000  }
0x6b: {  	[spmem:s2] =	stream.indirect.scatter.add.f32 [tilespmem:s17], [sflag:$0x5], $0x80, s31, s15, $0xb8;
	[tilespmem:$0x1C800] =	vst v63  }
0x6c: {  	_ =	swait.ge [sflag:s13], $0x4000  }
0x6d: {  	[sflag:s13] =	ssyncset.done $0x0  }
0x6e: {  	[sflag:s13] =	ssyncadd.s32 $0xFFFFC000  }
0x6f: {  	[tilespmem:s17], [sflag:$0x2] =	stream.indirect.gather [hbm4b:s4+s15], $0x80, s0, s15, $0xb8;
	[tilespmem:$0x1C800] =	vst v63  }
0x70: {  	_ =	swait.ge [sflag:s18], $0x4000  }
0x71: {  	p0 =	sne.s32 s6, $0xFFFFFF00;
	[sflag:s18] =	ssyncset.done $0x0  }
.Ltmp2:
0x72: {  	[sflag:s18] =	ssyncadd.s32 $0xFFFFC000;
	(pc) =	sbr.rel @!p0 .LBB2_3-.Ltmp2, $4  }
0x73: {  	[spmem:s2] =	stream.indirect.scatter.add.f32 [tilespmem:s16], [sflag:$0x5], $0x80, s1, s15, $0xb8;
	[tilespmem:$0x1C800] =	vst v63  }
0x74: {  	_ =	swait.ge [sflag:s13], $0x4000  }
0x75: {  	[sflag:s13] =	ssyncset.done $0x0  }
0x76: {  	[sflag:s13] =	ssyncadd.s32 $0xFFFFC000  }
0x77: {  	_ =	swait.ge [sflag:s8], $0x400  }
0x78: {  	[sflag:s8] =	ssyncset.done $0x0  }
0x79: {  	[sflag:s8] =	ssyncadd.s32 $0xFFFFFC00  }
0x7a: {  	[tilespmem:s16], [sflag:$0x1] =	stream.indirect.gather [hbm4b:s4+s15], $0x80, s3, s15, $0xb8;
	[tilespmem:$0x1C800] =	vst v63  }
0x7b: {  	_ =	swait.ge [sflag:s21], $0x4000  }
0x7c: {  	[sflag:s21] =	ssyncset.done $0x0  }
0x7d: {  	s7 =	sadd.s32 s6, s11;
	s6 =	sadd.s32 $0x100, s6;
	[sflag:s21] =	ssyncadd.s32 $0xFFFFC000  }
0x7e: {  	[spmem:s2] =	stream.indirect.scatter.add.f32 [tilespmem:s17], [sflag:$0x5], $0x80, s5, s15, $0xb8;
	[tilespmem:$0x1C800] =	vst v63  }
0x7f: {  	p0 =	sne.s32 s6, $0x0;
	_ =	swait.ge [sflag:s13], $0x4000  }
.Ltmp3:
0x80: {  	[sflag:s13] =	ssyncset.done $0x0;
	(pc) =	sbr.rel @p0 .LBB2_2-.Ltmp3, $4  }
.Ltmp4:
0x81: {  	[sflag:s13] =	ssyncadd.s32 $0xFFFFC000;
	(pc) =	sbr.rel @!p0 .LBB2_5-.Ltmp4, $4  }
0x82: {  	[tilespmem:s17], [sflag:$0x2] =	stream.indirect.gather [hbm4b:s4+s15], $0x80, s15, s15, $0xb8;
	[tilespmem:$0x1C800] =	vst v63  }
0x83: {  	s7 =	sadd.s32 $0xB80, s7  }
0x84: {  	[tilespmem:s14], [sflag:$0x4] =	stream.linear.gather [hbm4b:s7+s3], $0x400, $0x38;
	[tilespmem:$0x1C800] =	vst v63  }
0x85: {  	_ = 	snop  }
.LBB2_6:
0x86: {  	_ =	sfence.sel $0x180000  }
0x87: {  	[bflag:$0x0] =	sbarrier.arrive $0xFFFF  }
0x88: {  	_ =	strace $0x9000004D  }
0x89: {  	s0 =	stileid.u32;
	[bflag:$0x2] =	sbarrier.arrive $0xFFFF  }
0x8a: {  	p0 =	sne.s32 s0, $0x0;
	s0 =	rddreg [dreg:$0x2]  }
0x8b: {  	s0 =	sadd.s32 @!p0 $0x100000, s0  }
0x8c: {  	[sflag:s0] =	ssyncadd.tile.s32 @!p0 $0x1;
	_ =	shalt  }
.Lfunc_end2:
_tile_overlayer_lowered:
.L_overlay_start_2:
0x8d: {  	(tag) =	ssettag $0x2  }
0x8e: {  	s0 =	rddreg [dreg:$0x0];
	s2 =	stileid.u32  }
0x8f: {  	s1 =	rddreg [dreg:$0x1];
	p0 =	sne.s32 s2, $0x0  }
0x90: {  	s3 =	rddreg [dreg:$0x2];
	[bflag:$0x3] =	sbarrier.arrive $0xFFFF;
	s2 =	simm.s32 @!p0 $0x1C05  }
0x91: {  	[timem:s3], [sflag:s2] =	dma.local @!p0 [hbm:s0], s1  }
0x92: {  	s0 =	simm.s32 @!p0 $0x5  }
0x93: {  	_ =	swait.ge @!p0 [sflag:s0], s1  }
0x94: {  	s1 =	ssub.s32 @!p0 $0x0, s1;
	[sflag:s0] =	ssyncset.done @!p0 $0x0  }
0x95: {  	[sflag:s0] =	ssyncadd.s32 @!p0 s1  }
0x96: {  	[bflag:$0x3] =	sbarrier.arrive $0xFFFF  }
0x97: {  	_ =	shalt  }

// kernel: kernel.25.cloned.1.call-start
scs
__scs_entry_jumppad:
0x0: {  	(pc) =	sbr.rel $0x88, $3  }
0x1: {  	(tag) =	ssettag $0x0;
	lr =	simm.s32 $0x1  }
0x2: {  	[smem:$0x3F6F] =	sst lr;
	_ =	strace $0xD0000000  }
0x3: {  	_ = 	snop  }
0x4: {  	_ = 	snop  }
0x5: {  	_ = 	snop  }
0x6: {  	_ = 	snop  }
0x7: {  	_ = 	snop  }
__scs_overlays_trampoline_lowered:
0x8: {  	[smem:$0x3F7E] =	sst s0  }
0x9: {  	[smem:$0x3F7F] =	sst s1  }
0xa: {  	[smem:$0x3F80] =	sst s2  }
0xb: {  	[smem:$0x3F81] =	sst s3  }
0xc: {  	[smem:$0x3F82] =	sst s4  }
0xd: {  	[smem:$0x3F83] =	sst s5  }
0xe: {  	[smem:$0x3F84] =	sst s6  }
0xf: {  	[smem:$0x3F85] =	sst s7  }
0x10: {  	[smem:$0x3F86] =	sst s8  }
0x11: {  	[smem:$0x3F87] =	sst s9;
	s0 =	simm.s32 @!p0 $0x0  }
0x12: {  	s1 =	sld [smem:$0x3F6D];
	s0 =	simm.s32 @p0 $0x1  }
0x13: {  	[smem:$0x3F88] =	sst s0;
	s0 =	simm.s32 @!p1 $0x0  }
0x14: {  	s2 =	sld [smem:$0x3F6C];
	s0 =	simm.s32 @p1 $0x1  }
0x15: {  	[smem:$0x3F89] =	sst s0;
	s0 =	simm.s32 @!p2 $0x0  }
0x16: {  	s3 =	sld [smem:$0x3FDB];
	s0 =	simm.s32 @p2 $0x1  }
0x17: {  	s4 =	simm.s32 $0x1BF5;
	[smem:$0x3F8B] =	sst s0  }
0x18: {  	s0 =	sld [smem:$0x3F6E];
	_ =	swait.ge [sflag:s4], $0x0  }
0x19: {  	s7 =	sld [smem:$0x3F6F]  }
0x1a: {  	s8 =	sadd.s32 $0xFFFFE003, lr  }
0x1b: {  	s9 =	sadd.s32 $0xFFFFFEF7, lr;
	s5 =	simm.s32 $0xFFFFFFFF;
	p2 =	slt.u32 s8, $0xFFFFF086  }
0x1c: {  	p1 =	slt.u32 s9, $0xF7A;
	s5 =	simm.s32 @!p2 $0x0  }
0x1d: {  	s5 =	simm.s32 @p1 $0x1;
	p0 =	seq.s32 s7, s2  }
0x1e: {  	s7 =	smul.u32 @!p0 $0xF7A, s2;
	p2 =	seq.s32 @!p0 s5, $0x0  }
0x1f: {  	s9 =	smul.u32 $0xF7A, s1;
	s8 =	simm.s32 @!p0 $0x1BF5;
	p2 =	por !p2, p0  }
0x20: {  	[sflag:s8] =	ssyncset.s32 @!p0 $0xFFFFF086;
	s6 =	sadd.s32 @!p0 s3, s7;
	s7 =	simm.s32 @!p0 $0x108  }
0x21: {  	s3 =	sadd.s32 s3, s9;
	s6 =	sadd.s32 @!p0 $0x88, s6;
	s7 =	simm.s32 @p2 $0x1082  }
0x22: {  	[simem:s7], [sflag:s8] =	dma.local @!p0 [hbm:s6], $0xF7A  }
0x23: {  	s9 =	sor.u32 $0xD0000000, s2;
	s6 =	simm.s32 $0x108;
	_ =	swait.ge @!p0 [sflag:s8], $0x0  }
0x24: {  	s3 =	sadd.s32 $0x88, s3;
	s6 =	simm.s32 @!p1 $0x1082;
	[sflag:s4] =	ssyncset.s32 $0xFFFFF086  }
0x25: {  	[simem:s6], [sflag:s4] =	dma.local [hbm:s3], $0xF7A  }
0x26: {  	[smem:$0x3F6F] =	sst s1;
	(tag) =	ssettag s2;
	_ =	strace s9  }
0x27: {  	s1 =	sld [smem:$0x3F7F]  }
0x28: {  	s2 =	sld [smem:$0x3F80]  }
0x29: {  	s4 =	sld [smem:$0x3F82]  }
0x2a: {  	p0 =	seq.s32 s5, $0x0;
	s5 =	sld [smem:$0x3F83]  }
0x2b: {  	s6 =	sld [smem:$0x3F84]  }
0x2c: {  	s7 =	sld [smem:$0x3F85]  }
0x2d: {  	s3 =	simm.s32 $0x108;
	s8 =	sld [smem:$0x3F86]  }
0x2e: {  	s3 =	simm.s32 @!p0 $0x1082;
	s9 =	sld [smem:$0x3F87]  }
0x2f: {  	lr =	sadd.s32 s0, s3;
	s0 =	sld [smem:$0x3F7E]  }
0x30: {  	s3 =	sld [smem:$0x3F81]  }
0x31: {  	[smem:$0x3F8A] =	sst s10  }
0x32: {  	s10 =	sld [smem:$0x3F88];
	_ =	sdelay $0x3  }
0x33: {  	p0 =	seq.s32 s10, $0x1;
	s10 =	sld [smem:$0x3F8A];
	_ =	sdelay $0x3  }
0x34: {  	[smem:$0x3F8A] =	sst s10  }
0x35: {  	s10 =	sld [smem:$0x3F89];
	_ =	sdelay $0x3  }
0x36: {  	p1 =	seq.s32 s10, $0x1;
	s10 =	sld [smem:$0x3F8A];
	_ =	sdelay $0x3  }
0x37: {  	[smem:$0x3F8A] =	sst s10  }
0x38: {  	s10 =	sld [smem:$0x3F8B]  }
0x39: {  	_ = 	snop;
	(pc) =	sbr.ind lr, $3  }
0x3a: {  	_ = 	snop  }
0x3b: {  	_ = 	snop  }
0x3c: {  	p2 =	seq.s32 s10, $0x1;
	s10 =	sld [smem:$0x3F8A]  }
0x3d: {  	_ =	shalt  }
0x3e: {  	_ =	shalt  }
0x3f: {  	_ =	shalt  }
0x40: {  	_ =	shalt  }
0x41: {  	_ =	shalt  }
0x42: {  	_ =	shalt  }
0x43: {  	_ =	shalt  }
0x44: {  	_ =	shalt  }
0x45: {  	_ =	shalt  }
0x46: {  	_ =	shalt  }
0x47: {  	_ =	shalt  }
0x48: {  	_ =	shalt  }
0x49: {  	_ =	shalt  }
0x4a: {  	_ =	shalt  }
0x4b: {  	_ =	shalt  }
0x4c: {  	_ =	shalt  }
0x4d: {  	_ =	shalt  }
0x4e: {  	_ =	shalt  }
0x4f: {  	_ =	shalt  }
0x50: {  	_ =	shalt  }
0x51: {  	_ =	shalt  }
0x52: {  	_ =	shalt  }
0x53: {  	_ =	shalt  }
0x54: {  	_ =	shalt  }
0x55: {  	_ =	shalt  }
0x56: {  	_ =	shalt  }
0x57: {  	_ =	shalt  }
0x58: {  	_ =	shalt  }
0x59: {  	_ =	shalt  }
0x5a: {  	_ =	shalt  }
0x5b: {  	_ =	shalt  }
0x5c: {  	_ =	shalt  }
0x5d: {  	_ =	shalt  }
0x5e: {  	_ =	shalt  }
0x5f: {  	_ =	shalt  }
0x60: {  	_ =	shalt  }
0x61: {  	_ =	shalt  }
0x62: {  	_ =	shalt  }
0x63: {  	_ =	shalt  }
0x64: {  	_ =	shalt  }
0x65: {  	_ =	shalt  }
0x66: {  	_ =	shalt  }
0x67: {  	_ =	shalt  }
0x68: {  	_ =	shalt  }
0x69: {  	_ =	shalt  }
0x6a: {  	_ =	shalt  }
0x6b: {  	_ =	shalt  }
0x6c: {  	_ =	shalt  }
0x6d: {  	_ =	shalt  }
0x6e: {  	_ =	shalt  }
0x6f: {  	_ =	shalt  }
0x70: {  	_ =	shalt  }
0x71: {  	_ =	shalt  }
0x72: {  	_ =	shalt  }
0x73: {  	_ =	shalt  }
0x74: {  	_ =	shalt  }
0x75: {  	_ =	shalt  }
0x76: {  	_ =	shalt  }
0x77: {  	_ =	shalt  }
0x78: {  	_ =	shalt  }
0x79: {  	_ =	shalt  }
0x7a: {  	_ =	shalt  }
0x7b: {  	_ =	shalt  }
0x7c: {  	_ =	shalt  }
0x7d: {  	_ =	shalt  }
0x7e: {  	_ =	shalt  }
0x7f: {  	_ =	shalt  }
0x80: {  	_ =	shalt  }
0x81: {  	_ =	shalt  }
0x82: {  	_ =	shalt  }
0x83: {  	_ =	shalt  }
0x84: {  	_ =	shalt  }
0x85: {  	_ =	shalt  }
0x86: {  	_ =	shalt  }
0x87: {  	_ =	shalt  }
.Lfunc_end0:
.L_simem_size_0:
called_computation.3_lowered:
.L_overlay_start_0:
0x88: {  	s2 =	sld [smem:$0x3FD9]  }
0x89: {  	s3 =	sld [smem:$0x3FFE];
	_ =	sdelay $0x1  }
0x8a: {  	s1 =	srdreg.scid  }
0x8b: {  	s0 =	sand.u32 $0x1, s1  }
0x8c: {  	s16 =	sshll.u32 s0, $0xA;
	s2 =	sadd.s32 s3, s2  }
0x8d: {  	s2 =	sadd.s32 s2, s16  }
0x8e: {  	[smem:$0x3F96] =	sst s2  }
0x8f: {  	_ = 	snop  }
0x90: {  	(tm) =	ssettm $0x1  }
0x91: {  	s17 =	sld [smem:$0x3FFB];
	_ =	sdelay $0x3  }
0x92: {  	_ =	strace s17  }
0x93: {  	s2 =	sld [smem:$0x3FFC];
	_ =	sdelay $0x3  }
0x94: {  	_ =	strace s2  }
0x95: {  	s2 =	sld [smem:$0x3FFD];
	_ =	sdelay $0x3  }
0x96: {  	_ =	strace s2  }
0x97: {  	_ =	strace $0x8FFFFFFF  }
0x98: {  	s18 =	sld [smem:$0x3FDB];
	_ =	sdelay $0x1  }
0x99: {  	s19 =	simm.s32 $_scs_section_size  }
0x9a: {  	s4 =	simm.s32 $_size__tile_overlayer_lowered;
	s5 =	simm.s32 $_tile_overlayer_lowered  }
0x9b: {  	s22 =	simm.s32 $0x1BFF;
	s21 =	sshll.u32 s5, $0x1;
	s2 =	sadd.s32 s19, s18  }
0x9c: {  	s6 =	simm.s32 $0x0;
	s20 =	sshll.u32 s4, $0x1;
	s4 =	sadd.s32 s21, s2  }
0x9d: {  	[timem:s6], [sflag:s22] =	dma.local [hbm:s4], s20  }
0x9e: {  	_ =	swait.ge [sflag:s22], s20  }
0x9f: {  	s3 =	ssub.s32 $0x0, s20;
	[sflag:s22] =	ssyncset.done $0x0  }
0xa0: {  	[sflag:s22] =	ssyncadd.s32 s3;
	_ =	sdelay $0x1  }
0xa1: {  	s23 =	simm.s32 $0x1B8B  }
0xa2: {  	_ =	swait.ge [sflag:s23], $0x1  }
0xa3: {  	[sflag:s23] =	ssyncset.done $0x0  }
0xa4: {  	s25 =	simm.s32 $0x1B8E;
	s24 =	sld [smem:$0x3FFE];
	[sflag:s23] =	ssyncadd.s32 $0xFFFFFFFF  }
0xa5: {  	s26 =	simm.s32 $execute0_lowered;
	[smem:$0x3FD2] =	sst s25  }
0xa6: {  	s4 =	sshll.u32 s26, $0x1;
	_ =	strace $0x8000004F;
	[dreg:$0x1] =	wrdreg $0xFFFFFFFF  }
0xa7: {  	s28 =	simm.s32 $_size_execute0_lowered;
	s2 =	sadd.s32 s2, s4;
	[dreg:$0x0] =	wrdreg $0x0  }
0xa8: {  	s4 =	sshll.u32 s28, $0x1;
	[dreg:$0x2] =	wrdreg s2  }
0xa9: {  	[dreg:$0x3] =	wrdreg s4  }
0xaa: {  	[dreg:$0x4] =	wrdreg $0xC0  }
0xab: {  	_ =	task [dreg:s6], $0x5FFFF  }
0xac: {  	[dreg:$0x1] =	wrdreg $0xFFFFFFFF  }
0xad: {  	[dreg:$0x0] =	wrdreg $0x60  }
0xae: {  	[dreg:$0x2] =	wrdreg s24  }
0xaf: {  	[dreg:$0x3] =	wrdreg $0x88000  }
0xb0: {  	[dreg:$0x4] =	wrdreg $0x9  }
0xb1: {  	_ =	task.clear_ibuf [dreg:s6], $0x5FFFF;
	_ =	strace $0x9000004F  }
0xb2: {  	s29 =	simm.s32 $0x9;
	_ =	strace $0x80000051  }
0xb3: {  	_ =	swait.ge [sflag:s29], $0x1  }
0xb4: {  	[sflag:s29] =	ssyncadd.s32 $0xFFFFFFFF  }
0xb5: {  	_ =	strace $0x90000051  }
0xb6: {  	_ =	sfence  }
0xb7: {  	s30 =	sld [smem:$0x0];
	_ =	sdelay $0x2  }
0xb8: {  	s31 =	sshll.u32 s1, $0xD;
	s1 =	sshrl.u32 s1, $0x2  }
0xb9: {  	s3 =	sand.u32 $0x4000, s31;
	s1 =	sadd.s32 s1, s30  }
0xba: {  	s0 =	sor.u32 s3, s0;
	s1 =	sshll.u32 s1, $0x11  }
0xbb: {  	s0 =	sor.u32 s1, s0  }
0xbc: {  	s0 =	sadd.s32 $0x8F2B, s0  }
0xbd: {  	[sflag:s0] =	ssyncadd.remote.s32 $0x1  }
0xbe: {  	_ =	sfence.sel $0xFFFF  }
0xbf: {  	[dreg:$0x0] =	wrdreg $0xFFFFFFFF;
	(pc) =	sbr.abs _section_cstart, $3  }
0xc0: {  	[dreg:$0x1] =	wrdreg $0xFFFFFFFF  }
0xc1: {  	_ =	task.clear_ibuf [dreg:s6], $0x2FFFF;
	_ =	strace $0x9FFFFFFF  }
0xc2: {  	(tm) =	ssettm $0x7FFFFFFF  }
0xc3: {  	_ =	shalt  }
tec
execute0_lowered:
.L_overlay_start_1:
0x0: {  	(tag) =	ssettag $0x1  }
0x1: {  	s0 =	rddreg [dreg:$0x0]  }
0x2: {  	s2 =	rddreg [dreg:$0x1]  }
0x3: {  	s11 =	stileid.u32;
	s1 =	srdreg.scid;
	s3 =	simm.s32 $0x0  }
0x4: {  	s13 =	simm.s32 $0x5;
	s14 =	simm.s32 $0x400;
	s15 =	simm.s32 $0x80  }
0x5: {  	s16 =	simm.s32 $0x800;
	s17 =	simm.s32 $0x4800;
	s18 =	simm.s32 $0x1  }
0x6: {  	s19 =	simm.s32 $0x200;
	s20 =	simm.s32 $0x100;
	s28 =	simm.s32 $0x480  }
0x7: {  	s29 =	simm.s32 $0x600;
	s30 =	simm.s32 $0x500;
	s31 =	simm.s32 $0x680  }
0x8: {  	s5 =	smul.u32 $0x14000, s11;
	s1 =	sand.u32 $0x1, s1;
	[smem:$0x7FF] =	sst s3  }
0x9: {  	s4 =	sadd.s32 $0x69200, s0;
	s21 =	sadd.s32 $0x5200, s0;
	s10 =	smul.u32 $0x50000, s11  }
0xa: {  	s9 =	sshll.u32 s11, $0x1;
	s24 =	smul.u32 $0x1400, s11;
	s25 =	sshll.u32 s11, $0x6  }
0xb: {  	s6 =	smul.u32 $0x140000, s1;
	_ =	strace $0x80000050;
	s8 =	ssub.s32 $0x2, s1  }
0xc: {  	s9 =	sor.u32 s1, s9;
	s1 =	smul.u32 $0xA00, s1;
	s7 =	sshrl.u32 s5, $0x3  }
0xd: {  	s22 =	sshrl.u32 s8, $0x1;
	s23 =	sshrl.u32 s10, $0x2;
	s9 =	smul.u32 $0xA00, s9  }
0xe: {  	s5 =	sadd.s32 s5, s6;
	s7 =	sadd.s32 s7, s0;
	s6 =	sadd.s32 s24, s21  }
0xf: {  	s24 =	simm.s32 $0x300;
	s5 =	sshrl.u32 s5, $0x3;
	s7 =	sadd.s32 $0x19200, s7  }
0x10: {  	s9 =	sadd.s32 s21, s9;
	s11 =	sadd.s32 s1, s6;
	s21 =	simm.s32 $0x2  }
0x11: {  	s1 =	simm.s32 $0x700;
	s0 =	sadd.s32 s5, s0;
	s5 =	ssub.s32 s8, s22  }
0x12: {  	s8 =	sadd.s32 s23, s2;
	[dreg:$0x3] =	wrdreg s7;
	s7 =	sor.u32 $0x1C05, s25  }
0x13: {  	[dreg:$0x4] =	wrdreg s9;
	s9 =	sadd.s32 $0x80, s9;
	s22 =	simm.s32 $0x280  }
.Ltmp0:
0x14: {  	s23 =	simm.s32 $0x180;
	s25 =	simm.s32 $0x4;
	(pc) =	sbr.rel .LBB2_1-.Ltmp0, $4  }
0x15: {  	[dreg:$0x5] =	wrdreg s9;
	s0 =	sadd.s32 $0x90400, s0;
	s26 =	smax.u32 s5, $0x1  }
0x16: {  	s10 =	sshrl.u32 s8, $0x3;
	s5 =	simm.s32 $0x780;
	[dreg:$0x6] =	wrdreg s0  }
0x17: {  	s8 =	simm.s32 $0x3;
	s9 =	simm.s32 $0x0;
	[dreg:$0x7] =	wrdreg s26  }
0x18: {  	s26 =	simm.s32 $0x380;
	s0 =	simm.s32 $0x580;
	[dreg:$0x8] =	wrdreg s10  }
.LBB2_3:
0x19: {  	_ =	swait.ge [sflag:s21], $0x4000  }
0x1a: {  	[sflag:s21] =	ssyncset.done $0x0  }
0x1b: {  	[sflag:s21] =	ssyncadd.s32 $0xFFFFC000  }
0x1c: {  	[spmem:s2] =	stream.indirect.scatter.add.f32 [tilespmem:s17], [sflag:$0x5], $0x80, s5, s15, $0xb8;
	[tilespmem:$0x1C800] =	vst v63  }
0x1d: {  	_ =	swait.ge [sflag:s13], $0x4000  }
0x1e: {  	[sflag:s13] =	ssyncset.done $0x0  }
0x1f: {  	[sflag:s13] =	ssyncadd.s32 $0xFFFFC000  }
.LBB2_5:
0x20: {  	[bflag:$0x0] =	sbarrier.arrive $0xFFFF  }
0x21: {  	s6 =	rddreg [dreg:$0x6]  }
0x22: {  	s10 =	rddreg [dreg:$0x8]  }
0x23: {  	[hbm:s6], [sflag:s12] =	dma.local [spmem:s10], $0x2800  }
0x24: {  	_ =	swait.ge [sflag:s13], $0x2800  }
0x25: {  	s7 =	smov.u32 s12;
	s9 =	sadd.s32 $0x1, s9;
	s12 =	rddreg [dreg:$0x7]  }
0x26: {  	p0 =	sne.s32 s9, s12  }
.Ltmp1:
0x27: {  	_ = 	snop;
	(pc) =	sbr.rel @!p0 .LBB2_6-.Ltmp1, $3  }
0x28: {  	_ =	sdelay $0x1  }
0x29: {  	[sflag:s13] =	ssyncset.done $0x0  }
0x2a: {  	[sflag:s13] =	ssyncadd.s32 $0xFFFFD800  }
.LBB2_1:
0x2b: {  	s6 =	rddreg [dreg:$0x3]  }
0x2c: {  	[spmem:s10], [sflag:s7] =	dma.local [hbm:s6], $0x2800  }
0x2d: {  	_ =	swait.ge [sflag:s13], $0x2800  }
0x2e: {  	[sflag:s13] =	ssyncset.done $0x0  }
0x2f: {  	[sflag:s13] =	ssyncadd.s32 $0xFFFFD800  }
0x30: {  	[bflag:$0x0] =	sbarrier.arrive $0xFFFF  }
0x31: {  	s12 =	smov.u32 s7;
	s7 =	rddreg [dreg:$0x4]  }
0x32: {  	[tilespmem:s3], [sflag:$0x5] =	stream.linear.gather [hbm4b:s7+s3], $0x400, $0x38;
	[tilespmem:$0x1C800] =	vst v63  }
0x33: {  	_ =	swait.ge [sflag:s13], $0x400  }
0x34: {  	[sflag:s13] =	ssyncset.done $0x0  }
0x35: {  	s10 =	rddreg [dreg:$0x5];
	[sflag:s13] =	ssyncadd.s32 $0xFFFFFC00  }
0x36: {  	[tilespmem:s14], [sflag:$0x4] =	stream.linear.gather [hbm4b:s10+s3], $0x400, $0x38;
	[tilespmem:$0x1C800] =	vst v63  }
0x37: {  	_ = 	snop  }
0x38: {  	[tilespmem:s16], [sflag:$0x1] =	stream.indirect.gather [hbm4b:s4+s15], $0x80, s3, s15, $0xb8;
	[tilespmem:$0x1C800] =	vst v63  }
0x39: {  	s6 =	simm.s32 $0xFFFFF600  }
0x3a: {  	[tilespmem:s17], [sflag:$0x2] =	stream.indirect.gather [hbm4b:s4+s15], $0x80, s15, s15, $0xb8;
	[tilespmem:$0x1C800] =	vst v63  }
.LBB2_2:
0x3b: {  	_ =	swait.ge [sflag:s18], $0x4000  }
0x3c: {  	[sflag:s18] =	ssyncset.done $0x0  }
0x3d: {  	[sflag:s18] =	ssyncadd.s32 $0xFFFFC000  }
0x3e: {  	[spmem:s2] =	stream.indirect.scatter.add.f32 [tilespmem:s16], [sflag:$0x5], $0x80, s19, s15, $0xb8;
	[tilespmem:$0x1C800] =	vst v63  }
0x3f: {  	_ =	swait.ge [sflag:s13], $0x4000  }
0x40: {  	[sflag:s13] =	ssyncset.done $0x0  }
0x41: {  	[sflag:s13] =	ssyncadd.s32 $0xFFFFC000  }
0x42: {  	[tilespmem:s16], [sflag:$0x1] =	stream.indirect.gather [hbm4b:s4+s15], $0x80, s20, s15, $0xb8;
	[tilespmem:$0x1C800] =	vst v63  }
0x43: {  	_ =	swait.ge [sflag:s21], $0x4000  }
0x44: {  	[sflag:s21] =	ssyncset.done $0x0  }
0x45: {  	[sflag:s21] =	ssyncadd.s32 $0xFFFFC000  }
0x46: {  	[spmem:s2] =	stream.indirect.scatter.add.f32 [tilespmem:s17], [sflag:$0x5], $0x80, s22, s15, $0xb8;
	[tilespmem:$0x1C800] =	vst v63  }
0x47: {  	_ =	swait.ge [sflag:s13], $0x4000  }
0x48: {  	[sflag:s13] =	ssyncset.done $0x0  }
0x49: {  	[sflag:s13] =	ssyncadd.s32 $0xFFFFC000  }
0x4a: {  	[tilespmem:s17], [sflag:$0x2] =	stream.indirect.gather [hbm4b:s4+s15], $0x80, s23, s15, $0xb8;
	[tilespmem:$0x1C800] =	vst v63  }
0x4b: {  	_ =	swait.ge [sflag:s18], $0x4000  }
0x4c: {  	[sflag:s18] =	ssyncset.done $0x0  }
0x4d: {  	[sflag:s18] =	ssyncadd.s32 $0xFFFFC000  }
0x4e: {  	[spmem:s2] =	stream.indirect.scatter.add.f32 [tilespmem:s16], [sflag:$0x5], $0x80, s24, s15, $0xb8;
	[tilespmem:$0x1C800] =	vst v63  }
0x4f: {  	_ =	swait.ge [sflag:s13], $0x4000  }
0x50: {  	[sflag:s13] =	ssyncset.done $0x0  }
0x51: {  	[sflag:s13] =	ssyncadd.s32 $0xFFFFC000  }
0x52: {  	_ =	swait.ge [sflag:s25], $0x400  }
0x53: {  	[sflag:s25] =	ssyncset.done $0x0  }
0x54: {  	[sflag:s25] =	ssyncadd.s32 $0xFFFFFC00  }
0x55: {  	[tilespmem:s16], [sflag:$0x1] =	stream.indirect.gather [hbm4b:s4+s15], $0x80, s14, s15, $0xb8;
	[tilespmem:$0x1C800] =	vst v63  }
0x56: {  	_ =	swait.ge [sflag:s21], $0x4000  }
0x57: {  	[sflag:s21] =	ssyncset.done $0x0  }
0x58: {  	[sflag:s21] =	ssyncadd.s32 $0xFFFFC000  }
0x59: {  	[spmem:s2] =	stream.indirect.scatter.add.f32 [tilespmem:s17], [sflag:$0x5], $0x80, s26, s15, $0xb8;
	[tilespmem:$0x1C800] =	vst v63  }
0x5a: {  	_ =	swait.ge [sflag:s13], $0x4000  }
0x5b: {  	p0 =	seq.s32 s6, $0xFFFFFF00;
	[sflag:s13] =	ssyncset.done $0x0  }
0x5c: {  	s10 =	sadd.s32 @!p0 s6, s11;
	[sflag:s13] =	ssyncadd.s32 $0xFFFFC000  }
0x5d: {  	[tilespmem:s17], [sflag:$0x2] =	stream.indirect.gather [hbm4b:s4+s15], $0x80, s28, s15, $0xb8;
	[tilespmem:$0x1C800] =	vst v63  }
0x5e: {  	s7 =	simm.s32 @!p0 $0x0;
	s10 =	sadd.s32 @!p0 $0xB00, s10  }
0x5f: {  	[tilespmem:s7], [sflag:$0x3] =	stream.linear.gather @!p0 [hbm4b:s10+s7], $0x400, $0x38;
	[tilespmem:$0x1C800] =	vst v63  }
0x60: {  	_ =	swait.ge [sflag:s18], $0x4000  }
0x61: {  	[sflag:s18] =	ssyncset.done $0x0  }
0x62: {  	[sflag:s18] =	ssyncadd.s32 $0xFFFFC000  }
0x63: {  	[spmem:s2] =	stream.indirect.scatter.add.f32 [tilespmem:s16], [sflag:$0x5], $0x80, s29, s15, $0xb8;
	[tilespmem:$0x1C800] =	vst v63  }
0x64: {  	_ =	swait.ge [sflag:s13], $0x4000  }
0x65: {  	[sflag:s13] =	ssyncset.done $0x0  }
0x66: {  	[sflag:s13] =	ssyncadd.s32 $0xFFFFC000  }
0x67: {  	[tilespmem:s16], [sflag:$0x1] =	stream.indirect.gather [hbm4b:s4+s15], $0x80, s30, s15, $0xb8;
	[tilespmem:$0x1C800] =	vst v63  }
0x68: {  	_ =	swait.ge [sflag:s21], $0x4000  }
0x69: {  	[sflag:s21] =	ssyncset.done $0x0  }
0x6a: {  	[sflag:s21] =	ssyncadd.s32 $0xFFFFC000  }
0x6b: {  	[spmem:s2] =	stream.indirect.scatter.add.f32 [tilespmem:s17], [sflag:$0x5], $0x80, s31, s15, $0xb8;
	[tilespmem:$0x1C800] =	vst v63  }
0x6c: {  	_ =	swait.ge [sflag:s13], $0x4000  }
0x6d: {  	[sflag:s13] =	ssyncset.done $0x0  }
0x6e: {  	[sflag:s13] =	ssyncadd.s32 $0xFFFFC000  }
0x6f: {  	[tilespmem:s17], [sflag:$0x2] =	stream.indirect.gather [hbm4b:s4+s15], $0x80, s0, s15, $0xb8;
	[tilespmem:$0x1C800] =	vst v63  }
0x70: {  	_ =	swait.ge [sflag:s18], $0x4000  }
0x71: {  	p0 =	sne.s32 s6, $0xFFFFFF00;
	[sflag:s18] =	ssyncset.done $0x0  }
.Ltmp2:
0x72: {  	[sflag:s18] =	ssyncadd.s32 $0xFFFFC000;
	(pc) =	sbr.rel @!p0 .LBB2_3-.Ltmp2, $4  }
0x73: {  	[spmem:s2] =	stream.indirect.scatter.add.f32 [tilespmem:s16], [sflag:$0x5], $0x80, s1, s15, $0xb8;
	[tilespmem:$0x1C800] =	vst v63  }
0x74: {  	_ =	swait.ge [sflag:s13], $0x4000  }
0x75: {  	[sflag:s13] =	ssyncset.done $0x0  }
0x76: {  	[sflag:s13] =	ssyncadd.s32 $0xFFFFC000  }
0x77: {  	_ =	swait.ge [sflag:s8], $0x400  }
0x78: {  	[sflag:s8] =	ssyncset.done $0x0  }
0x79: {  	[sflag:s8] =	ssyncadd.s32 $0xFFFFFC00  }
0x7a: {  	[tilespmem:s16], [sflag:$0x1] =	stream.indirect.gather [hbm4b:s4+s15], $0x80, s3, s15, $0xb8;
	[tilespmem:$0x1C800] =	vst v63  }
0x7b: {  	_ =	swait.ge [sflag:s21], $0x4000  }
0x7c: {  	[sflag:s21] =	ssyncset.done $0x0  }
0x7d: {  	s7 =	sadd.s32 s6, s11;
	s6 =	sadd.s32 $0x100, s6;
	[sflag:s21] =	ssyncadd.s32 $0xFFFFC000  }
0x7e: {  	[spmem:s2] =	stream.indirect.scatter.add.f32 [tilespmem:s17], [sflag:$0x5], $0x80, s5, s15, $0xb8;
	[tilespmem:$0x1C800] =	vst v63  }
0x7f: {  	p0 =	sne.s32 s6, $0x0;
	_ =	swait.ge [sflag:s13], $0x4000  }
.Ltmp3:
0x80: {  	[sflag:s13] =	ssyncset.done $0x0;
	(pc) =	sbr.rel @p0 .LBB2_2-.Ltmp3, $4  }
.Ltmp4:
0x81: {  	[sflag:s13] =	ssyncadd.s32 $0xFFFFC000;
	(pc) =	sbr.rel @!p0 .LBB2_5-.Ltmp4, $4  }
0x82: {  	[tilespmem:s17], [sflag:$0x2] =	stream.indirect.gather [hbm4b:s4+s15], $0x80, s15, s15, $0xb8;
	[tilespmem:$0x1C800] =	vst v63  }
0x83: {  	s7 =	sadd.s32 $0xB80, s7  }
0x84: {  	[tilespmem:s14], [sflag:$0x4] =	stream.linear.gather [hbm4b:s7+s3], $0x400, $0x38;
	[tilespmem:$0x1C800] =	vst v63  }
0x85: {  	_ = 	snop  }
.LBB2_6:
0x86: {  	_ =	sfence.sel $0x180000  }
0x87: {  	[bflag:$0x0] =	sbarrier.arrive $0xFFFF  }
0x88: {  	_ =	strace $0x90000050  }
0x89: {  	s0 =	stileid.u32;
	[bflag:$0x2] =	sbarrier.arrive $0xFFFF  }
0x8a: {  	p0 =	sne.s32 s0, $0x0;
	s0 =	rddreg [dreg:$0x2]  }
0x8b: {  	s0 =	sadd.s32 @!p0 $0x100000, s0  }
0x8c: {  	[sflag:s0] =	ssyncadd.tile.s32 @!p0 $0x1;
	_ =	shalt  }
.Lfunc_end2:
_tile_overlayer_lowered:
.L_overlay_start_2:
0x8d: {  	(tag) =	ssettag $0x2  }
0x8e: {  	s0 =	rddreg [dreg:$0x0];
	s2 =	stileid.u32  }
0x8f: {  	s1 =	rddreg [dreg:$0x1];
	p0 =	sne.s32 s2, $0x0  }
0x90: {  	s3 =	rddreg [dreg:$0x2];
	[bflag:$0x3] =	sbarrier.arrive $0xFFFF;
	s2 =	simm.s32 @!p0 $0x1C05  }
0x91: {  	[timem:s3], [sflag:s2] =	dma.local @!p0 [hbm:s0], s1  }
0x92: {  	s0 =	simm.s32 @!p0 $0x5  }
0x93: {  	_ =	swait.ge @!p0 [sflag:s0], s1  }
0x94: {  	s1 =	ssub.s32 @!p0 $0x0, s1;
	[sflag:s0] =	ssyncset.done @!p0 $0x0  }
0x95: {  	[sflag:s0] =	ssyncadd.s32 @!p0 s1  }
0x96: {  	[bflag:$0x3] =	sbarrier.arrive $0xFFFF  }
0x97: {  	_ =	shalt  }

// kernel: kernel.28.cloned.1.call-start
scs
__scs_entry_jumppad:
0x0: {  	(pc) =	sbr.rel $0x88, $3  }
0x1: {  	(tag) =	ssettag $0x0;
	lr =	simm.s32 $0x1  }
0x2: {  	[smem:$0x3F6F] =	sst lr;
	_ =	strace $0xD0000000  }
0x3: {  	_ = 	snop  }
0x4: {  	_ = 	snop  }
0x5: {  	_ = 	snop  }
0x6: {  	_ = 	snop  }
0x7: {  	_ = 	snop  }
__scs_overlays_trampoline_lowered:
0x8: {  	[smem:$0x3F7E] =	sst s0  }
0x9: {  	[smem:$0x3F7F] =	sst s1  }
0xa: {  	[smem:$0x3F80] =	sst s2  }
0xb: {  	[smem:$0x3F81] =	sst s3  }
0xc: {  	[smem:$0x3F82] =	sst s4  }
0xd: {  	[smem:$0x3F83] =	sst s5  }
0xe: {  	[smem:$0x3F84] =	sst s6  }
0xf: {  	[smem:$0x3F85] =	sst s7  }
0x10: {  	[smem:$0x3F86] =	sst s8  }
0x11: {  	[smem:$0x3F87] =	sst s9;
	s0 =	simm.s32 @!p0 $0x0  }
0x12: {  	s1 =	sld [smem:$0x3F6D];
	s0 =	simm.s32 @p0 $0x1  }
0x13: {  	[smem:$0x3F88] =	sst s0;
	s0 =	simm.s32 @!p1 $0x0  }
0x14: {  	s2 =	sld [smem:$0x3F6C];
	s0 =	simm.s32 @p1 $0x1  }
0x15: {  	[smem:$0x3F89] =	sst s0;
	s0 =	simm.s32 @!p2 $0x0  }
0x16: {  	s3 =	sld [smem:$0x3FDB];
	s0 =	simm.s32 @p2 $0x1  }
0x17: {  	s4 =	simm.s32 $0x1BF5;
	[smem:$0x3F8B] =	sst s0  }
0x18: {  	s0 =	sld [smem:$0x3F6E];
	_ =	swait.ge [sflag:s4], $0x0  }
0x19: {  	s7 =	sld [smem:$0x3F6F]  }
0x1a: {  	s8 =	sadd.s32 $0xFFFFE003, lr  }
0x1b: {  	s9 =	sadd.s32 $0xFFFFFEF7, lr;
	s5 =	simm.s32 $0xFFFFFFFF;
	p2 =	slt.u32 s8, $0xFFFFF086  }
0x1c: {  	p1 =	slt.u32 s9, $0xF7A;
	s5 =	simm.s32 @!p2 $0x0  }
0x1d: {  	s5 =	simm.s32 @p1 $0x1;
	p0 =	seq.s32 s7, s2  }
0x1e: {  	s7 =	smul.u32 @!p0 $0xF7A, s2;
	p2 =	seq.s32 @!p0 s5, $0x0  }
0x1f: {  	s9 =	smul.u32 $0xF7A, s1;
	s8 =	simm.s32 @!p0 $0x1BF5;
	p2 =	por !p2, p0  }
0x20: {  	[sflag:s8] =	ssyncset.s32 @!p0 $0xFFFFF086;
	s6 =	sadd.s32 @!p0 s3, s7;
	s7 =	simm.s32 @!p0 $0x108  }
0x21: {  	s3 =	sadd.s32 s3, s9;
	s6 =	sadd.s32 @!p0 $0x88, s6;
	s7 =	simm.s32 @p2 $0x1082  }
0x22: {  	[simem:s7], [sflag:s8] =	dma.local @!p0 [hbm:s6], $0xF7A  }
0x23: {  	s9 =	sor.u32 $0xD0000000, s2;
	s6 =	simm.s32 $0x108;
	_ =	swait.ge @!p0 [sflag:s8], $0x0  }
0x24: {  	s3 =	sadd.s32 $0x88, s3;
	s6 =	simm.s32 @!p1 $0x1082;
	[sflag:s4] =	ssyncset.s32 $0xFFFFF086  }
0x25: {  	[simem:s6], [sflag:s4] =	dma.local [hbm:s3], $0xF7A  }
0x26: {  	[smem:$0x3F6F] =	sst s1;
	(tag) =	ssettag s2;
	_ =	strace s9  }
0x27: {  	s1 =	sld [smem:$0x3F7F]  }
0x28: {  	s2 =	sld [smem:$0x3F80]  }
0x29: {  	s4 =	sld [smem:$0x3F82]  }
0x2a: {  	p0 =	seq.s32 s5, $0x0;
	s5 =	sld [smem:$0x3F83]  }
0x2b: {  	s6 =	sld [smem:$0x3F84]  }
0x2c: {  	s7 =	sld [smem:$0x3F85]  }
0x2d: {  	s3 =	simm.s32 $0x108;
	s8 =	sld [smem:$0x3F86]  }
0x2e: {  	s3 =	simm.s32 @!p0 $0x1082;
	s9 =	sld [smem:$0x3F87]  }
0x2f: {  	lr =	sadd.s32 s0, s3;
	s0 =	sld [smem:$0x3F7E]  }
0x30: {  	s3 =	sld [smem:$0x3F81]  }
0x31: {  	[smem:$0x3F8A] =	sst s10  }
0x32: {  	s10 =	sld [smem:$0x3F88];
	_ =	sdelay $0x3  }
0x33: {  	p0 =	seq.s32 s10, $0x1;
	s10 =	sld [smem:$0x3F8A];
	_ =	sdelay $0x3  }
0x34: {  	[smem:$0x3F8A] =	sst s10  }
0x35: {  	s10 =	sld [smem:$0x3F89];
	_ =	sdelay $0x3  }
0x36: {  	p1 =	seq.s32 s10, $0x1;
	s10 =	sld [smem:$0x3F8A];
	_ =	sdelay $0x3  }
0x37: {  	[smem:$0x3F8A] =	sst s10  }
0x38: {  	s10 =	sld [smem:$0x3F8B]  }
0x39: {  	_ = 	snop;
	(pc) =	sbr.ind lr, $3  }
0x3a: {  	_ = 	snop  }
0x3b: {  	_ = 	snop  }
0x3c: {  	p2 =	seq.s32 s10, $0x1;
	s10 =	sld [smem:$0x3F8A]  }
0x3d: {  	_ =	shalt  }
0x3e: {  	_ =	shalt  }
0x3f: {  	_ =	shalt  }
0x40: {  	_ =	shalt  }
0x41: {  	_ =	shalt  }
0x42: {  	_ =	shalt  }
0x43: {  	_ =	shalt  }
0x44: {  	_ =	shalt  }
0x45: {  	_ =	shalt  }
0x46: {  	_ =	shalt  }
0x47: {  	_ =	shalt  }
0x48: {  	_ =	shalt  }
0x49: {  	_ =	shalt  }
0x4a: {  	_ =	shalt  }
0x4b: {  	_ =	shalt  }
0x4c: {  	_ =	shalt  }
0x4d: {  	_ =	shalt  }
0x4e: {  	_ =	shalt  }
0x4f: {  	_ =	shalt  }
0x50: {  	_ =	shalt  }
0x51: {  	_ =	shalt  }
0x52: {  	_ =	shalt  }
0x53: {  	_ =	shalt  }
0x54: {  	_ =	shalt  }
0x55: {  	_ =	shalt  }
0x56: {  	_ =	shalt  }
0x57: {  	_ =	shalt  }
0x58: {  	_ =	shalt  }
0x59: {  	_ =	shalt  }
0x5a: {  	_ =	shalt  }
0x5b: {  	_ =	shalt  }
0x5c: {  	_ =	shalt  }
0x5d: {  	_ =	shalt  }
0x5e: {  	_ =	shalt  }
0x5f: {  	_ =	shalt  }
0x60: {  	_ =	shalt  }
0x61: {  	_ =	shalt  }
0x62: {  	_ =	shalt  }
0x63: {  	_ =	shalt  }
0x64: {  	_ =	shalt  }
0x65: {  	_ =	shalt  }
0x66: {  	_ =	shalt  }
0x67: {  	_ =	shalt  }
0x68: {  	_ =	shalt  }
0x69: {  	_ =	shalt  }
0x6a: {  	_ =	shalt  }
0x6b: {  	_ =	shalt  }
0x6c: {  	_ =	shalt  }
0x6d: {  	_ =	shalt  }
0x6e: {  	_ =	shalt  }
0x6f: {  	_ =	shalt  }
0x70: {  	_ =	shalt  }
0x71: {  	_ =	shalt  }
0x72: {  	_ =	shalt  }
0x73: {  	_ =	shalt  }
0x74: {  	_ =	shalt  }
0x75: {  	_ =	shalt  }
0x76: {  	_ =	shalt  }
0x77: {  	_ =	shalt  }
0x78: {  	_ =	shalt  }
0x79: {  	_ =	shalt  }
0x7a: {  	_ =	shalt  }
0x7b: {  	_ =	shalt  }
0x7c: {  	_ =	shalt  }
0x7d: {  	_ =	shalt  }
0x7e: {  	_ =	shalt  }
0x7f: {  	_ =	shalt  }
0x80: {  	_ =	shalt  }
0x81: {  	_ =	shalt  }
0x82: {  	_ =	shalt  }
0x83: {  	_ =	shalt  }
0x84: {  	_ =	shalt  }
0x85: {  	_ =	shalt  }
0x86: {  	_ =	shalt  }
0x87: {  	_ =	shalt  }
.Lfunc_end0:
.L_simem_size_0:
called_computation.4_lowered:
.L_overlay_start_0:
0x88: {  	s2 =	sld [smem:$0x3FD9]  }
0x89: {  	s3 =	sld [smem:$0x3FFE];
	_ =	sdelay $0x1  }
0x8a: {  	s1 =	srdreg.scid  }
0x8b: {  	s0 =	sand.u32 $0x1, s1  }
0x8c: {  	s16 =	sshll.u32 s0, $0xA;
	s2 =	sadd.s32 s3, s2  }
0x8d: {  	s2 =	sadd.s32 s2, s16  }
0x8e: {  	[smem:$0x3F96] =	sst s2  }
0x8f: {  	_ = 	snop  }
0x90: {  	(tm) =	ssettm $0x1  }
0x91: {  	s17 =	sld [smem:$0x3FFB];
	_ =	sdelay $0x3  }
0x92: {  	_ =	strace s17  }
0x93: {  	s2 =	sld [smem:$0x3FFC];
	_ =	sdelay $0x3  }
0x94: {  	_ =	strace s2  }
0x95: {  	s2 =	sld [smem:$0x3FFD];
	_ =	sdelay $0x3  }
0x96: {  	_ =	strace s2  }
0x97: {  	_ =	strace $0x8FFFFFFF  }
0x98: {  	s18 =	sld [smem:$0x3FDB];
	_ =	sdelay $0x1  }
0x99: {  	s19 =	simm.s32 $_scs_section_size  }
0x9a: {  	s4 =	simm.s32 $_size__tile_overlayer_lowered;
	s5 =	simm.s32 $_tile_overlayer_lowered  }
0x9b: {  	s22 =	simm.s32 $0x1BFF;
	s21 =	sshll.u32 s5, $0x1;
	s2 =	sadd.s32 s19, s18  }
0x9c: {  	s6 =	simm.s32 $0x0;
	s20 =	sshll.u32 s4, $0x1;
	s4 =	sadd.s32 s21, s2  }
0x9d: {  	[timem:s6], [sflag:s22] =	dma.local [hbm:s4], s20  }
0x9e: {  	_ =	swait.ge [sflag:s22], s20  }
0x9f: {  	s3 =	ssub.s32 $0x0, s20;
	[sflag:s22] =	ssyncset.done $0x0  }
0xa0: {  	[sflag:s22] =	ssyncadd.s32 s3;
	_ =	sdelay $0x1  }
0xa1: {  	s23 =	simm.s32 $0x1B8B  }
0xa2: {  	_ =	swait.ge [sflag:s23], $0x1  }
0xa3: {  	[sflag:s23] =	ssyncset.done $0x0  }
0xa4: {  	s25 =	simm.s32 $0x1B8E;
	s24 =	sld [smem:$0x3FFE];
	[sflag:s23] =	ssyncadd.s32 $0xFFFFFFFF  }
0xa5: {  	s26 =	simm.s32 $execute0_lowered;
	[smem:$0x3FD2] =	sst s25  }
0xa6: {  	s4 =	sshll.u32 s26, $0x1;
	_ =	strace $0x80000052;
	[dreg:$0x1] =	wrdreg $0xFFFFFFFF  }
0xa7: {  	s28 =	simm.s32 $_size_execute0_lowered;
	s2 =	sadd.s32 s2, s4;
	[dreg:$0x0] =	wrdreg $0x0  }
0xa8: {  	s4 =	sshll.u32 s28, $0x1;
	[dreg:$0x2] =	wrdreg s2  }
0xa9: {  	[dreg:$0x3] =	wrdreg s4  }
0xaa: {  	[dreg:$0x4] =	wrdreg $0xC0  }
0xab: {  	_ =	task [dreg:s6], $0x5FFFF  }
0xac: {  	[dreg:$0x1] =	wrdreg $0xFFFFFFFF  }
0xad: {  	[dreg:$0x0] =	wrdreg $0x60  }
0xae: {  	[dreg:$0x2] =	wrdreg s24  }
0xaf: {  	[dreg:$0x3] =	wrdreg $0x88000  }
0xb0: {  	[dreg:$0x4] =	wrdreg $0x9  }
0xb1: {  	_ =	task.clear_ibuf [dreg:s6], $0x5FFFF;
	_ =	strace $0x90000052  }
0xb2: {  	s29 =	simm.s32 $0x9;
	_ =	strace $0x80000054  }
0xb3: {  	_ =	swait.ge [sflag:s29], $0x1  }
0xb4: {  	[sflag:s29] =	ssyncadd.s32 $0xFFFFFFFF  }
0xb5: {  	_ =	strace $0x90000054  }
0xb6: {  	_ =	sfence  }
0xb7: {  	s30 =	sld [smem:$0x0];
	_ =	sdelay $0x2  }
0xb8: {  	s31 =	sshll.u32 s1, $0xD;
	s1 =	sshrl.u32 s1, $0x2  }
0xb9: {  	s3 =	sand.u32 $0x4000, s31;
	s1 =	sadd.s32 s1, s30  }
0xba: {  	s0 =	sor.u32 s3, s0;
	s1 =	sshll.u32 s1, $0x11  }
0xbb: {  	s0 =	sor.u32 s1, s0  }
0xbc: {  	s0 =	sadd.s32 $0x8F2B, s0  }
0xbd: {  	[sflag:s0] =	ssyncadd.remote.s32 $0x1  }
0xbe: {  	_ =	sfence.sel $0xFFFF  }
0xbf: {  	[dreg:$0x0] =	wrdreg $0xFFFFFFFF;
	(pc) =	sbr.abs _section_cstart, $3  }
0xc0: {  	[dreg:$0x1] =	wrdreg $0xFFFFFFFF  }
0xc1: {  	_ =	task.clear_ibuf [dreg:s6], $0x2FFFF;
	_ =	strace $0x9FFFFFFF  }
0xc2: {  	(tm) =	ssettm $0x7FFFFFFF  }
0xc3: {  	_ =	shalt  }
tec
execute0_lowered:
.L_overlay_start_1:
0x0: {  	(tag) =	ssettag $0x1  }
0x1: {  	s0 =	rddreg [dreg:$0x0]  }
0x2: {  	s2 =	rddreg [dreg:$0x1]  }
0x3: {  	s11 =	stileid.u32;
	s1 =	srdreg.scid;
	s3 =	simm.s32 $0x0  }
0x4: {  	s13 =	simm.s32 $0x5;
	s14 =	simm.s32 $0x400;
	s15 =	simm.s32 $0x80  }
0x5: {  	s16 =	simm.s32 $0x800;
	s17 =	simm.s32 $0x4800;
	s18 =	simm.s32 $0x1  }
0x6: {  	s19 =	simm.s32 $0x200;
	s20 =	simm.s32 $0x100;
	s28 =	simm.s32 $0x480  }
0x7: {  	s29 =	simm.s32 $0x600;
	s30 =	simm.s32 $0x500;
	s31 =	simm.s32 $0x680  }
0x8: {  	s5 =	smul.u32 $0x14000, s11;
	s1 =	sand.u32 $0x1, s1;
	[smem:$0x7FF] =	sst s3  }
0x9: {  	s4 =	sadd.s32 $0x90400, s0;
	s21 =	sadd.s32 $0x5200, s0;
	s10 =	smul.u32 $0x50000, s11  }
0xa: {  	s9 =	sshll.u32 s11, $0x1;
	s24 =	smul.u32 $0x1400, s11;
	s25 =	sshll.u32 s11, $0x6  }
0xb: {  	s6 =	smul.u32 $0x140000, s1;
	_ =	strace $0x80000053;
	s8 =	ssub.s32 $0x2, s1  }
0xc: {  	s9 =	sor.u32 s1, s9;
	s1 =	smul.u32 $0xA00, s1;
	s7 =	sshrl.u32 s5, $0x3  }
0xd: {  	s22 =	sshrl.u32 s8, $0x1;
	s23 =	sshrl.u32 s10, $0x2;
	s9 =	smul.u32 $0xA00, s9  }
0xe: {  	s5 =	sadd.s32 s5, s6;
	s7 =	sadd.s32 s7, s0;
	s6 =	sadd.s32 s24, s21  }
0xf: {  	s24 =	simm.s32 $0x300;
	s5 =	sshrl.u32 s5, $0x3;
	s7 =	sadd.s32 $0x19200, s7  }
0x10: {  	s9 =	sadd.s32 s21, s9;
	s11 =	sadd.s32 s1, s6;
	s21 =	simm.s32 $0x2  }
0x11: {  	s1 =	simm.s32 $0x700;
	s0 =	sadd.s32 s5, s0;
	s5 =	ssub.s32 s8, s22  }
0x12: {  	s8 =	sadd.s32 s23, s2;
	[dreg:$0x3] =	wrdreg s7;
	s7 =	sor.u32 $0x1C05, s25  }
0x13: {  	[dreg:$0x4] =	wrdreg s9;
	s9 =	sadd.s32 $0x80, s9;
	s22 =	simm.s32 $0x280  }
.Ltmp0:
0x14: {  	s23 =	simm.s32 $0x180;
	s25 =	simm.s32 $0x4;
	(pc) =	sbr.rel .LBB2_1-.Ltmp0, $4  }
0x15: {  	[dreg:$0x5] =	wrdreg s9;
	s0 =	sadd.s32 $0xB7600, s0;
	s26 =	smax.u32 s5, $0x1  }
0x16: {  	s10 =	sshrl.u32 s8, $0x3;
	s5 =	simm.s32 $0x780;
	[dreg:$0x6] =	wrdreg s0  }
0x17: {  	s8 =	simm.s32 $0x3;
	s9 =	simm.s32 $0x0;
	[dreg:$0x7] =	wrdreg s26  }
0x18: {  	s26 =	simm.s32 $0x380;
	s0 =	simm.s32 $0x580;
	[dreg:$0x8] =	wrdreg s10  }
.LBB2_3:
0x19: {  	_ =	swait.ge [sflag:s21], $0x4000  }
0x1a: {  	[sflag:s21] =	ssyncset.done $0x0  }
0x1b: {  	[sflag:s21] =	ssyncadd.s32 $0xFFFFC000  }
0x1c: {  	[spmem:s2] =	stream.indirect.scatter.add.f32 [tilespmem:s17], [sflag:$0x5], $0x80, s5, s15, $0xb8;
	[tilespmem:$0x1C800] =	vst v63  }
0x1d: {  	_ =	swait.ge [sflag:s13], $0x4000  }
0x1e: {  	[sflag:s13] =	ssyncset.done $0x0  }
0x1f: {  	[sflag:s13] =	ssyncadd.s32 $0xFFFFC000  }
.LBB2_5:
0x20: {  	[bflag:$0x0] =	sbarrier.arrive $0xFFFF  }
0x21: {  	s6 =	rddreg [dreg:$0x6]  }
0x22: {  	s10 =	rddreg [dreg:$0x8]  }
0x23: {  	[hbm:s6], [sflag:s12] =	dma.local [spmem:s10], $0x2800  }
0x24: {  	_ =	swait.ge [sflag:s13], $0x2800  }
0x25: {  	s7 =	smov.u32 s12;
	s9 =	sadd.s32 $0x1, s9;
	s12 =	rddreg [dreg:$0x7]  }
0x26: {  	p0 =	sne.s32 s9, s12  }
.Ltmp1:
0x27: {  	_ = 	snop;
	(pc) =	sbr.rel @!p0 .LBB2_6-.Ltmp1, $3  }
0x28: {  	_ =	sdelay $0x1  }
0x29: {  	[sflag:s13] =	ssyncset.done $0x0  }
0x2a: {  	[sflag:s13] =	ssyncadd.s32 $0xFFFFD800  }
.LBB2_1:
0x2b: {  	s6 =	rddreg [dreg:$0x3]  }
0x2c: {  	[spmem:s10], [sflag:s7] =	dma.local [hbm:s6], $0x2800  }
0x2d: {  	_ =	swait.ge [sflag:s13], $0x2800  }
0x2e: {  	[sflag:s13] =	ssyncset.done $0x0  }
0x2f: {  	[sflag:s13] =	ssyncadd.s32 $0xFFFFD800  }
0x30: {  	[bflag:$0x0] =	sbarrier.arrive $0xFFFF  }
0x31: {  	s12 =	smov.u32 s7;
	s7 =	rddreg [dreg:$0x4]  }
0x32: {  	[tilespmem:s3], [sflag:$0x5] =	stream.linear.gather [hbm4b:s7+s3], $0x400, $0x38;
	[tilespmem:$0x1C800] =	vst v63  }
0x33: {  	_ =	swait.ge [sflag:s13], $0x400  }
0x34: {  	[sflag:s13] =	ssyncset.done $0x0  }
0x35: {  	s10 =	rddreg [dreg:$0x5];
	[sflag:s13] =	ssyncadd.s32 $0xFFFFFC00  }
0x36: {  	[tilespmem:s14], [sflag:$0x4] =	stream.linear.gather [hbm4b:s10+s3], $0x400, $0x38;
	[tilespmem:$0x1C800] =	vst v63  }
0x37: {  	_ = 	snop  }
0x38: {  	[tilespmem:s16], [sflag:$0x1] =	stream.indirect.gather [hbm4b:s4+s15], $0x80, s3, s15, $0xb8;
	[tilespmem:$0x1C800] =	vst v63  }
0x39: {  	s6 =	simm.s32 $0xFFFFF600  }
0x3a: {  	[tilespmem:s17], [sflag:$0x2] =	stream.indirect.gather [hbm4b:s4+s15], $0x80, s15, s15, $0xb8;
	[tilespmem:$0x1C800] =	vst v63  }
.LBB2_2:
0x3b: {  	_ =	swait.ge [sflag:s18], $0x4000  }
0x3c: {  	[sflag:s18] =	ssyncset.done $0x0  }
0x3d: {  	[sflag:s18] =	ssyncadd.s32 $0xFFFFC000  }
0x3e: {  	[spmem:s2] =	stream.indirect.scatter.add.f32 [tilespmem:s16], [sflag:$0x5], $0x80, s19, s15, $0xb8;
	[tilespmem:$0x1C800] =	vst v63  }
0x3f: {  	_ =	swait.ge [sflag:s13], $0x4000  }
0x40: {  	[sflag:s13] =	ssyncset.done $0x0  }
0x41: {  	[sflag:s13] =	ssyncadd.s32 $0xFFFFC000  }
0x42: {  	[tilespmem:s16], [sflag:$0x1] =	stream.indirect.gather [hbm4b:s4+s15], $0x80, s20, s15, $0xb8;
	[tilespmem:$0x1C800] =	vst v63  }
0x43: {  	_ =	swait.ge [sflag:s21], $0x4000  }
0x44: {  	[sflag:s21] =	ssyncset.done $0x0  }
0x45: {  	[sflag:s21] =	ssyncadd.s32 $0xFFFFC000  }
0x46: {  	[spmem:s2] =	stream.indirect.scatter.add.f32 [tilespmem:s17], [sflag:$0x5], $0x80, s22, s15, $0xb8;
	[tilespmem:$0x1C800] =	vst v63  }
0x47: {  	_ =	swait.ge [sflag:s13], $0x4000  }
0x48: {  	[sflag:s13] =	ssyncset.done $0x0  }
0x49: {  	[sflag:s13] =	ssyncadd.s32 $0xFFFFC000  }
0x4a: {  	[tilespmem:s17], [sflag:$0x2] =	stream.indirect.gather [hbm4b:s4+s15], $0x80, s23, s15, $0xb8;
	[tilespmem:$0x1C800] =	vst v63  }
0x4b: {  	_ =	swait.ge [sflag:s18], $0x4000  }
0x4c: {  	[sflag:s18] =	ssyncset.done $0x0  }
0x4d: {  	[sflag:s18] =	ssyncadd.s32 $0xFFFFC000  }
0x4e: {  	[spmem:s2] =	stream.indirect.scatter.add.f32 [tilespmem:s16], [sflag:$0x5], $0x80, s24, s15, $0xb8;
	[tilespmem:$0x1C800] =	vst v63  }
0x4f: {  	_ =	swait.ge [sflag:s13], $0x4000  }
0x50: {  	[sflag:s13] =	ssyncset.done $0x0  }
0x51: {  	[sflag:s13] =	ssyncadd.s32 $0xFFFFC000  }
0x52: {  	_ =	swait.ge [sflag:s25], $0x400  }
0x53: {  	[sflag:s25] =	ssyncset.done $0x0  }
0x54: {  	[sflag:s25] =	ssyncadd.s32 $0xFFFFFC00  }
0x55: {  	[tilespmem:s16], [sflag:$0x1] =	stream.indirect.gather [hbm4b:s4+s15], $0x80, s14, s15, $0xb8;
	[tilespmem:$0x1C800] =	vst v63  }
0x56: {  	_ =	swait.ge [sflag:s21], $0x4000  }
0x57: {  	[sflag:s21] =	ssyncset.done $0x0  }
0x58: {  	[sflag:s21] =	ssyncadd.s32 $0xFFFFC000  }
0x59: {  	[spmem:s2] =	stream.indirect.scatter.add.f32 [tilespmem:s17], [sflag:$0x5], $0x80, s26, s15, $0xb8;
	[tilespmem:$0x1C800] =	vst v63  }
0x5a: {  	_ =	swait.ge [sflag:s13], $0x4000  }
0x5b: {  	p0 =	seq.s32 s6, $0xFFFFFF00;
	[sflag:s13] =	ssyncset.done $0x0  }
0x5c: {  	s10 =	sadd.s32 @!p0 s6, s11;
	[sflag:s13] =	ssyncadd.s32 $0xFFFFC000  }
0x5d: {  	[tilespmem:s17], [sflag:$0x2] =	stream.indirect.gather [hbm4b:s4+s15], $0x80, s28, s15, $0xb8;
	[tilespmem:$0x1C800] =	vst v63  }
0x5e: {  	s7 =	simm.s32 @!p0 $0x0;
	s10 =	sadd.s32 @!p0 $0xB00, s10  }
0x5f: {  	[tilespmem:s7], [sflag:$0x3] =	stream.linear.gather @!p0 [hbm4b:s10+s7], $0x400, $0x38;
	[tilespmem:$0x1C800] =	vst v63  }
0x60: {  	_ =	swait.ge [sflag:s18], $0x4000  }
0x61: {  	[sflag:s18] =	ssyncset.done $0x0  }
0x62: {  	[sflag:s18] =	ssyncadd.s32 $0xFFFFC000  }
0x63: {  	[spmem:s2] =	stream.indirect.scatter.add.f32 [tilespmem:s16], [sflag:$0x5], $0x80, s29, s15, $0xb8;
	[tilespmem:$0x1C800] =	vst v63  }
0x64: {  	_ =	swait.ge [sflag:s13], $0x4000  }
0x65: {  	[sflag:s13] =	ssyncset.done $0x0  }
0x66: {  	[sflag:s13] =	ssyncadd.s32 $0xFFFFC000  }
0x67: {  	[tilespmem:s16], [sflag:$0x1] =	stream.indirect.gather [hbm4b:s4+s15], $0x80, s30, s15, $0xb8;
	[tilespmem:$0x1C800] =	vst v63  }
0x68: {  	_ =	swait.ge [sflag:s21], $0x4000  }
0x69: {  	[sflag:s21] =	ssyncset.done $0x0  }
0x6a: {  	[sflag:s21] =	ssyncadd.s32 $0xFFFFC000  }
0x6b: {  	[spmem:s2] =	stream.indirect.scatter.add.f32 [tilespmem:s17], [sflag:$0x5], $0x80, s31, s15, $0xb8;
	[tilespmem:$0x1C800] =	vst v63  }
0x6c: {  	_ =	swait.ge [sflag:s13], $0x4000  }
0x6d: {  	[sflag:s13] =	ssyncset.done $0x0  }
0x6e: {  	[sflag:s13] =	ssyncadd.s32 $0xFFFFC000  }
0x6f: {  	[tilespmem:s17], [sflag:$0x2] =	stream.indirect.gather [hbm4b:s4+s15], $0x80, s0, s15, $0xb8;
	[tilespmem:$0x1C800] =	vst v63  }
0x70: {  	_ =	swait.ge [sflag:s18], $0x4000  }
0x71: {  	p0 =	sne.s32 s6, $0xFFFFFF00;
	[sflag:s18] =	ssyncset.done $0x0  }
.Ltmp2:
0x72: {  	[sflag:s18] =	ssyncadd.s32 $0xFFFFC000;
	(pc) =	sbr.rel @!p0 .LBB2_3-.Ltmp2, $4  }
0x73: {  	[spmem:s2] =	stream.indirect.scatter.add.f32 [tilespmem:s16], [sflag:$0x5], $0x80, s1, s15, $0xb8;
	[tilespmem:$0x1C800] =	vst v63  }
0x74: {  	_ =	swait.ge [sflag:s13], $0x4000  }
0x75: {  	[sflag:s13] =	ssyncset.done $0x0  }
0x76: {  	[sflag:s13] =	ssyncadd.s32 $0xFFFFC000  }
0x77: {  	_ =	swait.ge [sflag:s8], $0x400  }
0x78: {  	[sflag:s8] =	ssyncset.done $0x0  }
0x79: {  	[sflag:s8] =	ssyncadd.s32 $0xFFFFFC00  }
0x7a: {  	[tilespmem:s16], [sflag:$0x1] =	stream.indirect.gather [hbm4b:s4+s15], $0x80, s3, s15, $0xb8;
	[tilespmem:$0x1C800] =	vst v63  }
0x7b: {  	_ =	swait.ge [sflag:s21], $0x4000  }
0x7c: {  	[sflag:s21] =	ssyncset.done $0x0  }
0x7d: {  	s7 =	sadd.s32 s6, s11;
	s6 =	sadd.s32 $0x100, s6;
	[sflag:s21] =	ssyncadd.s32 $0xFFFFC000  }
0x7e: {  	[spmem:s2] =	stream.indirect.scatter.add.f32 [tilespmem:s17], [sflag:$0x5], $0x80, s5, s15, $0xb8;
	[tilespmem:$0x1C800] =	vst v63  }
0x7f: {  	p0 =	sne.s32 s6, $0x0;
	_ =	swait.ge [sflag:s13], $0x4000  }
.Ltmp3:
0x80: {  	[sflag:s13] =	ssyncset.done $0x0;
	(pc) =	sbr.rel @p0 .LBB2_2-.Ltmp3, $4  }
.Ltmp4:
0x81: {  	[sflag:s13] =	ssyncadd.s32 $0xFFFFC000;
	(pc) =	sbr.rel @!p0 .LBB2_5-.Ltmp4, $4  }
0x82: {  	[tilespmem:s17], [sflag:$0x2] =	stream.indirect.gather [hbm4b:s4+s15], $0x80, s15, s15, $0xb8;
	[tilespmem:$0x1C800] =	vst v63  }
0x83: {  	s7 =	sadd.s32 $0xB80, s7  }
0x84: {  	[tilespmem:s14], [sflag:$0x4] =	stream.linear.gather [hbm4b:s7+s3], $0x400, $0x38;
	[tilespmem:$0x1C800] =	vst v63  }
0x85: {  	_ = 	snop  }
.LBB2_6:
0x86: {  	_ =	sfence.sel $0x180000  }
0x87: {  	[bflag:$0x0] =	sbarrier.arrive $0xFFFF  }
0x88: {  	_ =	strace $0x90000053  }
0x89: {  	s0 =	stileid.u32;
	[bflag:$0x2] =	sbarrier.arrive $0xFFFF  }
0x8a: {  	p0 =	sne.s32 s0, $0x0;
	s0 =	rddreg [dreg:$0x2]  }
0x8b: {  	s0 =	sadd.s32 @!p0 $0x100000, s0  }
0x8c: {  	[sflag:s0] =	ssyncadd.tile.s32 @!p0 $0x1;
	_ =	shalt  }
.Lfunc_end2:
_tile_overlayer_lowered:
.L_overlay_start_2:
0x8d: {  	(tag) =	ssettag $0x2  }
0x8e: {  	s0 =	rddreg [dreg:$0x0];
	s2 =	stileid.u32  }
0x8f: {  	s1 =	rddreg [dreg:$0x1];
	p0 =	sne.s32 s2, $0x0  }
0x90: {  	s3 =	rddreg [dreg:$0x2];
	[bflag:$0x3] =	sbarrier.arrive $0xFFFF;
	s2 =	simm.s32 @!p0 $0x1C05  }
0x91: {  	[timem:s3], [sflag:s2] =	dma.local @!p0 [hbm:s0], s1  }
0x92: {  	s0 =	simm.s32 @!p0 $0x5  }
0x93: {  	_ =	swait.ge @!p0 [sflag:s0], s1  }
0x94: {  	s1 =	ssub.s32 @!p0 $0x0, s1;
	[sflag:s0] =	ssyncset.done @!p0 $0x0  }
0x95: {  	[sflag:s0] =	ssyncadd.s32 @!p0 s1  }
0x96: {  	[bflag:$0x3] =	sbarrier.arrive $0xFFFF  }
0x97: {  	_ =	shalt  }

// kernel: kernel.31.cloned.1.call-start
scs
__scs_entry_jumppad:
0x0: {  	(pc) =	sbr.rel $0x88, $3  }
0x1: {  	(tag) =	ssettag $0x0;
	lr =	simm.s32 $0x1  }
0x2: {  	[smem:$0x3F6F] =	sst lr;
	_ =	strace $0xD0000000  }
0x3: {  	_ = 	snop  }
0x4: {  	_ = 	snop  }
0x5: {  	_ = 	snop  }
0x6: {  	_ = 	snop  }
0x7: {  	_ = 	snop  }
__scs_overlays_trampoline_lowered:
0x8: {  	[smem:$0x3F7E] =	sst s0  }
0x9: {  	[smem:$0x3F7F] =	sst s1  }
0xa: {  	[smem:$0x3F80] =	sst s2  }
0xb: {  	[smem:$0x3F81] =	sst s3  }
0xc: {  	[smem:$0x3F82] =	sst s4  }
0xd: {  	[smem:$0x3F83] =	sst s5  }
0xe: {  	[smem:$0x3F84] =	sst s6  }
0xf: {  	[smem:$0x3F85] =	sst s7  }
0x10: {  	[smem:$0x3F86] =	sst s8  }
0x11: {  	[smem:$0x3F87] =	sst s9;
	s0 =	simm.s32 @!p0 $0x0  }
0x12: {  	s1 =	sld [smem:$0x3F6D];
	s0 =	simm.s32 @p0 $0x1  }
0x13: {  	[smem:$0x3F88] =	sst s0;
	s0 =	simm.s32 @!p1 $0x0  }
0x14: {  	s2 =	sld [smem:$0x3F6C];
	s0 =	simm.s32 @p1 $0x1  }
0x15: {  	[smem:$0x3F89] =	sst s0;
	s0 =	simm.s32 @!p2 $0x0  }
0x16: {  	s3 =	sld [smem:$0x3FDB];
	s0 =	simm.s32 @p2 $0x1  }
0x17: {  	s4 =	simm.s32 $0x1BF5;
	[smem:$0x3F8B] =	sst s0  }
0x18: {  	s0 =	sld [smem:$0x3F6E];
	_ =	swait.ge [sflag:s4], $0x0  }
0x19: {  	s7 =	sld [smem:$0x3F6F]  }
0x1a: {  	s8 =	sadd.s32 $0xFFFFE003, lr  }
0x1b: {  	s9 =	sadd.s32 $0xFFFFFEF7, lr;
	s5 =	simm.s32 $0xFFFFFFFF;
	p2 =	slt.u32 s8, $0xFFFFF086  }
0x1c: {  	p1 =	slt.u32 s9, $0xF7A;
	s5 =	simm.s32 @!p2 $0x0  }
0x1d: {  	s5 =	simm.s32 @p1 $0x1;
	p0 =	seq.s32 s7, s2  }
0x1e: {  	s7 =	smul.u32 @!p0 $0xF7A, s2;
	p2 =	seq.s32 @!p0 s5, $0x0  }
0x1f: {  	s9 =	smul.u32 $0xF7A, s1;
	s8 =	simm.s32 @!p0 $0x1BF5;
	p2 =	por !p2, p0  }
0x20: {  	[sflag:s8] =	ssyncset.s32 @!p0 $0xFFFFF086;
	s6 =	sadd.s32 @!p0 s3, s7;
	s7 =	simm.s32 @!p0 $0x108  }
0x21: {  	s3 =	sadd.s32 s3, s9;
	s6 =	sadd.s32 @!p0 $0x88, s6;
	s7 =	simm.s32 @p2 $0x1082  }
0x22: {  	[simem:s7], [sflag:s8] =	dma.local @!p0 [hbm:s6], $0xF7A  }
0x23: {  	s9 =	sor.u32 $0xD0000000, s2;
	s6 =	simm.s32 $0x108;
	_ =	swait.ge @!p0 [sflag:s8], $0x0  }
0x24: {  	s3 =	sadd.s32 $0x88, s3;
	s6 =	simm.s32 @!p1 $0x1082;
	[sflag:s4] =	ssyncset.s32 $0xFFFFF086  }
0x25: {  	[simem:s6], [sflag:s4] =	dma.local [hbm:s3], $0xF7A  }
0x26: {  	[smem:$0x3F6F] =	sst s1;
	(tag) =	ssettag s2;
	_ =	strace s9  }
0x27: {  	s1 =	sld [smem:$0x3F7F]  }
0x28: {  	s2 =	sld [smem:$0x3F80]  }
0x29: {  	s4 =	sld [smem:$0x3F82]  }
0x2a: {  	p0 =	seq.s32 s5, $0x0;
	s5 =	sld [smem:$0x3F83]  }
0x2b: {  	s6 =	sld [smem:$0x3F84]  }
0x2c: {  	s7 =	sld [smem:$0x3F85]  }
0x2d: {  	s3 =	simm.s32 $0x108;
	s8 =	sld [smem:$0x3F86]  }
0x2e: {  	s3 =	simm.s32 @!p0 $0x1082;
	s9 =	sld [smem:$0x3F87]  }
0x2f: {  	lr =	sadd.s32 s0, s3;
	s0 =	sld [smem:$0x3F7E]  }
0x30: {  	s3 =	sld [smem:$0x3F81]  }
0x31: {  	[smem:$0x3F8A] =	sst s10  }
0x32: {  	s10 =	sld [smem:$0x3F88];
	_ =	sdelay $0x3  }
0x33: {  	p0 =	seq.s32 s10, $0x1;
	s10 =	sld [smem:$0x3F8A];
	_ =	sdelay $0x3  }
0x34: {  	[smem:$0x3F8A] =	sst s10  }
0x35: {  	s10 =	sld [smem:$0x3F89];
	_ =	sdelay $0x3  }
0x36: {  	p1 =	seq.s32 s10, $0x1;
	s10 =	sld [smem:$0x3F8A];
	_ =	sdelay $0x3  }
0x37: {  	[smem:$0x3F8A] =	sst s10  }
0x38: {  	s10 =	sld [smem:$0x3F8B]  }
0x39: {  	_ = 	snop;
	(pc) =	sbr.ind lr, $3  }
0x3a: {  	_ = 	snop  }
0x3b: {  	_ = 	snop  }
0x3c: {  	p2 =	seq.s32 s10, $0x1;
	s10 =	sld [smem:$0x3F8A]  }
0x3d: {  	_ =	shalt  }
0x3e: {  	_ =	shalt  }
0x3f: {  	_ =	shalt  }
0x40: {  	_ =	shalt  }
0x41: {  	_ =	shalt  }
0x42: {  	_ =	shalt  }
0x43: {  	_ =	shalt  }
0x44: {  	_ =	shalt  }
0x45: {  	_ =	shalt  }
0x46: {  	_ =	shalt  }
0x47: {  	_ =	shalt  }
0x48: {  	_ =	shalt  }
0x49: {  	_ =	shalt  }
0x4a: {  	_ =	shalt  }
0x4b: {  	_ =	shalt  }
0x4c: {  	_ =	shalt  }
0x4d: {  	_ =	shalt  }
0x4e: {  	_ =	shalt  }
0x4f: {  	_ =	shalt  }
0x50: {  	_ =	shalt  }
0x51: {  	_ =	shalt  }
0x52: {  	_ =	shalt  }
0x53: {  	_ =	shalt  }
0x54: {  	_ =	shalt  }
0x55: {  	_ =	shalt  }
0x56: {  	_ =	shalt  }
0x57: {  	_ =	shalt  }
0x58: {  	_ =	shalt  }
0x59: {  	_ =	shalt  }
0x5a: {  	_ =	shalt  }
0x5b: {  	_ =	shalt  }
0x5c: {  	_ =	shalt  }
0x5d: {  	_ =	shalt  }
0x5e: {  	_ =	shalt  }
0x5f: {  	_ =	shalt  }
0x60: {  	_ =	shalt  }
0x61: {  	_ =	shalt  }
0x62: {  	_ =	shalt  }
0x63: {  	_ =	shalt  }
0x64: {  	_ =	shalt  }
0x65: {  	_ =	shalt  }
0x66: {  	_ =	shalt  }
0x67: {  	_ =	shalt  }
0x68: {  	_ =	shalt  }
0x69: {  	_ =	shalt  }
0x6a: {  	_ =	shalt  }
0x6b: {  	_ =	shalt  }
0x6c: {  	_ =	shalt  }
0x6d: {  	_ =	shalt  }
0x6e: {  	_ =	shalt  }
0x6f: {  	_ =	shalt  }
0x70: {  	_ =	shalt  }
0x71: {  	_ =	shalt  }
0x72: {  	_ =	shalt  }
0x73: {  	_ =	shalt  }
0x74: {  	_ =	shalt  }
0x75: {  	_ =	shalt  }
0x76: {  	_ =	shalt  }
0x77: {  	_ =	shalt  }
0x78: {  	_ =	shalt  }
0x79: {  	_ =	shalt  }
0x7a: {  	_ =	shalt  }
0x7b: {  	_ =	shalt  }
0x7c: {  	_ =	shalt  }
0x7d: {  	_ =	shalt  }
0x7e: {  	_ =	shalt  }
0x7f: {  	_ =	shalt  }
0x80: {  	_ =	shalt  }
0x81: {  	_ =	shalt  }
0x82: {  	_ =	shalt  }
0x83: {  	_ =	shalt  }
0x84: {  	_ =	shalt  }
0x85: {  	_ =	shalt  }
0x86: {  	_ =	shalt  }
0x87: {  	_ =	shalt  }
.Lfunc_end0:
.L_simem_size_0:
called_computation.5_lowered:
.L_overlay_start_0:
0x88: {  	s2 =	sld [smem:$0x3FD9]  }
0x89: {  	s3 =	sld [smem:$0x3FFE];
	_ =	sdelay $0x1  }
0x8a: {  	s1 =	srdreg.scid  }
0x8b: {  	s0 =	sand.u32 $0x1, s1  }
0x8c: {  	s16 =	sshll.u32 s0, $0xA;
	s2 =	sadd.s32 s3, s2  }
0x8d: {  	s2 =	sadd.s32 s2, s16  }
0x8e: {  	[smem:$0x3F96] =	sst s2  }
0x8f: {  	_ = 	snop  }
0x90: {  	(tm) =	ssettm $0x1  }
0x91: {  	s17 =	sld [smem:$0x3FFB];
	_ =	sdelay $0x3  }
0x92: {  	_ =	strace s17  }
0x93: {  	s2 =	sld [smem:$0x3FFC];
	_ =	sdelay $0x3  }
0x94: {  	_ =	strace s2  }
0x95: {  	s2 =	sld [smem:$0x3FFD];
	_ =	sdelay $0x3  }
0x96: {  	_ =	strace s2  }
0x97: {  	_ =	strace $0x8FFFFFFF  }
0x98: {  	s18 =	sld [smem:$0x3FDB];
	_ =	sdelay $0x1  }
0x99: {  	s19 =	simm.s32 $_scs_section_size  }
0x9a: {  	s4 =	simm.s32 $_size__tile_overlayer_lowered;
	s5 =	simm.s32 $_tile_overlayer_lowered  }
0x9b: {  	s22 =	simm.s32 $0x1BFF;
	s21 =	sshll.u32 s5, $0x1;
	s2 =	sadd.s32 s19, s18  }
0x9c: {  	s6 =	simm.s32 $0x0;
	s20 =	sshll.u32 s4, $0x1;
	s4 =	sadd.s32 s21, s2  }
0x9d: {  	[timem:s6], [sflag:s22] =	dma.local [hbm:s4], s20  }
0x9e: {  	_ =	swait.ge [sflag:s22], s20  }
0x9f: {  	s3 =	ssub.s32 $0x0, s20;
	[sflag:s22] =	ssyncset.done $0x0  }
0xa0: {  	[sflag:s22] =	ssyncadd.s32 s3;
	_ =	sdelay $0x1  }
0xa1: {  	s23 =	simm.s32 $0x1B8B  }
0xa2: {  	_ =	swait.ge [sflag:s23], $0x1  }
0xa3: {  	[sflag:s23] =	ssyncset.done $0x0  }
0xa4: {  	s25 =	simm.s32 $0x1B8E;
	s24 =	sld [smem:$0x3FFE];
	[sflag:s23] =	ssyncadd.s32 $0xFFFFFFFF  }
0xa5: {  	s26 =	simm.s32 $execute0_lowered;
	[smem:$0x3FD2] =	sst s25  }
0xa6: {  	s4 =	sshll.u32 s26, $0x1;
	_ =	strace $0x80000055;
	[dreg:$0x1] =	wrdreg $0xFFFFFFFF  }
0xa7: {  	s28 =	simm.s32 $_size_execute0_lowered;
	s2 =	sadd.s32 s2, s4;
	[dreg:$0x0] =	wrdreg $0x0  }
0xa8: {  	s4 =	sshll.u32 s28, $0x1;
	[dreg:$0x2] =	wrdreg s2  }
0xa9: {  	[dreg:$0x3] =	wrdreg s4  }
0xaa: {  	[dreg:$0x4] =	wrdreg $0xC0  }
0xab: {  	_ =	task [dreg:s6], $0x5FFFF  }
0xac: {  	[dreg:$0x1] =	wrdreg $0xFFFFFFFF  }
0xad: {  	[dreg:$0x0] =	wrdreg $0x60  }
0xae: {  	[dreg:$0x2] =	wrdreg s24  }
0xaf: {  	[dreg:$0x3] =	wrdreg $0x88000  }
0xb0: {  	[dreg:$0x4] =	wrdreg $0x9  }
0xb1: {  	_ =	task.clear_ibuf [dreg:s6], $0x5FFFF;
	_ =	strace $0x90000055  }
0xb2: {  	s29 =	simm.s32 $0x9;
	_ =	strace $0x80000057  }
0xb3: {  	_ =	swait.ge [sflag:s29], $0x1  }
0xb4: {  	[sflag:s29] =	ssyncadd.s32 $0xFFFFFFFF  }
0xb5: {  	_ =	strace $0x90000057  }
0xb6: {  	_ =	sfence  }
0xb7: {  	s30 =	sld [smem:$0x0];
	_ =	sdelay $0x2  }
0xb8: {  	s31 =	sshll.u32 s1, $0xD;
	s1 =	sshrl.u32 s1, $0x2  }
0xb9: {  	s3 =	sand.u32 $0x4000, s31;
	s1 =	sadd.s32 s1, s30  }
0xba: {  	s0 =	sor.u32 s3, s0;
	s1 =	sshll.u32 s1, $0x11  }
0xbb: {  	s0 =	sor.u32 s1, s0  }
0xbc: {  	s0 =	sadd.s32 $0x8F2B, s0  }
0xbd: {  	[sflag:s0] =	ssyncadd.remote.s32 $0x1  }
0xbe: {  	_ =	sfence.sel $0xFFFF  }
0xbf: {  	[dreg:$0x0] =	wrdreg $0xFFFFFFFF;
	(pc) =	sbr.abs _section_cstart, $3  }
0xc0: {  	[dreg:$0x1] =	wrdreg $0xFFFFFFFF  }
0xc1: {  	_ =	task.clear_ibuf [dreg:s6], $0x2FFFF;
	_ =	strace $0x9FFFFFFF  }
0xc2: {  	(tm) =	ssettm $0x7FFFFFFF  }
0xc3: {  	_ =	shalt  }
tec
execute0_lowered:
.L_overlay_start_1:
0x0: {  	(tag) =	ssettag $0x1  }
0x1: {  	s0 =	rddreg [dreg:$0x0]  }
0x2: {  	s2 =	rddreg [dreg:$0x1]  }
0x3: {  	s11 =	stileid.u32;
	s1 =	srdreg.scid;
	s3 =	simm.s32 $0x0  }
0x4: {  	s13 =	simm.s32 $0x5;
	s14 =	simm.s32 $0x400;
	s15 =	simm.s32 $0x80  }
0x5: {  	s16 =	simm.s32 $0x800;
	s17 =	simm.s32 $0x4800;
	s18 =	simm.s32 $0x1  }
0x6: {  	s19 =	simm.s32 $0x200;
	s20 =	simm.s32 $0x100;
	s28 =	simm.s32 $0x480  }
0x7: {  	s29 =	simm.s32 $0x600;
	s30 =	simm.s32 $0x500;
	s31 =	simm.s32 $0x680  }
0x8: {  	s5 =	smul.u32 $0x14000, s11;
	s1 =	sand.u32 $0x1, s1;
	[smem:$0x7FF] =	sst s3  }
0x9: {  	s4 =	sadd.s32 $0x69200, s0;
	s21 =	sadd.s32 $0x5200, s0;
	s10 =	smul.u32 $0x50000, s11  }
0xa: {  	s9 =	sshll.u32 s11, $0x1;
	s24 =	smul.u32 $0x1400, s11;
	s25 =	sshll.u32 s11, $0x6  }
0xb: {  	s6 =	smul.u32 $0x140000, s1;
	_ =	strace $0x80000056;
	s8 =	ssub.s32 $0x2, s1  }
0xc: {  	s9 =	sor.u32 s1, s9;
	s1 =	smul.u32 $0xA00, s1;
	s7 =	sshrl.u32 s5, $0x3  }
0xd: {  	s22 =	sshrl.u32 s8, $0x1;
	s23 =	sshrl.u32 s10, $0x2;
	s9 =	smul.u32 $0xA00, s9  }
0xe: {  	s5 =	sadd.s32 s5, s6;
	s7 =	sadd.s32 s7, s0;
	s6 =	sadd.s32 s24, s21  }
0xf: {  	s24 =	simm.s32 $0x300;
	s5 =	sshrl.u32 s5, $0x3;
	s7 =	sadd.s32 $0x19200, s7  }
0x10: {  	s9 =	sadd.s32 s21, s9;
	s11 =	sadd.s32 s1, s6;
	s21 =	simm.s32 $0x2  }
0x11: {  	s1 =	simm.s32 $0x700;
	s0 =	sadd.s32 s5, s0;
	s5 =	ssub.s32 s8, s22  }
0x12: {  	s8 =	sadd.s32 s23, s2;
	[dreg:$0x3] =	wrdreg s7;
	s7 =	sor.u32 $0x1C05, s25  }
0x13: {  	[dreg:$0x4] =	wrdreg s9;
	s9 =	sadd.s32 $0x80, s9;
	s22 =	simm.s32 $0x280  }
.Ltmp0:
0x14: {  	s23 =	simm.s32 $0x180;
	s25 =	simm.s32 $0x4;
	(pc) =	sbr.rel .LBB2_1-.Ltmp0, $4  }
0x15: {  	[dreg:$0x5] =	wrdreg s9;
	s0 =	sadd.s32 $0x90400, s0;
	s26 =	smax.u32 s5, $0x1  }
0x16: {  	s10 =	sshrl.u32 s8, $0x3;
	s5 =	simm.s32 $0x780;
	[dreg:$0x6] =	wrdreg s0  }
0x17: {  	s8 =	simm.s32 $0x3;
	s9 =	simm.s32 $0x0;
	[dreg:$0x7] =	wrdreg s26  }
0x18: {  	s26 =	simm.s32 $0x380;
	s0 =	simm.s32 $0x580;
	[dreg:$0x8] =	wrdreg s10  }
.LBB2_3:
0x19: {  	_ =	swait.ge [sflag:s21], $0x4000  }
0x1a: {  	[sflag:s21] =	ssyncset.done $0x0  }
0x1b: {  	[sflag:s21] =	ssyncadd.s32 $0xFFFFC000  }
0x1c: {  	[spmem:s2] =	stream.indirect.scatter.add.f32 [tilespmem:s17], [sflag:$0x5], $0x80, s5, s15, $0xb8;
	[tilespmem:$0x1C800] =	vst v63  }
0x1d: {  	_ =	swait.ge [sflag:s13], $0x4000  }
0x1e: {  	[sflag:s13] =	ssyncset.done $0x0  }
0x1f: {  	[sflag:s13] =	ssyncadd.s32 $0xFFFFC000  }
.LBB2_5:
0x20: {  	[bflag:$0x0] =	sbarrier.arrive $0xFFFF  }
0x21: {  	s6 =	rddreg [dreg:$0x6]  }
0x22: {  	s10 =	rddreg [dreg:$0x8]  }
0x23: {  	[hbm:s6], [sflag:s12] =	dma.local [spmem:s10], $0x2800  }
0x24: {  	_ =	swait.ge [sflag:s13], $0x2800  }
0x25: {  	s7 =	smov.u32 s12;
	s9 =	sadd.s32 $0x1, s9;
	s12 =	rddreg [dreg:$0x7]  }
0x26: {  	p0 =	sne.s32 s9, s12  }
.Ltmp1:
0x27: {  	_ = 	snop;
	(pc) =	sbr.rel @!p0 .LBB2_6-.Ltmp1, $3  }
0x28: {  	_ =	sdelay $0x1  }
0x29: {  	[sflag:s13] =	ssyncset.done $0x0  }
0x2a: {  	[sflag:s13] =	ssyncadd.s32 $0xFFFFD800  }
.LBB2_1:
0x2b: {  	s6 =	rddreg [dreg:$0x3]  }
0x2c: {  	[spmem:s10], [sflag:s7] =	dma.local [hbm:s6], $0x2800  }
0x2d: {  	_ =	swait.ge [sflag:s13], $0x2800  }
0x2e: {  	[sflag:s13] =	ssyncset.done $0x0  }
0x2f: {  	[sflag:s13] =	ssyncadd.s32 $0xFFFFD800  }
0x30: {  	[bflag:$0x0] =	sbarrier.arrive $0xFFFF  }
0x31: {  	s12 =	smov.u32 s7;
	s7 =	rddreg [dreg:$0x4]  }
0x32: {  	[tilespmem:s3], [sflag:$0x5] =	stream.linear.gather [hbm4b:s7+s3], $0x400, $0x38;
	[tilespmem:$0x1C800] =	vst v63  }
0x33: {  	_ =	swait.ge [sflag:s13], $0x400  }
0x34: {  	[sflag:s13] =	ssyncset.done $0x0  }
0x35: {  	s10 =	rddreg [dreg:$0x5];
	[sflag:s13] =	ssyncadd.s32 $0xFFFFFC00  }
0x36: {  	[tilespmem:s14], [sflag:$0x4] =	stream.linear.gather [hbm4b:s10+s3], $0x400, $0x38;
	[tilespmem:$0x1C800] =	vst v63  }
0x37: {  	_ = 	snop  }
0x38: {  	[tilespmem:s16], [sflag:$0x1] =	stream.indirect.gather [hbm4b:s4+s15], $0x80, s3, s15, $0xb8;
	[tilespmem:$0x1C800] =	vst v63  }
0x39: {  	s6 =	simm.s32 $0xFFFFF600  }
0x3a: {  	[tilespmem:s17], [sflag:$0x2] =	stream.indirect.gather [hbm4b:s4+s15], $0x80, s15, s15, $0xb8;
	[tilespmem:$0x1C800] =	vst v63  }
.LBB2_2:
0x3b: {  	_ =	swait.ge [sflag:s18], $0x4000  }
0x3c: {  	[sflag:s18] =	ssyncset.done $0x0  }
0x3d: {  	[sflag:s18] =	ssyncadd.s32 $0xFFFFC000  }
0x3e: {  	[spmem:s2] =	stream.indirect.scatter.add.f32 [tilespmem:s16], [sflag:$0x5], $0x80, s19, s15, $0xb8;
	[tilespmem:$0x1C800] =	vst v63  }
0x3f: {  	_ =	swait.ge [sflag:s13], $0x4000  }
0x40: {  	[sflag:s13] =	ssyncset.done $0x0  }
0x41: {  	[sflag:s13] =	ssyncadd.s32 $0xFFFFC000  }
0x42: {  	[tilespmem:s16], [sflag:$0x1] =	stream.indirect.gather [hbm4b:s4+s15], $0x80, s20, s15, $0xb8;
	[tilespmem:$0x1C800] =	vst v63  }
0x43: {  	_ =	swait.ge [sflag:s21], $0x4000  }
0x44: {  	[sflag:s21] =	ssyncset.done $0x0  }
0x45: {  	[sflag:s21] =	ssyncadd.s32 $0xFFFFC000  }
0x46: {  	[spmem:s2] =	stream.indirect.scatter.add.f32 [tilespmem:s17], [sflag:$0x5], $0x80, s22, s15, $0xb8;
	[tilespmem:$0x1C800] =	vst v63  }
0x47: {  	_ =	swait.ge [sflag:s13], $0x4000  }
0x48: {  	[sflag:s13] =	ssyncset.done $0x0  }
0x49: {  	[sflag:s13] =	ssyncadd.s32 $0xFFFFC000  }
0x4a: {  	[tilespmem:s17], [sflag:$0x2] =	stream.indirect.gather [hbm4b:s4+s15], $0x80, s23, s15, $0xb8;
	[tilespmem:$0x1C800] =	vst v63  }
0x4b: {  	_ =	swait.ge [sflag:s18], $0x4000  }
0x4c: {  	[sflag:s18] =	ssyncset.done $0x0  }
0x4d: {  	[sflag:s18] =	ssyncadd.s32 $0xFFFFC000  }
0x4e: {  	[spmem:s2] =	stream.indirect.scatter.add.f32 [tilespmem:s16], [sflag:$0x5], $0x80, s24, s15, $0xb8;
	[tilespmem:$0x1C800] =	vst v63  }
0x4f: {  	_ =	swait.ge [sflag:s13], $0x4000  }
0x50: {  	[sflag:s13] =	ssyncset.done $0x0  }
0x51: {  	[sflag:s13] =	ssyncadd.s32 $0xFFFFC000  }
0x52: {  	_ =	swait.ge [sflag:s25], $0x400  }
0x53: {  	[sflag:s25] =	ssyncset.done $0x0  }
0x54: {  	[sflag:s25] =	ssyncadd.s32 $0xFFFFFC00  }
0x55: {  	[tilespmem:s16], [sflag:$0x1] =	stream.indirect.gather [hbm4b:s4+s15], $0x80, s14, s15, $0xb8;
	[tilespmem:$0x1C800] =	vst v63  }
0x56: {  	_ =	swait.ge [sflag:s21], $0x4000  }
0x57: {  	[sflag:s21] =	ssyncset.done $0x0  }
0x58: {  	[sflag:s21] =	ssyncadd.s32 $0xFFFFC000  }
0x59: {  	[spmem:s2] =	stream.indirect.scatter.add.f32 [tilespmem:s17], [sflag:$0x5], $0x80, s26, s15, $0xb8;
	[tilespmem:$0x1C800] =	vst v63  }
0x5a: {  	_ =	swait.ge [sflag:s13], $0x4000  }
0x5b: {  	p0 =	seq.s32 s6, $0xFFFFFF00;
	[sflag:s13] =	ssyncset.done $0x0  }
0x5c: {  	s10 =	sadd.s32 @!p0 s6, s11;
	[sflag:s13] =	ssyncadd.s32 $0xFFFFC000  }
0x5d: {  	[tilespmem:s17], [sflag:$0x2] =	stream.indirect.gather [hbm4b:s4+s15], $0x80, s28, s15, $0xb8;
	[tilespmem:$0x1C800] =	vst v63  }
0x5e: {  	s7 =	simm.s32 @!p0 $0x0;
	s10 =	sadd.s32 @!p0 $0xB00, s10  }
0x5f: {  	[tilespmem:s7], [sflag:$0x3] =	stream.linear.gather @!p0 [hbm4b:s10+s7], $0x400, $0x38;
	[tilespmem:$0x1C800] =	vst v63  }
0x60: {  	_ =	swait.ge [sflag:s18], $0x4000  }
0x61: {  	[sflag:s18] =	ssyncset.done $0x0  }
0x62: {  	[sflag:s18] =	ssyncadd.s32 $0xFFFFC000  }
0x63: {  	[spmem:s2] =	stream.indirect.scatter.add.f32 [tilespmem:s16], [sflag:$0x5], $0x80, s29, s15, $0xb8;
	[tilespmem:$0x1C800] =	vst v63  }
0x64: {  	_ =	swait.ge [sflag:s13], $0x4000  }
0x65: {  	[sflag:s13] =	ssyncset.done $0x0  }
0x66: {  	[sflag:s13] =	ssyncadd.s32 $0xFFFFC000  }
0x67: {  	[tilespmem:s16], [sflag:$0x1] =	stream.indirect.gather [hbm4b:s4+s15], $0x80, s30, s15, $0xb8;
	[tilespmem:$0x1C800] =	vst v63  }
0x68: {  	_ =	swait.ge [sflag:s21], $0x4000  }
0x69: {  	[sflag:s21] =	ssyncset.done $0x0  }
0x6a: {  	[sflag:s21] =	ssyncadd.s32 $0xFFFFC000  }
0x6b: {  	[spmem:s2] =	stream.indirect.scatter.add.f32 [tilespmem:s17], [sflag:$0x5], $0x80, s31, s15, $0xb8;
	[tilespmem:$0x1C800] =	vst v63  }
0x6c: {  	_ =	swait.ge [sflag:s13], $0x4000  }
0x6d: {  	[sflag:s13] =	ssyncset.done $0x0  }
0x6e: {  	[sflag:s13] =	ssyncadd.s32 $0xFFFFC000  }
0x6f: {  	[tilespmem:s17], [sflag:$0x2] =	stream.indirect.gather [hbm4b:s4+s15], $0x80, s0, s15, $0xb8;
	[tilespmem:$0x1C800] =	vst v63  }
0x70: {  	_ =	swait.ge [sflag:s18], $0x4000  }
0x71: {  	p0 =	sne.s32 s6, $0xFFFFFF00;
	[sflag:s18] =	ssyncset.done $0x0  }
.Ltmp2:
0x72: {  	[sflag:s18] =	ssyncadd.s32 $0xFFFFC000;
	(pc) =	sbr.rel @!p0 .LBB2_3-.Ltmp2, $4  }
0x73: {  	[spmem:s2] =	stream.indirect.scatter.add.f32 [tilespmem:s16], [sflag:$0x5], $0x80, s1, s15, $0xb8;
	[tilespmem:$0x1C800] =	vst v63  }
0x74: {  	_ =	swait.ge [sflag:s13], $0x4000  }
0x75: {  	[sflag:s13] =	ssyncset.done $0x0  }
0x76: {  	[sflag:s13] =	ssyncadd.s32 $0xFFFFC000  }
0x77: {  	_ =	swait.ge [sflag:s8], $0x400  }
0x78: {  	[sflag:s8] =	ssyncset.done $0x0  }
0x79: {  	[sflag:s8] =	ssyncadd.s32 $0xFFFFFC00  }
0x7a: {  	[tilespmem:s16], [sflag:$0x1] =	stream.indirect.gather [hbm4b:s4+s15], $0x80, s3, s15, $0xb8;
	[tilespmem:$0x1C800] =	vst v63  }
0x7b: {  	_ =	swait.ge [sflag:s21], $0x4000  }
0x7c: {  	[sflag:s21] =	ssyncset.done $0x0  }
0x7d: {  	s7 =	sadd.s32 s6, s11;
	s6 =	sadd.s32 $0x100, s6;
	[sflag:s21] =	ssyncadd.s32 $0xFFFFC000  }
0x7e: {  	[spmem:s2] =	stream.indirect.scatter.add.f32 [tilespmem:s17], [sflag:$0x5], $0x80, s5, s15, $0xb8;
	[tilespmem:$0x1C800] =	vst v63  }
0x7f: {  	p0 =	sne.s32 s6, $0x0;
	_ =	swait.ge [sflag:s13], $0x4000  }
.Ltmp3:
0x80: {  	[sflag:s13] =	ssyncset.done $0x0;
	(pc) =	sbr.rel @p0 .LBB2_2-.Ltmp3, $4  }
.Ltmp4:
0x81: {  	[sflag:s13] =	ssyncadd.s32 $0xFFFFC000;
	(pc) =	sbr.rel @!p0 .LBB2_5-.Ltmp4, $4  }
0x82: {  	[tilespmem:s17], [sflag:$0x2] =	stream.indirect.gather [hbm4b:s4+s15], $0x80, s15, s15, $0xb8;
	[tilespmem:$0x1C800] =	vst v63  }
0x83: {  	s7 =	sadd.s32 $0xB80, s7  }
0x84: {  	[tilespmem:s14], [sflag:$0x4] =	stream.linear.gather [hbm4b:s7+s3], $0x400, $0x38;
	[tilespmem:$0x1C800] =	vst v63  }
0x85: {  	_ = 	snop  }
.LBB2_6:
0x86: {  	_ =	sfence.sel $0x180000  }
0x87: {  	[bflag:$0x0] =	sbarrier.arrive $0xFFFF  }
0x88: {  	_ =	strace $0x90000056  }
0x89: {  	s0 =	stileid.u32;
	[bflag:$0x2] =	sbarrier.arrive $0xFFFF  }
0x8a: {  	p0 =	sne.s32 s0, $0x0;
	s0 =	rddreg [dreg:$0x2]  }
0x8b: {  	s0 =	sadd.s32 @!p0 $0x100000, s0  }
0x8c: {  	[sflag:s0] =	ssyncadd.tile.s32 @!p0 $0x1;
	_ =	shalt  }
.Lfunc_end2:
_tile_overlayer_lowered:
.L_overlay_start_2:
0x8d: {  	(tag) =	ssettag $0x2  }
0x8e: {  	s0 =	rddreg [dreg:$0x0];
	s2 =	stileid.u32  }
0x8f: {  	s1 =	rddreg [dreg:$0x1];
	p0 =	sne.s32 s2, $0x0  }
0x90: {  	s3 =	rddreg [dreg:$0x2];
	[bflag:$0x3] =	sbarrier.arrive $0xFFFF;
	s2 =	simm.s32 @!p0 $0x1C05  }
0x91: {  	[timem:s3], [sflag:s2] =	dma.local @!p0 [hbm:s0], s1  }
0x92: {  	s0 =	simm.s32 @!p0 $0x5  }
0x93: {  	_ =	swait.ge @!p0 [sflag:s0], s1  }
0x94: {  	s1 =	ssub.s32 @!p0 $0x0, s1;
	[sflag:s0] =	ssyncset.done @!p0 $0x0  }
0x95: {  	[sflag:s0] =	ssyncadd.s32 @!p0 s1  }
0x96: {  	[bflag:$0x3] =	sbarrier.arrive $0xFFFF  }
0x97: {  	_ =	shalt  }

// kernel: kernel.34.cloned.1.call-start
scs
__scs_entry_jumppad:
0x0: {  	(pc) =	sbr.rel $0x88, $3  }
0x1: {  	(tag) =	ssettag $0x0;
	lr =	simm.s32 $0x1  }
0x2: {  	[smem:$0x3F6F] =	sst lr;
	_ =	strace $0xD0000000  }
0x3: {  	_ = 	snop  }
0x4: {  	_ = 	snop  }
0x5: {  	_ = 	snop  }
0x6: {  	_ = 	snop  }
0x7: {  	_ = 	snop  }
__scs_overlays_trampoline_lowered:
0x8: {  	[smem:$0x3F7E] =	sst s0  }
0x9: {  	[smem:$0x3F7F] =	sst s1  }
0xa: {  	[smem:$0x3F80] =	sst s2  }
0xb: {  	[smem:$0x3F81] =	sst s3  }
0xc: {  	[smem:$0x3F82] =	sst s4  }
0xd: {  	[smem:$0x3F83] =	sst s5  }
0xe: {  	[smem:$0x3F84] =	sst s6  }
0xf: {  	[smem:$0x3F85] =	sst s7  }
0x10: {  	[smem:$0x3F86] =	sst s8  }
0x11: {  	[smem:$0x3F87] =	sst s9;
	s0 =	simm.s32 @!p0 $0x0  }
0x12: {  	s1 =	sld [smem:$0x3F6D];
	s0 =	simm.s32 @p0 $0x1  }
0x13: {  	[smem:$0x3F88] =	sst s0;
	s0 =	simm.s32 @!p1 $0x0  }
0x14: {  	s2 =	sld [smem:$0x3F6C];
	s0 =	simm.s32 @p1 $0x1  }
0x15: {  	[smem:$0x3F89] =	sst s0;
	s0 =	simm.s32 @!p2 $0x0  }
0x16: {  	s3 =	sld [smem:$0x3FDB];
	s0 =	simm.s32 @p2 $0x1  }
0x17: {  	s4 =	simm.s32 $0x1BF5;
	[smem:$0x3F8B] =	sst s0  }
0x18: {  	s0 =	sld [smem:$0x3F6E];
	_ =	swait.ge [sflag:s4], $0x0  }
0x19: {  	s7 =	sld [smem:$0x3F6F]  }
0x1a: {  	s8 =	sadd.s32 $0xFFFFE003, lr  }
0x1b: {  	s9 =	sadd.s32 $0xFFFFFEF7, lr;
	s5 =	simm.s32 $0xFFFFFFFF;
	p2 =	slt.u32 s8, $0xFFFFF086  }
0x1c: {  	p1 =	slt.u32 s9, $0xF7A;
	s5 =	simm.s32 @!p2 $0x0  }
0x1d: {  	s5 =	simm.s32 @p1 $0x1;
	p0 =	seq.s32 s7, s2  }
0x1e: {  	s7 =	smul.u32 @!p0 $0xF7A, s2;
	p2 =	seq.s32 @!p0 s5, $0x0  }
0x1f: {  	s9 =	smul.u32 $0xF7A, s1;
	s8 =	simm.s32 @!p0 $0x1BF5;
	p2 =	por !p2, p0  }
0x20: {  	[sflag:s8] =	ssyncset.s32 @!p0 $0xFFFFF086;
	s6 =	sadd.s32 @!p0 s3, s7;
	s7 =	simm.s32 @!p0 $0x108  }
0x21: {  	s3 =	sadd.s32 s3, s9;
	s6 =	sadd.s32 @!p0 $0x88, s6;
	s7 =	simm.s32 @p2 $0x1082  }
0x22: {  	[simem:s7], [sflag:s8] =	dma.local @!p0 [hbm:s6], $0xF7A  }
0x23: {  	s9 =	sor.u32 $0xD0000000, s2;
	s6 =	simm.s32 $0x108;
	_ =	swait.ge @!p0 [sflag:s8], $0x0  }
0x24: {  	s3 =	sadd.s32 $0x88, s3;
	s6 =	simm.s32 @!p1 $0x1082;
	[sflag:s4] =	ssyncset.s32 $0xFFFFF086  }
0x25: {  	[simem:s6], [sflag:s4] =	dma.local [hbm:s3], $0xF7A  }
0x26: {  	[smem:$0x3F6F] =	sst s1;
	(tag) =	ssettag s2;
	_ =	strace s9  }
0x27: {  	s1 =	sld [smem:$0x3F7F]  }
0x28: {  	s2 =	sld [smem:$0x3F80]  }
0x29: {  	s4 =	sld [smem:$0x3F82]  }
0x2a: {  	p0 =	seq.s32 s5, $0x0;
	s5 =	sld [smem:$0x3F83]  }
0x2b: {  	s6 =	sld [smem:$0x3F84]  }
0x2c: {  	s7 =	sld [smem:$0x3F85]  }
0x2d: {  	s3 =	simm.s32 $0x108;
	s8 =	sld [smem:$0x3F86]  }
0x2e: {  	s3 =	simm.s32 @!p0 $0x1082;
	s9 =	sld [smem:$0x3F87]  }
0x2f: {  	lr =	sadd.s32 s0, s3;
	s0 =	sld [smem:$0x3F7E]  }
0x30: {  	s3 =	sld [smem:$0x3F81]  }
0x31: {  	[smem:$0x3F8A] =	sst s10  }
0x32: {  	s10 =	sld [smem:$0x3F88];
	_ =	sdelay $0x3  }
0x33: {  	p0 =	seq.s32 s10, $0x1;
	s10 =	sld [smem:$0x3F8A];
	_ =	sdelay $0x3  }
0x34: {  	[smem:$0x3F8A] =	sst s10  }
0x35: {  	s10 =	sld [smem:$0x3F89];
	_ =	sdelay $0x3  }
0x36: {  	p1 =	seq.s32 s10, $0x1;
	s10 =	sld [smem:$0x3F8A];
	_ =	sdelay $0x3  }
0x37: {  	[smem:$0x3F8A] =	sst s10  }
0x38: {  	s10 =	sld [smem:$0x3F8B]  }
0x39: {  	_ = 	snop;
	(pc) =	sbr.ind lr, $3  }
0x3a: {  	_ = 	snop  }
0x3b: {  	_ = 	snop  }
0x3c: {  	p2 =	seq.s32 s10, $0x1;
	s10 =	sld [smem:$0x3F8A]  }
0x3d: {  	_ =	shalt  }
0x3e: {  	_ =	shalt  }
0x3f: {  	_ =	shalt  }
0x40: {  	_ =	shalt  }
0x41: {  	_ =	shalt  }
0x42: {  	_ =	shalt  }
0x43: {  	_ =	shalt  }
0x44: {  	_ =	shalt  }
0x45: {  	_ =	shalt  }
0x46: {  	_ =	shalt  }
0x47: {  	_ =	shalt  }
0x48: {  	_ =	shalt  }
0x49: {  	_ =	shalt  }
0x4a: {  	_ =	shalt  }
0x4b: {  	_ =	shalt  }
0x4c: {  	_ =	shalt  }
0x4d: {  	_ =	shalt  }
0x4e: {  	_ =	shalt  }
0x4f: {  	_ =	shalt  }
0x50: {  	_ =	shalt  }
0x51: {  	_ =	shalt  }
0x52: {  	_ =	shalt  }
0x53: {  	_ =	shalt  }
0x54: {  	_ =	shalt  }
0x55: {  	_ =	shalt  }
0x56: {  	_ =	shalt  }
0x57: {  	_ =	shalt  }
0x58: {  	_ =	shalt  }
0x59: {  	_ =	shalt  }
0x5a: {  	_ =	shalt  }
0x5b: {  	_ =	shalt  }
0x5c: {  	_ =	shalt  }
0x5d: {  	_ =	shalt  }
0x5e: {  	_ =	shalt  }
0x5f: {  	_ =	shalt  }
0x60: {  	_ =	shalt  }
0x61: {  	_ =	shalt  }
0x62: {  	_ =	shalt  }
0x63: {  	_ =	shalt  }
0x64: {  	_ =	shalt  }
0x65: {  	_ =	shalt  }
0x66: {  	_ =	shalt  }
0x67: {  	_ =	shalt  }
0x68: {  	_ =	shalt  }
0x69: {  	_ =	shalt  }
0x6a: {  	_ =	shalt  }
0x6b: {  	_ =	shalt  }
0x6c: {  	_ =	shalt  }
0x6d: {  	_ =	shalt  }
0x6e: {  	_ =	shalt  }
0x6f: {  	_ =	shalt  }
0x70: {  	_ =	shalt  }
0x71: {  	_ =	shalt  }
0x72: {  	_ =	shalt  }
0x73: {  	_ =	shalt  }
0x74: {  	_ =	shalt  }
0x75: {  	_ =	shalt  }
0x76: {  	_ =	shalt  }
0x77: {  	_ =	shalt  }
0x78: {  	_ =	shalt  }
0x79: {  	_ =	shalt  }
0x7a: {  	_ =	shalt  }
0x7b: {  	_ =	shalt  }
0x7c: {  	_ =	shalt  }
0x7d: {  	_ =	shalt  }
0x7e: {  	_ =	shalt  }
0x7f: {  	_ =	shalt  }
0x80: {  	_ =	shalt  }
0x81: {  	_ =	shalt  }
0x82: {  	_ =	shalt  }
0x83: {  	_ =	shalt  }
0x84: {  	_ =	shalt  }
0x85: {  	_ =	shalt  }
0x86: {  	_ =	shalt  }
0x87: {  	_ =	shalt  }
.Lfunc_end0:
.L_simem_size_0:
called_computation.6_lowered:
.L_overlay_start_0:
0x88: {  	s2 =	sld [smem:$0x3FD9]  }
0x89: {  	s3 =	sld [smem:$0x3FFE];
	_ =	sdelay $0x1  }
0x8a: {  	s1 =	srdreg.scid  }
0x8b: {  	s0 =	sand.u32 $0x1, s1  }
0x8c: {  	s16 =	sshll.u32 s0, $0xA;
	s2 =	sadd.s32 s3, s2  }
0x8d: {  	s2 =	sadd.s32 s2, s16  }
0x8e: {  	[smem:$0x3F96] =	sst s2  }
0x8f: {  	_ = 	snop  }
0x90: {  	(tm) =	ssettm $0x1  }
0x91: {  	s17 =	sld [smem:$0x3FFB];
	_ =	sdelay $0x3  }
0x92: {  	_ =	strace s17  }
0x93: {  	s2 =	sld [smem:$0x3FFC];
	_ =	sdelay $0x3  }
0x94: {  	_ =	strace s2  }
0x95: {  	s2 =	sld [smem:$0x3FFD];
	_ =	sdelay $0x3  }
0x96: {  	_ =	strace s2  }
0x97: {  	_ =	strace $0x8FFFFFFF  }
0x98: {  	s18 =	sld [smem:$0x3FDB];
	_ =	sdelay $0x1  }
0x99: {  	s19 =	simm.s32 $_scs_section_size  }
0x9a: {  	s4 =	simm.s32 $_size__tile_overlayer_lowered;
	s5 =	simm.s32 $_tile_overlayer_lowered  }
0x9b: {  	s22 =	simm.s32 $0x1BFF;
	s21 =	sshll.u32 s5, $0x1;
	s2 =	sadd.s32 s19, s18  }
0x9c: {  	s6 =	simm.s32 $0x0;
	s20 =	sshll.u32 s4, $0x1;
	s4 =	sadd.s32 s21, s2  }
0x9d: {  	[timem:s6], [sflag:s22] =	dma.local [hbm:s4], s20  }
0x9e: {  	_ =	swait.ge [sflag:s22], s20  }
0x9f: {  	s3 =	ssub.s32 $0x0, s20;
	[sflag:s22] =	ssyncset.done $0x0  }
0xa0: {  	[sflag:s22] =	ssyncadd.s32 s3;
	_ =	sdelay $0x1  }
0xa1: {  	s23 =	simm.s32 $0x1B8B  }
0xa2: {  	_ =	swait.ge [sflag:s23], $0x1  }
0xa3: {  	[sflag:s23] =	ssyncset.done $0x0  }
0xa4: {  	s25 =	simm.s32 $0x1B8E;
	s24 =	sld [smem:$0x3FFE];
	[sflag:s23] =	ssyncadd.s32 $0xFFFFFFFF  }
0xa5: {  	s26 =	simm.s32 $execute0_lowered;
	[smem:$0x3FD2] =	sst s25  }
0xa6: {  	s4 =	sshll.u32 s26, $0x1;
	_ =	strace $0x80000058;
	[dreg:$0x1] =	wrdreg $0xFFFFFFFF  }
0xa7: {  	s28 =	simm.s32 $_size_execute0_lowered;
	s2 =	sadd.s32 s2, s4;
	[dreg:$0x0] =	wrdreg $0x0  }
0xa8: {  	s4 =	sshll.u32 s28, $0x1;
	[dreg:$0x2] =	wrdreg s2  }
0xa9: {  	[dreg:$0x3] =	wrdreg s4  }
0xaa: {  	[dreg:$0x4] =	wrdreg $0xC0  }
0xab: {  	_ =	task [dreg:s6], $0x5FFFF  }
0xac: {  	[dreg:$0x1] =	wrdreg $0xFFFFFFFF  }
0xad: {  	[dreg:$0x0] =	wrdreg $0x60  }
0xae: {  	[dreg:$0x2] =	wrdreg s24  }
0xaf: {  	[dreg:$0x3] =	wrdreg $0x88000  }
0xb0: {  	[dreg:$0x4] =	wrdreg $0x9  }
0xb1: {  	_ =	task.clear_ibuf [dreg:s6], $0x5FFFF;
	_ =	strace $0x90000058  }
0xb2: {  	s29 =	simm.s32 $0x9;
	_ =	strace $0x8000005A  }
0xb3: {  	_ =	swait.ge [sflag:s29], $0x1  }
0xb4: {  	[sflag:s29] =	ssyncadd.s32 $0xFFFFFFFF  }
0xb5: {  	_ =	strace $0x9000005A  }
0xb6: {  	_ =	sfence  }
0xb7: {  	s30 =	sld [smem:$0x0];
	_ =	sdelay $0x2  }
0xb8: {  	s31 =	sshll.u32 s1, $0xD;
	s1 =	sshrl.u32 s1, $0x2  }
0xb9: {  	s3 =	sand.u32 $0x4000, s31;
	s1 =	sadd.s32 s1, s30  }
0xba: {  	s0 =	sor.u32 s3, s0;
	s1 =	sshll.u32 s1, $0x11  }
0xbb: {  	s0 =	sor.u32 s1, s0  }
0xbc: {  	s0 =	sadd.s32 $0x8F2B, s0  }
0xbd: {  	[sflag:s0] =	ssyncadd.remote.s32 $0x1  }
0xbe: {  	_ =	sfence.sel $0xFFFF  }
0xbf: {  	[dreg:$0x0] =	wrdreg $0xFFFFFFFF;
	(pc) =	sbr.abs _section_cstart, $3  }
0xc0: {  	[dreg:$0x1] =	wrdreg $0xFFFFFFFF  }
0xc1: {  	_ =	task.clear_ibuf [dreg:s6], $0x2FFFF;
	_ =	strace $0x9FFFFFFF  }
0xc2: {  	(tm) =	ssettm $0x7FFFFFFF  }
0xc3: {  	_ =	shalt  }
tec
execute0_lowered:
.L_overlay_start_1:
0x0: {  	(tag) =	ssettag $0x1  }
0x1: {  	s0 =	rddreg [dreg:$0x0]  }
0x2: {  	s2 =	rddreg [dreg:$0x1]  }
0x3: {  	s11 =	stileid.u32;
	s1 =	srdreg.scid;
	s3 =	simm.s32 $0x0  }
0x4: {  	s13 =	simm.s32 $0x5;
	s14 =	simm.s32 $0x400;
	s15 =	simm.s32 $0x80  }
0x5: {  	s16 =	simm.s32 $0x800;
	s17 =	simm.s32 $0x4800;
	s18 =	simm.s32 $0x1  }
0x6: {  	s19 =	simm.s32 $0x200;
	s20 =	simm.s32 $0x100;
	s28 =	simm.s32 $0x480  }
0x7: {  	s29 =	simm.s32 $0x600;
	s30 =	simm.s32 $0x500;
	s31 =	simm.s32 $0x680  }
0x8: {  	s5 =	smul.u32 $0x14000, s11;
	s1 =	sand.u32 $0x1, s1;
	[smem:$0x7FF] =	sst s3  }
0x9: {  	s4 =	sadd.s32 $0x108400, s0;
	s21 =	sadd.s32 $0x5200, s0;
	s10 =	smul.u32 $0x50000, s11  }
0xa: {  	s9 =	sshll.u32 s11, $0x1;
	s24 =	smul.u32 $0x1400, s11;
	s25 =	sshll.u32 s11, $0x6  }
0xb: {  	s6 =	smul.u32 $0x140000, s1;
	_ =	strace $0x80000059;
	s8 =	ssub.s32 $0x2, s1  }
0xc: {  	s9 =	sor.u32 s1, s9;
	s1 =	smul.u32 $0xA00, s1;
	s7 =	sshrl.u32 s5, $0x3  }
0xd: {  	s22 =	sshrl.u32 s8, $0x1;
	s23 =	sshrl.u32 s10, $0x2;
	s9 =	smul.u32 $0xA00, s9  }
0xe: {  	s5 =	sadd.s32 s5, s6;
	s7 =	sadd.s32 s7, s0;
	s6 =	sadd.s32 s24, s21  }
0xf: {  	s24 =	simm.s32 $0x300;
	s5 =	sshrl.u32 s5, $0x3;
	s7 =	sadd.s32 $0x19200, s7  }
0x10: {  	s9 =	sadd.s32 s21, s9;
	s11 =	sadd.s32 s1, s6;
	s21 =	simm.s32 $0x2  }
0x11: {  	s1 =	simm.s32 $0x700;
	s0 =	sadd.s32 s5, s0;
	s5 =	ssub.s32 s8, s22  }
0x12: {  	s8 =	sadd.s32 s23, s2;
	[dreg:$0x3] =	wrdreg s7;
	s7 =	sor.u32 $0x1C05, s25  }
0x13: {  	[dreg:$0x4] =	wrdreg s9;
	s9 =	sadd.s32 $0x80, s9;
	s22 =	simm.s32 $0x280  }
.Ltmp0:
0x14: {  	s23 =	simm.s32 $0x180;
	s25 =	simm.s32 $0x4;
	(pc) =	sbr.rel .LBB2_1-.Ltmp0, $4  }
0x15: {  	[dreg:$0x5] =	wrdreg s9;
	s0 =	sadd.s32 $0x41200, s0;
	s26 =	smax.u32 s5, $0x1  }
0x16: {  	s10 =	sshrl.u32 s8, $0x3;
	s5 =	simm.s32 $0x780;
	[dreg:$0x6] =	wrdreg s0  }
0x17: {  	s8 =	simm.s32 $0x3;
	s9 =	simm.s32 $0x0;
	[dreg:$0x7] =	wrdreg s26  }
0x18: {  	s26 =	simm.s32 $0x380;
	s0 =	simm.s32 $0x580;
	[dreg:$0x8] =	wrdreg s10  }
.LBB2_3:
0x19: {  	_ =	swait.ge [sflag:s21], $0x4000  }
0x1a: {  	[sflag:s21] =	ssyncset.done $0x0  }
0x1b: {  	[sflag:s21] =	ssyncadd.s32 $0xFFFFC000  }
0x1c: {  	[spmem:s2] =	stream.indirect.scatter.add.f32 [tilespmem:s17], [sflag:$0x5], $0x80, s5, s15, $0xb8;
	[tilespmem:$0x1C800] =	vst v63  }
0x1d: {  	_ =	swait.ge [sflag:s13], $0x4000  }
0x1e: {  	[sflag:s13] =	ssyncset.done $0x0  }
0x1f: {  	[sflag:s13] =	ssyncadd.s32 $0xFFFFC000  }
.LBB2_5:
0x20: {  	[bflag:$0x0] =	sbarrier.arrive $0xFFFF  }
0x21: {  	s6 =	rddreg [dreg:$0x6]  }
0x22: {  	s10 =	rddreg [dreg:$0x8]  }
0x23: {  	[hbm:s6], [sflag:s12] =	dma.local [spmem:s10], $0x2800  }
0x24: {  	_ =	swait.ge [sflag:s13], $0x2800  }
0x25: {  	s7 =	smov.u32 s12;
	s9 =	sadd.s32 $0x1, s9;
	s12 =	rddreg [dreg:$0x7]  }
0x26: {  	p0 =	sne.s32 s9, s12  }
.Ltmp1:
0x27: {  	_ = 	snop;
	(pc) =	sbr.rel @!p0 .LBB2_6-.Ltmp1, $3  }
0x28: {  	_ =	sdelay $0x1  }
0x29: {  	[sflag:s13] =	ssyncset.done $0x0  }
0x2a: {  	[sflag:s13] =	ssyncadd.s32 $0xFFFFD800  }
.LBB2_1:
0x2b: {  	s6 =	rddreg [dreg:$0x3]  }
0x2c: {  	[spmem:s10], [sflag:s7] =	dma.local [hbm:s6], $0x2800  }
0x2d: {  	_ =	swait.ge [sflag:s13], $0x2800  }
0x2e: {  	[sflag:s13] =	ssyncset.done $0x0  }
0x2f: {  	[sflag:s13] =	ssyncadd.s32 $0xFFFFD800  }
0x30: {  	[bflag:$0x0] =	sbarrier.arrive $0xFFFF  }
0x31: {  	s12 =	smov.u32 s7;
	s7 =	rddreg [dreg:$0x4]  }
0x32: {  	[tilespmem:s3], [sflag:$0x5] =	stream.linear.gather [hbm4b:s7+s3], $0x400, $0x38;
	[tilespmem:$0x1C800] =	vst v63  }
0x33: {  	_ =	swait.ge [sflag:s13], $0x400  }
0x34: {  	[sflag:s13] =	ssyncset.done $0x0  }
0x35: {  	s10 =	rddreg [dreg:$0x5];
	[sflag:s13] =	ssyncadd.s32 $0xFFFFFC00  }
0x36: {  	[tilespmem:s14], [sflag:$0x4] =	stream.linear.gather [hbm4b:s10+s3], $0x400, $0x38;
	[tilespmem:$0x1C800] =	vst v63  }
0x37: {  	_ = 	snop  }
0x38: {  	[tilespmem:s16], [sflag:$0x1] =	stream.indirect.gather [hbm4b:s4+s15], $0x80, s3, s15, $0xb8;
	[tilespmem:$0x1C800] =	vst v63  }
0x39: {  	s6 =	simm.s32 $0xFFFFF600  }
0x3a: {  	[tilespmem:s17], [sflag:$0x2] =	stream.indirect.gather [hbm4b:s4+s15], $0x80, s15, s15, $0xb8;
	[tilespmem:$0x1C800] =	vst v63  }
.LBB2_2:
0x3b: {  	_ =	swait.ge [sflag:s18], $0x4000  }
0x3c: {  	[sflag:s18] =	ssyncset.done $0x0  }
0x3d: {  	[sflag:s18] =	ssyncadd.s32 $0xFFFFC000  }
0x3e: {  	[spmem:s2] =	stream.indirect.scatter.add.f32 [tilespmem:s16], [sflag:$0x5], $0x80, s19, s15, $0xb8;
	[tilespmem:$0x1C800] =	vst v63  }
0x3f: {  	_ =	swait.ge [sflag:s13], $0x4000  }
0x40: {  	[sflag:s13] =	ssyncset.done $0x0  }
0x41: {  	[sflag:s13] =	ssyncadd.s32 $0xFFFFC000  }
0x42: {  	[tilespmem:s16], [sflag:$0x1] =	stream.indirect.gather [hbm4b:s4+s15], $0x80, s20, s15, $0xb8;
	[tilespmem:$0x1C800] =	vst v63  }
0x43: {  	_ =	swait.ge [sflag:s21], $0x4000  }
0x44: {  	[sflag:s21] =	ssyncset.done $0x0  }
0x45: {  	[sflag:s21] =	ssyncadd.s32 $0xFFFFC000  }
0x46: {  	[spmem:s2] =	stream.indirect.scatter.add.f32 [tilespmem:s17], [sflag:$0x5], $0x80, s22, s15, $0xb8;
	[tilespmem:$0x1C800] =	vst v63  }
0x47: {  	_ =	swait.ge [sflag:s13], $0x4000  }
0x48: {  	[sflag:s13] =	ssyncset.done $0x0  }
0x49: {  	[sflag:s13] =	ssyncadd.s32 $0xFFFFC000  }
0x4a: {  	[tilespmem:s17], [sflag:$0x2] =	stream.indirect.gather [hbm4b:s4+s15], $0x80, s23, s15, $0xb8;
	[tilespmem:$0x1C800] =	vst v63  }
0x4b: {  	_ =	swait.ge [sflag:s18], $0x4000  }
0x4c: {  	[sflag:s18] =	ssyncset.done $0x0  }
0x4d: {  	[sflag:s18] =	ssyncadd.s32 $0xFFFFC000  }
0x4e: {  	[spmem:s2] =	stream.indirect.scatter.add.f32 [tilespmem:s16], [sflag:$0x5], $0x80, s24, s15, $0xb8;
	[tilespmem:$0x1C800] =	vst v63  }
0x4f: {  	_ =	swait.ge [sflag:s13], $0x4000  }
0x50: {  	[sflag:s13] =	ssyncset.done $0x0  }
0x51: {  	[sflag:s13] =	ssyncadd.s32 $0xFFFFC000  }
0x52: {  	_ =	swait.ge [sflag:s25], $0x400  }
0x53: {  	[sflag:s25] =	ssyncset.done $0x0  }
0x54: {  	[sflag:s25] =	ssyncadd.s32 $0xFFFFFC00  }
0x55: {  	[tilespmem:s16], [sflag:$0x1] =	stream.indirect.gather [hbm4b:s4+s15], $0x80, s14, s15, $0xb8;
	[tilespmem:$0x1C800] =	vst v63  }
0x56: {  	_ =	swait.ge [sflag:s21], $0x4000  }
0x57: {  	[sflag:s21] =	ssyncset.done $0x0  }
0x58: {  	[sflag:s21] =	ssyncadd.s32 $0xFFFFC000  }
0x59: {  	[spmem:s2] =	stream.indirect.scatter.add.f32 [tilespmem:s17], [sflag:$0x5], $0x80, s26, s15, $0xb8;
	[tilespmem:$0x1C800] =	vst v63  }
0x5a: {  	_ =	swait.ge [sflag:s13], $0x4000  }
0x5b: {  	p0 =	seq.s32 s6, $0xFFFFFF00;
	[sflag:s13] =	ssyncset.done $0x0  }
0x5c: {  	s10 =	sadd.s32 @!p0 s6, s11;
	[sflag:s13] =	ssyncadd.s32 $0xFFFFC000  }
0x5d: {  	[tilespmem:s17], [sflag:$0x2] =	stream.indirect.gather [hbm4b:s4+s15], $0x80, s28, s15, $0xb8;
	[tilespmem:$0x1C800] =	vst v63  }
0x5e: {  	s7 =	simm.s32 @!p0 $0x0;
	s10 =	sadd.s32 @!p0 $0xB00, s10  }
0x5f: {  	[tilespmem:s7], [sflag:$0x3] =	stream.linear.gather @!p0 [hbm4b:s10+s7], $0x400, $0x38;
	[tilespmem:$0x1C800] =	vst v63  }
0x60: {  	_ =	swait.ge [sflag:s18], $0x4000  }
0x61: {  	[sflag:s18] =	ssyncset.done $0x0  }
0x62: {  	[sflag:s18] =	ssyncadd.s32 $0xFFFFC000  }
0x63: {  	[spmem:s2] =	stream.indirect.scatter.add.f32 [tilespmem:s16], [sflag:$0x5], $0x80, s29, s15, $0xb8;
	[tilespmem:$0x1C800] =	vst v63  }
0x64: {  	_ =	swait.ge [sflag:s13], $0x4000  }
0x65: {  	[sflag:s13] =	ssyncset.done $0x0  }
0x66: {  	[sflag:s13] =	ssyncadd.s32 $0xFFFFC000  }
0x67: {  	[tilespmem:s16], [sflag:$0x1] =	stream.indirect.gather [hbm4b:s4+s15], $0x80, s30, s15, $0xb8;
	[tilespmem:$0x1C800] =	vst v63  }
0x68: {  	_ =	swait.ge [sflag:s21], $0x4000  }
0x69: {  	[sflag:s21] =	ssyncset.done $0x0  }
0x6a: {  	[sflag:s21] =	ssyncadd.s32 $0xFFFFC000  }
0x6b: {  	[spmem:s2] =	stream.indirect.scatter.add.f32 [tilespmem:s17], [sflag:$0x5], $0x80, s31, s15, $0xb8;
	[tilespmem:$0x1C800] =	vst v63  }
0x6c: {  	_ =	swait.ge [sflag:s13], $0x4000  }
0x6d: {  	[sflag:s13] =	ssyncset.done $0x0  }
0x6e: {  	[sflag:s13] =	ssyncadd.s32 $0xFFFFC000  }
0x6f: {  	[tilespmem:s17], [sflag:$0x2] =	stream.indirect.gather [hbm4b:s4+s15], $0x80, s0, s15, $0xb8;
	[tilespmem:$0x1C800] =	vst v63  }
0x70: {  	_ =	swait.ge [sflag:s18], $0x4000  }
0x71: {  	p0 =	sne.s32 s6, $0xFFFFFF00;
	[sflag:s18] =	ssyncset.done $0x0  }
.Ltmp2:
0x72: {  	[sflag:s18] =	ssyncadd.s32 $0xFFFFC000;
	(pc) =	sbr.rel @!p0 .LBB2_3-.Ltmp2, $4  }
0x73: {  	[spmem:s2] =	stream.indirect.scatter.add.f32 [tilespmem:s16], [sflag:$0x5], $0x80, s1, s15, $0xb8;
	[tilespmem:$0x1C800] =	vst v63  }
0x74: {  	_ =	swait.ge [sflag:s13], $0x4000  }
0x75: {  	[sflag:s13] =	ssyncset.done $0x0  }
0x76: {  	[sflag:s13] =	ssyncadd.s32 $0xFFFFC000  }
0x77: {  	_ =	swait.ge [sflag:s8], $0x400  }
0x78: {  	[sflag:s8] =	ssyncset.done $0x0  }
0x79: {  	[sflag:s8] =	ssyncadd.s32 $0xFFFFFC00  }
0x7a: {  	[tilespmem:s16], [sflag:$0x1] =	stream.indirect.gather [hbm4b:s4+s15], $0x80, s3, s15, $0xb8;
	[tilespmem:$0x1C800] =	vst v63  }
0x7b: {  	_ =	swait.ge [sflag:s21], $0x4000  }
0x7c: {  	[sflag:s21] =	ssyncset.done $0x0  }
0x7d: {  	s7 =	sadd.s32 s6, s11;
	s6 =	sadd.s32 $0x100, s6;
	[sflag:s21] =	ssyncadd.s32 $0xFFFFC000  }
0x7e: {  	[spmem:s2] =	stream.indirect.scatter.add.f32 [tilespmem:s17], [sflag:$0x5], $0x80, s5, s15, $0xb8;
	[tilespmem:$0x1C800] =	vst v63  }
0x7f: {  	p0 =	sne.s32 s6, $0x0;
	_ =	swait.ge [sflag:s13], $0x4000  }
.Ltmp3:
0x80: {  	[sflag:s13] =	ssyncset.done $0x0;
	(pc) =	sbr.rel @p0 .LBB2_2-.Ltmp3, $4  }
.Ltmp4:
0x81: {  	[sflag:s13] =	ssyncadd.s32 $0xFFFFC000;
	(pc) =	sbr.rel @!p0 .LBB2_5-.Ltmp4, $4  }
0x82: {  	[tilespmem:s17], [sflag:$0x2] =	stream.indirect.gather [hbm4b:s4+s15], $0x80, s15, s15, $0xb8;
	[tilespmem:$0x1C800] =	vst v63  }
0x83: {  	s7 =	sadd.s32 $0xB80, s7  }
0x84: {  	[tilespmem:s14], [sflag:$0x4] =	stream.linear.gather [hbm4b:s7+s3], $0x400, $0x38;
	[tilespmem:$0x1C800] =	vst v63  }
0x85: {  	_ = 	snop  }
.LBB2_6:
0x86: {  	_ =	sfence.sel $0x180000  }
0x87: {  	[bflag:$0x0] =	sbarrier.arrive $0xFFFF  }
0x88: {  	_ =	strace $0x90000059  }
0x89: {  	s0 =	stileid.u32;
	[bflag:$0x2] =	sbarrier.arrive $0xFFFF  }
0x8a: {  	p0 =	sne.s32 s0, $0x0;
	s0 =	rddreg [dreg:$0x2]  }
0x8b: {  	s0 =	sadd.s32 @!p0 $0x100000, s0  }
0x8c: {  	[sflag:s0] =	ssyncadd.tile.s32 @!p0 $0x1;
	_ =	shalt  }
.Lfunc_end2:
_tile_overlayer_lowered:
.L_overlay_start_2:
0x8d: {  	(tag) =	ssettag $0x2  }
0x8e: {  	s0 =	rddreg [dreg:$0x0];
	s2 =	stileid.u32  }
0x8f: {  	s1 =	rddreg [dreg:$0x1];
	p0 =	sne.s32 s2, $0x0  }
0x90: {  	s3 =	rddreg [dreg:$0x2];
	[bflag:$0x3] =	sbarrier.arrive $0xFFFF;
	s2 =	simm.s32 @!p0 $0x1C05  }
0x91: {  	[timem:s3], [sflag:s2] =	dma.local @!p0 [hbm:s0], s1  }
0x92: {  	s0 =	simm.s32 @!p0 $0x5  }
0x93: {  	_ =	swait.ge @!p0 [sflag:s0], s1  }
0x94: {  	s1 =	ssub.s32 @!p0 $0x0, s1;
	[sflag:s0] =	ssyncset.done @!p0 $0x0  }
0x95: {  	[sflag:s0] =	ssyncadd.s32 @!p0 s1  }
0x96: {  	[bflag:$0x3] =	sbarrier.arrive $0xFFFF  }
0x97: {  	_ =	shalt  }

</sc_bundles>
